<compile_context>
chip_gen: v7x
topology: tpu7x:2x2x1
jax: 0.10.2.dev20260603
libtpu: 0.0.44.dev20260713+nightly
codegen_flags: <defaults>
</compile_context>

<pallas_src>
import functools

import jax
import jax.numpy as jnp
from jax import lax
from jax.experimental import pallas as pl
from jax.experimental.pallas import tpu as pltpu
from jax.experimental.pallas import tpu_sc as plsc

_NUM_BINS = 32
_NCH = 3
_L = 16
_NSEG = _NCH * _NUM_BINS
_ACC_SIZE = _NSEG * _L

_NUNITS = 96
_UNIT = 65536
_ROWS = 32
_CHUNK = _ROWS * 512
_CHUNKS_PER_UNIT = _UNIT // _CHUNK
_NW = 32
_UNITS_PER_W = _NUNITS // _NW


def _sc_body(x_hbm, p_hbm, t_hbm, sums_out, cnts_out,
             xb0, xb1, pb0, pb1, tb0, tb1,
             acc_s, acc_s1, acc_c, acc_c1, row_s, row_c, sem0, sem1):
    wid = lax.axis_index("s") * 2 + lax.axis_index("c")

    zeros = jnp.zeros((_L,), jnp.float32)
    ones = jnp.ones((_L,), jnp.float32)
    lane_iota = lax.iota(jnp.int32, _L)

    def _zero(k, _):
        acc_s[pl.ds(k * _L, _L)] = zeros
        acc_s1[pl.ds(k * _L, _L)] = zeros
        acc_c[pl.ds(k * _L, _L)] = zeros
        acc_c1[pl.ds(k * _L, _L)] = zeros
        return 0
    lax.fori_loop(0, _ACC_SIZE // _L, _zero, 0)

    nsteps = _UNITS_PER_W * _CHUNKS_PER_UNIT
    bufs = ((xb0, pb0, tb0), (xb1, pb1, tb1))
    sems = (sem0, sem1)

    def _issue(step, slot):
        j, cidx = divmod(step, _CHUNKS_PER_UNIT)
        u = wid * _UNITS_PER_W + j
        slab = lax.div(u, 4)
        row0 = lax.rem(u, 4) * (4 * _ROWS) + cidx * _ROWS
        xs, ps, ts = bufs[slot]
        sem = sems[slot]
        return (
            pltpu.async_copy(x_hbm.at[slab, pl.ds(row0, _ROWS)], xs, sem),
            pltpu.async_copy(p_hbm.at[slab, pl.ds(row0, _ROWS)], ps, sem),
            pltpu.async_copy(t_hbm.at[slab, pl.ds(row0, _ROWS)], ts, sem),
        )

    inflight = _issue(0, 0)
    for step in range(nsteps):
        slot = step % 2
        cur = inflight
        if step + 1 < nsteps:
            inflight = _issue(step + 1, 1 - slot)
        for c in cur:
            c.wait()
        j = step // _CHUNKS_PER_UNIT
        u = wid * _UNITS_PER_W + j
        ch = lax.rem(lax.div(u, 4), _NCH)
        laneoff = lane_iota + ch * (_NUM_BINS * _L)
        xs, ps, ts = bufs[slot]

        @plsc.parallel_loop(0, _CHUNK // (2 * _L), 1, unroll=4)
        def _vec(g):
            for r, (a_s, a_c) in enumerate(((acc_s, acc_c), (acc_s1, acc_c1))):
                v = g * 2 + r
                row = lax.div(v, 32)
                col = lax.rem(v, 32) * _L
                x = xs[row, pl.ds(col, _L)]
                d = ps[row, pl.ds(col, _L)] - ts[row, pl.ds(col, _L)]
                bi = (x * jnp.float32(_NUM_BINS)).astype(jnp.int32)
                bi = jnp.minimum(jnp.maximum(bi, 0), _NUM_BINS - 1)
                idx = laneoff + bi * _L
                plsc.addupdate_scatter(a_s, [idx], d)
                plsc.addupdate_scatter(a_c, [idx], ones)

    giota = lane_iota * _L
    for k in range(_NSEG // _L):
        ts = zeros
        tc = zeros
        for lane in range(_L):
            gidx = giota + (k * _L * _L + lane)
            ts = ts + plsc.load_gather(acc_s, [gidx]) + plsc.load_gather(acc_s1, [gidx])
            tc = tc + plsc.load_gather(acc_c, [gidx]) + plsc.load_gather(acc_c1, [gidx])
        row_s[pl.ds(k * _L, _L)] = ts
        row_c[pl.ds(k * _L, _L)] = tc

    pltpu.sync_copy(row_s, sums_out.at[wid])
    pltpu.sync_copy(row_c, cnts_out.at[wid])


_sc_call = functools.partial(
    pl.kernel,
    out_type=(jax.ShapeDtypeStruct((_NW, _NSEG), jnp.float32),
              jax.ShapeDtypeStruct((_NW, _NSEG), jnp.float32)),
    mesh=plsc.VectorSubcoreMesh(core_axis_name="c", subcore_axis_name="s"),
    compiler_params=pltpu.CompilerParams(needs_layout_passes=False),
    scratch_types=(
        pltpu.VMEM((_ROWS, 512), jnp.float32),
        pltpu.VMEM((_ROWS, 512), jnp.float32),
        pltpu.VMEM((_ROWS, 512), jnp.float32),
        pltpu.VMEM((_ROWS, 512), jnp.float32),
        pltpu.VMEM((_ROWS, 512), jnp.float32),
        pltpu.VMEM((_ROWS, 512), jnp.float32),
        pltpu.VMEM((_ACC_SIZE,), jnp.float32),
        pltpu.VMEM((_ACC_SIZE,), jnp.float32),
        pltpu.VMEM((_ACC_SIZE,), jnp.float32),
        pltpu.VMEM((_ACC_SIZE,), jnp.float32),
        pltpu.VMEM((_NSEG,), jnp.float32),
        pltpu.VMEM((_NSEG,), jnp.float32),
        pltpu.SemaphoreType.DMA,
        pltpu.SemaphoreType.DMA,
    ),
)(_sc_body)


def _tc_body(s_ref, c_ref, o_ref):
    s = jnp.sum(s_ref[...], axis=0, keepdims=True)
    c = jnp.sum(c_ref[...], axis=0, keepdims=True)
    nonempty = c > 0.0
    val = jnp.where(nonempty, jnp.abs(s) / jnp.where(nonempty, c, 1.0), 0.0)
    o_ref[...] = jnp.full((1, 1), jnp.sum(val) / jnp.float32(_NSEG))


def kernel(pred, target, input_img):
    x = input_img.reshape(24, 512, 512)
    p = pred.reshape(24, 512, 512)
    t = target.reshape(24, 512, 512)
    sums, cnts = _sc_call(x, p, t)
    loss = pl.pallas_call(
        _tc_body,
        out_shape=jax.ShapeDtypeStruct((1, 1), jnp.float32),
    )(sums, cnts)
    return loss[0, 0]

# --- scband reference (transcript-rebuilt; emitter-appended) ---
"""Pipeline reference for scband-color-curve-learning-loss-16312285790272 (READ-ONLY COPY).

The authoritative reference and input builder live on the scoring server;
editing this copy changes nothing except your own understanding.
"""

import jax, jax.numpy as jnp
import numpy as np

NUM_BINS = 32

def _compute_curve(input_channel, output_channel, num_bins):
    bin_edges = jnp.linspace(0.0, 1.0, num_bins + 1)
    curve_pred = []
    curve_target = []
    for i in range(num_bins):
        mask = ((input_channel >= bin_edges[i]) & (input_channel < bin_edges[i + 1])).astype(jnp.float32)
        msum = mask.sum()
        denom = jnp.where(msum > 0, msum, 1.0)
        val = jnp.where(msum > 0, (output_channel * mask).sum() / denom, 0.0)
        curve_pred.append(val)
        curve_target.append(jnp.where(msum > 0, bin_edges[i], 0.0))
    return jnp.stack(curve_pred), jnp.stack(curve_target)

def setup_inputs(seed: int = 0) -> dict:
    key = jax.random.key(seed)
    k1, k2, k3 = jax.random.split(key, 3)
    pred = jax.random.uniform(k1, (8, 3, 512, 512), dtype=jnp.float32)
    target = jax.random.uniform(k2, (8, 3, 512, 512), dtype=jnp.float32)
    input_img = jax.random.uniform(k3, (8, 3, 512, 512), dtype=jnp.float32)
    return {"pred": pred, "target": target, "input_img": input_img}

def reference(pred, target, input_img):
    total_loss = 0.0
    for c in range(3):
        pred_curve, _ = _compute_curve(input_img[:, c:c + 1], pred[:, c:c + 1], NUM_BINS)
        target_curve, _ = _compute_curve(input_img[:, c:c + 1], target[:, c:c + 1], NUM_BINS)
        total_loss = total_loss + jnp.mean(jnp.abs(pred_curve - target_curve))
    return total_loss / 3.0

if __name__ == "__main__":
    import jax
    _d = setup_inputs()
    print(jax.jit(kernel)(*tuple(_d.values())))

</pallas_src>

<mosaic_0001>
#map = affine_map<(d0, d1) -> (0, 0, 0)>
#map1 = affine_map<(d0, d1) -> (0, 0)>
module attributes {stable_mosaic.version = 14 : i64} {
  func.func @_sc_body(%arg0: i32, %arg1: i32, %arg2: memref<24x512x512xf32, #tpu.memory_space<hbm>>, %arg3: memref<24x512x512xf32, #tpu.memory_space<hbm>>, %arg4: memref<24x512x512xf32, #tpu.memory_space<hbm>>, %arg5: memref<32x96xf32, #tpu.memory_space<hbm>>, %arg6: memref<32x96xf32, #tpu.memory_space<hbm>>, %arg7: memref<32x512xf32, #tpu.memory_space<vmem>>, %arg8: memref<32x512xf32, #tpu.memory_space<vmem>>, %arg9: memref<32x512xf32, #tpu.memory_space<vmem>>, %arg10: memref<32x512xf32, #tpu.memory_space<vmem>>, %arg11: memref<32x512xf32, #tpu.memory_space<vmem>>, %arg12: memref<32x512xf32, #tpu.memory_space<vmem>>, %arg13: memref<1536xf32, #tpu.memory_space<vmem>>, %arg14: memref<1536xf32, #tpu.memory_space<vmem>>, %arg15: memref<1536xf32, #tpu.memory_space<vmem>>, %arg16: memref<1536xf32, #tpu.memory_space<vmem>>, %arg17: memref<96xf32, #tpu.memory_space<vmem>>, %arg18: memref<96xf32, #tpu.memory_space<vmem>>, %arg19: memref<!tpu.dma_semaphore, #tpu.memory_space<semaphore_mem>>, %arg20: memref<!tpu.dma_semaphore, #tpu.memory_space<semaphore_mem>>) attributes {dimension_semantics = [#tpu.dimension_semantics<core_parallel>, #tpu.dimension_semantics<subcore_parallel>], iteration_bounds = array<i64: 2, 16>, scalar_prefetch = 0 : i64, scratch_operands = 14 : i64, tpu.core_type = #tpu.core_type<sc_vector_subcore>, window_params = [{transform_indices = #map}, {transform_indices = #map}, {transform_indices = #map}, {transform_indices = #map1}, {transform_indices = #map1}]} {
    %mul3A = arith.constant 2 : i32
    %mul3A_0 = arith.muli %arg1, %mul3A : i32
    %add3A = arith.addi %mul3A_0, %arg0 : i32
    %broadcast_in_dim3A = arith.constant 0.000000e+00 : f32
    %broadcast_in_dim3A_1 = vector.broadcast %broadcast_in_dim3A : f32 to vector<16xf32>
    %broadcast_in_dim3A_2 = arith.constant 1.000000e+00 : f32
    %broadcast_in_dim3A_3 = vector.broadcast %broadcast_in_dim3A_2 : f32 to vector<16xf32>
    %iota3A = tpu.iota {dimensions = array<i32: 0>} : vector<16xi32>
    %scan3A = arith.constant 0 : i32
    %scan3A_4 = arith.constant 0 : i32
    %scan3A_5 = arith.constant 96 : i32
    %scan3A_6 = arith.addi %scan3A_4, %scan3A_5 : i32
    %scan3A_7 = arith.constant 1 : i32
    %scan3A_8 = scf.for %scan3A_1842 = %scan3A_4 to %scan3A_6 step %scan3A_7 iter_args(%scan3A_1843 = %scan3A) -> (i32)  : i32 {
      %mul3A_1844 = arith.constant 16 : i32
      %mul3A_1845 = arith.muli %scan3A_1842, %mul3A_1844 : i32
      %swap3A_1846 = arith.index_cast %mul3A_1845 : i32 to index
      %swap3A_1847 = tpu.vector_load %arg13[%swap3A_1846] {strides = array<i32>} : memref<1536xf32, #tpu.memory_space<vmem>>, vector<16xf32>,
      tpu.vector_store %arg13[%swap3A_1846], %broadcast_in_dim3A_1 {strides = array<i32>} : memref<1536xf32, #tpu.memory_space<vmem>>, vector<16xf32>,
      %mul3A_1848 = arith.constant 16 : i32
      %mul3A_1849 = arith.muli %scan3A_1842, %mul3A_1848 : i32
      %swap3A_1850 = arith.index_cast %mul3A_1849 : i32 to index
      %swap3A_1851 = tpu.vector_load %arg14[%swap3A_1850] {strides = array<i32>} : memref<1536xf32, #tpu.memory_space<vmem>>, vector<16xf32>,
      tpu.vector_store %arg14[%swap3A_1850], %broadcast_in_dim3A_1 {strides = array<i32>} : memref<1536xf32, #tpu.memory_space<vmem>>, vector<16xf32>,
      %mul3A_1852 = arith.constant 16 : i32
      %mul3A_1853 = arith.muli %scan3A_1842, %mul3A_1852 : i32
      %swap3A_1854 = arith.index_cast %mul3A_1853 : i32 to index
      %swap3A_1855 = tpu.vector_load %arg15[%swap3A_1854] {strides = array<i32>} : memref<1536xf32, #tpu.memory_space<vmem>>, vector<16xf32>,
      tpu.vector_store %arg15[%swap3A_1854], %broadcast_in_dim3A_1 {strides = array<i32>} : memref<1536xf32, #tpu.memory_space<vmem>>, vector<16xf32>,
      %mul3A_1856 = arith.constant 16 : i32
      %mul3A_1857 = arith.muli %scan3A_1842, %mul3A_1856 : i32
      %swap3A_1858 = arith.index_cast %mul3A_1857 : i32 to index
      %swap3A_1859 = tpu.vector_load %arg16[%swap3A_1858] {strides = array<i32>} : memref<1536xf32, #tpu.memory_space<vmem>>, vector<16xf32>,
      tpu.vector_store %arg16[%swap3A_1858], %broadcast_in_dim3A_1 {strides = array<i32>} : memref<1536xf32, #tpu.memory_space<vmem>>, vector<16xf32>,
      %scan3A_1860 = arith.constant 0 : i32
      scf.yield %scan3A_1860 : i32
    }
    %scan3A_9 = arith.constant 96 : i32
    %mul3A_10 = arith.constant 3 : i32
    %mul3A_11 = arith.muli %add3A, %mul3A_10 : i32
    %add3A_12 = arith.constant 0 : i32
    %add3A_13 = arith.addi %mul3A_11, %add3A_12 : i32
    %div3A = arith.constant 4 : i32
    %div3A_14 = arith.divsi %add3A_13, %div3A : i32
    %rem3A = arith.constant 4 : i32
    %rem3A_15 = arith.remsi %add3A_13, %rem3A : i32
    %mul3A_16 = arith.constant 128 : i32
    %mul3A_17 = arith.muli %rem3A_15, %mul3A_16 : i32
    %add3A_18 = arith.constant 0 : i32
    %add3A_19 = arith.addi %mul3A_17, %add3A_18 : i32
    %dma_start3A = arith.constant 0 : i32
    %dma_start3A_20 = tpu.memref_slice %arg2[%div3A_14, %add3A_19, %dma_start3A] : memref<24x512x512xf32, #tpu.memory_space<hbm>> -> memref<1x32x512xf32, #tpu.memory_space<hbm>>
    %dma_start3A_21 = tpu.memref_squeeze %dma_start3A_20 : memref<1x32x512xf32, #tpu.memory_space<hbm>> -> memref<32x512xf32, #tpu.memory_space<hbm>>
    %dma_start3A_22 = arith.constant 0 : i32
    %dma_start3A_23 = tpu.memref_slice %arg2[%div3A_14, %add3A_19, %dma_start3A_22] : memref<24x512x512xf32, #tpu.memory_space<hbm>> -> memref<1x32x512xf32, #tpu.memory_space<hbm>>
    %dma_start3A_24 = tpu.memref_squeeze %dma_start3A_23 : memref<1x32x512xf32, #tpu.memory_space<hbm>> -> memref<32x512xf32, #tpu.memory_space<hbm>>
    tpu.enqueue_dma source(%dma_start3A_24 : memref<32x512xf32, #tpu.memory_space<hbm>>) target(%arg7 : memref<32x512xf32, #tpu.memory_space<vmem>>) target_semaphore(%arg19 : memref<!tpu.dma_semaphore, #tpu.memory_space<semaphore_mem>>)
    %dma_start3A_25 = arith.constant 0 : i32
    %dma_start3A_26 = tpu.memref_slice %arg3[%div3A_14, %add3A_19, %dma_start3A_25] : memref<24x512x512xf32, #tpu.memory_space<hbm>> -> memref<1x32x512xf32, #tpu.memory_space<hbm>>
    %dma_start3A_27 = tpu.memref_squeeze %dma_start3A_26 : memref<1x32x512xf32, #tpu.memory_space<hbm>> -> memref<32x512xf32, #tpu.memory_space<hbm>>
    %dma_start3A_28 = arith.constant 0 : i32
    %dma_start3A_29 = tpu.memref_slice %arg3[%div3A_14, %add3A_19, %dma_start3A_28] : memref<24x512x512xf32, #tpu.memory_space<hbm>> -> memref<1x32x512xf32, #tpu.memory_space<hbm>>
    %dma_start3A_30 = tpu.memref_squeeze %dma_start3A_29 : memref<1x32x512xf32, #tpu.memory_space<hbm>> -> memref<32x512xf32, #tpu.memory_space<hbm>>
    tpu.enqueue_dma source(%dma_start3A_30 : memref<32x512xf32, #tpu.memory_space<hbm>>) target(%arg9 : memref<32x512xf32, #tpu.memory_space<vmem>>) target_semaphore(%arg19 : memref<!tpu.dma_semaphore, #tpu.memory_space<semaphore_mem>>)
    %dma_start3A_31 = arith.constant 0 : i32
    %dma_start3A_32 = tpu.memref_slice %arg4[%div3A_14, %add3A_19, %dma_start3A_31] : memref<24x512x512xf32, #tpu.memory_space<hbm>> -> memref<1x32x512xf32, #tpu.memory_space<hbm>>
    %dma_start3A_33 = tpu.memref_squeeze %dma_start3A_32 : memref<1x32x512xf32, #tpu.memory_space<hbm>> -> memref<32x512xf32, #tpu.memory_space<hbm>>
    %dma_start3A_34 = arith.constant 0 : i32
    %dma_start3A_35 = tpu.memref_slice %arg4[%div3A_14, %add3A_19, %dma_start3A_34] : memref<24x512x512xf32, #tpu.memory_space<hbm>> -> memref<1x32x512xf32, #tpu.memory_space<hbm>>
    %dma_start3A_36 = tpu.memref_squeeze %dma_start3A_35 : memref<1x32x512xf32, #tpu.memory_space<hbm>> -> memref<32x512xf32, #tpu.memory_space<hbm>>
    tpu.enqueue_dma source(%dma_start3A_36 : memref<32x512xf32, #tpu.memory_space<hbm>>) target(%arg11 : memref<32x512xf32, #tpu.memory_space<vmem>>) target_semaphore(%arg19 : memref<!tpu.dma_semaphore, #tpu.memory_space<semaphore_mem>>)
    %mul3A_37 = arith.constant 3 : i32
    %mul3A_38 = arith.muli %add3A, %mul3A_37 : i32
    %add3A_39 = arith.constant 0 : i32
    %add3A_40 = arith.addi %mul3A_38, %add3A_39 : i32
    %div3A_41 = arith.constant 4 : i32
    %div3A_42 = arith.divsi %add3A_40, %div3A_41 : i32
    %rem3A_43 = arith.constant 4 : i32
    %rem3A_44 = arith.remsi %add3A_40, %rem3A_43 : i32
    %mul3A_45 = arith.constant 128 : i32
    %mul3A_46 = arith.muli %rem3A_44, %mul3A_45 : i32
    %add3A_47 = arith.constant 32 : i32
    %add3A_48 = arith.addi %mul3A_46, %add3A_47 : i32
    %dma_start3A_49 = arith.constant 0 : i32
    %dma_start3A_50 = tpu.memref_slice %arg2[%div3A_42, %add3A_48, %dma_start3A_49] : memref<24x512x512xf32, #tpu.memory_space<hbm>> -> memref<1x32x512xf32, #tpu.memory_space<hbm>>
    %dma_start3A_51 = tpu.memref_squeeze %dma_start3A_50 : memref<1x32x512xf32, #tpu.memory_space<hbm>> -> memref<32x512xf32, #tpu.memory_space<hbm>>
    %dma_start3A_52 = arith.constant 0 : i32
    %dma_start3A_53 = tpu.memref_slice %arg2[%div3A_42, %add3A_48, %dma_start3A_52] : memref<24x512x512xf32, #tpu.memory_space<hbm>> -> memref<1x32x512xf32, #tpu.memory_space<hbm>>
    %dma_start3A_54 = tpu.memref_squeeze %dma_start3A_53 : memref<1x32x512xf32, #tpu.memory_space<hbm>> -> memref<32x512xf32, #tpu.memory_space<hbm>>
    tpu.enqueue_dma source(%dma_start3A_54 : memref<32x512xf32, #tpu.memory_space<hbm>>) target(%arg8 : memref<32x512xf32, #tpu.memory_space<vmem>>) target_semaphore(%arg20 : memref<!tpu.dma_semaphore, #tpu.memory_space<semaphore_mem>>)
    %dma_start3A_55 = arith.constant 0 : i32
    %dma_start3A_56 = tpu.memref_slice %arg3[%div3A_42, %add3A_48, %dma_start3A_55] : memref<24x512x512xf32, #tpu.memory_space<hbm>> -> memref<1x32x512xf32, #tpu.memory_space<hbm>>
    %dma_start3A_57 = tpu.memref_squeeze %dma_start3A_56 : memref<1x32x512xf32, #tpu.memory_space<hbm>> -> memref<32x512xf32, #tpu.memory_space<hbm>>
    %dma_start3A_58 = arith.constant 0 : i32
    %dma_start3A_59 = tpu.memref_slice %arg3[%div3A_42, %add3A_48, %dma_start3A_58] : memref<24x512x512xf32, #tpu.memory_space<hbm>> -> memref<1x32x512xf32, #tpu.memory_space<hbm>>
    %dma_start3A_60 = tpu.memref_squeeze %dma_start3A_59 : memref<1x32x512xf32, #tpu.memory_space<hbm>> -> memref<32x512xf32, #tpu.memory_space<hbm>>
    tpu.enqueue_dma source(%dma_start3A_60 : memref<32x512xf32, #tpu.memory_space<hbm>>) target(%arg10 : memref<32x512xf32, #tpu.memory_space<vmem>>) target_semaphore(%arg20 : memref<!tpu.dma_semaphore, #tpu.memory_space<semaphore_mem>>)
    %dma_start3A_61 = arith.constant 0 : i32
    %dma_start3A_62 = tpu.memref_slice %arg4[%div3A_42, %add3A_48, %dma_start3A_61] : memref<24x512x512xf32, #tpu.memory_space<hbm>> -> memref<1x32x512xf32, #tpu.memory_space<hbm>>
    %dma_start3A_63 = tpu.memref_squeeze %dma_start3A_62 : memref<1x32x512xf32, #tpu.memory_space<hbm>> -> memref<32x512xf32, #tpu.memory_space<hbm>>
    %dma_start3A_64 = arith.constant 0 : i32
    %dma_start3A_65 = tpu.memref_slice %arg4[%div3A_42, %add3A_48, %dma_start3A_64] : memref<24x512x512xf32, #tpu.memory_space<hbm>> -> memref<1x32x512xf32, #tpu.memory_space<hbm>>
    %dma_start3A_66 = tpu.memref_squeeze %dma_start3A_65 : memref<1x32x512xf32, #tpu.memory_space<hbm>> -> memref<32x512xf32, #tpu.memory_space<hbm>>
    tpu.enqueue_dma source(%dma_start3A_66 : memref<32x512xf32, #tpu.memory_space<hbm>>) target(%arg12 : memref<32x512xf32, #tpu.memory_space<vmem>>) target_semaphore(%arg20 : memref<!tpu.dma_semaphore, #tpu.memory_space<semaphore_mem>>)
    %dma_wait3A = arith.constant 0 : i32
    %dma_wait3A_67 = tpu.memref_slice %arg2[%div3A_14, %add3A_19, %dma_wait3A] : memref<24x512x512xf32, #tpu.memory_space<hbm>> -> memref<1x32x512xf32, #tpu.memory_space<hbm>>
    %dma_wait3A_68 = tpu.memref_squeeze %dma_wait3A_67 : memref<1x32x512xf32, #tpu.memory_space<hbm>> -> memref<32x512xf32, #tpu.memory_space<hbm>>
    %dma_wait3A_69 = arith.constant 0 : i32
    %dma_wait3A_70 = tpu.memref_slice %arg2[%div3A_14, %add3A_19, %dma_wait3A_69] : memref<24x512x512xf32, #tpu.memory_space<hbm>> -> memref<1x32x512xf32, #tpu.memory_space<hbm>>
    %dma_wait3A_71 = tpu.memref_squeeze %dma_wait3A_70 : memref<1x32x512xf32, #tpu.memory_space<hbm>> -> memref<32x512xf32, #tpu.memory_space<hbm>>
    tpu.wait_dma2 semaphore(%arg19 : memref<!tpu.dma_semaphore, #tpu.memory_space<semaphore_mem>>) src(%dma_wait3A_71 : memref<32x512xf32, #tpu.memory_space<hbm>>) dst(%arg7 : memref<32x512xf32, #tpu.memory_space<vmem>>)
    %dma_wait3A_72 = arith.constant 0 : i32
    %dma_wait3A_73 = tpu.memref_slice %arg3[%div3A_14, %add3A_19, %dma_wait3A_72] : memref<24x512x512xf32, #tpu.memory_space<hbm>> -> memref<1x32x512xf32, #tpu.memory_space<hbm>>
    %dma_wait3A_74 = tpu.memref_squeeze %dma_wait3A_73 : memref<1x32x512xf32, #tpu.memory_space<hbm>> -> memref<32x512xf32, #tpu.memory_space<hbm>>
    %dma_wait3A_75 = arith.constant 0 : i32
    %dma_wait3A_76 = tpu.memref_slice %arg3[%div3A_14, %add3A_19, %dma_wait3A_75] : memref<24x512x512xf32, #tpu.memory_space<hbm>> -> memref<1x32x512xf32, #tpu.memory_space<hbm>>
    %dma_wait3A_77 = tpu.memref_squeeze %dma_wait3A_76 : memref<1x32x512xf32, #tpu.memory_space<hbm>> -> memref<32x512xf32, #tpu.memory_space<hbm>>
    tpu.wait_dma2 semaphore(%arg19 : memref<!tpu.dma_semaphore, #tpu.memory_space<semaphore_mem>>) src(%dma_wait3A_77 : memref<32x512xf32, #tpu.memory_space<hbm>>) dst(%arg9 : memref<32x512xf32, #tpu.memory_space<vmem>>)
    %dma_wait3A_78 = arith.constant 0 : i32
    %dma_wait3A_79 = tpu.memref_slice %arg4[%div3A_14, %add3A_19, %dma_wait3A_78] : memref<24x512x512xf32, #tpu.memory_space<hbm>> -> memref<1x32x512xf32, #tpu.memory_space<hbm>>
    %dma_wait3A_80 = tpu.memref_squeeze %dma_wait3A_79 : memref<1x32x512xf32, #tpu.memory_space<hbm>> -> memref<32x512xf32, #tpu.memory_space<hbm>>
    %dma_wait3A_81 = arith.constant 0 : i32
    %dma_wait3A_82 = tpu.memref_slice %arg4[%div3A_14, %add3A_19, %dma_wait3A_81] : memref<24x512x512xf32, #tpu.memory_space<hbm>> -> memref<1x32x512xf32, #tpu.memory_space<hbm>>
    %dma_wait3A_83 = tpu.memref_squeeze %dma_wait3A_82 : memref<1x32x512xf32, #tpu.memory_space<hbm>> -> memref<32x512xf32, #tpu.memory_space<hbm>>
    tpu.wait_dma2 semaphore(%arg19 : memref<!tpu.dma_semaphore, #tpu.memory_space<semaphore_mem>>) src(%dma_wait3A_83 : memref<32x512xf32, #tpu.memory_space<hbm>>) dst(%arg11 : memref<32x512xf32, #tpu.memory_space<vmem>>)
    %mul3A_84 = arith.constant 3 : i32
    %mul3A_85 = arith.muli %add3A, %mul3A_84 : i32
    %add3A_86 = arith.constant 0 : i32
    %add3A_87 = arith.addi %mul3A_85, %add3A_86 : i32
    %div3A_88 = arith.constant 4 : i32
    %div3A_89 = arith.divsi %add3A_87, %div3A_88 : i32
    %rem3A_90 = arith.constant 3 : i32
    %rem3A_91 = arith.remsi %div3A_89, %rem3A_90 : i32
    %mul3A_92 = arith.constant 512 : i32
    %mul3A_93 = arith.muli %rem3A_91, %mul3A_92 : i32
    %add3A_94 = vector.broadcast %mul3A_93 : i32 to vector<16xi32>
    %add3A_95 = arith.addi %iota3A, %add3A_94 : vector<16xi32>
    %parallel_loop3A = arith.constant 0 : i32
    %parallel_loop3A_96 = arith.constant 512 : i32
    %parallel_loop3A_97 = arith.constant 1 : i32
    scf.for %parallel_loop3A_1842 = %parallel_loop3A to %parallel_loop3A_96 step %parallel_loop3A_97  : i32 {
      %parallel_loop3A_1843 = arith.constant 2 : i32
      %parallel_loop3A_1844 = arith.muli %parallel_loop3A_1842, %parallel_loop3A_1843 : i32
      %parallel_loop3A_1845 = arith.constant 0 : i32
      %parallel_loop3A_1846 = arith.addi %parallel_loop3A_1844, %parallel_loop3A_1845 : i32
      %parallel_loop3A_1847 = arith.constant 32 : i32
      %parallel_loop3A_1848 = arith.divsi %parallel_loop3A_1846, %parallel_loop3A_1847 : i32
      %parallel_loop3A_1849 = arith.constant 32 : i32
      %parallel_loop3A_1850 = arith.remsi %parallel_loop3A_1846, %parallel_loop3A_1849 : i32
      %parallel_loop3A_1851 = arith.constant 16 : i32
      %parallel_loop3A_1852 = arith.muli %parallel_loop3A_1850, %parallel_loop3A_1851 : i32
      %parallel_loop3A_1853 = arith.index_cast %parallel_loop3A_1848 : i32 to index
      %parallel_loop3A_1854 = arith.index_cast %parallel_loop3A_1852 : i32 to index
      %parallel_loop3A_1855 = tpu.vector_load %arg7[%parallel_loop3A_1853, %parallel_loop3A_1854] {strides = array<i32>} : memref<32x512xf32, #tpu.memory_space<vmem>>, vector<16xf32>,
      %parallel_loop3A_1856 = arith.index_cast %parallel_loop3A_1848 : i32 to index
      %parallel_loop3A_1857 = arith.index_cast %parallel_loop3A_1852 : i32 to index
      %parallel_loop3A_1858 = tpu.vector_load %arg9[%parallel_loop3A_1856, %parallel_loop3A_1857] {strides = array<i32>} : memref<32x512xf32, #tpu.memory_space<vmem>>, vector<16xf32>,
      %parallel_loop3A_1859 = arith.index_cast %parallel_loop3A_1848 : i32 to index
      %parallel_loop3A_1860 = arith.index_cast %parallel_loop3A_1852 : i32 to index
      %parallel_loop3A_1861 = tpu.vector_load %arg11[%parallel_loop3A_1859, %parallel_loop3A_1860] {strides = array<i32>} : memref<32x512xf32, #tpu.memory_space<vmem>>, vector<16xf32>,
      %parallel_loop3A_1862 = arith.subf %parallel_loop3A_1858, %parallel_loop3A_1861 : vector<16xf32>
      %parallel_loop3A_1863 = arith.constant 3.200000e+01 : f32
      %parallel_loop3A_1864 = vector.broadcast %parallel_loop3A_1863 : f32 to vector<16xf32>
      %parallel_loop3A_1865 = arith.mulf %parallel_loop3A_1855, %parallel_loop3A_1864 : vector<16xf32>
      %parallel_loop3A_1866 = arith.fptosi %parallel_loop3A_1865 : vector<16xf32> to vector<16xi32>
      %parallel_loop3A_1867 = arith.constant 0 : i32
      %parallel_loop3A_1868 = vector.broadcast %parallel_loop3A_1867 : i32 to vector<16xi32>
      %parallel_loop3A_1869 = arith.maxsi %parallel_loop3A_1866, %parallel_loop3A_1868 : vector<16xi32>
      %parallel_loop3A_1870 = arith.constant 31 : i32
      %parallel_loop3A_1871 = vector.broadcast %parallel_loop3A_1870 : i32 to vector<16xi32>
      %parallel_loop3A_1872 = arith.minsi %parallel_loop3A_1869, %parallel_loop3A_1871 : vector<16xi32>
      %parallel_loop3A_1873 = arith.constant 16 : i32
      %parallel_loop3A_1874 = vector.broadcast %parallel_loop3A_1873 : i32 to vector<16xi32>
      %parallel_loop3A_1875 = arith.muli %parallel_loop3A_1872, %parallel_loop3A_1874 : vector<16xi32>
      %parallel_loop3A_1876 = arith.addi %add3A_95, %parallel_loop3A_1875 : vector<16xi32>
      tpu.vector_store_idx %arg13[%parallel_loop3A_1876], %parallel_loop3A_1862 {add = true} : memref<1536xf32, #tpu.memory_space<vmem>>[vector<16xi32>], vector<16xf32>,
      tpu.vector_store_idx %arg15[%parallel_loop3A_1876], %broadcast_in_dim3A_3 {add = true} : memref<1536xf32, #tpu.memory_space<vmem>>[vector<16xi32>], vector<16xf32>,
      %parallel_loop3A_1877 = arith.constant 2 : i32
      %parallel_loop3A_1878 = arith.muli %parallel_loop3A_1842, %parallel_loop3A_1877 : i32
      %parallel_loop3A_1879 = arith.constant 1 : i32
      %parallel_loop3A_1880 = arith.addi %parallel_loop3A_1878, %parallel_loop3A_1879 : i32
      %parallel_loop3A_1881 = arith.constant 32 : i32
      %parallel_loop3A_1882 = arith.divsi %parallel_loop3A_1880, %parallel_loop3A_1881 : i32
      %parallel_loop3A_1883 = arith.constant 32 : i32
      %parallel_loop3A_1884 = arith.remsi %parallel_loop3A_1880, %parallel_loop3A_1883 : i32
      %parallel_loop3A_1885 = arith.constant 16 : i32
      %parallel_loop3A_1886 = arith.muli %parallel_loop3A_1884, %parallel_loop3A_1885 : i32
      %parallel_loop3A_1887 = arith.index_cast %parallel_loop3A_1882 : i32 to index
      %parallel_loop3A_1888 = arith.index_cast %parallel_loop3A_1886 : i32 to index
      %parallel_loop3A_1889 = tpu.vector_load %arg7[%parallel_loop3A_1887, %parallel_loop3A_1888] {strides = array<i32>} : memref<32x512xf32, #tpu.memory_space<vmem>>, vector<16xf32>,
      %parallel_loop3A_1890 = arith.index_cast %parallel_loop3A_1882 : i32 to index
      %parallel_loop3A_1891 = arith.index_cast %parallel_loop3A_1886 : i32 to index
      %parallel_loop3A_1892 = tpu.vector_load %arg9[%parallel_loop3A_1890, %parallel_loop3A_1891] {strides = array<i32>} : memref<32x512xf32, #tpu.memory_space<vmem>>, vector<16xf32>,
      %parallel_loop3A_1893 = arith.index_cast %parallel_loop3A_1882 : i32 to index
      %parallel_loop3A_1894 = arith.index_cast %parallel_loop3A_1886 : i32 to index
      %parallel_loop3A_1895 = tpu.vector_load %arg11[%parallel_loop3A_1893, %parallel_loop3A_1894] {strides = array<i32>} : memref<32x512xf32, #tpu.memory_space<vmem>>, vector<16xf32>,
      %parallel_loop3A_1896 = arith.subf %parallel_loop3A_1892, %parallel_loop3A_1895 : vector<16xf32>
      %parallel_loop3A_1897 = arith.constant 3.200000e+01 : f32
      %parallel_loop3A_1898 = vector.broadcast %parallel_loop3A_1897 : f32 to vector<16xf32>
      %parallel_loop3A_1899 = arith.mulf %parallel_loop3A_1889, %parallel_loop3A_1898 : vector<16xf32>
      %parallel_loop3A_1900 = arith.fptosi %parallel_loop3A_1899 : vector<16xf32> to vector<16xi32>
      %parallel_loop3A_1901 = arith.constant 0 : i32
      %parallel_loop3A_1902 = vector.broadcast %parallel_loop3A_1901 : i32 to vector<16xi32>
      %parallel_loop3A_1903 = arith.maxsi %parallel_loop3A_1900, %parallel_loop3A_1902 : vector<16xi32>
      %parallel_loop3A_1904 = arith.constant 31 : i32
      %parallel_loop3A_1905 = vector.broadcast %parallel_loop3A_1904 : i32 to vector<16xi32>
      %parallel_loop3A_1906 = arith.minsi %parallel_loop3A_1903, %parallel_loop3A_1905 : vector<16xi32>
      %parallel_loop3A_1907 = arith.constant 16 : i32
      %parallel_loop3A_1908 = vector.broadcast %parallel_loop3A_1907 : i32 to vector<16xi32>
      %parallel_loop3A_1909 = arith.muli %parallel_loop3A_1906, %parallel_loop3A_1908 : vector<16xi32>
      %parallel_loop3A_1910 = arith.addi %add3A_95, %parallel_loop3A_1909 : vector<16xi32>
      tpu.vector_store_idx %arg14[%parallel_loop3A_1910], %parallel_loop3A_1896 {add = true} : memref<1536xf32, #tpu.memory_space<vmem>>[vector<16xi32>], vector<16xf32>,
      tpu.vector_store_idx %arg16[%parallel_loop3A_1910], %broadcast_in_dim3A_3 {add = true} : memref<1536xf32, #tpu.memory_space<vmem>>[vector<16xi32>], vector<16xf32>,
    } {sc.loop_unroll_factor = 4 : i64, sc.parallel_access}
    %mul3A_98 = arith.constant 3 : i32
    %mul3A_99 = arith.muli %add3A, %mul3A_98 : i32
    %add3A_100 = arith.constant 0 : i32
    %add3A_101 = arith.addi %mul3A_99, %add3A_100 : i32
    %div3A_102 = arith.constant 4 : i32
    %div3A_103 = arith.divsi %add3A_101, %div3A_102 : i32
    %rem3A_104 = arith.constant 4 : i32
    %rem3A_105 = arith.remsi %add3A_101, %rem3A_104 : i32
    %mul3A_106 = arith.constant 128 : i32
    %mul3A_107 = arith.muli %rem3A_105, %mul3A_106 : i32
    %add3A_108 = arith.constant 64 : i32
    %add3A_109 = arith.addi %mul3A_107, %add3A_108 : i32
    %dma_start3A_110 = arith.constant 0 : i32
    %dma_start3A_111 = tpu.memref_slice %arg2[%div3A_103, %add3A_109, %dma_start3A_110] : memref<24x512x512xf32, #tpu.memory_space<hbm>> -> memref<1x32x512xf32, #tpu.memory_space<hbm>>
    %dma_start3A_112 = tpu.memref_squeeze %dma_start3A_111 : memref<1x32x512xf32, #tpu.memory_space<hbm>> -> memref<32x512xf32, #tpu.memory_space<hbm>>
    %dma_start3A_113 = arith.constant 0 : i32
    %dma_start3A_114 = tpu.memref_slice %arg2[%div3A_103, %add3A_109, %dma_start3A_113] : memref<24x512x512xf32, #tpu.memory_space<hbm>> -> memref<1x32x512xf32, #tpu.memory_space<hbm>>
    %dma_start3A_115 = tpu.memref_squeeze %dma_start3A_114 : memref<1x32x512xf32, #tpu.memory_space<hbm>> -> memref<32x512xf32, #tpu.memory_space<hbm>>
    tpu.enqueue_dma source(%dma_start3A_115 : memref<32x512xf32, #tpu.memory_space<hbm>>) target(%arg7 : memref<32x512xf32, #tpu.memory_space<vmem>>) target_semaphore(%arg19 : memref<!tpu.dma_semaphore, #tpu.memory_space<semaphore_mem>>)
    %dma_start3A_116 = arith.constant 0 : i32
    %dma_start3A_117 = tpu.memref_slice %arg3[%div3A_103, %add3A_109, %dma_start3A_116] : memref<24x512x512xf32, #tpu.memory_space<hbm>> -> memref<1x32x512xf32, #tpu.memory_space<hbm>>
    %dma_start3A_118 = tpu.memref_squeeze %dma_start3A_117 : memref<1x32x512xf32, #tpu.memory_space<hbm>> -> memref<32x512xf32, #tpu.memory_space<hbm>>
    %dma_start3A_119 = arith.constant 0 : i32
    %dma_start3A_120 = tpu.memref_slice %arg3[%div3A_103, %add3A_109, %dma_start3A_119] : memref<24x512x512xf32, #tpu.memory_space<hbm>> -> memref<1x32x512xf32, #tpu.memory_space<hbm>>
    %dma_start3A_121 = tpu.memref_squeeze %dma_start3A_120 : memref<1x32x512xf32, #tpu.memory_space<hbm>> -> memref<32x512xf32, #tpu.memory_space<hbm>>
    tpu.enqueue_dma source(%dma_start3A_121 : memref<32x512xf32, #tpu.memory_space<hbm>>) target(%arg9 : memref<32x512xf32, #tpu.memory_space<vmem>>) target_semaphore(%arg19 : memref<!tpu.dma_semaphore, #tpu.memory_space<semaphore_mem>>)
    %dma_start3A_122 = arith.constant 0 : i32
    %dma_start3A_123 = tpu.memref_slice %arg4[%div3A_103, %add3A_109, %dma_start3A_122] : memref<24x512x512xf32, #tpu.memory_space<hbm>> -> memref<1x32x512xf32, #tpu.memory_space<hbm>>
    %dma_start3A_124 = tpu.memref_squeeze %dma_start3A_123 : memref<1x32x512xf32, #tpu.memory_space<hbm>> -> memref<32x512xf32, #tpu.memory_space<hbm>>
    %dma_start3A_125 = arith.constant 0 : i32
    %dma_start3A_126 = tpu.memref_slice %arg4[%div3A_103, %add3A_109, %dma_start3A_125] : memref<24x512x512xf32, #tpu.memory_space<hbm>> -> memref<1x32x512xf32, #tpu.memory_space<hbm>>
    %dma_start3A_127 = tpu.memref_squeeze %dma_start3A_126 : memref<1x32x512xf32, #tpu.memory_space<hbm>> -> memref<32x512xf32, #tpu.memory_space<hbm>>
    tpu.enqueue_dma source(%dma_start3A_127 : memref<32x512xf32, #tpu.memory_space<hbm>>) target(%arg11 : memref<32x512xf32, #tpu.memory_space<vmem>>) target_semaphore(%arg19 : memref<!tpu.dma_semaphore, #tpu.memory_space<semaphore_mem>>)
    %dma_wait3A_128 = arith.constant 0 : i32
    %dma_wait3A_129 = tpu.memref_slice %arg2[%div3A_42, %add3A_48, %dma_wait3A_128] : memref<24x512x512xf32, #tpu.memory_space<hbm>> -> memref<1x32x512xf32, #tpu.memory_space<hbm>>
    %dma_wait3A_130 = tpu.memref_squeeze %dma_wait3A_129 : memref<1x32x512xf32, #tpu.memory_space<hbm>> -> memref<32x512xf32, #tpu.memory_space<hbm>>
    %dma_wait3A_131 = arith.constant 0 : i32
    %dma_wait3A_132 = tpu.memref_slice %arg2[%div3A_42, %add3A_48, %dma_wait3A_131] : memref<24x512x512xf32, #tpu.memory_space<hbm>> -> memref<1x32x512xf32, #tpu.memory_space<hbm>>
    %dma_wait3A_133 = tpu.memref_squeeze %dma_wait3A_132 : memref<1x32x512xf32, #tpu.memory_space<hbm>> -> memref<32x512xf32, #tpu.memory_space<hbm>>
    tpu.wait_dma2 semaphore(%arg20 : memref<!tpu.dma_semaphore, #tpu.memory_space<semaphore_mem>>) src(%dma_wait3A_133 : memref<32x512xf32, #tpu.memory_space<hbm>>) dst(%arg8 : memref<32x512xf32, #tpu.memory_space<vmem>>)
    %dma_wait3A_134 = arith.constant 0 : i32
    %dma_wait3A_135 = tpu.memref_slice %arg3[%div3A_42, %add3A_48, %dma_wait3A_134] : memref<24x512x512xf32, #tpu.memory_space<hbm>> -> memref<1x32x512xf32, #tpu.memory_space<hbm>>
    %dma_wait3A_136 = tpu.memref_squeeze %dma_wait3A_135 : memref<1x32x512xf32, #tpu.memory_space<hbm>> -> memref<32x512xf32, #tpu.memory_space<hbm>>
    %dma_wait3A_137 = arith.constant 0 : i32
    %dma_wait3A_138 = tpu.memref_slice %arg3[%div3A_42, %add3A_48, %dma_wait3A_137] : memref<24x512x512xf32, #tpu.memory_space<hbm>> -> memref<1x32x512xf32, #tpu.memory_space<hbm>>
    %dma_wait3A_139 = tpu.memref_squeeze %dma_wait3A_138 : memref<1x32x512xf32, #tpu.memory_space<hbm>> -> memref<32x512xf32, #tpu.memory_space<hbm>>
    tpu.wait_dma2 semaphore(%arg20 : memref<!tpu.dma_semaphore, #tpu.memory_space<semaphore_mem>>) src(%dma_wait3A_139 : memref<32x512xf32, #tpu.memory_space<hbm>>) dst(%arg10 : memref<32x512xf32, #tpu.memory_space<vmem>>)
    %dma_wait3A_140 = arith.constant 0 : i32
    %dma_wait3A_141 = tpu.memref_slice %arg4[%div3A_42, %add3A_48, %dma_wait3A_140] : memref<24x512x512xf32, #tpu.memory_space<hbm>> -> memref<1x32x512xf32, #tpu.memory_space<hbm>>
    %dma_wait3A_142 = tpu.memref_squeeze %dma_wait3A_141 : memref<1x32x512xf32, #tpu.memory_space<hbm>> -> memref<32x512xf32, #tpu.memory_space<hbm>>
    %dma_wait3A_143 = arith.constant 0 : i32
    %dma_wait3A_144 = tpu.memref_slice %arg4[%div3A_42, %add3A_48, %dma_wait3A_143] : memref<24x512x512xf32, #tpu.memory_space<hbm>> -> memref<1x32x512xf32, #tpu.memory_space<hbm>>
    %dma_wait3A_145 = tpu.memref_squeeze %dma_wait3A_144 : memref<1x32x512xf32, #tpu.memory_space<hbm>> -> memref<32x512xf32, #tpu.memory_space<hbm>>
    tpu.wait_dma2 semaphore(%arg20 : memref<!tpu.dma_semaphore, #tpu.memory_space<semaphore_mem>>) src(%dma_wait3A_145 : memref<32x512xf32, #tpu.memory_space<hbm>>) dst(%arg12 : memref<32x512xf32, #tpu.memory_space<vmem>>)
    %mul3A_146 = arith.constant 3 : i32
    %mul3A_147 = arith.muli %add3A, %mul3A_146 : i32
    %add3A_148 = arith.constant 0 : i32
    %add3A_149 = arith.addi %mul3A_147, %add3A_148 : i32
    %div3A_150 = arith.constant 4 : i32
    %div3A_151 = arith.divsi %add3A_149, %div3A_150 : i32
    %rem3A_152 = arith.constant 3 : i32
    %rem3A_153 = arith.remsi %div3A_151, %rem3A_152 : i32
    %mul3A_154 = arith.constant 512 : i32
    %mul3A_155 = arith.muli %rem3A_153, %mul3A_154 : i32
    %add3A_156 = vector.broadcast %mul3A_155 : i32 to vector<16xi32>
    %add3A_157 = arith.addi %iota3A, %add3A_156 : vector<16xi32>
    %parallel_loop3A_158 = arith.constant 0 : i32
    %parallel_loop3A_159 = arith.constant 512 : i32
    %parallel_loop3A_160 = arith.constant 1 : i32
    scf.for %parallel_loop3A_1842 = %parallel_loop3A_158 to %parallel_loop3A_159 step %parallel_loop3A_160  : i32 {
      %parallel_loop3A_1843 = arith.constant 2 : i32
      %parallel_loop3A_1844 = arith.muli %parallel_loop3A_1842, %parallel_loop3A_1843 : i32
      %parallel_loop3A_1845 = arith.constant 0 : i32
      %parallel_loop3A_1846 = arith.addi %parallel_loop3A_1844, %parallel_loop3A_1845 : i32
      %parallel_loop3A_1847 = arith.constant 32 : i32
      %parallel_loop3A_1848 = arith.divsi %parallel_loop3A_1846, %parallel_loop3A_1847 : i32
      %parallel_loop3A_1849 = arith.constant 32 : i32
      %parallel_loop3A_1850 = arith.remsi %parallel_loop3A_1846, %parallel_loop3A_1849 : i32
      %parallel_loop3A_1851 = arith.constant 16 : i32
      %parallel_loop3A_1852 = arith.muli %parallel_loop3A_1850, %parallel_loop3A_1851 : i32
      %parallel_loop3A_1853 = arith.index_cast %parallel_loop3A_1848 : i32 to index
      %parallel_loop3A_1854 = arith.index_cast %parallel_loop3A_1852 : i32 to index
      %parallel_loop3A_1855 = tpu.vector_load %arg8[%parallel_loop3A_1853, %parallel_loop3A_1854] {strides = array<i32>} : memref<32x512xf32, #tpu.memory_space<vmem>>, vector<16xf32>,
      %parallel_loop3A_1856 = arith.index_cast %parallel_loop3A_1848 : i32 to index
      %parallel_loop3A_1857 = arith.index_cast %parallel_loop3A_1852 : i32 to index
      %parallel_loop3A_1858 = tpu.vector_load %arg10[%parallel_loop3A_1856, %parallel_loop3A_1857] {strides = array<i32>} : memref<32x512xf32, #tpu.memory_space<vmem>>, vector<16xf32>,
      %parallel_loop3A_1859 = arith.index_cast %parallel_loop3A_1848 : i32 to index
      %parallel_loop3A_1860 = arith.index_cast %parallel_loop3A_1852 : i32 to index
      %parallel_loop3A_1861 = tpu.vector_load %arg12[%parallel_loop3A_1859, %parallel_loop3A_1860] {strides = array<i32>} : memref<32x512xf32, #tpu.memory_space<vmem>>, vector<16xf32>,
      %parallel_loop3A_1862 = arith.subf %parallel_loop3A_1858, %parallel_loop3A_1861 : vector<16xf32>
      %parallel_loop3A_1863 = arith.constant 3.200000e+01 : f32
      %parallel_loop3A_1864 = vector.broadcast %parallel_loop3A_1863 : f32 to vector<16xf32>
      %parallel_loop3A_1865 = arith.mulf %parallel_loop3A_1855, %parallel_loop3A_1864 : vector<16xf32>
      %parallel_loop3A_1866 = arith.fptosi %parallel_loop3A_1865 : vector<16xf32> to vector<16xi32>
      %parallel_loop3A_1867 = arith.constant 0 : i32
      %parallel_loop3A_1868 = vector.broadcast %parallel_loop3A_1867 : i32 to vector<16xi32>
      %parallel_loop3A_1869 = arith.maxsi %parallel_loop3A_1866, %parallel_loop3A_1868 : vector<16xi32>
      %parallel_loop3A_1870 = arith.constant 31 : i32
      %parallel_loop3A_1871 = vector.broadcast %parallel_loop3A_1870 : i32 to vector<16xi32>
      %parallel_loop3A_1872 = arith.minsi %parallel_loop3A_1869, %parallel_loop3A_1871 : vector<16xi32>
      %parallel_loop3A_1873 = arith.constant 16 : i32
      %parallel_loop3A_1874 = vector.broadcast %parallel_loop3A_1873 : i32 to vector<16xi32>
      %parallel_loop3A_1875 = arith.muli %parallel_loop3A_1872, %parallel_loop3A_1874 : vector<16xi32>
      %parallel_loop3A_1876 = arith.addi %add3A_157, %parallel_loop3A_1875 : vector<16xi32>
      tpu.vector_store_idx %arg13[%parallel_loop3A_1876], %parallel_loop3A_1862 {add = true} : memref<1536xf32, #tpu.memory_space<vmem>>[vector<16xi32>], vector<16xf32>,
      tpu.vector_store_idx %arg15[%parallel_loop3A_1876], %broadcast_in_dim3A_3 {add = true} : memref<1536xf32, #tpu.memory_space<vmem>>[vector<16xi32>], vector<16xf32>,
      %parallel_loop3A_1877 = arith.constant 2 : i32
      %parallel_loop3A_1878 = arith.muli %parallel_loop3A_1842, %parallel_loop3A_1877 : i32
      %parallel_loop3A_1879 = arith.constant 1 : i32
      %parallel_loop3A_1880 = arith.addi %parallel_loop3A_1878, %parallel_loop3A_1879 : i32
      %parallel_loop3A_1881 = arith.constant 32 : i32
      %parallel_loop3A_1882 = arith.divsi %parallel_loop3A_1880, %parallel_loop3A_1881 : i32
      %parallel_loop3A_1883 = arith.constant 32 : i32
      %parallel_loop3A_1884 = arith.remsi %parallel_loop3A_1880, %parallel_loop3A_1883 : i32
      %parallel_loop3A_1885 = arith.constant 16 : i32
      %parallel_loop3A_1886 = arith.muli %parallel_loop3A_1884, %parallel_loop3A_1885 : i32
      %parallel_loop3A_1887 = arith.index_cast %parallel_loop3A_1882 : i32 to index
      %parallel_loop3A_1888 = arith.index_cast %parallel_loop3A_1886 : i32 to index
      %parallel_loop3A_1889 = tpu.vector_load %arg8[%parallel_loop3A_1887, %parallel_loop3A_1888] {strides = array<i32>} : memref<32x512xf32, #tpu.memory_space<vmem>>, vector<16xf32>,
      %parallel_loop3A_1890 = arith.index_cast %parallel_loop3A_1882 : i32 to index
      %parallel_loop3A_1891 = arith.index_cast %parallel_loop3A_1886 : i32 to index
      %parallel_loop3A_1892 = tpu.vector_load %arg10[%parallel_loop3A_1890, %parallel_loop3A_1891] {strides = array<i32>} : memref<32x512xf32, #tpu.memory_space<vmem>>, vector<16xf32>,
      %parallel_loop3A_1893 = arith.index_cast %parallel_loop3A_1882 : i32 to index
      %parallel_loop3A_1894 = arith.index_cast %parallel_loop3A_1886 : i32 to index
      %parallel_loop3A_1895 = tpu.vector_load %arg12[%parallel_loop3A_1893, %parallel_loop3A_1894] {strides = array<i32>} : memref<32x512xf32, #tpu.memory_space<vmem>>, vector<16xf32>,
      %parallel_loop3A_1896 = arith.subf %parallel_loop3A_1892, %parallel_loop3A_1895 : vector<16xf32>
      %parallel_loop3A_1897 = arith.constant 3.200000e+01 : f32
      %parallel_loop3A_1898 = vector.broadcast %parallel_loop3A_1897 : f32 to vector<16xf32>
      %parallel_loop3A_1899 = arith.mulf %parallel_loop3A_1889, %parallel_loop3A_1898 : vector<16xf32>
      %parallel_loop3A_1900 = arith.fptosi %parallel_loop3A_1899 : vector<16xf32> to vector<16xi32>
      %parallel_loop3A_1901 = arith.constant 0 : i32
      %parallel_loop3A_1902 = vector.broadcast %parallel_loop3A_1901 : i32 to vector<16xi32>
      %parallel_loop3A_1903 = arith.maxsi %parallel_loop3A_1900, %parallel_loop3A_1902 : vector<16xi32>
      %parallel_loop3A_1904 = arith.constant 31 : i32
      %parallel_loop3A_1905 = vector.broadcast %parallel_loop3A_1904 : i32 to vector<16xi32>
      %parallel_loop3A_1906 = arith.minsi %parallel_loop3A_1903, %parallel_loop3A_1905 : vector<16xi32>
      %parallel_loop3A_1907 = arith.constant 16 : i32
      %parallel_loop3A_1908 = vector.broadcast %parallel_loop3A_1907 : i32 to vector<16xi32>
      %parallel_loop3A_1909 = arith.muli %parallel_loop3A_1906, %parallel_loop3A_1908 : vector<16xi32>
      %parallel_loop3A_1910 = arith.addi %add3A_157, %parallel_loop3A_1909 : vector<16xi32>
      tpu.vector_store_idx %arg14[%parallel_loop3A_1910], %parallel_loop3A_1896 {add = true} : memref<1536xf32, #tpu.memory_space<vmem>>[vector<16xi32>], vector<16xf32>,
      tpu.vector_store_idx %arg16[%parallel_loop3A_1910], %broadcast_in_dim3A_3 {add = true} : memref<1536xf32, #tpu.memory_space<vmem>>[vector<16xi32>], vector<16xf32>,
    } {sc.loop_unroll_factor = 4 : i64, sc.parallel_access}
    %mul3A_161 = arith.constant 3 : i32
    %mul3A_162 = arith.muli %add3A, %mul3A_161 : i32
    %add3A_163 = arith.constant 0 : i32
    %add3A_164 = arith.addi %mul3A_162, %add3A_163 : i32
    %div3A_165 = arith.constant 4 : i32
    %div3A_166 = arith.divsi %add3A_164, %div3A_165 : i32
    %rem3A_167 = arith.constant 4 : i32
    %rem3A_168 = arith.remsi %add3A_164, %rem3A_167 : i32
    %mul3A_169 = arith.constant 128 : i32
    %mul3A_170 = arith.muli %rem3A_168, %mul3A_169 : i32
    %add3A_171 = arith.constant 96 : i32
    %add3A_172 = arith.addi %mul3A_170, %add3A_171 : i32
    %dma_start3A_173 = arith.constant 0 : i32
    %dma_start3A_174 = tpu.memref_slice %arg2[%div3A_166, %add3A_172, %dma_start3A_173] : memref<24x512x512xf32, #tpu.memory_space<hbm>> -> memref<1x32x512xf32, #tpu.memory_space<hbm>>
    %dma_start3A_175 = tpu.memref_squeeze %dma_start3A_174 : memref<1x32x512xf32, #tpu.memory_space<hbm>> -> memref<32x512xf32, #tpu.memory_space<hbm>>
    %dma_start3A_176 = arith.constant 0 : i32
    %dma_start3A_177 = tpu.memref_slice %arg2[%div3A_166, %add3A_172, %dma_start3A_176] : memref<24x512x512xf32, #tpu.memory_space<hbm>> -> memref<1x32x512xf32, #tpu.memory_space<hbm>>
    %dma_start3A_178 = tpu.memref_squeeze %dma_start3A_177 : memref<1x32x512xf32, #tpu.memory_space<hbm>> -> memref<32x512xf32, #tpu.memory_space<hbm>>
    tpu.enqueue_dma source(%dma_start3A_178 : memref<32x512xf32, #tpu.memory_space<hbm>>) target(%arg8 : memref<32x512xf32, #tpu.memory_space<vmem>>) target_semaphore(%arg20 : memref<!tpu.dma_semaphore, #tpu.memory_space<semaphore_mem>>)
    %dma_start3A_179 = arith.constant 0 : i32
    %dma_start3A_180 = tpu.memref_slice %arg3[%div3A_166, %add3A_172, %dma_start3A_179] : memref<24x512x512xf32, #tpu.memory_space<hbm>> -> memref<1x32x512xf32, #tpu.memory_space<hbm>>
    %dma_start3A_181 = tpu.memref_squeeze %dma_start3A_180 : memref<1x32x512xf32, #tpu.memory_space<hbm>> -> memref<32x512xf32, #tpu.memory_space<hbm>>
    %dma_start3A_182 = arith.constant 0 : i32
    %dma_start3A_183 = tpu.memref_slice %arg3[%div3A_166, %add3A_172, %dma_start3A_182] : memref<24x512x512xf32, #tpu.memory_space<hbm>> -> memref<1x32x512xf32, #tpu.memory_space<hbm>>
    %dma_start3A_184 = tpu.memref_squeeze %dma_start3A_183 : memref<1x32x512xf32, #tpu.memory_space<hbm>> -> memref<32x512xf32, #tpu.memory_space<hbm>>
    tpu.enqueue_dma source(%dma_start3A_184 : memref<32x512xf32, #tpu.memory_space<hbm>>) target(%arg10 : memref<32x512xf32, #tpu.memory_space<vmem>>) target_semaphore(%arg20 : memref<!tpu.dma_semaphore, #tpu.memory_space<semaphore_mem>>)
    %dma_start3A_185 = arith.constant 0 : i32
    %dma_start3A_186 = tpu.memref_slice %arg4[%div3A_166, %add3A_172, %dma_start3A_185] : memref<24x512x512xf32, #tpu.memory_space<hbm>> -> memref<1x32x512xf32, #tpu.memory_space<hbm>>
    %dma_start3A_187 = tpu.memref_squeeze %dma_start3A_186 : memref<1x32x512xf32, #tpu.memory_space<hbm>> -> memref<32x512xf32, #tpu.memory_space<hbm>>
    %dma_start3A_188 = arith.constant 0 : i32
    %dma_start3A_189 = tpu.memref_slice %arg4[%div3A_166, %add3A_172, %dma_start3A_188] : memref<24x512x512xf32, #tpu.memory_space<hbm>> -> memref<1x32x512xf32, #tpu.memory_space<hbm>>
    %dma_start3A_190 = tpu.memref_squeeze %dma_start3A_189 : memref<1x32x512xf32, #tpu.memory_space<hbm>> -> memref<32x512xf32, #tpu.memory_space<hbm>>
    tpu.enqueue_dma source(%dma_start3A_190 : memref<32x512xf32, #tpu.memory_space<hbm>>) target(%arg12 : memref<32x512xf32, #tpu.memory_space<vmem>>) target_semaphore(%arg20 : memref<!tpu.dma_semaphore, #tpu.memory_space<semaphore_mem>>)
    %dma_wait3A_191 = arith.constant 0 : i32
    %dma_wait3A_192 = tpu.memref_slice %arg2[%div3A_103, %add3A_109, %dma_wait3A_191] : memref<24x512x512xf32, #tpu.memory_space<hbm>> -> memref<1x32x512xf32, #tpu.memory_space<hbm>>
    %dma_wait3A_193 = tpu.memref_squeeze %dma_wait3A_192 : memref<1x32x512xf32, #tpu.memory_space<hbm>> -> memref<32x512xf32, #tpu.memory_space<hbm>>
    %dma_wait3A_194 = arith.constant 0 : i32
    %dma_wait3A_195 = tpu.memref_slice %arg2[%div3A_103, %add3A_109, %dma_wait3A_194] : memref<24x512x512xf32, #tpu.memory_space<hbm>> -> memref<1x32x512xf32, #tpu.memory_space<hbm>>
    %dma_wait3A_196 = tpu.memref_squeeze %dma_wait3A_195 : memref<1x32x512xf32, #tpu.memory_space<hbm>> -> memref<32x512xf32, #tpu.memory_space<hbm>>
    tpu.wait_dma2 semaphore(%arg19 : memref<!tpu.dma_semaphore, #tpu.memory_space<semaphore_mem>>) src(%dma_wait3A_196 : memref<32x512xf32, #tpu.memory_space<hbm>>) dst(%arg7 : memref<32x512xf32, #tpu.memory_space<vmem>>)
    %dma_wait3A_197 = arith.constant 0 : i32
    %dma_wait3A_198 = tpu.memref_slice %arg3[%div3A_103, %add3A_109, %dma_wait3A_197] : memref<24x512x512xf32, #tpu.memory_space<hbm>> -> memref<1x32x512xf32, #tpu.memory_space<hbm>>
    %dma_wait3A_199 = tpu.memref_squeeze %dma_wait3A_198 : memref<1x32x512xf32, #tpu.memory_space<hbm>> -> memref<32x512xf32, #tpu.memory_space<hbm>>
    %dma_wait3A_200 = arith.constant 0 : i32
    %dma_wait3A_201 = tpu.memref_slice %arg3[%div3A_103, %add3A_109, %dma_wait3A_200] : memref<24x512x512xf32, #tpu.memory_space<hbm>> -> memref<1x32x512xf32, #tpu.memory_space<hbm>>
    %dma_wait3A_202 = tpu.memref_squeeze %dma_wait3A_201 : memref<1x32x512xf32, #tpu.memory_space<hbm>> -> memref<32x512xf32, #tpu.memory_space<hbm>>
    tpu.wait_dma2 semaphore(%arg19 : memref<!tpu.dma_semaphore, #tpu.memory_space<semaphore_mem>>) src(%dma_wait3A_202 : memref<32x512xf32, #tpu.memory_space<hbm>>) dst(%arg9 : memref<32x512xf32, #tpu.memory_space<vmem>>)
    %dma_wait3A_203 = arith.constant 0 : i32
    %dma_wait3A_204 = tpu.memref_slice %arg4[%div3A_103, %add3A_109, %dma_wait3A_203] : memref<24x512x512xf32, #tpu.memory_space<hbm>> -> memref<1x32x512xf32, #tpu.memory_space<hbm>>
    %dma_wait3A_205 = tpu.memref_squeeze %dma_wait3A_204 : memref<1x32x512xf32, #tpu.memory_space<hbm>> -> memref<32x512xf32, #tpu.memory_space<hbm>>
    %dma_wait3A_206 = arith.constant 0 : i32
    %dma_wait3A_207 = tpu.memref_slice %arg4[%div3A_103, %add3A_109, %dma_wait3A_206] : memref<24x512x512xf32, #tpu.memory_space<hbm>> -> memref<1x32x512xf32, #tpu.memory_space<hbm>>
    %dma_wait3A_208 = tpu.memref_squeeze %dma_wait3A_207 : memref<1x32x512xf32, #tpu.memory_space<hbm>> -> memref<32x512xf32, #tpu.memory_space<hbm>>
    tpu.wait_dma2 semaphore(%arg19 : memref<!tpu.dma_semaphore, #tpu.memory_space<semaphore_mem>>) src(%dma_wait3A_208 : memref<32x512xf32, #tpu.memory_space<hbm>>) dst(%arg11 : memref<32x512xf32, #tpu.memory_space<vmem>>)
    %mul3A_209 = arith.constant 3 : i32
    %mul3A_210 = arith.muli %add3A, %mul3A_209 : i32
    %add3A_211 = arith.constant 0 : i32
    %add3A_212 = arith.addi %mul3A_210, %add3A_211 : i32
    %div3A_213 = arith.constant 4 : i32
    %div3A_214 = arith.divsi %add3A_212, %div3A_213 : i32
    %rem3A_215 = arith.constant 3 : i32
    %rem3A_216 = arith.remsi %div3A_214, %rem3A_215 : i32
    %mul3A_217 = arith.constant 512 : i32
    %mul3A_218 = arith.muli %rem3A_216, %mul3A_217 : i32
    %add3A_219 = vector.broadcast %mul3A_218 : i32 to vector<16xi32>
    %add3A_220 = arith.addi %iota3A, %add3A_219 : vector<16xi32>
    %parallel_loop3A_221 = arith.constant 0 : i32
    %parallel_loop3A_222 = arith.constant 512 : i32
    %parallel_loop3A_223 = arith.constant 1 : i32
    scf.for %parallel_loop3A_1842 = %parallel_loop3A_221 to %parallel_loop3A_222 step %parallel_loop3A_223  : i32 {
      %parallel_loop3A_1843 = arith.constant 2 : i32
      %parallel_loop3A_1844 = arith.muli %parallel_loop3A_1842, %parallel_loop3A_1843 : i32
      %parallel_loop3A_1845 = arith.constant 0 : i32
      %parallel_loop3A_1846 = arith.addi %parallel_loop3A_1844, %parallel_loop3A_1845 : i32
      %parallel_loop3A_1847 = arith.constant 32 : i32
      %parallel_loop3A_1848 = arith.divsi %parallel_loop3A_1846, %parallel_loop3A_1847 : i32
      %parallel_loop3A_1849 = arith.constant 32 : i32
      %parallel_loop3A_1850 = arith.remsi %parallel_loop3A_1846, %parallel_loop3A_1849 : i32
      %parallel_loop3A_1851 = arith.constant 16 : i32
      %parallel_loop3A_1852 = arith.muli %parallel_loop3A_1850, %parallel_loop3A_1851 : i32
      %parallel_loop3A_1853 = arith.index_cast %parallel_loop3A_1848 : i32 to index
      %parallel_loop3A_1854 = arith.index_cast %parallel_loop3A_1852 : i32 to index
      %parallel_loop3A_1855 = tpu.vector_load %arg7[%parallel_loop3A_1853, %parallel_loop3A_1854] {strides = array<i32>} : memref<32x512xf32, #tpu.memory_space<vmem>>, vector<16xf32>,
      %parallel_loop3A_1856 = arith.index_cast %parallel_loop3A_1848 : i32 to index
      %parallel_loop3A_1857 = arith.index_cast %parallel_loop3A_1852 : i32 to index
      %parallel_loop3A_1858 = tpu.vector_load %arg9[%parallel_loop3A_1856, %parallel_loop3A_1857] {strides = array<i32>} : memref<32x512xf32, #tpu.memory_space<vmem>>, vector<16xf32>,
      %parallel_loop3A_1859 = arith.index_cast %parallel_loop3A_1848 : i32 to index
      %parallel_loop3A_1860 = arith.index_cast %parallel_loop3A_1852 : i32 to index
      %parallel_loop3A_1861 = tpu.vector_load %arg11[%parallel_loop3A_1859, %parallel_loop3A_1860] {strides = array<i32>} : memref<32x512xf32, #tpu.memory_space<vmem>>, vector<16xf32>,
      %parallel_loop3A_1862 = arith.subf %parallel_loop3A_1858, %parallel_loop3A_1861 : vector<16xf32>
      %parallel_loop3A_1863 = arith.constant 3.200000e+01 : f32
      %parallel_loop3A_1864 = vector.broadcast %parallel_loop3A_1863 : f32 to vector<16xf32>
      %parallel_loop3A_1865 = arith.mulf %parallel_loop3A_1855, %parallel_loop3A_1864 : vector<16xf32>
      %parallel_loop3A_1866 = arith.fptosi %parallel_loop3A_1865 : vector<16xf32> to vector<16xi32>
      %parallel_loop3A_1867 = arith.constant 0 : i32
      %parallel_loop3A_1868 = vector.broadcast %parallel_loop3A_1867 : i32 to vector<16xi32>
      %parallel_loop3A_1869 = arith.maxsi %parallel_loop3A_1866, %parallel_loop3A_1868 : vector<16xi32>
      %parallel_loop3A_1870 = arith.constant 31 : i32
      %parallel_loop3A_1871 = vector.broadcast %parallel_loop3A_1870 : i32 to vector<16xi32>
      %parallel_loop3A_1872 = arith.minsi %parallel_loop3A_1869, %parallel_loop3A_1871 : vector<16xi32>
      %parallel_loop3A_1873 = arith.constant 16 : i32
      %parallel_loop3A_1874 = vector.broadcast %parallel_loop3A_1873 : i32 to vector<16xi32>
      %parallel_loop3A_1875 = arith.muli %parallel_loop3A_1872, %parallel_loop3A_1874 : vector<16xi32>
      %parallel_loop3A_1876 = arith.addi %add3A_220, %parallel_loop3A_1875 : vector<16xi32>
      tpu.vector_store_idx %arg13[%parallel_loop3A_1876], %parallel_loop3A_1862 {add = true} : memref<1536xf32, #tpu.memory_space<vmem>>[vector<16xi32>], vector<16xf32>,
      tpu.vector_store_idx %arg15[%parallel_loop3A_1876], %broadcast_in_dim3A_3 {add = true} : memref<1536xf32, #tpu.memory_space<vmem>>[vector<16xi32>], vector<16xf32>,
      %parallel_loop3A_1877 = arith.constant 2 : i32
      %parallel_loop3A_1878 = arith.muli %parallel_loop3A_1842, %parallel_loop3A_1877 : i32
      %parallel_loop3A_1879 = arith.constant 1 : i32
      %parallel_loop3A_1880 = arith.addi %parallel_loop3A_1878, %parallel_loop3A_1879 : i32
      %parallel_loop3A_1881 = arith.constant 32 : i32
      %parallel_loop3A_1882 = arith.divsi %parallel_loop3A_1880, %parallel_loop3A_1881 : i32
      %parallel_loop3A_1883 = arith.constant 32 : i32
      %parallel_loop3A_1884 = arith.remsi %parallel_loop3A_1880, %parallel_loop3A_1883 : i32
      %parallel_loop3A_1885 = arith.constant 16 : i32
      %parallel_loop3A_1886 = arith.muli %parallel_loop3A_1884, %parallel_loop3A_1885 : i32
      %parallel_loop3A_1887 = arith.index_cast %parallel_loop3A_1882 : i32 to index
      %parallel_loop3A_1888 = arith.index_cast %parallel_loop3A_1886 : i32 to index
      %parallel_loop3A_1889 = tpu.vector_load %arg7[%parallel_loop3A_1887, %parallel_loop3A_1888] {strides = array<i32>} : memref<32x512xf32, #tpu.memory_space<vmem>>, vector<16xf32>,
      %parallel_loop3A_1890 = arith.index_cast %parallel_loop3A_1882 : i32 to index
      %parallel_loop3A_1891 = arith.index_cast %parallel_loop3A_1886 : i32 to index
      %parallel_loop3A_1892 = tpu.vector_load %arg9[%parallel_loop3A_1890, %parallel_loop3A_1891] {strides = array<i32>} : memref<32x512xf32, #tpu.memory_space<vmem>>, vector<16xf32>,
      %parallel_loop3A_1893 = arith.index_cast %parallel_loop3A_1882 : i32 to index
      %parallel_loop3A_1894 = arith.index_cast %parallel_loop3A_1886 : i32 to index
      %parallel_loop3A_1895 = tpu.vector_load %arg11[%parallel_loop3A_1893, %parallel_loop3A_1894] {strides = array<i32>} : memref<32x512xf32, #tpu.memory_space<vmem>>, vector<16xf32>,
      %parallel_loop3A_1896 = arith.subf %parallel_loop3A_1892, %parallel_loop3A_1895 : vector<16xf32>
      %parallel_loop3A_1897 = arith.constant 3.200000e+01 : f32
      %parallel_loop3A_1898 = vector.broadcast %parallel_loop3A_1897 : f32 to vector<16xf32>
      %parallel_loop3A_1899 = arith.mulf %parallel_loop3A_1889, %parallel_loop3A_1898 : vector<16xf32>
      %parallel_loop3A_1900 = arith.fptosi %parallel_loop3A_1899 : vector<16xf32> to vector<16xi32>
      %parallel_loop3A_1901 = arith.constant 0 : i32
      %parallel_loop3A_1902 = vector.broadcast %parallel_loop3A_1901 : i32 to vector<16xi32>
      %parallel_loop3A_1903 = arith.maxsi %parallel_loop3A_1900, %parallel_loop3A_1902 : vector<16xi32>
      %parallel_loop3A_1904 = arith.constant 31 : i32
      %parallel_loop3A_1905 = vector.broadcast %parallel_loop3A_1904 : i32 to vector<16xi32>
      %parallel_loop3A_1906 = arith.minsi %parallel_loop3A_1903, %parallel_loop3A_1905 : vector<16xi32>
      %parallel_loop3A_1907 = arith.constant 16 : i32
      %parallel_loop3A_1908 = vector.broadcast %parallel_loop3A_1907 : i32 to vector<16xi32>
      %parallel_loop3A_1909 = arith.muli %parallel_loop3A_1906, %parallel_loop3A_1908 : vector<16xi32>
      %parallel_loop3A_1910 = arith.addi %add3A_220, %parallel_loop3A_1909 : vector<16xi32>
      tpu.vector_store_idx %arg14[%parallel_loop3A_1910], %parallel_loop3A_1896 {add = true} : memref<1536xf32, #tpu.memory_space<vmem>>[vector<16xi32>], vector<16xf32>,
      tpu.vector_store_idx %arg16[%parallel_loop3A_1910], %broadcast_in_dim3A_3 {add = true} : memref<1536xf32, #tpu.memory_space<vmem>>[vector<16xi32>], vector<16xf32>,
    } {sc.loop_unroll_factor = 4 : i64, sc.parallel_access}
    %mul3A_224 = arith.constant 3 : i32
    %mul3A_225 = arith.muli %add3A, %mul3A_224 : i32
    %add3A_226 = arith.constant 1 : i32
    %add3A_227 = arith.addi %mul3A_225, %add3A_226 : i32
    %div3A_228 = arith.constant 4 : i32
    %div3A_229 = arith.divsi %add3A_227, %div3A_228 : i32
    %rem3A_230 = arith.constant 4 : i32
    %rem3A_231 = arith.remsi %add3A_227, %rem3A_230 : i32
    %mul3A_232 = arith.constant 128 : i32
    %mul3A_233 = arith.muli %rem3A_231, %mul3A_232 : i32
    %add3A_234 = arith.constant 0 : i32
    %add3A_235 = arith.addi %mul3A_233, %add3A_234 : i32
    %dma_start3A_236 = arith.constant 0 : i32
    %dma_start3A_237 = tpu.memref_slice %arg2[%div3A_229, %add3A_235, %dma_start3A_236] : memref<24x512x512xf32, #tpu.memory_space<hbm>> -> memref<1x32x512xf32, #tpu.memory_space<hbm>>
    %dma_start3A_238 = tpu.memref_squeeze %dma_start3A_237 : memref<1x32x512xf32, #tpu.memory_space<hbm>> -> memref<32x512xf32, #tpu.memory_space<hbm>>
    %dma_start3A_239 = arith.constant 0 : i32
    %dma_start3A_240 = tpu.memref_slice %arg2[%div3A_229, %add3A_235, %dma_start3A_239] : memref<24x512x512xf32, #tpu.memory_space<hbm>> -> memref<1x32x512xf32, #tpu.memory_space<hbm>>
    %dma_start3A_241 = tpu.memref_squeeze %dma_start3A_240 : memref<1x32x512xf32, #tpu.memory_space<hbm>> -> memref<32x512xf32, #tpu.memory_space<hbm>>
    tpu.enqueue_dma source(%dma_start3A_241 : memref<32x512xf32, #tpu.memory_space<hbm>>) target(%arg7 : memref<32x512xf32, #tpu.memory_space<vmem>>) target_semaphore(%arg19 : memref<!tpu.dma_semaphore, #tpu.memory_space<semaphore_mem>>)
    %dma_start3A_242 = arith.constant 0 : i32
    %dma_start3A_243 = tpu.memref_slice %arg3[%div3A_229, %add3A_235, %dma_start3A_242] : memref<24x512x512xf32, #tpu.memory_space<hbm>> -> memref<1x32x512xf32, #tpu.memory_space<hbm>>
    %dma_start3A_244 = tpu.memref_squeeze %dma_start3A_243 : memref<1x32x512xf32, #tpu.memory_space<hbm>> -> memref<32x512xf32, #tpu.memory_space<hbm>>
    %dma_start3A_245 = arith.constant 0 : i32
    %dma_start3A_246 = tpu.memref_slice %arg3[%div3A_229, %add3A_235, %dma_start3A_245] : memref<24x512x512xf32, #tpu.memory_space<hbm>> -> memref<1x32x512xf32, #tpu.memory_space<hbm>>
    %dma_start3A_247 = tpu.memref_squeeze %dma_start3A_246 : memref<1x32x512xf32, #tpu.memory_space<hbm>> -> memref<32x512xf32, #tpu.memory_space<hbm>>
    tpu.enqueue_dma source(%dma_start3A_247 : memref<32x512xf32, #tpu.memory_space<hbm>>) target(%arg9 : memref<32x512xf32, #tpu.memory_space<vmem>>) target_semaphore(%arg19 : memref<!tpu.dma_semaphore, #tpu.memory_space<semaphore_mem>>)
    %dma_start3A_248 = arith.constant 0 : i32
    %dma_start3A_249 = tpu.memref_slice %arg4[%div3A_229, %add3A_235, %dma_start3A_248] : memref<24x512x512xf32, #tpu.memory_space<hbm>> -> memref<1x32x512xf32, #tpu.memory_space<hbm>>
    %dma_start3A_250 = tpu.memref_squeeze %dma_start3A_249 : memref<1x32x512xf32, #tpu.memory_space<hbm>> -> memref<32x512xf32, #tpu.memory_space<hbm>>
    %dma_start3A_251 = arith.constant 0 : i32
    %dma_start3A_252 = tpu.memref_slice %arg4[%div3A_229, %add3A_235, %dma_start3A_251] : memref<24x512x512xf32, #tpu.memory_space<hbm>> -> memref<1x32x512xf32, #tpu.memory_space<hbm>>
    %dma_start3A_253 = tpu.memref_squeeze %dma_start3A_252 : memref<1x32x512xf32, #tpu.memory_space<hbm>> -> memref<32x512xf32, #tpu.memory_space<hbm>>
    tpu.enqueue_dma source(%dma_start3A_253 : memref<32x512xf32, #tpu.memory_space<hbm>>) target(%arg11 : memref<32x512xf32, #tpu.memory_space<vmem>>) target_semaphore(%arg19 : memref<!tpu.dma_semaphore, #tpu.memory_space<semaphore_mem>>)
    %dma_wait3A_254 = arith.constant 0 : i32
    %dma_wait3A_255 = tpu.memref_slice %arg2[%div3A_166, %add3A_172, %dma_wait3A_254] : memref<24x512x512xf32, #tpu.memory_space<hbm>> -> memref<1x32x512xf32, #tpu.memory_space<hbm>>
    %dma_wait3A_256 = tpu.memref_squeeze %dma_wait3A_255 : memref<1x32x512xf32, #tpu.memory_space<hbm>> -> memref<32x512xf32, #tpu.memory_space<hbm>>
    %dma_wait3A_257 = arith.constant 0 : i32
    %dma_wait3A_258 = tpu.memref_slice %arg2[%div3A_166, %add3A_172, %dma_wait3A_257] : memref<24x512x512xf32, #tpu.memory_space<hbm>> -> memref<1x32x512xf32, #tpu.memory_space<hbm>>
    %dma_wait3A_259 = tpu.memref_squeeze %dma_wait3A_258 : memref<1x32x512xf32, #tpu.memory_space<hbm>> -> memref<32x512xf32, #tpu.memory_space<hbm>>
    tpu.wait_dma2 semaphore(%arg20 : memref<!tpu.dma_semaphore, #tpu.memory_space<semaphore_mem>>) src(%dma_wait3A_259 : memref<32x512xf32, #tpu.memory_space<hbm>>) dst(%arg8 : memref<32x512xf32, #tpu.memory_space<vmem>>)
    %dma_wait3A_260 = arith.constant 0 : i32
    %dma_wait3A_261 = tpu.memref_slice %arg3[%div3A_166, %add3A_172, %dma_wait3A_260] : memref<24x512x512xf32, #tpu.memory_space<hbm>> -> memref<1x32x512xf32, #tpu.memory_space<hbm>>
    %dma_wait3A_262 = tpu.memref_squeeze %dma_wait3A_261 : memref<1x32x512xf32, #tpu.memory_space<hbm>> -> memref<32x512xf32, #tpu.memory_space<hbm>>
    %dma_wait3A_263 = arith.constant 0 : i32
    %dma_wait3A_264 = tpu.memref_slice %arg3[%div3A_166, %add3A_172, %dma_wait3A_263] : memref<24x512x512xf32, #tpu.memory_space<hbm>> -> memref<1x32x512xf32, #tpu.memory_space<hbm>>
    %dma_wait3A_265 = tpu.memref_squeeze %dma_wait3A_264 : memref<1x32x512xf32, #tpu.memory_space<hbm>> -> memref<32x512xf32, #tpu.memory_space<hbm>>
    tpu.wait_dma2 semaphore(%arg20 : memref<!tpu.dma_semaphore, #tpu.memory_space<semaphore_mem>>) src(%dma_wait3A_265 : memref<32x512xf32, #tpu.memory_space<hbm>>) dst(%arg10 : memref<32x512xf32, #tpu.memory_space<vmem>>)
    %dma_wait3A_266 = arith.constant 0 : i32
    %dma_wait3A_267 = tpu.memref_slice %arg4[%div3A_166, %add3A_172, %dma_wait3A_266] : memref<24x512x512xf32, #tpu.memory_space<hbm>> -> memref<1x32x512xf32, #tpu.memory_space<hbm>>
    %dma_wait3A_268 = tpu.memref_squeeze %dma_wait3A_267 : memref<1x32x512xf32, #tpu.memory_space<hbm>> -> memref<32x512xf32, #tpu.memory_space<hbm>>
    %dma_wait3A_269 = arith.constant 0 : i32
    %dma_wait3A_270 = tpu.memref_slice %arg4[%div3A_166, %add3A_172, %dma_wait3A_269] : memref<24x512x512xf32, #tpu.memory_space<hbm>> -> memref<1x32x512xf32, #tpu.memory_space<hbm>>
    %dma_wait3A_271 = tpu.memref_squeeze %dma_wait3A_270 : memref<1x32x512xf32, #tpu.memory_space<hbm>> -> memref<32x512xf32, #tpu.memory_space<hbm>>
    tpu.wait_dma2 semaphore(%arg20 : memref<!tpu.dma_semaphore, #tpu.memory_space<semaphore_mem>>) src(%dma_wait3A_271 : memref<32x512xf32, #tpu.memory_space<hbm>>) dst(%arg12 : memref<32x512xf32, #tpu.memory_space<vmem>>)
    %mul3A_272 = arith.constant 3 : i32
    %mul3A_273 = arith.muli %add3A, %mul3A_272 : i32
    %add3A_274 = arith.constant 0 : i32
    %add3A_275 = arith.addi %mul3A_273, %add3A_274 : i32
    %div3A_276 = arith.constant 4 : i32
    %div3A_277 = arith.divsi %add3A_275, %div3A_276 : i32
    %rem3A_278 = arith.constant 3 : i32
    %rem3A_279 = arith.remsi %div3A_277, %rem3A_278 : i32
    %mul3A_280 = arith.constant 512 : i32
    %mul3A_281 = arith.muli %rem3A_279, %mul3A_280 : i32
    %add3A_282 = vector.broadcast %mul3A_281 : i32 to vector<16xi32>
    %add3A_283 = arith.addi %iota3A, %add3A_282 : vector<16xi32>
    %parallel_loop3A_284 = arith.constant 0 : i32
    %parallel_loop3A_285 = arith.constant 512 : i32
    %parallel_loop3A_286 = arith.constant 1 : i32
    scf.for %parallel_loop3A_1842 = %parallel_loop3A_284 to %parallel_loop3A_285 step %parallel_loop3A_286  : i32 {
      %parallel_loop3A_1843 = arith.constant 2 : i32
      %parallel_loop3A_1844 = arith.muli %parallel_loop3A_1842, %parallel_loop3A_1843 : i32
      %parallel_loop3A_1845 = arith.constant 0 : i32
      %parallel_loop3A_1846 = arith.addi %parallel_loop3A_1844, %parallel_loop3A_1845 : i32
      %parallel_loop3A_1847 = arith.constant 32 : i32
      %parallel_loop3A_1848 = arith.divsi %parallel_loop3A_1846, %parallel_loop3A_1847 : i32
      %parallel_loop3A_1849 = arith.constant 32 : i32
      %parallel_loop3A_1850 = arith.remsi %parallel_loop3A_1846, %parallel_loop3A_1849 : i32
      %parallel_loop3A_1851 = arith.constant 16 : i32
      %parallel_loop3A_1852 = arith.muli %parallel_loop3A_1850, %parallel_loop3A_1851 : i32
      %parallel_loop3A_1853 = arith.index_cast %parallel_loop3A_1848 : i32 to index
      %parallel_loop3A_1854 = arith.index_cast %parallel_loop3A_1852 : i32 to index
      %parallel_loop3A_1855 = tpu.vector_load %arg8[%parallel_loop3A_1853, %parallel_loop3A_1854] {strides = array<i32>} : memref<32x512xf32, #tpu.memory_space<vmem>>, vector<16xf32>,
      %parallel_loop3A_1856 = arith.index_cast %parallel_loop3A_1848 : i32 to index
      %parallel_loop3A_1857 = arith.index_cast %parallel_loop3A_1852 : i32 to index
      %parallel_loop3A_1858 = tpu.vector_load %arg10[%parallel_loop3A_1856, %parallel_loop3A_1857] {strides = array<i32>} : memref<32x512xf32, #tpu.memory_space<vmem>>, vector<16xf32>,
      %parallel_loop3A_1859 = arith.index_cast %parallel_loop3A_1848 : i32 to index
      %parallel_loop3A_1860 = arith.index_cast %parallel_loop3A_1852 : i32 to index
      %parallel_loop3A_1861 = tpu.vector_load %arg12[%parallel_loop3A_1859, %parallel_loop3A_1860] {strides = array<i32>} : memref<32x512xf32, #tpu.memory_space<vmem>>, vector<16xf32>,
      %parallel_loop3A_1862 = arith.subf %parallel_loop3A_1858, %parallel_loop3A_1861 : vector<16xf32>
      %parallel_loop3A_1863 = arith.constant 3.200000e+01 : f32
      %parallel_loop3A_1864 = vector.broadcast %parallel_loop3A_1863 : f32 to vector<16xf32>
      %parallel_loop3A_1865 = arith.mulf %parallel_loop3A_1855, %parallel_loop3A_1864 : vector<16xf32>
      %parallel_loop3A_1866 = arith.fptosi %parallel_loop3A_1865 : vector<16xf32> to vector<16xi32>
      %parallel_loop3A_1867 = arith.constant 0 : i32
      %parallel_loop3A_1868 = vector.broadcast %parallel_loop3A_1867 : i32 to vector<16xi32>
      %parallel_loop3A_1869 = arith.maxsi %parallel_loop3A_1866, %parallel_loop3A_1868 : vector<16xi32>
      %parallel_loop3A_1870 = arith.constant 31 : i32
      %parallel_loop3A_1871 = vector.broadcast %parallel_loop3A_1870 : i32 to vector<16xi32>
      %parallel_loop3A_1872 = arith.minsi %parallel_loop3A_1869, %parallel_loop3A_1871 : vector<16xi32>
      %parallel_loop3A_1873 = arith.constant 16 : i32
      %parallel_loop3A_1874 = vector.broadcast %parallel_loop3A_1873 : i32 to vector<16xi32>
      %parallel_loop3A_1875 = arith.muli %parallel_loop3A_1872, %parallel_loop3A_1874 : vector<16xi32>
      %parallel_loop3A_1876 = arith.addi %add3A_283, %parallel_loop3A_1875 : vector<16xi32>
      tpu.vector_store_idx %arg13[%parallel_loop3A_1876], %parallel_loop3A_1862 {add = true} : memref<1536xf32, #tpu.memory_space<vmem>>[vector<16xi32>], vector<16xf32>,
      tpu.vector_store_idx %arg15[%parallel_loop3A_1876], %broadcast_in_dim3A_3 {add = true} : memref<1536xf32, #tpu.memory_space<vmem>>[vector<16xi32>], vector<16xf32>,
      %parallel_loop3A_1877 = arith.constant 2 : i32
      %parallel_loop3A_1878 = arith.muli %parallel_loop3A_1842, %parallel_loop3A_1877 : i32
      %parallel_loop3A_1879 = arith.constant 1 : i32
      %parallel_loop3A_1880 = arith.addi %parallel_loop3A_1878, %parallel_loop3A_1879 : i32
      %parallel_loop3A_1881 = arith.constant 32 : i32
      %parallel_loop3A_1882 = arith.divsi %parallel_loop3A_1880, %parallel_loop3A_1881 : i32
      %parallel_loop3A_1883 = arith.constant 32 : i32
      %parallel_loop3A_1884 = arith.remsi %parallel_loop3A_1880, %parallel_loop3A_1883 : i32
      %parallel_loop3A_1885 = arith.constant 16 : i32
      %parallel_loop3A_1886 = arith.muli %parallel_loop3A_1884, %parallel_loop3A_1885 : i32
      %parallel_loop3A_1887 = arith.index_cast %parallel_loop3A_1882 : i32 to index
      %parallel_loop3A_1888 = arith.index_cast %parallel_loop3A_1886 : i32 to index
      %parallel_loop3A_1889 = tpu.vector_load %arg8[%parallel_loop3A_1887, %parallel_loop3A_1888] {strides = array<i32>} : memref<32x512xf32, #tpu.memory_space<vmem>>, vector<16xf32>,
      %parallel_loop3A_1890 = arith.index_cast %parallel_loop3A_1882 : i32 to index
      %parallel_loop3A_1891 = arith.index_cast %parallel_loop3A_1886 : i32 to index
      %parallel_loop3A_1892 = tpu.vector_load %arg10[%parallel_loop3A_1890, %parallel_loop3A_1891] {strides = array<i32>} : memref<32x512xf32, #tpu.memory_space<vmem>>, vector<16xf32>,
      %parallel_loop3A_1893 = arith.index_cast %parallel_loop3A_1882 : i32 to index
      %parallel_loop3A_1894 = arith.index_cast %parallel_loop3A_1886 : i32 to index
      %parallel_loop3A_1895 = tpu.vector_load %arg12[%parallel_loop3A_1893, %parallel_loop3A_1894] {strides = array<i32>} : memref<32x512xf32, #tpu.memory_space<vmem>>, vector<16xf32>,
      %parallel_loop3A_1896 = arith.subf %parallel_loop3A_1892, %parallel_loop3A_1895 : vector<16xf32>
      %parallel_loop3A_1897 = arith.constant 3.200000e+01 : f32
      %parallel_loop3A_1898 = vector.broadcast %parallel_loop3A_1897 : f32 to vector<16xf32>
      %parallel_loop3A_1899 = arith.mulf %parallel_loop3A_1889, %parallel_loop3A_1898 : vector<16xf32>
      %parallel_loop3A_1900 = arith.fptosi %parallel_loop3A_1899 : vector<16xf32> to vector<16xi32>
      %parallel_loop3A_1901 = arith.constant 0 : i32
      %parallel_loop3A_1902 = vector.broadcast %parallel_loop3A_1901 : i32 to vector<16xi32>
      %parallel_loop3A_1903 = arith.maxsi %parallel_loop3A_1900, %parallel_loop3A_1902 : vector<16xi32>
      %parallel_loop3A_1904 = arith.constant 31 : i32
      %parallel_loop3A_1905 = vector.broadcast %parallel_loop3A_1904 : i32 to vector<16xi32>
      %parallel_loop3A_1906 = arith.minsi %parallel_loop3A_1903, %parallel_loop3A_1905 : vector<16xi32>
      %parallel_loop3A_1907 = arith.constant 16 : i32
      %parallel_loop3A_1908 = vector.broadcast %parallel_loop3A_1907 : i32 to vector<16xi32>
      %parallel_loop3A_1909 = arith.muli %parallel_loop3A_1906, %parallel_loop3A_1908 : vector<16xi32>
      %parallel_loop3A_1910 = arith.addi %add3A_283, %parallel_loop3A_1909 : vector<16xi32>
      tpu.vector_store_idx %arg14[%parallel_loop3A_1910], %parallel_loop3A_1896 {add = true} : memref<1536xf32, #tpu.memory_space<vmem>>[vector<16xi32>], vector<16xf32>,
      tpu.vector_store_idx %arg16[%parallel_loop3A_1910], %broadcast_in_dim3A_3 {add = true} : memref<1536xf32, #tpu.memory_space<vmem>>[vector<16xi32>], vector<16xf32>,
    } {sc.loop_unroll_factor = 4 : i64, sc.parallel_access}
    %mul3A_287 = arith.constant 3 : i32
    %mul3A_288 = arith.muli %add3A, %mul3A_287 : i32
    %add3A_289 = arith.constant 1 : i32
    %add3A_290 = arith.addi %mul3A_288, %add3A_289 : i32
    %div3A_291 = arith.constant 4 : i32
    %div3A_292 = arith.divsi %add3A_290, %div3A_291 : i32
    %rem3A_293 = arith.constant 4 : i32
    %rem3A_294 = arith.remsi %add3A_290, %rem3A_293 : i32
    %mul3A_295 = arith.constant 128 : i32
    %mul3A_296 = arith.muli %rem3A_294, %mul3A_295 : i32
    %add3A_297 = arith.constant 32 : i32
    %add3A_298 = arith.addi %mul3A_296, %add3A_297 : i32
    %dma_start3A_299 = arith.constant 0 : i32
    %dma_start3A_300 = tpu.memref_slice %arg2[%div3A_292, %add3A_298, %dma_start3A_299] : memref<24x512x512xf32, #tpu.memory_space<hbm>> -> memref<1x32x512xf32, #tpu.memory_space<hbm>>
    %dma_start3A_301 = tpu.memref_squeeze %dma_start3A_300 : memref<1x32x512xf32, #tpu.memory_space<hbm>> -> memref<32x512xf32, #tpu.memory_space<hbm>>
    %dma_start3A_302 = arith.constant 0 : i32
    %dma_start3A_303 = tpu.memref_slice %arg2[%div3A_292, %add3A_298, %dma_start3A_302] : memref<24x512x512xf32, #tpu.memory_space<hbm>> -> memref<1x32x512xf32, #tpu.memory_space<hbm>>
    %dma_start3A_304 = tpu.memref_squeeze %dma_start3A_303 : memref<1x32x512xf32, #tpu.memory_space<hbm>> -> memref<32x512xf32, #tpu.memory_space<hbm>>
    tpu.enqueue_dma source(%dma_start3A_304 : memref<32x512xf32, #tpu.memory_space<hbm>>) target(%arg8 : memref<32x512xf32, #tpu.memory_space<vmem>>) target_semaphore(%arg20 : memref<!tpu.dma_semaphore, #tpu.memory_space<semaphore_mem>>)
    %dma_start3A_305 = arith.constant 0 : i32
    %dma_start3A_306 = tpu.memref_slice %arg3[%div3A_292, %add3A_298, %dma_start3A_305] : memref<24x512x512xf32, #tpu.memory_space<hbm>> -> memref<1x32x512xf32, #tpu.memory_space<hbm>>
    %dma_start3A_307 = tpu.memref_squeeze %dma_start3A_306 : memref<1x32x512xf32, #tpu.memory_space<hbm>> -> memref<32x512xf32, #tpu.memory_space<hbm>>
    %dma_start3A_308 = arith.constant 0 : i32
    %dma_start3A_309 = tpu.memref_slice %arg3[%div3A_292, %add3A_298, %dma_start3A_308] : memref<24x512x512xf32, #tpu.memory_space<hbm>> -> memref<1x32x512xf32, #tpu.memory_space<hbm>>
    %dma_start3A_310 = tpu.memref_squeeze %dma_start3A_309 : memref<1x32x512xf32, #tpu.memory_space<hbm>> -> memref<32x512xf32, #tpu.memory_space<hbm>>
    tpu.enqueue_dma source(%dma_start3A_310 : memref<32x512xf32, #tpu.memory_space<hbm>>) target(%arg10 : memref<32x512xf32, #tpu.memory_space<vmem>>) target_semaphore(%arg20 : memref<!tpu.dma_semaphore, #tpu.memory_space<semaphore_mem>>)
    %dma_start3A_311 = arith.constant 0 : i32
    %dma_start3A_312 = tpu.memref_slice %arg4[%div3A_292, %add3A_298, %dma_start3A_311] : memref<24x512x512xf32, #tpu.memory_space<hbm>> -> memref<1x32x512xf32, #tpu.memory_space<hbm>>
    %dma_start3A_313 = tpu.memref_squeeze %dma_start3A_312 : memref<1x32x512xf32, #tpu.memory_space<hbm>> -> memref<32x512xf32, #tpu.memory_space<hbm>>
    %dma_start3A_314 = arith.constant 0 : i32
    %dma_start3A_315 = tpu.memref_slice %arg4[%div3A_292, %add3A_298, %dma_start3A_314] : memref<24x512x512xf32, #tpu.memory_space<hbm>> -> memref<1x32x512xf32, #tpu.memory_space<hbm>>
    %dma_start3A_316 = tpu.memref_squeeze %dma_start3A_315 : memref<1x32x512xf32, #tpu.memory_space<hbm>> -> memref<32x512xf32, #tpu.memory_space<hbm>>
    tpu.enqueue_dma source(%dma_start3A_316 : memref<32x512xf32, #tpu.memory_space<hbm>>) target(%arg12 : memref<32x512xf32, #tpu.memory_space<vmem>>) target_semaphore(%arg20 : memref<!tpu.dma_semaphore, #tpu.memory_space<semaphore_mem>>)
    %dma_wait3A_317 = arith.constant 0 : i32
    %dma_wait3A_318 = tpu.memref_slice %arg2[%div3A_229, %add3A_235, %dma_wait3A_317] : memref<24x512x512xf32, #tpu.memory_space<hbm>> -> memref<1x32x512xf32, #tpu.memory_space<hbm>>
    %dma_wait3A_319 = tpu.memref_squeeze %dma_wait3A_318 : memref<1x32x512xf32, #tpu.memory_space<hbm>> -> memref<32x512xf32, #tpu.memory_space<hbm>>
    %dma_wait3A_320 = arith.constant 0 : i32
    %dma_wait3A_321 = tpu.memref_slice %arg2[%div3A_229, %add3A_235, %dma_wait3A_320] : memref<24x512x512xf32, #tpu.memory_space<hbm>> -> memref<1x32x512xf32, #tpu.memory_space<hbm>>
    %dma_wait3A_322 = tpu.memref_squeeze %dma_wait3A_321 : memref<1x32x512xf32, #tpu.memory_space<hbm>> -> memref<32x512xf32, #tpu.memory_space<hbm>>
    tpu.wait_dma2 semaphore(%arg19 : memref<!tpu.dma_semaphore, #tpu.memory_space<semaphore_mem>>) src(%dma_wait3A_322 : memref<32x512xf32, #tpu.memory_space<hbm>>) dst(%arg7 : memref<32x512xf32, #tpu.memory_space<vmem>>)
    %dma_wait3A_323 = arith.constant 0 : i32
    %dma_wait3A_324 = tpu.memref_slice %arg3[%div3A_229, %add3A_235, %dma_wait3A_323] : memref<24x512x512xf32, #tpu.memory_space<hbm>> -> memref<1x32x512xf32, #tpu.memory_space<hbm>>
    %dma_wait3A_325 = tpu.memref_squeeze %dma_wait3A_324 : memref<1x32x512xf32, #tpu.memory_space<hbm>> -> memref<32x512xf32, #tpu.memory_space<hbm>>
    %dma_wait3A_326 = arith.constant 0 : i32
    %dma_wait3A_327 = tpu.memref_slice %arg3[%div3A_229, %add3A_235, %dma_wait3A_326] : memref<24x512x512xf32, #tpu.memory_space<hbm>> -> memref<1x32x512xf32, #tpu.memory_space<hbm>>
    %dma_wait3A_328 = tpu.memref_squeeze %dma_wait3A_327 : memref<1x32x512xf32, #tpu.memory_space<hbm>> -> memref<32x512xf32, #tpu.memory_space<hbm>>
    tpu.wait_dma2 semaphore(%arg19 : memref<!tpu.dma_semaphore, #tpu.memory_space<semaphore_mem>>) src(%dma_wait3A_328 : memref<32x512xf32, #tpu.memory_space<hbm>>) dst(%arg9 : memref<32x512xf32, #tpu.memory_space<vmem>>)
    %dma_wait3A_329 = arith.constant 0 : i32
    %dma_wait3A_330 = tpu.memref_slice %arg4[%div3A_229, %add3A_235, %dma_wait3A_329] : memref<24x512x512xf32, #tpu.memory_space<hbm>> -> memref<1x32x512xf32, #tpu.memory_space<hbm>>
    %dma_wait3A_331 = tpu.memref_squeeze %dma_wait3A_330 : memref<1x32x512xf32, #tpu.memory_space<hbm>> -> memref<32x512xf32, #tpu.memory_space<hbm>>
    %dma_wait3A_332 = arith.constant 0 : i32
    %dma_wait3A_333 = tpu.memref_slice %arg4[%div3A_229, %add3A_235, %dma_wait3A_332] : memref<24x512x512xf32, #tpu.memory_space<hbm>> -> memref<1x32x512xf32, #tpu.memory_space<hbm>>
    %dma_wait3A_334 = tpu.memref_squeeze %dma_wait3A_333 : memref<1x32x512xf32, #tpu.memory_space<hbm>> -> memref<32x512xf32, #tpu.memory_space<hbm>>
    tpu.wait_dma2 semaphore(%arg19 : memref<!tpu.dma_semaphore, #tpu.memory_space<semaphore_mem>>) src(%dma_wait3A_334 : memref<32x512xf32, #tpu.memory_space<hbm>>) dst(%arg11 : memref<32x512xf32, #tpu.memory_space<vmem>>)
    %mul3A_335 = arith.constant 3 : i32
    %mul3A_336 = arith.muli %add3A, %mul3A_335 : i32
    %add3A_337 = arith.constant 1 : i32
    %add3A_338 = arith.addi %mul3A_336, %add3A_337 : i32
    %div3A_339 = arith.constant 4 : i32
    %div3A_340 = arith.divsi %add3A_338, %div3A_339 : i32
    %rem3A_341 = arith.constant 3 : i32
    %rem3A_342 = arith.remsi %div3A_340, %rem3A_341 : i32
    %mul3A_343 = arith.constant 512 : i32
    %mul3A_344 = arith.muli %rem3A_342, %mul3A_343 : i32
    %add3A_345 = vector.broadcast %mul3A_344 : i32 to vector<16xi32>
    %add3A_346 = arith.addi %iota3A, %add3A_345 : vector<16xi32>
    %parallel_loop3A_347 = arith.constant 0 : i32
    %parallel_loop3A_348 = arith.constant 512 : i32
    %parallel_loop3A_349 = arith.constant 1 : i32
    scf.for %parallel_loop3A_1842 = %parallel_loop3A_347 to %parallel_loop3A_348 step %parallel_loop3A_349  : i32 {
      %parallel_loop3A_1843 = arith.constant 2 : i32
      %parallel_loop3A_1844 = arith.muli %parallel_loop3A_1842, %parallel_loop3A_1843 : i32
      %parallel_loop3A_1845 = arith.constant 0 : i32
      %parallel_loop3A_1846 = arith.addi %parallel_loop3A_1844, %parallel_loop3A_1845 : i32
      %parallel_loop3A_1847 = arith.constant 32 : i32
      %parallel_loop3A_1848 = arith.divsi %parallel_loop3A_1846, %parallel_loop3A_1847 : i32
      %parallel_loop3A_1849 = arith.constant 32 : i32
      %parallel_loop3A_1850 = arith.remsi %parallel_loop3A_1846, %parallel_loop3A_1849 : i32
      %parallel_loop3A_1851 = arith.constant 16 : i32
      %parallel_loop3A_1852 = arith.muli %parallel_loop3A_1850, %parallel_loop3A_1851 : i32
      %parallel_loop3A_1853 = arith.index_cast %parallel_loop3A_1848 : i32 to index
      %parallel_loop3A_1854 = arith.index_cast %parallel_loop3A_1852 : i32 to index
      %parallel_loop3A_1855 = tpu.vector_load %arg7[%parallel_loop3A_1853, %parallel_loop3A_1854] {strides = array<i32>} : memref<32x512xf32, #tpu.memory_space<vmem>>, vector<16xf32>,
      %parallel_loop3A_1856 = arith.index_cast %parallel_loop3A_1848 : i32 to index
      %parallel_loop3A_1857 = arith.index_cast %parallel_loop3A_1852 : i32 to index
      %parallel_loop3A_1858 = tpu.vector_load %arg9[%parallel_loop3A_1856, %parallel_loop3A_1857] {strides = array<i32>} : memref<32x512xf32, #tpu.memory_space<vmem>>, vector<16xf32>,
      %parallel_loop3A_1859 = arith.index_cast %parallel_loop3A_1848 : i32 to index
      %parallel_loop3A_1860 = arith.index_cast %parallel_loop3A_1852 : i32 to index
      %parallel_loop3A_1861 = tpu.vector_load %arg11[%parallel_loop3A_1859, %parallel_loop3A_1860] {strides = array<i32>} : memref<32x512xf32, #tpu.memory_space<vmem>>, vector<16xf32>,
      %parallel_loop3A_1862 = arith.subf %parallel_loop3A_1858, %parallel_loop3A_1861 : vector<16xf32>
      %parallel_loop3A_1863 = arith.constant 3.200000e+01 : f32
      %parallel_loop3A_1864 = vector.broadcast %parallel_loop3A_1863 : f32 to vector<16xf32>
      %parallel_loop3A_1865 = arith.mulf %parallel_loop3A_1855, %parallel_loop3A_1864 : vector<16xf32>
      %parallel_loop3A_1866 = arith.fptosi %parallel_loop3A_1865 : vector<16xf32> to vector<16xi32>
      %parallel_loop3A_1867 = arith.constant 0 : i32
      %parallel_loop3A_1868 = vector.broadcast %parallel_loop3A_1867 : i32 to vector<16xi32>
      %parallel_loop3A_1869 = arith.maxsi %parallel_loop3A_1866, %parallel_loop3A_1868 : vector<16xi32>
      %parallel_loop3A_1870 = arith.constant 31 : i32
      %parallel_loop3A_1871 = vector.broadcast %parallel_loop3A_1870 : i32 to vector<16xi32>
      %parallel_loop3A_1872 = arith.minsi %parallel_loop3A_1869, %parallel_loop3A_1871 : vector<16xi32>
      %parallel_loop3A_1873 = arith.constant 16 : i32
      %parallel_loop3A_1874 = vector.broadcast %parallel_loop3A_1873 : i32 to vector<16xi32>
      %parallel_loop3A_1875 = arith.muli %parallel_loop3A_1872, %parallel_loop3A_1874 : vector<16xi32>
      %parallel_loop3A_1876 = arith.addi %add3A_346, %parallel_loop3A_1875 : vector<16xi32>
      tpu.vector_store_idx %arg13[%parallel_loop3A_1876], %parallel_loop3A_1862 {add = true} : memref<1536xf32, #tpu.memory_space<vmem>>[vector<16xi32>], vector<16xf32>,
      tpu.vector_store_idx %arg15[%parallel_loop3A_1876], %broadcast_in_dim3A_3 {add = true} : memref<1536xf32, #tpu.memory_space<vmem>>[vector<16xi32>], vector<16xf32>,
      %parallel_loop3A_1877 = arith.constant 2 : i32
      %parallel_loop3A_1878 = arith.muli %parallel_loop3A_1842, %parallel_loop3A_1877 : i32
      %parallel_loop3A_1879 = arith.constant 1 : i32
      %parallel_loop3A_1880 = arith.addi %parallel_loop3A_1878, %parallel_loop3A_1879 : i32
      %parallel_loop3A_1881 = arith.constant 32 : i32
      %parallel_loop3A_1882 = arith.divsi %parallel_loop3A_1880, %parallel_loop3A_1881 : i32
      %parallel_loop3A_1883 = arith.constant 32 : i32
      %parallel_loop3A_1884 = arith.remsi %parallel_loop3A_1880, %parallel_loop3A_1883 : i32
      %parallel_loop3A_1885 = arith.constant 16 : i32
      %parallel_loop3A_1886 = arith.muli %parallel_loop3A_1884, %parallel_loop3A_1885 : i32
      %parallel_loop3A_1887 = arith.index_cast %parallel_loop3A_1882 : i32 to index
      %parallel_loop3A_1888 = arith.index_cast %parallel_loop3A_1886 : i32 to index
      %parallel_loop3A_1889 = tpu.vector_load %arg7[%parallel_loop3A_1887, %parallel_loop3A_1888] {strides = array<i32>} : memref<32x512xf32, #tpu.memory_space<vmem>>, vector<16xf32>,
      %parallel_loop3A_1890 = arith.index_cast %parallel_loop3A_1882 : i32 to index
      %parallel_loop3A_1891 = arith.index_cast %parallel_loop3A_1886 : i32 to index
      %parallel_loop3A_1892 = tpu.vector_load %arg9[%parallel_loop3A_1890, %parallel_loop3A_1891] {strides = array<i32>} : memref<32x512xf32, #tpu.memory_space<vmem>>, vector<16xf32>,
      %parallel_loop3A_1893 = arith.index_cast %parallel_loop3A_1882 : i32 to index
      %parallel_loop3A_1894 = arith.index_cast %parallel_loop3A_1886 : i32 to index
      %parallel_loop3A_1895 = tpu.vector_load %arg11[%parallel_loop3A_1893, %parallel_loop3A_1894] {strides = array<i32>} : memref<32x512xf32, #tpu.memory_space<vmem>>, vector<16xf32>,
      %parallel_loop3A_1896 = arith.subf %parallel_loop3A_1892, %parallel_loop3A_1895 : vector<16xf32>
      %parallel_loop3A_1897 = arith.constant 3.200000e+01 : f32
      %parallel_loop3A_1898 = vector.broadcast %parallel_loop3A_1897 : f32 to vector<16xf32>
      %parallel_loop3A_1899 = arith.mulf %parallel_loop3A_1889, %parallel_loop3A_1898 : vector<16xf32>
      %parallel_loop3A_1900 = arith.fptosi %parallel_loop3A_1899 : vector<16xf32> to vector<16xi32>
      %parallel_loop3A_1901 = arith.constant 0 : i32
      %parallel_loop3A_1902 = vector.broadcast %parallel_loop3A_1901 : i32 to vector<16xi32>
      %parallel_loop3A_1903 = arith.maxsi %parallel_loop3A_1900, %parallel_loop3A_1902 : vector<16xi32>
      %parallel_loop3A_1904 = arith.constant 31 : i32
      %parallel_loop3A_1905 = vector.broadcast %parallel_loop3A_1904 : i32 to vector<16xi32>
      %parallel_loop3A_1906 = arith.minsi %parallel_loop3A_1903, %parallel_loop3A_1905 : vector<16xi32>
      %parallel_loop3A_1907 = arith.constant 16 : i32
      %parallel_loop3A_1908 = vector.broadcast %parallel_loop3A_1907 : i32 to vector<16xi32>
      %parallel_loop3A_1909 = arith.muli %parallel_loop3A_1906, %parallel_loop3A_1908 : vector<16xi32>
      %parallel_loop3A_1910 = arith.addi %add3A_346, %parallel_loop3A_1909 : vector<16xi32>
      tpu.vector_store_idx %arg14[%parallel_loop3A_1910], %parallel_loop3A_1896 {add = true} : memref<1536xf32, #tpu.memory_space<vmem>>[vector<16xi32>], vector<16xf32>,
      tpu.vector_store_idx %arg16[%parallel_loop3A_1910], %broadcast_in_dim3A_3 {add = true} : memref<1536xf32, #tpu.memory_space<vmem>>[vector<16xi32>], vector<16xf32>,
    } {sc.loop_unroll_factor = 4 : i64, sc.parallel_access}
    %mul3A_350 = arith.constant 3 : i32
    %mul3A_351 = arith.muli %add3A, %mul3A_350 : i32
    %add3A_352 = arith.constant 1 : i32
    %add3A_353 = arith.addi %mul3A_351, %add3A_352 : i32
    %div3A_354 = arith.constant 4 : i32
    %div3A_355 = arith.divsi %add3A_353, %div3A_354 : i32
    %rem3A_356 = arith.constant 4 : i32
    %rem3A_357 = arith.remsi %add3A_353, %rem3A_356 : i32
    %mul3A_358 = arith.constant 128 : i32
    %mul3A_359 = arith.muli %rem3A_357, %mul3A_358 : i32
    %add3A_360 = arith.constant 64 : i32
    %add3A_361 = arith.addi %mul3A_359, %add3A_360 : i32
    %dma_start3A_362 = arith.constant 0 : i32
    %dma_start3A_363 = tpu.memref_slice %arg2[%div3A_355, %add3A_361, %dma_start3A_362] : memref<24x512x512xf32, #tpu.memory_space<hbm>> -> memref<1x32x512xf32, #tpu.memory_space<hbm>>
    %dma_start3A_364 = tpu.memref_squeeze %dma_start3A_363 : memref<1x32x512xf32, #tpu.memory_space<hbm>> -> memref<32x512xf32, #tpu.memory_space<hbm>>
    %dma_start3A_365 = arith.constant 0 : i32
    %dma_start3A_366 = tpu.memref_slice %arg2[%div3A_355, %add3A_361, %dma_start3A_365] : memref<24x512x512xf32, #tpu.memory_space<hbm>> -> memref<1x32x512xf32, #tpu.memory_space<hbm>>
    %dma_start3A_367 = tpu.memref_squeeze %dma_start3A_366 : memref<1x32x512xf32, #tpu.memory_space<hbm>> -> memref<32x512xf32, #tpu.memory_space<hbm>>
    tpu.enqueue_dma source(%dma_start3A_367 : memref<32x512xf32, #tpu.memory_space<hbm>>) target(%arg7 : memref<32x512xf32, #tpu.memory_space<vmem>>) target_semaphore(%arg19 : memref<!tpu.dma_semaphore, #tpu.memory_space<semaphore_mem>>)
    %dma_start3A_368 = arith.constant 0 : i32
    %dma_start3A_369 = tpu.memref_slice %arg3[%div3A_355, %add3A_361, %dma_start3A_368] : memref<24x512x512xf32, #tpu.memory_space<hbm>> -> memref<1x32x512xf32, #tpu.memory_space<hbm>>
    %dma_start3A_370 = tpu.memref_squeeze %dma_start3A_369 : memref<1x32x512xf32, #tpu.memory_space<hbm>> -> memref<32x512xf32, #tpu.memory_space<hbm>>
    %dma_start3A_371 = arith.constant 0 : i32
    %dma_start3A_372 = tpu.memref_slice %arg3[%div3A_355, %add3A_361, %dma_start3A_371] : memref<24x512x512xf32, #tpu.memory_space<hbm>> -> memref<1x32x512xf32, #tpu.memory_space<hbm>>
    %dma_start3A_373 = tpu.memref_squeeze %dma_start3A_372 : memref<1x32x512xf32, #tpu.memory_space<hbm>> -> memref<32x512xf32, #tpu.memory_space<hbm>>
    tpu.enqueue_dma source(%dma_start3A_373 : memref<32x512xf32, #tpu.memory_space<hbm>>) target(%arg9 : memref<32x512xf32, #tpu.memory_space<vmem>>) target_semaphore(%arg19 : memref<!tpu.dma_semaphore, #tpu.memory_space<semaphore_mem>>)
    %dma_start3A_374 = arith.constant 0 : i32
    %dma_start3A_375 = tpu.memref_slice %arg4[%div3A_355, %add3A_361, %dma_start3A_374] : memref<24x512x512xf32, #tpu.memory_space<hbm>> -> memref<1x32x512xf32, #tpu.memory_space<hbm>>
    %dma_start3A_376 = tpu.memref_squeeze %dma_start3A_375 : memref<1x32x512xf32, #tpu.memory_space<hbm>> -> memref<32x512xf32, #tpu.memory_space<hbm>>
    %dma_start3A_377 = arith.constant 0 : i32
    %dma_start3A_378 = tpu.memref_slice %arg4[%div3A_355, %add3A_361, %dma_start3A_377] : memref<24x512x512xf32, #tpu.memory_space<hbm>> -> memref<1x32x512xf32, #tpu.memory_space<hbm>>
    %dma_start3A_379 = tpu.memref_squeeze %dma_start3A_378 : memref<1x32x512xf32, #tpu.memory_space<hbm>> -> memref<32x512xf32, #tpu.memory_space<hbm>>
    tpu.enqueue_dma source(%dma_start3A_379 : memref<32x512xf32, #tpu.memory_space<hbm>>) target(%arg11 : memref<32x512xf32, #tpu.memory_space<vmem>>) target_semaphore(%arg19 : memref<!tpu.dma_semaphore, #tpu.memory_space<semaphore_mem>>)
    %dma_wait3A_380 = arith.constant 0 : i32
    %dma_wait3A_381 = tpu.memref_slice %arg2[%div3A_292, %add3A_298, %dma_wait3A_380] : memref<24x512x512xf32, #tpu.memory_space<hbm>> -> memref<1x32x512xf32, #tpu.memory_space<hbm>>
    %dma_wait3A_382 = tpu.memref_squeeze %dma_wait3A_381 : memref<1x32x512xf32, #tpu.memory_space<hbm>> -> memref<32x512xf32, #tpu.memory_space<hbm>>
    %dma_wait3A_383 = arith.constant 0 : i32
    %dma_wait3A_384 = tpu.memref_slice %arg2[%div3A_292, %add3A_298, %dma_wait3A_383] : memref<24x512x512xf32, #tpu.memory_space<hbm>> -> memref<1x32x512xf32, #tpu.memory_space<hbm>>
    %dma_wait3A_385 = tpu.memref_squeeze %dma_wait3A_384 : memref<1x32x512xf32, #tpu.memory_space<hbm>> -> memref<32x512xf32, #tpu.memory_space<hbm>>
    tpu.wait_dma2 semaphore(%arg20 : memref<!tpu.dma_semaphore, #tpu.memory_space<semaphore_mem>>) src(%dma_wait3A_385 : memref<32x512xf32, #tpu.memory_space<hbm>>) dst(%arg8 : memref<32x512xf32, #tpu.memory_space<vmem>>)
    %dma_wait3A_386 = arith.constant 0 : i32
    %dma_wait3A_387 = tpu.memref_slice %arg3[%div3A_292, %add3A_298, %dma_wait3A_386] : memref<24x512x512xf32, #tpu.memory_space<hbm>> -> memref<1x32x512xf32, #tpu.memory_space<hbm>>
    %dma_wait3A_388 = tpu.memref_squeeze %dma_wait3A_387 : memref<1x32x512xf32, #tpu.memory_space<hbm>> -> memref<32x512xf32, #tpu.memory_space<hbm>>
    %dma_wait3A_389 = arith.constant 0 : i32
    %dma_wait3A_390 = tpu.memref_slice %arg3[%div3A_292, %add3A_298, %dma_wait3A_389] : memref<24x512x512xf32, #tpu.memory_space<hbm>> -> memref<1x32x512xf32, #tpu.memory_space<hbm>>
    %dma_wait3A_391 = tpu.memref_squeeze %dma_wait3A_390 : memref<1x32x512xf32, #tpu.memory_space<hbm>> -> memref<32x512xf32, #tpu.memory_space<hbm>>
    tpu.wait_dma2 semaphore(%arg20 : memref<!tpu.dma_semaphore, #tpu.memory_space<semaphore_mem>>) src(%dma_wait3A_391 : memref<32x512xf32, #tpu.memory_space<hbm>>) dst(%arg10 : memref<32x512xf32, #tpu.memory_space<vmem>>)
    %dma_wait3A_392 = arith.constant 0 : i32
    %dma_wait3A_393 = tpu.memref_slice %arg4[%div3A_292, %add3A_298, %dma_wait3A_392] : memref<24x512x512xf32, #tpu.memory_space<hbm>> -> memref<1x32x512xf32, #tpu.memory_space<hbm>>
    %dma_wait3A_394 = tpu.memref_squeeze %dma_wait3A_393 : memref<1x32x512xf32, #tpu.memory_space<hbm>> -> memref<32x512xf32, #tpu.memory_space<hbm>>
    %dma_wait3A_395 = arith.constant 0 : i32
    %dma_wait3A_396 = tpu.memref_slice %arg4[%div3A_292, %add3A_298, %dma_wait3A_395] : memref<24x512x512xf32, #tpu.memory_space<hbm>> -> memref<1x32x512xf32, #tpu.memory_space<hbm>>
    %dma_wait3A_397 = tpu.memref_squeeze %dma_wait3A_396 : memref<1x32x512xf32, #tpu.memory_space<hbm>> -> memref<32x512xf32, #tpu.memory_space<hbm>>
    tpu.wait_dma2 semaphore(%arg20 : memref<!tpu.dma_semaphore, #tpu.memory_space<semaphore_mem>>) src(%dma_wait3A_397 : memref<32x512xf32, #tpu.memory_space<hbm>>) dst(%arg12 : memref<32x512xf32, #tpu.memory_space<vmem>>)
    %mul3A_398 = arith.constant 3 : i32
    %mul3A_399 = arith.muli %add3A, %mul3A_398 : i32
    %add3A_400 = arith.constant 1 : i32
    %add3A_401 = arith.addi %mul3A_399, %add3A_400 : i32
    %div3A_402 = arith.constant 4 : i32
    %div3A_403 = arith.divsi %add3A_401, %div3A_402 : i32
    %rem3A_404 = arith.constant 3 : i32
    %rem3A_405 = arith.remsi %div3A_403, %rem3A_404 : i32
    %mul3A_406 = arith.constant 512 : i32
    %mul3A_407 = arith.muli %rem3A_405, %mul3A_406 : i32
    %add3A_408 = vector.broadcast %mul3A_407 : i32 to vector<16xi32>
    %add3A_409 = arith.addi %iota3A, %add3A_408 : vector<16xi32>
    %parallel_loop3A_410 = arith.constant 0 : i32
    %parallel_loop3A_411 = arith.constant 512 : i32
    %parallel_loop3A_412 = arith.constant 1 : i32
    scf.for %parallel_loop3A_1842 = %parallel_loop3A_410 to %parallel_loop3A_411 step %parallel_loop3A_412  : i32 {
      %parallel_loop3A_1843 = arith.constant 2 : i32
      %parallel_loop3A_1844 = arith.muli %parallel_loop3A_1842, %parallel_loop3A_1843 : i32
      %parallel_loop3A_1845 = arith.constant 0 : i32
      %parallel_loop3A_1846 = arith.addi %parallel_loop3A_1844, %parallel_loop3A_1845 : i32
      %parallel_loop3A_1847 = arith.constant 32 : i32
      %parallel_loop3A_1848 = arith.divsi %parallel_loop3A_1846, %parallel_loop3A_1847 : i32
      %parallel_loop3A_1849 = arith.constant 32 : i32
      %parallel_loop3A_1850 = arith.remsi %parallel_loop3A_1846, %parallel_loop3A_1849 : i32
      %parallel_loop3A_1851 = arith.constant 16 : i32
      %parallel_loop3A_1852 = arith.muli %parallel_loop3A_1850, %parallel_loop3A_1851 : i32
      %parallel_loop3A_1853 = arith.index_cast %parallel_loop3A_1848 : i32 to index
      %parallel_loop3A_1854 = arith.index_cast %parallel_loop3A_1852 : i32 to index
      %parallel_loop3A_1855 = tpu.vector_load %arg8[%parallel_loop3A_1853, %parallel_loop3A_1854] {strides = array<i32>} : memref<32x512xf32, #tpu.memory_space<vmem>>, vector<16xf32>,
      %parallel_loop3A_1856 = arith.index_cast %parallel_loop3A_1848 : i32 to index
      %parallel_loop3A_1857 = arith.index_cast %parallel_loop3A_1852 : i32 to index
      %parallel_loop3A_1858 = tpu.vector_load %arg10[%parallel_loop3A_1856, %parallel_loop3A_1857] {strides = array<i32>} : memref<32x512xf32, #tpu.memory_space<vmem>>, vector<16xf32>,
      %parallel_loop3A_1859 = arith.index_cast %parallel_loop3A_1848 : i32 to index
      %parallel_loop3A_1860 = arith.index_cast %parallel_loop3A_1852 : i32 to index
      %parallel_loop3A_1861 = tpu.vector_load %arg12[%parallel_loop3A_1859, %parallel_loop3A_1860] {strides = array<i32>} : memref<32x512xf32, #tpu.memory_space<vmem>>, vector<16xf32>,
      %parallel_loop3A_1862 = arith.subf %parallel_loop3A_1858, %parallel_loop3A_1861 : vector<16xf32>
      %parallel_loop3A_1863 = arith.constant 3.200000e+01 : f32
      %parallel_loop3A_1864 = vector.broadcast %parallel_loop3A_1863 : f32 to vector<16xf32>
      %parallel_loop3A_1865 = arith.mulf %parallel_loop3A_1855, %parallel_loop3A_1864 : vector<16xf32>
      %parallel_loop3A_1866 = arith.fptosi %parallel_loop3A_1865 : vector<16xf32> to vector<16xi32>
      %parallel_loop3A_1867 = arith.constant 0 : i32
      %parallel_loop3A_1868 = vector.broadcast %parallel_loop3A_1867 : i32 to vector<16xi32>
      %parallel_loop3A_1869 = arith.maxsi %parallel_loop3A_1866, %parallel_loop3A_1868 : vector<16xi32>
      %parallel_loop3A_1870 = arith.constant 31 : i32
      %parallel_loop3A_1871 = vector.broadcast %parallel_loop3A_1870 : i32 to vector<16xi32>
      %parallel_loop3A_1872 = arith.minsi %parallel_loop3A_1869, %parallel_loop3A_1871 : vector<16xi32>
      %parallel_loop3A_1873 = arith.constant 16 : i32
      %parallel_loop3A_1874 = vector.broadcast %parallel_loop3A_1873 : i32 to vector<16xi32>
      %parallel_loop3A_1875 = arith.muli %parallel_loop3A_1872, %parallel_loop3A_1874 : vector<16xi32>
      %parallel_loop3A_1876 = arith.addi %add3A_409, %parallel_loop3A_1875 : vector<16xi32>
      tpu.vector_store_idx %arg13[%parallel_loop3A_1876], %parallel_loop3A_1862 {add = true} : memref<1536xf32, #tpu.memory_space<vmem>>[vector<16xi32>], vector<16xf32>,
      tpu.vector_store_idx %arg15[%parallel_loop3A_1876], %broadcast_in_dim3A_3 {add = true} : memref<1536xf32, #tpu.memory_space<vmem>>[vector<16xi32>], vector<16xf32>,
      %parallel_loop3A_1877 = arith.constant 2 : i32
      %parallel_loop3A_1878 = arith.muli %parallel_loop3A_1842, %parallel_loop3A_1877 : i32
      %parallel_loop3A_1879 = arith.constant 1 : i32
      %parallel_loop3A_1880 = arith.addi %parallel_loop3A_1878, %parallel_loop3A_1879 : i32
      %parallel_loop3A_1881 = arith.constant 32 : i32
      %parallel_loop3A_1882 = arith.divsi %parallel_loop3A_1880, %parallel_loop3A_1881 : i32
      %parallel_loop3A_1883 = arith.constant 32 : i32
      %parallel_loop3A_1884 = arith.remsi %parallel_loop3A_1880, %parallel_loop3A_1883 : i32
      %parallel_loop3A_1885 = arith.constant 16 : i32
      %parallel_loop3A_1886 = arith.muli %parallel_loop3A_1884, %parallel_loop3A_1885 : i32
      %parallel_loop3A_1887 = arith.index_cast %parallel_loop3A_1882 : i32 to index
      %parallel_loop3A_1888 = arith.index_cast %parallel_loop3A_1886 : i32 to index
      %parallel_loop3A_1889 = tpu.vector_load %arg8[%parallel_loop3A_1887, %parallel_loop3A_1888] {strides = array<i32>} : memref<32x512xf32, #tpu.memory_space<vmem>>, vector<16xf32>,
      %parallel_loop3A_1890 = arith.index_cast %parallel_loop3A_1882 : i32 to index
      %parallel_loop3A_1891 = arith.index_cast %parallel_loop3A_1886 : i32 to index
      %parallel_loop3A_1892 = tpu.vector_load %arg10[%parallel_loop3A_1890, %parallel_loop3A_1891] {strides = array<i32>} : memref<32x512xf32, #tpu.memory_space<vmem>>, vector<16xf32>,
      %parallel_loop3A_1893 = arith.index_cast %parallel_loop3A_1882 : i32 to index
      %parallel_loop3A_1894 = arith.index_cast %parallel_loop3A_1886 : i32 to index
      %parallel_loop3A_1895 = tpu.vector_load %arg12[%parallel_loop3A_1893, %parallel_loop3A_1894] {strides = array<i32>} : memref<32x512xf32, #tpu.memory_space<vmem>>, vector<16xf32>,
      %parallel_loop3A_1896 = arith.subf %parallel_loop3A_1892, %parallel_loop3A_1895 : vector<16xf32>
      %parallel_loop3A_1897 = arith.constant 3.200000e+01 : f32
      %parallel_loop3A_1898 = vector.broadcast %parallel_loop3A_1897 : f32 to vector<16xf32>
      %parallel_loop3A_1899 = arith.mulf %parallel_loop3A_1889, %parallel_loop3A_1898 : vector<16xf32>
      %parallel_loop3A_1900 = arith.fptosi %parallel_loop3A_1899 : vector<16xf32> to vector<16xi32>
      %parallel_loop3A_1901 = arith.constant 0 : i32
      %parallel_loop3A_1902 = vector.broadcast %parallel_loop3A_1901 : i32 to vector<16xi32>
      %parallel_loop3A_1903 = arith.maxsi %parallel_loop3A_1900, %parallel_loop3A_1902 : vector<16xi32>
      %parallel_loop3A_1904 = arith.constant 31 : i32
      %parallel_loop3A_1905 = vector.broadcast %parallel_loop3A_1904 : i32 to vector<16xi32>
      %parallel_loop3A_1906 = arith.minsi %parallel_loop3A_1903, %parallel_loop3A_1905 : vector<16xi32>
      %parallel_loop3A_1907 = arith.constant 16 : i32
      %parallel_loop3A_1908 = vector.broadcast %parallel_loop3A_1907 : i32 to vector<16xi32>
      %parallel_loop3A_1909 = arith.muli %parallel_loop3A_1906, %parallel_loop3A_1908 : vector<16xi32>
      %parallel_loop3A_1910 = arith.addi %add3A_409, %parallel_loop3A_1909 : vector<16xi32>
      tpu.vector_store_idx %arg14[%parallel_loop3A_1910], %parallel_loop3A_1896 {add = true} : memref<1536xf32, #tpu.memory_space<vmem>>[vector<16xi32>], vector<16xf32>,
      tpu.vector_store_idx %arg16[%parallel_loop3A_1910], %broadcast_in_dim3A_3 {add = true} : memref<1536xf32, #tpu.memory_space<vmem>>[vector<16xi32>], vector<16xf32>,
    } {sc.loop_unroll_factor = 4 : i64, sc.parallel_access}
    %mul3A_413 = arith.constant 3 : i32
    %mul3A_414 = arith.muli %add3A, %mul3A_413 : i32
    %add3A_415 = arith.constant 1 : i32
    %add3A_416 = arith.addi %mul3A_414, %add3A_415 : i32
    %div3A_417 = arith.constant 4 : i32
    %div3A_418 = arith.divsi %add3A_416, %div3A_417 : i32
    %rem3A_419 = arith.constant 4 : i32
    %rem3A_420 = arith.remsi %add3A_416, %rem3A_419 : i32
    %mul3A_421 = arith.constant 128 : i32
    %mul3A_422 = arith.muli %rem3A_420, %mul3A_421 : i32
    %add3A_423 = arith.constant 96 : i32
    %add3A_424 = arith.addi %mul3A_422, %add3A_423 : i32
    %dma_start3A_425 = arith.constant 0 : i32
    %dma_start3A_426 = tpu.memref_slice %arg2[%div3A_418, %add3A_424, %dma_start3A_425] : memref<24x512x512xf32, #tpu.memory_space<hbm>> -> memref<1x32x512xf32, #tpu.memory_space<hbm>>
    %dma_start3A_427 = tpu.memref_squeeze %dma_start3A_426 : memref<1x32x512xf32, #tpu.memory_space<hbm>> -> memref<32x512xf32, #tpu.memory_space<hbm>>
    %dma_start3A_428 = arith.constant 0 : i32
    %dma_start3A_429 = tpu.memref_slice %arg2[%div3A_418, %add3A_424, %dma_start3A_428] : memref<24x512x512xf32, #tpu.memory_space<hbm>> -> memref<1x32x512xf32, #tpu.memory_space<hbm>>
    %dma_start3A_430 = tpu.memref_squeeze %dma_start3A_429 : memref<1x32x512xf32, #tpu.memory_space<hbm>> -> memref<32x512xf32, #tpu.memory_space<hbm>>
    tpu.enqueue_dma source(%dma_start3A_430 : memref<32x512xf32, #tpu.memory_space<hbm>>) target(%arg8 : memref<32x512xf32, #tpu.memory_space<vmem>>) target_semaphore(%arg20 : memref<!tpu.dma_semaphore, #tpu.memory_space<semaphore_mem>>)
    %dma_start3A_431 = arith.constant 0 : i32
    %dma_start3A_432 = tpu.memref_slice %arg3[%div3A_418, %add3A_424, %dma_start3A_431] : memref<24x512x512xf32, #tpu.memory_space<hbm>> -> memref<1x32x512xf32, #tpu.memory_space<hbm>>
    %dma_start3A_433 = tpu.memref_squeeze %dma_start3A_432 : memref<1x32x512xf32, #tpu.memory_space<hbm>> -> memref<32x512xf32, #tpu.memory_space<hbm>>
    %dma_start3A_434 = arith.constant 0 : i32
    %dma_start3A_435 = tpu.memref_slice %arg3[%div3A_418, %add3A_424, %dma_start3A_434] : memref<24x512x512xf32, #tpu.memory_space<hbm>> -> memref<1x32x512xf32, #tpu.memory_space<hbm>>
    %dma_start3A_436 = tpu.memref_squeeze %dma_start3A_435 : memref<1x32x512xf32, #tpu.memory_space<hbm>> -> memref<32x512xf32, #tpu.memory_space<hbm>>
    tpu.enqueue_dma source(%dma_start3A_436 : memref<32x512xf32, #tpu.memory_space<hbm>>) target(%arg10 : memref<32x512xf32, #tpu.memory_space<vmem>>) target_semaphore(%arg20 : memref<!tpu.dma_semaphore, #tpu.memory_space<semaphore_mem>>)
    %dma_start3A_437 = arith.constant 0 : i32
    %dma_start3A_438 = tpu.memref_slice %arg4[%div3A_418, %add3A_424, %dma_start3A_437] : memref<24x512x512xf32, #tpu.memory_space<hbm>> -> memref<1x32x512xf32, #tpu.memory_space<hbm>>
    %dma_start3A_439 = tpu.memref_squeeze %dma_start3A_438 : memref<1x32x512xf32, #tpu.memory_space<hbm>> -> memref<32x512xf32, #tpu.memory_space<hbm>>
    %dma_start3A_440 = arith.constant 0 : i32
    %dma_start3A_441 = tpu.memref_slice %arg4[%div3A_418, %add3A_424, %dma_start3A_440] : memref<24x512x512xf32, #tpu.memory_space<hbm>> -> memref<1x32x512xf32, #tpu.memory_space<hbm>>
    %dma_start3A_442 = tpu.memref_squeeze %dma_start3A_441 : memref<1x32x512xf32, #tpu.memory_space<hbm>> -> memref<32x512xf32, #tpu.memory_space<hbm>>
    tpu.enqueue_dma source(%dma_start3A_442 : memref<32x512xf32, #tpu.memory_space<hbm>>) target(%arg12 : memref<32x512xf32, #tpu.memory_space<vmem>>) target_semaphore(%arg20 : memref<!tpu.dma_semaphore, #tpu.memory_space<semaphore_mem>>)
    %dma_wait3A_443 = arith.constant 0 : i32
    %dma_wait3A_444 = tpu.memref_slice %arg2[%div3A_355, %add3A_361, %dma_wait3A_443] : memref<24x512x512xf32, #tpu.memory_space<hbm>> -> memref<1x32x512xf32, #tpu.memory_space<hbm>>
    %dma_wait3A_445 = tpu.memref_squeeze %dma_wait3A_444 : memref<1x32x512xf32, #tpu.memory_space<hbm>> -> memref<32x512xf32, #tpu.memory_space<hbm>>
    %dma_wait3A_446 = arith.constant 0 : i32
    %dma_wait3A_447 = tpu.memref_slice %arg2[%div3A_355, %add3A_361, %dma_wait3A_446] : memref<24x512x512xf32, #tpu.memory_space<hbm>> -> memref<1x32x512xf32, #tpu.memory_space<hbm>>
    %dma_wait3A_448 = tpu.memref_squeeze %dma_wait3A_447 : memref<1x32x512xf32, #tpu.memory_space<hbm>> -> memref<32x512xf32, #tpu.memory_space<hbm>>
    tpu.wait_dma2 semaphore(%arg19 : memref<!tpu.dma_semaphore, #tpu.memory_space<semaphore_mem>>) src(%dma_wait3A_448 : memref<32x512xf32, #tpu.memory_space<hbm>>) dst(%arg7 : memref<32x512xf32, #tpu.memory_space<vmem>>)
    %dma_wait3A_449 = arith.constant 0 : i32
    %dma_wait3A_450 = tpu.memref_slice %arg3[%div3A_355, %add3A_361, %dma_wait3A_449] : memref<24x512x512xf32, #tpu.memory_space<hbm>> -> memref<1x32x512xf32, #tpu.memory_space<hbm>>
    %dma_wait3A_451 = tpu.memref_squeeze %dma_wait3A_450 : memref<1x32x512xf32, #tpu.memory_space<hbm>> -> memref<32x512xf32, #tpu.memory_space<hbm>>
    %dma_wait3A_452 = arith.constant 0 : i32
    %dma_wait3A_453 = tpu.memref_slice %arg3[%div3A_355, %add3A_361, %dma_wait3A_452] : memref<24x512x512xf32, #tpu.memory_space<hbm>> -> memref<1x32x512xf32, #tpu.memory_space<hbm>>
    %dma_wait3A_454 = tpu.memref_squeeze %dma_wait3A_453 : memref<1x32x512xf32, #tpu.memory_space<hbm>> -> memref<32x512xf32, #tpu.memory_space<hbm>>
    tpu.wait_dma2 semaphore(%arg19 : memref<!tpu.dma_semaphore, #tpu.memory_space<semaphore_mem>>) src(%dma_wait3A_454 : memref<32x512xf32, #tpu.memory_space<hbm>>) dst(%arg9 : memref<32x512xf32, #tpu.memory_space<vmem>>)
    %dma_wait3A_455 = arith.constant 0 : i32
    %dma_wait3A_456 = tpu.memref_slice %arg4[%div3A_355, %add3A_361, %dma_wait3A_455] : memref<24x512x512xf32, #tpu.memory_space<hbm>> -> memref<1x32x512xf32, #tpu.memory_space<hbm>>
    %dma_wait3A_457 = tpu.memref_squeeze %dma_wait3A_456 : memref<1x32x512xf32, #tpu.memory_space<hbm>> -> memref<32x512xf32, #tpu.memory_space<hbm>>
    %dma_wait3A_458 = arith.constant 0 : i32
    %dma_wait3A_459 = tpu.memref_slice %arg4[%div3A_355, %add3A_361, %dma_wait3A_458] : memref<24x512x512xf32, #tpu.memory_space<hbm>> -> memref<1x32x512xf32, #tpu.memory_space<hbm>>
    %dma_wait3A_460 = tpu.memref_squeeze %dma_wait3A_459 : memref<1x32x512xf32, #tpu.memory_space<hbm>> -> memref<32x512xf32, #tpu.memory_space<hbm>>
    tpu.wait_dma2 semaphore(%arg19 : memref<!tpu.dma_semaphore, #tpu.memory_space<semaphore_mem>>) src(%dma_wait3A_460 : memref<32x512xf32, #tpu.memory_space<hbm>>) dst(%arg11 : memref<32x512xf32, #tpu.memory_space<vmem>>)
    %mul3A_461 = arith.constant 3 : i32
    %mul3A_462 = arith.muli %add3A, %mul3A_461 : i32
    %add3A_463 = arith.constant 1 : i32
    %add3A_464 = arith.addi %mul3A_462, %add3A_463 : i32
    %div3A_465 = arith.constant 4 : i32
    %div3A_466 = arith.divsi %add3A_464, %div3A_465 : i32
    %rem3A_467 = arith.constant 3 : i32
    %rem3A_468 = arith.remsi %div3A_466, %rem3A_467 : i32
    %mul3A_469 = arith.constant 512 : i32
    %mul3A_470 = arith.muli %rem3A_468, %mul3A_469 : i32
    %add3A_471 = vector.broadcast %mul3A_470 : i32 to vector<16xi32>
    %add3A_472 = arith.addi %iota3A, %add3A_471 : vector<16xi32>
    %parallel_loop3A_473 = arith.constant 0 : i32
    %parallel_loop3A_474 = arith.constant 512 : i32
    %parallel_loop3A_475 = arith.constant 1 : i32
    scf.for %parallel_loop3A_1842 = %parallel_loop3A_473 to %parallel_loop3A_474 step %parallel_loop3A_475  : i32 {
      %parallel_loop3A_1843 = arith.constant 2 : i32
      %parallel_loop3A_1844 = arith.muli %parallel_loop3A_1842, %parallel_loop3A_1843 : i32
      %parallel_loop3A_1845 = arith.constant 0 : i32
      %parallel_loop3A_1846 = arith.addi %parallel_loop3A_1844, %parallel_loop3A_1845 : i32
      %parallel_loop3A_1847 = arith.constant 32 : i32
      %parallel_loop3A_1848 = arith.divsi %parallel_loop3A_1846, %parallel_loop3A_1847 : i32
      %parallel_loop3A_1849 = arith.constant 32 : i32
      %parallel_loop3A_1850 = arith.remsi %parallel_loop3A_1846, %parallel_loop3A_1849 : i32
      %parallel_loop3A_1851 = arith.constant 16 : i32
      %parallel_loop3A_1852 = arith.muli %parallel_loop3A_1850, %parallel_loop3A_1851 : i32
      %parallel_loop3A_1853 = arith.index_cast %parallel_loop3A_1848 : i32 to index
      %parallel_loop3A_1854 = arith.index_cast %parallel_loop3A_1852 : i32 to index
      %parallel_loop3A_1855 = tpu.vector_load %arg7[%parallel_loop3A_1853, %parallel_loop3A_1854] {strides = array<i32>} : memref<32x512xf32, #tpu.memory_space<vmem>>, vector<16xf32>,
      %parallel_loop3A_1856 = arith.index_cast %parallel_loop3A_1848 : i32 to index
      %parallel_loop3A_1857 = arith.index_cast %parallel_loop3A_1852 : i32 to index
      %parallel_loop3A_1858 = tpu.vector_load %arg9[%parallel_loop3A_1856, %parallel_loop3A_1857] {strides = array<i32>} : memref<32x512xf32, #tpu.memory_space<vmem>>, vector<16xf32>,
      %parallel_loop3A_1859 = arith.index_cast %parallel_loop3A_1848 : i32 to index
      %parallel_loop3A_1860 = arith.index_cast %parallel_loop3A_1852 : i32 to index
      %parallel_loop3A_1861 = tpu.vector_load %arg11[%parallel_loop3A_1859, %parallel_loop3A_1860] {strides = array<i32>} : memref<32x512xf32, #tpu.memory_space<vmem>>, vector<16xf32>,
      %parallel_loop3A_1862 = arith.subf %parallel_loop3A_1858, %parallel_loop3A_1861 : vector<16xf32>
      %parallel_loop3A_1863 = arith.constant 3.200000e+01 : f32
      %parallel_loop3A_1864 = vector.broadcast %parallel_loop3A_1863 : f32 to vector<16xf32>
      %parallel_loop3A_1865 = arith.mulf %parallel_loop3A_1855, %parallel_loop3A_1864 : vector<16xf32>
      %parallel_loop3A_1866 = arith.fptosi %parallel_loop3A_1865 : vector<16xf32> to vector<16xi32>
      %parallel_loop3A_1867 = arith.constant 0 : i32
      %parallel_loop3A_1868 = vector.broadcast %parallel_loop3A_1867 : i32 to vector<16xi32>
      %parallel_loop3A_1869 = arith.maxsi %parallel_loop3A_1866, %parallel_loop3A_1868 : vector<16xi32>
      %parallel_loop3A_1870 = arith.constant 31 : i32
      %parallel_loop3A_1871 = vector.broadcast %parallel_loop3A_1870 : i32 to vector<16xi32>
      %parallel_loop3A_1872 = arith.minsi %parallel_loop3A_1869, %parallel_loop3A_1871 : vector<16xi32>
      %parallel_loop3A_1873 = arith.constant 16 : i32
      %parallel_loop3A_1874 = vector.broadcast %parallel_loop3A_1873 : i32 to vector<16xi32>
      %parallel_loop3A_1875 = arith.muli %parallel_loop3A_1872, %parallel_loop3A_1874 : vector<16xi32>
      %parallel_loop3A_1876 = arith.addi %add3A_472, %parallel_loop3A_1875 : vector<16xi32>
      tpu.vector_store_idx %arg13[%parallel_loop3A_1876], %parallel_loop3A_1862 {add = true} : memref<1536xf32, #tpu.memory_space<vmem>>[vector<16xi32>], vector<16xf32>,
      tpu.vector_store_idx %arg15[%parallel_loop3A_1876], %broadcast_in_dim3A_3 {add = true} : memref<1536xf32, #tpu.memory_space<vmem>>[vector<16xi32>], vector<16xf32>,
      %parallel_loop3A_1877 = arith.constant 2 : i32
      %parallel_loop3A_1878 = arith.muli %parallel_loop3A_1842, %parallel_loop3A_1877 : i32
      %parallel_loop3A_1879 = arith.constant 1 : i32
      %parallel_loop3A_1880 = arith.addi %parallel_loop3A_1878, %parallel_loop3A_1879 : i32
      %parallel_loop3A_1881 = arith.constant 32 : i32
      %parallel_loop3A_1882 = arith.divsi %parallel_loop3A_1880, %parallel_loop3A_1881 : i32
      %parallel_loop3A_1883 = arith.constant 32 : i32
      %parallel_loop3A_1884 = arith.remsi %parallel_loop3A_1880, %parallel_loop3A_1883 : i32
      %parallel_loop3A_1885 = arith.constant 16 : i32
      %parallel_loop3A_1886 = arith.muli %parallel_loop3A_1884, %parallel_loop3A_1885 : i32
      %parallel_loop3A_1887 = arith.index_cast %parallel_loop3A_1882 : i32 to index
      %parallel_loop3A_1888 = arith.index_cast %parallel_loop3A_1886 : i32 to index
      %parallel_loop3A_1889 = tpu.vector_load %arg7[%parallel_loop3A_1887, %parallel_loop3A_1888] {strides = array<i32>} : memref<32x512xf32, #tpu.memory_space<vmem>>, vector<16xf32>,
      %parallel_loop3A_1890 = arith.index_cast %parallel_loop3A_1882 : i32 to index
      %parallel_loop3A_1891 = arith.index_cast %parallel_loop3A_1886 : i32 to index
      %parallel_loop3A_1892 = tpu.vector_load %arg9[%parallel_loop3A_1890, %parallel_loop3A_1891] {strides = array<i32>} : memref<32x512xf32, #tpu.memory_space<vmem>>, vector<16xf32>,
      %parallel_loop3A_1893 = arith.index_cast %parallel_loop3A_1882 : i32 to index
      %parallel_loop3A_1894 = arith.index_cast %parallel_loop3A_1886 : i32 to index
      %parallel_loop3A_1895 = tpu.vector_load %arg11[%parallel_loop3A_1893, %parallel_loop3A_1894] {strides = array<i32>} : memref<32x512xf32, #tpu.memory_space<vmem>>, vector<16xf32>,
      %parallel_loop3A_1896 = arith.subf %parallel_loop3A_1892, %parallel_loop3A_1895 : vector<16xf32>
      %parallel_loop3A_1897 = arith.constant 3.200000e+01 : f32
      %parallel_loop3A_1898 = vector.broadcast %parallel_loop3A_1897 : f32 to vector<16xf32>
      %parallel_loop3A_1899 = arith.mulf %parallel_loop3A_1889, %parallel_loop3A_1898 : vector<16xf32>
      %parallel_loop3A_1900 = arith.fptosi %parallel_loop3A_1899 : vector<16xf32> to vector<16xi32>
      %parallel_loop3A_1901 = arith.constant 0 : i32
      %parallel_loop3A_1902 = vector.broadcast %parallel_loop3A_1901 : i32 to vector<16xi32>
      %parallel_loop3A_1903 = arith.maxsi %parallel_loop3A_1900, %parallel_loop3A_1902 : vector<16xi32>
      %parallel_loop3A_1904 = arith.constant 31 : i32
      %parallel_loop3A_1905 = vector.broadcast %parallel_loop3A_1904 : i32 to vector<16xi32>
      %parallel_loop3A_1906 = arith.minsi %parallel_loop3A_1903, %parallel_loop3A_1905 : vector<16xi32>
      %parallel_loop3A_1907 = arith.constant 16 : i32
      %parallel_loop3A_1908 = vector.broadcast %parallel_loop3A_1907 : i32 to vector<16xi32>
      %parallel_loop3A_1909 = arith.muli %parallel_loop3A_1906, %parallel_loop3A_1908 : vector<16xi32>
      %parallel_loop3A_1910 = arith.addi %add3A_472, %parallel_loop3A_1909 : vector<16xi32>
      tpu.vector_store_idx %arg14[%parallel_loop3A_1910], %parallel_loop3A_1896 {add = true} : memref<1536xf32, #tpu.memory_space<vmem>>[vector<16xi32>], vector<16xf32>,
      tpu.vector_store_idx %arg16[%parallel_loop3A_1910], %broadcast_in_dim3A_3 {add = true} : memref<1536xf32, #tpu.memory_space<vmem>>[vector<16xi32>], vector<16xf32>,
    } {sc.loop_unroll_factor = 4 : i64, sc.parallel_access}
    %mul3A_476 = arith.constant 3 : i32
    %mul3A_477 = arith.muli %add3A, %mul3A_476 : i32
    %add3A_478 = arith.constant 2 : i32
    %add3A_479 = arith.addi %mul3A_477, %add3A_478 : i32
    %div3A_480 = arith.constant 4 : i32
    %div3A_481 = arith.divsi %add3A_479, %div3A_480 : i32
    %rem3A_482 = arith.constant 4 : i32
    %rem3A_483 = arith.remsi %add3A_479, %rem3A_482 : i32
    %mul3A_484 = arith.constant 128 : i32
    %mul3A_485 = arith.muli %rem3A_483, %mul3A_484 : i32
    %add3A_486 = arith.constant 0 : i32
    %add3A_487 = arith.addi %mul3A_485, %add3A_486 : i32
    %dma_start3A_488 = arith.constant 0 : i32
    %dma_start3A_489 = tpu.memref_slice %arg2[%div3A_481, %add3A_487, %dma_start3A_488] : memref<24x512x512xf32, #tpu.memory_space<hbm>> -> memref<1x32x512xf32, #tpu.memory_space<hbm>>
    %dma_start3A_490 = tpu.memref_squeeze %dma_start3A_489 : memref<1x32x512xf32, #tpu.memory_space<hbm>> -> memref<32x512xf32, #tpu.memory_space<hbm>>
    %dma_start3A_491 = arith.constant 0 : i32
    %dma_start3A_492 = tpu.memref_slice %arg2[%div3A_481, %add3A_487, %dma_start3A_491] : memref<24x512x512xf32, #tpu.memory_space<hbm>> -> memref<1x32x512xf32, #tpu.memory_space<hbm>>
    %dma_start3A_493 = tpu.memref_squeeze %dma_start3A_492 : memref<1x32x512xf32, #tpu.memory_space<hbm>> -> memref<32x512xf32, #tpu.memory_space<hbm>>
    tpu.enqueue_dma source(%dma_start3A_493 : memref<32x512xf32, #tpu.memory_space<hbm>>) target(%arg7 : memref<32x512xf32, #tpu.memory_space<vmem>>) target_semaphore(%arg19 : memref<!tpu.dma_semaphore, #tpu.memory_space<semaphore_mem>>)
    %dma_start3A_494 = arith.constant 0 : i32
    %dma_start3A_495 = tpu.memref_slice %arg3[%div3A_481, %add3A_487, %dma_start3A_494] : memref<24x512x512xf32, #tpu.memory_space<hbm>> -> memref<1x32x512xf32, #tpu.memory_space<hbm>>
    %dma_start3A_496 = tpu.memref_squeeze %dma_start3A_495 : memref<1x32x512xf32, #tpu.memory_space<hbm>> -> memref<32x512xf32, #tpu.memory_space<hbm>>
    %dma_start3A_497 = arith.constant 0 : i32
    %dma_start3A_498 = tpu.memref_slice %arg3[%div3A_481, %add3A_487, %dma_start3A_497] : memref<24x512x512xf32, #tpu.memory_space<hbm>> -> memref<1x32x512xf32, #tpu.memory_space<hbm>>
    %dma_start3A_499 = tpu.memref_squeeze %dma_start3A_498 : memref<1x32x512xf32, #tpu.memory_space<hbm>> -> memref<32x512xf32, #tpu.memory_space<hbm>>
    tpu.enqueue_dma source(%dma_start3A_499 : memref<32x512xf32, #tpu.memory_space<hbm>>) target(%arg9 : memref<32x512xf32, #tpu.memory_space<vmem>>) target_semaphore(%arg19 : memref<!tpu.dma_semaphore, #tpu.memory_space<semaphore_mem>>)
    %dma_start3A_500 = arith.constant 0 : i32
    %dma_start3A_501 = tpu.memref_slice %arg4[%div3A_481, %add3A_487, %dma_start3A_500] : memref<24x512x512xf32, #tpu.memory_space<hbm>> -> memref<1x32x512xf32, #tpu.memory_space<hbm>>
    %dma_start3A_502 = tpu.memref_squeeze %dma_start3A_501 : memref<1x32x512xf32, #tpu.memory_space<hbm>> -> memref<32x512xf32, #tpu.memory_space<hbm>>
    %dma_start3A_503 = arith.constant 0 : i32
    %dma_start3A_504 = tpu.memref_slice %arg4[%div3A_481, %add3A_487, %dma_start3A_503] : memref<24x512x512xf32, #tpu.memory_space<hbm>> -> memref<1x32x512xf32, #tpu.memory_space<hbm>>
    %dma_start3A_505 = tpu.memref_squeeze %dma_start3A_504 : memref<1x32x512xf32, #tpu.memory_space<hbm>> -> memref<32x512xf32, #tpu.memory_space<hbm>>
    tpu.enqueue_dma source(%dma_start3A_505 : memref<32x512xf32, #tpu.memory_space<hbm>>) target(%arg11 : memref<32x512xf32, #tpu.memory_space<vmem>>) target_semaphore(%arg19 : memref<!tpu.dma_semaphore, #tpu.memory_space<semaphore_mem>>)
    %dma_wait3A_506 = arith.constant 0 : i32
    %dma_wait3A_507 = tpu.memref_slice %arg2[%div3A_418, %add3A_424, %dma_wait3A_506] : memref<24x512x512xf32, #tpu.memory_space<hbm>> -> memref<1x32x512xf32, #tpu.memory_space<hbm>>
    %dma_wait3A_508 = tpu.memref_squeeze %dma_wait3A_507 : memref<1x32x512xf32, #tpu.memory_space<hbm>> -> memref<32x512xf32, #tpu.memory_space<hbm>>
    %dma_wait3A_509 = arith.constant 0 : i32
    %dma_wait3A_510 = tpu.memref_slice %arg2[%div3A_418, %add3A_424, %dma_wait3A_509] : memref<24x512x512xf32, #tpu.memory_space<hbm>> -> memref<1x32x512xf32, #tpu.memory_space<hbm>>
    %dma_wait3A_511 = tpu.memref_squeeze %dma_wait3A_510 : memref<1x32x512xf32, #tpu.memory_space<hbm>> -> memref<32x512xf32, #tpu.memory_space<hbm>>
    tpu.wait_dma2 semaphore(%arg20 : memref<!tpu.dma_semaphore, #tpu.memory_space<semaphore_mem>>) src(%dma_wait3A_511 : memref<32x512xf32, #tpu.memory_space<hbm>>) dst(%arg8 : memref<32x512xf32, #tpu.memory_space<vmem>>)
    %dma_wait3A_512 = arith.constant 0 : i32
    %dma_wait3A_513 = tpu.memref_slice %arg3[%div3A_418, %add3A_424, %dma_wait3A_512] : memref<24x512x512xf32, #tpu.memory_space<hbm>> -> memref<1x32x512xf32, #tpu.memory_space<hbm>>
    %dma_wait3A_514 = tpu.memref_squeeze %dma_wait3A_513 : memref<1x32x512xf32, #tpu.memory_space<hbm>> -> memref<32x512xf32, #tpu.memory_space<hbm>>
    %dma_wait3A_515 = arith.constant 0 : i32
    %dma_wait3A_516 = tpu.memref_slice %arg3[%div3A_418, %add3A_424, %dma_wait3A_515] : memref<24x512x512xf32, #tpu.memory_space<hbm>> -> memref<1x32x512xf32, #tpu.memory_space<hbm>>
    %dma_wait3A_517 = tpu.memref_squeeze %dma_wait3A_516 : memref<1x32x512xf32, #tpu.memory_space<hbm>> -> memref<32x512xf32, #tpu.memory_space<hbm>>
    tpu.wait_dma2 semaphore(%arg20 : memref<!tpu.dma_semaphore, #tpu.memory_space<semaphore_mem>>) src(%dma_wait3A_517 : memref<32x512xf32, #tpu.memory_space<hbm>>) dst(%arg10 : memref<32x512xf32, #tpu.memory_space<vmem>>)
    %dma_wait3A_518 = arith.constant 0 : i32
    %dma_wait3A_519 = tpu.memref_slice %arg4[%div3A_418, %add3A_424, %dma_wait3A_518] : memref<24x512x512xf32, #tpu.memory_space<hbm>> -> memref<1x32x512xf32, #tpu.memory_space<hbm>>
    %dma_wait3A_520 = tpu.memref_squeeze %dma_wait3A_519 : memref<1x32x512xf32, #tpu.memory_space<hbm>> -> memref<32x512xf32, #tpu.memory_space<hbm>>
    %dma_wait3A_521 = arith.constant 0 : i32
    %dma_wait3A_522 = tpu.memref_slice %arg4[%div3A_418, %add3A_424, %dma_wait3A_521] : memref<24x512x512xf32, #tpu.memory_space<hbm>> -> memref<1x32x512xf32, #tpu.memory_space<hbm>>
    %dma_wait3A_523 = tpu.memref_squeeze %dma_wait3A_522 : memref<1x32x512xf32, #tpu.memory_space<hbm>> -> memref<32x512xf32, #tpu.memory_space<hbm>>
    tpu.wait_dma2 semaphore(%arg20 : memref<!tpu.dma_semaphore, #tpu.memory_space<semaphore_mem>>) src(%dma_wait3A_523 : memref<32x512xf32, #tpu.memory_space<hbm>>) dst(%arg12 : memref<32x512xf32, #tpu.memory_space<vmem>>)
    %mul3A_524 = arith.constant 3 : i32
    %mul3A_525 = arith.muli %add3A, %mul3A_524 : i32
    %add3A_526 = arith.constant 1 : i32
    %add3A_527 = arith.addi %mul3A_525, %add3A_526 : i32
    %div3A_528 = arith.constant 4 : i32
    %div3A_529 = arith.divsi %add3A_527, %div3A_528 : i32
    %rem3A_530 = arith.constant 3 : i32
    %rem3A_531 = arith.remsi %div3A_529, %rem3A_530 : i32
    %mul3A_532 = arith.constant 512 : i32
    %mul3A_533 = arith.muli %rem3A_531, %mul3A_532 : i32
    %add3A_534 = vector.broadcast %mul3A_533 : i32 to vector<16xi32>
    %add3A_535 = arith.addi %iota3A, %add3A_534 : vector<16xi32>
    %parallel_loop3A_536 = arith.constant 0 : i32
    %parallel_loop3A_537 = arith.constant 512 : i32
    %parallel_loop3A_538 = arith.constant 1 : i32
    scf.for %parallel_loop3A_1842 = %parallel_loop3A_536 to %parallel_loop3A_537 step %parallel_loop3A_538  : i32 {
      %parallel_loop3A_1843 = arith.constant 2 : i32
      %parallel_loop3A_1844 = arith.muli %parallel_loop3A_1842, %parallel_loop3A_1843 : i32
      %parallel_loop3A_1845 = arith.constant 0 : i32
      %parallel_loop3A_1846 = arith.addi %parallel_loop3A_1844, %parallel_loop3A_1845 : i32
      %parallel_loop3A_1847 = arith.constant 32 : i32
      %parallel_loop3A_1848 = arith.divsi %parallel_loop3A_1846, %parallel_loop3A_1847 : i32
      %parallel_loop3A_1849 = arith.constant 32 : i32
      %parallel_loop3A_1850 = arith.remsi %parallel_loop3A_1846, %parallel_loop3A_1849 : i32
      %parallel_loop3A_1851 = arith.constant 16 : i32
      %parallel_loop3A_1852 = arith.muli %parallel_loop3A_1850, %parallel_loop3A_1851 : i32
      %parallel_loop3A_1853 = arith.index_cast %parallel_loop3A_1848 : i32 to index
      %parallel_loop3A_1854 = arith.index_cast %parallel_loop3A_1852 : i32 to index
      %parallel_loop3A_1855 = tpu.vector_load %arg8[%parallel_loop3A_1853, %parallel_loop3A_1854] {strides = array<i32>} : memref<32x512xf32, #tpu.memory_space<vmem>>, vector<16xf32>,
      %parallel_loop3A_1856 = arith.index_cast %parallel_loop3A_1848 : i32 to index
      %parallel_loop3A_1857 = arith.index_cast %parallel_loop3A_1852 : i32 to index
      %parallel_loop3A_1858 = tpu.vector_load %arg10[%parallel_loop3A_1856, %parallel_loop3A_1857] {strides = array<i32>} : memref<32x512xf32, #tpu.memory_space<vmem>>, vector<16xf32>,
      %parallel_loop3A_1859 = arith.index_cast %parallel_loop3A_1848 : i32 to index
      %parallel_loop3A_1860 = arith.index_cast %parallel_loop3A_1852 : i32 to index
      %parallel_loop3A_1861 = tpu.vector_load %arg12[%parallel_loop3A_1859, %parallel_loop3A_1860] {strides = array<i32>} : memref<32x512xf32, #tpu.memory_space<vmem>>, vector<16xf32>,
      %parallel_loop3A_1862 = arith.subf %parallel_loop3A_1858, %parallel_loop3A_1861 : vector<16xf32>
      %parallel_loop3A_1863 = arith.constant 3.200000e+01 : f32
      %parallel_loop3A_1864 = vector.broadcast %parallel_loop3A_1863 : f32 to vector<16xf32>
      %parallel_loop3A_1865 = arith.mulf %parallel_loop3A_1855, %parallel_loop3A_1864 : vector<16xf32>
      %parallel_loop3A_1866 = arith.fptosi %parallel_loop3A_1865 : vector<16xf32> to vector<16xi32>
      %parallel_loop3A_1867 = arith.constant 0 : i32
      %parallel_loop3A_1868 = vector.broadcast %parallel_loop3A_1867 : i32 to vector<16xi32>
      %parallel_loop3A_1869 = arith.maxsi %parallel_loop3A_1866, %parallel_loop3A_1868 : vector<16xi32>
      %parallel_loop3A_1870 = arith.constant 31 : i32
      %parallel_loop3A_1871 = vector.broadcast %parallel_loop3A_1870 : i32 to vector<16xi32>
      %parallel_loop3A_1872 = arith.minsi %parallel_loop3A_1869, %parallel_loop3A_1871 : vector<16xi32>
      %parallel_loop3A_1873 = arith.constant 16 : i32
      %parallel_loop3A_1874 = vector.broadcast %parallel_loop3A_1873 : i32 to vector<16xi32>
      %parallel_loop3A_1875 = arith.muli %parallel_loop3A_1872, %parallel_loop3A_1874 : vector<16xi32>
      %parallel_loop3A_1876 = arith.addi %add3A_535, %parallel_loop3A_1875 : vector<16xi32>
      tpu.vector_store_idx %arg13[%parallel_loop3A_1876], %parallel_loop3A_1862 {add = true} : memref<1536xf32, #tpu.memory_space<vmem>>[vector<16xi32>], vector<16xf32>,
      tpu.vector_store_idx %arg15[%parallel_loop3A_1876], %broadcast_in_dim3A_3 {add = true} : memref<1536xf32, #tpu.memory_space<vmem>>[vector<16xi32>], vector<16xf32>,
      %parallel_loop3A_1877 = arith.constant 2 : i32
      %parallel_loop3A_1878 = arith.muli %parallel_loop3A_1842, %parallel_loop3A_1877 : i32
      %parallel_loop3A_1879 = arith.constant 1 : i32
      %parallel_loop3A_1880 = arith.addi %parallel_loop3A_1878, %parallel_loop3A_1879 : i32
      %parallel_loop3A_1881 = arith.constant 32 : i32
      %parallel_loop3A_1882 = arith.divsi %parallel_loop3A_1880, %parallel_loop3A_1881 : i32
      %parallel_loop3A_1883 = arith.constant 32 : i32
      %parallel_loop3A_1884 = arith.remsi %parallel_loop3A_1880, %parallel_loop3A_1883 : i32
      %parallel_loop3A_1885 = arith.constant 16 : i32
      %parallel_loop3A_1886 = arith.muli %parallel_loop3A_1884, %parallel_loop3A_1885 : i32
      %parallel_loop3A_1887 = arith.index_cast %parallel_loop3A_1882 : i32 to index
      %parallel_loop3A_1888 = arith.index_cast %parallel_loop3A_1886 : i32 to index
      %parallel_loop3A_1889 = tpu.vector_load %arg8[%parallel_loop3A_1887, %parallel_loop3A_1888] {strides = array<i32>} : memref<32x512xf32, #tpu.memory_space<vmem>>, vector<16xf32>,
      %parallel_loop3A_1890 = arith.index_cast %parallel_loop3A_1882 : i32 to index
      %parallel_loop3A_1891 = arith.index_cast %parallel_loop3A_1886 : i32 to index
      %parallel_loop3A_1892 = tpu.vector_load %arg10[%parallel_loop3A_1890, %parallel_loop3A_1891] {strides = array<i32>} : memref<32x512xf32, #tpu.memory_space<vmem>>, vector<16xf32>,
      %parallel_loop3A_1893 = arith.index_cast %parallel_loop3A_1882 : i32 to index
      %parallel_loop3A_1894 = arith.index_cast %parallel_loop3A_1886 : i32 to index
      %parallel_loop3A_1895 = tpu.vector_load %arg12[%parallel_loop3A_1893, %parallel_loop3A_1894] {strides = array<i32>} : memref<32x512xf32, #tpu.memory_space<vmem>>, vector<16xf32>,
      %parallel_loop3A_1896 = arith.subf %parallel_loop3A_1892, %parallel_loop3A_1895 : vector<16xf32>
      %parallel_loop3A_1897 = arith.constant 3.200000e+01 : f32
      %parallel_loop3A_1898 = vector.broadcast %parallel_loop3A_1897 : f32 to vector<16xf32>
      %parallel_loop3A_1899 = arith.mulf %parallel_loop3A_1889, %parallel_loop3A_1898 : vector<16xf32>
      %parallel_loop3A_1900 = arith.fptosi %parallel_loop3A_1899 : vector<16xf32> to vector<16xi32>
      %parallel_loop3A_1901 = arith.constant 0 : i32
      %parallel_loop3A_1902 = vector.broadcast %parallel_loop3A_1901 : i32 to vector<16xi32>
      %parallel_loop3A_1903 = arith.maxsi %parallel_loop3A_1900, %parallel_loop3A_1902 : vector<16xi32>
      %parallel_loop3A_1904 = arith.constant 31 : i32
      %parallel_loop3A_1905 = vector.broadcast %parallel_loop3A_1904 : i32 to vector<16xi32>
      %parallel_loop3A_1906 = arith.minsi %parallel_loop3A_1903, %parallel_loop3A_1905 : vector<16xi32>
      %parallel_loop3A_1907 = arith.constant 16 : i32
      %parallel_loop3A_1908 = vector.broadcast %parallel_loop3A_1907 : i32 to vector<16xi32>
      %parallel_loop3A_1909 = arith.muli %parallel_loop3A_1906, %parallel_loop3A_1908 : vector<16xi32>
      %parallel_loop3A_1910 = arith.addi %add3A_535, %parallel_loop3A_1909 : vector<16xi32>
      tpu.vector_store_idx %arg14[%parallel_loop3A_1910], %parallel_loop3A_1896 {add = true} : memref<1536xf32, #tpu.memory_space<vmem>>[vector<16xi32>], vector<16xf32>,
      tpu.vector_store_idx %arg16[%parallel_loop3A_1910], %broadcast_in_dim3A_3 {add = true} : memref<1536xf32, #tpu.memory_space<vmem>>[vector<16xi32>], vector<16xf32>,
    } {sc.loop_unroll_factor = 4 : i64, sc.parallel_access}
    %mul3A_539 = arith.constant 3 : i32
    %mul3A_540 = arith.muli %add3A, %mul3A_539 : i32
    %add3A_541 = arith.constant 2 : i32
    %add3A_542 = arith.addi %mul3A_540, %add3A_541 : i32
    %div3A_543 = arith.constant 4 : i32
    %div3A_544 = arith.divsi %add3A_542, %div3A_543 : i32
    %rem3A_545 = arith.constant 4 : i32
    %rem3A_546 = arith.remsi %add3A_542, %rem3A_545 : i32
    %mul3A_547 = arith.constant 128 : i32
    %mul3A_548 = arith.muli %rem3A_546, %mul3A_547 : i32
    %add3A_549 = arith.constant 32 : i32
    %add3A_550 = arith.addi %mul3A_548, %add3A_549 : i32
    %dma_start3A_551 = arith.constant 0 : i32
    %dma_start3A_552 = tpu.memref_slice %arg2[%div3A_544, %add3A_550, %dma_start3A_551] : memref<24x512x512xf32, #tpu.memory_space<hbm>> -> memref<1x32x512xf32, #tpu.memory_space<hbm>>
    %dma_start3A_553 = tpu.memref_squeeze %dma_start3A_552 : memref<1x32x512xf32, #tpu.memory_space<hbm>> -> memref<32x512xf32, #tpu.memory_space<hbm>>
    %dma_start3A_554 = arith.constant 0 : i32
    %dma_start3A_555 = tpu.memref_slice %arg2[%div3A_544, %add3A_550, %dma_start3A_554] : memref<24x512x512xf32, #tpu.memory_space<hbm>> -> memref<1x32x512xf32, #tpu.memory_space<hbm>>
    %dma_start3A_556 = tpu.memref_squeeze %dma_start3A_555 : memref<1x32x512xf32, #tpu.memory_space<hbm>> -> memref<32x512xf32, #tpu.memory_space<hbm>>
    tpu.enqueue_dma source(%dma_start3A_556 : memref<32x512xf32, #tpu.memory_space<hbm>>) target(%arg8 : memref<32x512xf32, #tpu.memory_space<vmem>>) target_semaphore(%arg20 : memref<!tpu.dma_semaphore, #tpu.memory_space<semaphore_mem>>)
    %dma_start3A_557 = arith.constant 0 : i32
    %dma_start3A_558 = tpu.memref_slice %arg3[%div3A_544, %add3A_550, %dma_start3A_557] : memref<24x512x512xf32, #tpu.memory_space<hbm>> -> memref<1x32x512xf32, #tpu.memory_space<hbm>>
    %dma_start3A_559 = tpu.memref_squeeze %dma_start3A_558 : memref<1x32x512xf32, #tpu.memory_space<hbm>> -> memref<32x512xf32, #tpu.memory_space<hbm>>
    %dma_start3A_560 = arith.constant 0 : i32
    %dma_start3A_561 = tpu.memref_slice %arg3[%div3A_544, %add3A_550, %dma_start3A_560] : memref<24x512x512xf32, #tpu.memory_space<hbm>> -> memref<1x32x512xf32, #tpu.memory_space<hbm>>
    %dma_start3A_562 = tpu.memref_squeeze %dma_start3A_561 : memref<1x32x512xf32, #tpu.memory_space<hbm>> -> memref<32x512xf32, #tpu.memory_space<hbm>>
    tpu.enqueue_dma source(%dma_start3A_562 : memref<32x512xf32, #tpu.memory_space<hbm>>) target(%arg10 : memref<32x512xf32, #tpu.memory_space<vmem>>) target_semaphore(%arg20 : memref<!tpu.dma_semaphore, #tpu.memory_space<semaphore_mem>>)
    %dma_start3A_563 = arith.constant 0 : i32
    %dma_start3A_564 = tpu.memref_slice %arg4[%div3A_544, %add3A_550, %dma_start3A_563] : memref<24x512x512xf32, #tpu.memory_space<hbm>> -> memref<1x32x512xf32, #tpu.memory_space<hbm>>
    %dma_start3A_565 = tpu.memref_squeeze %dma_start3A_564 : memref<1x32x512xf32, #tpu.memory_space<hbm>> -> memref<32x512xf32, #tpu.memory_space<hbm>>
    %dma_start3A_566 = arith.constant 0 : i32
    %dma_start3A_567 = tpu.memref_slice %arg4[%div3A_544, %add3A_550, %dma_start3A_566] : memref<24x512x512xf32, #tpu.memory_space<hbm>> -> memref<1x32x512xf32, #tpu.memory_space<hbm>>
    %dma_start3A_568 = tpu.memref_squeeze %dma_start3A_567 : memref<1x32x512xf32, #tpu.memory_space<hbm>> -> memref<32x512xf32, #tpu.memory_space<hbm>>
    tpu.enqueue_dma source(%dma_start3A_568 : memref<32x512xf32, #tpu.memory_space<hbm>>) target(%arg12 : memref<32x512xf32, #tpu.memory_space<vmem>>) target_semaphore(%arg20 : memref<!tpu.dma_semaphore, #tpu.memory_space<semaphore_mem>>)
    %dma_wait3A_569 = arith.constant 0 : i32
    %dma_wait3A_570 = tpu.memref_slice %arg2[%div3A_481, %add3A_487, %dma_wait3A_569] : memref<24x512x512xf32, #tpu.memory_space<hbm>> -> memref<1x32x512xf32, #tpu.memory_space<hbm>>
    %dma_wait3A_571 = tpu.memref_squeeze %dma_wait3A_570 : memref<1x32x512xf32, #tpu.memory_space<hbm>> -> memref<32x512xf32, #tpu.memory_space<hbm>>
    %dma_wait3A_572 = arith.constant 0 : i32
    %dma_wait3A_573 = tpu.memref_slice %arg2[%div3A_481, %add3A_487, %dma_wait3A_572] : memref<24x512x512xf32, #tpu.memory_space<hbm>> -> memref<1x32x512xf32, #tpu.memory_space<hbm>>
    %dma_wait3A_574 = tpu.memref_squeeze %dma_wait3A_573 : memref<1x32x512xf32, #tpu.memory_space<hbm>> -> memref<32x512xf32, #tpu.memory_space<hbm>>
    tpu.wait_dma2 semaphore(%arg19 : memref<!tpu.dma_semaphore, #tpu.memory_space<semaphore_mem>>) src(%dma_wait3A_574 : memref<32x512xf32, #tpu.memory_space<hbm>>) dst(%arg7 : memref<32x512xf32, #tpu.memory_space<vmem>>)
    %dma_wait3A_575 = arith.constant 0 : i32
    %dma_wait3A_576 = tpu.memref_slice %arg3[%div3A_481, %add3A_487, %dma_wait3A_575] : memref<24x512x512xf32, #tpu.memory_space<hbm>> -> memref<1x32x512xf32, #tpu.memory_space<hbm>>
    %dma_wait3A_577 = tpu.memref_squeeze %dma_wait3A_576 : memref<1x32x512xf32, #tpu.memory_space<hbm>> -> memref<32x512xf32, #tpu.memory_space<hbm>>
    %dma_wait3A_578 = arith.constant 0 : i32
    %dma_wait3A_579 = tpu.memref_slice %arg3[%div3A_481, %add3A_487, %dma_wait3A_578] : memref<24x512x512xf32, #tpu.memory_space<hbm>> -> memref<1x32x512xf32, #tpu.memory_space<hbm>>
    %dma_wait3A_580 = tpu.memref_squeeze %dma_wait3A_579 : memref<1x32x512xf32, #tpu.memory_space<hbm>> -> memref<32x512xf32, #tpu.memory_space<hbm>>
    tpu.wait_dma2 semaphore(%arg19 : memref<!tpu.dma_semaphore, #tpu.memory_space<semaphore_mem>>) src(%dma_wait3A_580 : memref<32x512xf32, #tpu.memory_space<hbm>>) dst(%arg9 : memref<32x512xf32, #tpu.memory_space<vmem>>)
    %dma_wait3A_581 = arith.constant 0 : i32
    %dma_wait3A_582 = tpu.memref_slice %arg4[%div3A_481, %add3A_487, %dma_wait3A_581] : memref<24x512x512xf32, #tpu.memory_space<hbm>> -> memref<1x32x512xf32, #tpu.memory_space<hbm>>
    %dma_wait3A_583 = tpu.memref_squeeze %dma_wait3A_582 : memref<1x32x512xf32, #tpu.memory_space<hbm>> -> memref<32x512xf32, #tpu.memory_space<hbm>>
    %dma_wait3A_584 = arith.constant 0 : i32
    %dma_wait3A_585 = tpu.memref_slice %arg4[%div3A_481, %add3A_487, %dma_wait3A_584] : memref<24x512x512xf32, #tpu.memory_space<hbm>> -> memref<1x32x512xf32, #tpu.memory_space<hbm>>
    %dma_wait3A_586 = tpu.memref_squeeze %dma_wait3A_585 : memref<1x32x512xf32, #tpu.memory_space<hbm>> -> memref<32x512xf32, #tpu.memory_space<hbm>>
    tpu.wait_dma2 semaphore(%arg19 : memref<!tpu.dma_semaphore, #tpu.memory_space<semaphore_mem>>) src(%dma_wait3A_586 : memref<32x512xf32, #tpu.memory_space<hbm>>) dst(%arg11 : memref<32x512xf32, #tpu.memory_space<vmem>>)
    %mul3A_587 = arith.constant 3 : i32
    %mul3A_588 = arith.muli %add3A, %mul3A_587 : i32
    %add3A_589 = arith.constant 2 : i32
    %add3A_590 = arith.addi %mul3A_588, %add3A_589 : i32
    %div3A_591 = arith.constant 4 : i32
    %div3A_592 = arith.divsi %add3A_590, %div3A_591 : i32
    %rem3A_593 = arith.constant 3 : i32
    %rem3A_594 = arith.remsi %div3A_592, %rem3A_593 : i32
    %mul3A_595 = arith.constant 512 : i32
    %mul3A_596 = arith.muli %rem3A_594, %mul3A_595 : i32
    %add3A_597 = vector.broadcast %mul3A_596 : i32 to vector<16xi32>
    %add3A_598 = arith.addi %iota3A, %add3A_597 : vector<16xi32>
    %parallel_loop3A_599 = arith.constant 0 : i32
    %parallel_loop3A_600 = arith.constant 512 : i32
    %parallel_loop3A_601 = arith.constant 1 : i32
    scf.for %parallel_loop3A_1842 = %parallel_loop3A_599 to %parallel_loop3A_600 step %parallel_loop3A_601  : i32 {
      %parallel_loop3A_1843 = arith.constant 2 : i32
      %parallel_loop3A_1844 = arith.muli %parallel_loop3A_1842, %parallel_loop3A_1843 : i32
      %parallel_loop3A_1845 = arith.constant 0 : i32
      %parallel_loop3A_1846 = arith.addi %parallel_loop3A_1844, %parallel_loop3A_1845 : i32
      %parallel_loop3A_1847 = arith.constant 32 : i32
      %parallel_loop3A_1848 = arith.divsi %parallel_loop3A_1846, %parallel_loop3A_1847 : i32
      %parallel_loop3A_1849 = arith.constant 32 : i32
      %parallel_loop3A_1850 = arith.remsi %parallel_loop3A_1846, %parallel_loop3A_1849 : i32
      %parallel_loop3A_1851 = arith.constant 16 : i32
      %parallel_loop3A_1852 = arith.muli %parallel_loop3A_1850, %parallel_loop3A_1851 : i32
      %parallel_loop3A_1853 = arith.index_cast %parallel_loop3A_1848 : i32 to index
      %parallel_loop3A_1854 = arith.index_cast %parallel_loop3A_1852 : i32 to index
      %parallel_loop3A_1855 = tpu.vector_load %arg7[%parallel_loop3A_1853, %parallel_loop3A_1854] {strides = array<i32>} : memref<32x512xf32, #tpu.memory_space<vmem>>, vector<16xf32>,
      %parallel_loop3A_1856 = arith.index_cast %parallel_loop3A_1848 : i32 to index
      %parallel_loop3A_1857 = arith.index_cast %parallel_loop3A_1852 : i32 to index
      %parallel_loop3A_1858 = tpu.vector_load %arg9[%parallel_loop3A_1856, %parallel_loop3A_1857] {strides = array<i32>} : memref<32x512xf32, #tpu.memory_space<vmem>>, vector<16xf32>,
      %parallel_loop3A_1859 = arith.index_cast %parallel_loop3A_1848 : i32 to index
      %parallel_loop3A_1860 = arith.index_cast %parallel_loop3A_1852 : i32 to index
      %parallel_loop3A_1861 = tpu.vector_load %arg11[%parallel_loop3A_1859, %parallel_loop3A_1860] {strides = array<i32>} : memref<32x512xf32, #tpu.memory_space<vmem>>, vector<16xf32>,
      %parallel_loop3A_1862 = arith.subf %parallel_loop3A_1858, %parallel_loop3A_1861 : vector<16xf32>
      %parallel_loop3A_1863 = arith.constant 3.200000e+01 : f32
      %parallel_loop3A_1864 = vector.broadcast %parallel_loop3A_1863 : f32 to vector<16xf32>
      %parallel_loop3A_1865 = arith.mulf %parallel_loop3A_1855, %parallel_loop3A_1864 : vector<16xf32>
      %parallel_loop3A_1866 = arith.fptosi %parallel_loop3A_1865 : vector<16xf32> to vector<16xi32>
      %parallel_loop3A_1867 = arith.constant 0 : i32
      %parallel_loop3A_1868 = vector.broadcast %parallel_loop3A_1867 : i32 to vector<16xi32>
      %parallel_loop3A_1869 = arith.maxsi %parallel_loop3A_1866, %parallel_loop3A_1868 : vector<16xi32>
      %parallel_loop3A_1870 = arith.constant 31 : i32
      %parallel_loop3A_1871 = vector.broadcast %parallel_loop3A_1870 : i32 to vector<16xi32>
      %parallel_loop3A_1872 = arith.minsi %parallel_loop3A_1869, %parallel_loop3A_1871 : vector<16xi32>
      %parallel_loop3A_1873 = arith.constant 16 : i32
      %parallel_loop3A_1874 = vector.broadcast %parallel_loop3A_1873 : i32 to vector<16xi32>
      %parallel_loop3A_1875 = arith.muli %parallel_loop3A_1872, %parallel_loop3A_1874 : vector<16xi32>
      %parallel_loop3A_1876 = arith.addi %add3A_598, %parallel_loop3A_1875 : vector<16xi32>
      tpu.vector_store_idx %arg13[%parallel_loop3A_1876], %parallel_loop3A_1862 {add = true} : memref<1536xf32, #tpu.memory_space<vmem>>[vector<16xi32>], vector<16xf32>,
      tpu.vector_store_idx %arg15[%parallel_loop3A_1876], %broadcast_in_dim3A_3 {add = true} : memref<1536xf32, #tpu.memory_space<vmem>>[vector<16xi32>], vector<16xf32>,
      %parallel_loop3A_1877 = arith.constant 2 : i32
      %parallel_loop3A_1878 = arith.muli %parallel_loop3A_1842, %parallel_loop3A_1877 : i32
      %parallel_loop3A_1879 = arith.constant 1 : i32
      %parallel_loop3A_1880 = arith.addi %parallel_loop3A_1878, %parallel_loop3A_1879 : i32
      %parallel_loop3A_1881 = arith.constant 32 : i32
      %parallel_loop3A_1882 = arith.divsi %parallel_loop3A_1880, %parallel_loop3A_1881 : i32
      %parallel_loop3A_1883 = arith.constant 32 : i32
      %parallel_loop3A_1884 = arith.remsi %parallel_loop3A_1880, %parallel_loop3A_1883 : i32
      %parallel_loop3A_1885 = arith.constant 16 : i32
      %parallel_loop3A_1886 = arith.muli %parallel_loop3A_1884, %parallel_loop3A_1885 : i32
      %parallel_loop3A_1887 = arith.index_cast %parallel_loop3A_1882 : i32 to index
      %parallel_loop3A_1888 = arith.index_cast %parallel_loop3A_1886 : i32 to index
      %parallel_loop3A_1889 = tpu.vector_load %arg7[%parallel_loop3A_1887, %parallel_loop3A_1888] {strides = array<i32>} : memref<32x512xf32, #tpu.memory_space<vmem>>, vector<16xf32>,
      %parallel_loop3A_1890 = arith.index_cast %parallel_loop3A_1882 : i32 to index
      %parallel_loop3A_1891 = arith.index_cast %parallel_loop3A_1886 : i32 to index
      %parallel_loop3A_1892 = tpu.vector_load %arg9[%parallel_loop3A_1890, %parallel_loop3A_1891] {strides = array<i32>} : memref<32x512xf32, #tpu.memory_space<vmem>>, vector<16xf32>,
      %parallel_loop3A_1893 = arith.index_cast %parallel_loop3A_1882 : i32 to index
      %parallel_loop3A_1894 = arith.index_cast %parallel_loop3A_1886 : i32 to index
      %parallel_loop3A_1895 = tpu.vector_load %arg11[%parallel_loop3A_1893, %parallel_loop3A_1894] {strides = array<i32>} : memref<32x512xf32, #tpu.memory_space<vmem>>, vector<16xf32>,
      %parallel_loop3A_1896 = arith.subf %parallel_loop3A_1892, %parallel_loop3A_1895 : vector<16xf32>
      %parallel_loop3A_1897 = arith.constant 3.200000e+01 : f32
      %parallel_loop3A_1898 = vector.broadcast %parallel_loop3A_1897 : f32 to vector<16xf32>
      %parallel_loop3A_1899 = arith.mulf %parallel_loop3A_1889, %parallel_loop3A_1898 : vector<16xf32>
      %parallel_loop3A_1900 = arith.fptosi %parallel_loop3A_1899 : vector<16xf32> to vector<16xi32>
      %parallel_loop3A_1901 = arith.constant 0 : i32
      %parallel_loop3A_1902 = vector.broadcast %parallel_loop3A_1901 : i32 to vector<16xi32>
      %parallel_loop3A_1903 = arith.maxsi %parallel_loop3A_1900, %parallel_loop3A_1902 : vector<16xi32>
      %parallel_loop3A_1904 = arith.constant 31 : i32
      %parallel_loop3A_1905 = vector.broadcast %parallel_loop3A_1904 : i32 to vector<16xi32>
      %parallel_loop3A_1906 = arith.minsi %parallel_loop3A_1903, %parallel_loop3A_1905 : vector<16xi32>
      %parallel_loop3A_1907 = arith.constant 16 : i32
      %parallel_loop3A_1908 = vector.broadcast %parallel_loop3A_1907 : i32 to vector<16xi32>
      %parallel_loop3A_1909 = arith.muli %parallel_loop3A_1906, %parallel_loop3A_1908 : vector<16xi32>
      %parallel_loop3A_1910 = arith.addi %add3A_598, %parallel_loop3A_1909 : vector<16xi32>
      tpu.vector_store_idx %arg14[%parallel_loop3A_1910], %parallel_loop3A_1896 {add = true} : memref<1536xf32, #tpu.memory_space<vmem>>[vector<16xi32>], vector<16xf32>,
      tpu.vector_store_idx %arg16[%parallel_loop3A_1910], %broadcast_in_dim3A_3 {add = true} : memref<1536xf32, #tpu.memory_space<vmem>>[vector<16xi32>], vector<16xf32>,
    } {sc.loop_unroll_factor = 4 : i64, sc.parallel_access}
    %mul3A_602 = arith.constant 3 : i32
    %mul3A_603 = arith.muli %add3A, %mul3A_602 : i32
    %add3A_604 = arith.constant 2 : i32
    %add3A_605 = arith.addi %mul3A_603, %add3A_604 : i32
    %div3A_606 = arith.constant 4 : i32
    %div3A_607 = arith.divsi %add3A_605, %div3A_606 : i32
    %rem3A_608 = arith.constant 4 : i32
    %rem3A_609 = arith.remsi %add3A_605, %rem3A_608 : i32
    %mul3A_610 = arith.constant 128 : i32
    %mul3A_611 = arith.muli %rem3A_609, %mul3A_610 : i32
    %add3A_612 = arith.constant 64 : i32
    %add3A_613 = arith.addi %mul3A_611, %add3A_612 : i32
    %dma_start3A_614 = arith.constant 0 : i32
    %dma_start3A_615 = tpu.memref_slice %arg2[%div3A_607, %add3A_613, %dma_start3A_614] : memref<24x512x512xf32, #tpu.memory_space<hbm>> -> memref<1x32x512xf32, #tpu.memory_space<hbm>>
    %dma_start3A_616 = tpu.memref_squeeze %dma_start3A_615 : memref<1x32x512xf32, #tpu.memory_space<hbm>> -> memref<32x512xf32, #tpu.memory_space<hbm>>
    %dma_start3A_617 = arith.constant 0 : i32
    %dma_start3A_618 = tpu.memref_slice %arg2[%div3A_607, %add3A_613, %dma_start3A_617] : memref<24x512x512xf32, #tpu.memory_space<hbm>> -> memref<1x32x512xf32, #tpu.memory_space<hbm>>
    %dma_start3A_619 = tpu.memref_squeeze %dma_start3A_618 : memref<1x32x512xf32, #tpu.memory_space<hbm>> -> memref<32x512xf32, #tpu.memory_space<hbm>>
    tpu.enqueue_dma source(%dma_start3A_619 : memref<32x512xf32, #tpu.memory_space<hbm>>) target(%arg7 : memref<32x512xf32, #tpu.memory_space<vmem>>) target_semaphore(%arg19 : memref<!tpu.dma_semaphore, #tpu.memory_space<semaphore_mem>>)
    %dma_start3A_620 = arith.constant 0 : i32
    %dma_start3A_621 = tpu.memref_slice %arg3[%div3A_607, %add3A_613, %dma_start3A_620] : memref<24x512x512xf32, #tpu.memory_space<hbm>> -> memref<1x32x512xf32, #tpu.memory_space<hbm>>
    %dma_start3A_622 = tpu.memref_squeeze %dma_start3A_621 : memref<1x32x512xf32, #tpu.memory_space<hbm>> -> memref<32x512xf32, #tpu.memory_space<hbm>>
    %dma_start3A_623 = arith.constant 0 : i32
    %dma_start3A_624 = tpu.memref_slice %arg3[%div3A_607, %add3A_613, %dma_start3A_623] : memref<24x512x512xf32, #tpu.memory_space<hbm>> -> memref<1x32x512xf32, #tpu.memory_space<hbm>>
    %dma_start3A_625 = tpu.memref_squeeze %dma_start3A_624 : memref<1x32x512xf32, #tpu.memory_space<hbm>> -> memref<32x512xf32, #tpu.memory_space<hbm>>
    tpu.enqueue_dma source(%dma_start3A_625 : memref<32x512xf32, #tpu.memory_space<hbm>>) target(%arg9 : memref<32x512xf32, #tpu.memory_space<vmem>>) target_semaphore(%arg19 : memref<!tpu.dma_semaphore, #tpu.memory_space<semaphore_mem>>)
    %dma_start3A_626 = arith.constant 0 : i32
    %dma_start3A_627 = tpu.memref_slice %arg4[%div3A_607, %add3A_613, %dma_start3A_626] : memref<24x512x512xf32, #tpu.memory_space<hbm>> -> memref<1x32x512xf32, #tpu.memory_space<hbm>>
    %dma_start3A_628 = tpu.memref_squeeze %dma_start3A_627 : memref<1x32x512xf32, #tpu.memory_space<hbm>> -> memref<32x512xf32, #tpu.memory_space<hbm>>
    %dma_start3A_629 = arith.constant 0 : i32
    %dma_start3A_630 = tpu.memref_slice %arg4[%div3A_607, %add3A_613, %dma_start3A_629] : memref<24x512x512xf32, #tpu.memory_space<hbm>> -> memref<1x32x512xf32, #tpu.memory_space<hbm>>
    %dma_start3A_631 = tpu.memref_squeeze %dma_start3A_630 : memref<1x32x512xf32, #tpu.memory_space<hbm>> -> memref<32x512xf32, #tpu.memory_space<hbm>>
    tpu.enqueue_dma source(%dma_start3A_631 : memref<32x512xf32, #tpu.memory_space<hbm>>) target(%arg11 : memref<32x512xf32, #tpu.memory_space<vmem>>) target_semaphore(%arg19 : memref<!tpu.dma_semaphore, #tpu.memory_space<semaphore_mem>>)
    %dma_wait3A_632 = arith.constant 0 : i32
    %dma_wait3A_633 = tpu.memref_slice %arg2[%div3A_544, %add3A_550, %dma_wait3A_632] : memref<24x512x512xf32, #tpu.memory_space<hbm>> -> memref<1x32x512xf32, #tpu.memory_space<hbm>>
    %dma_wait3A_634 = tpu.memref_squeeze %dma_wait3A_633 : memref<1x32x512xf32, #tpu.memory_space<hbm>> -> memref<32x512xf32, #tpu.memory_space<hbm>>
    %dma_wait3A_635 = arith.constant 0 : i32
    %dma_wait3A_636 = tpu.memref_slice %arg2[%div3A_544, %add3A_550, %dma_wait3A_635] : memref<24x512x512xf32, #tpu.memory_space<hbm>> -> memref<1x32x512xf32, #tpu.memory_space<hbm>>
    %dma_wait3A_637 = tpu.memref_squeeze %dma_wait3A_636 : memref<1x32x512xf32, #tpu.memory_space<hbm>> -> memref<32x512xf32, #tpu.memory_space<hbm>>
    tpu.wait_dma2 semaphore(%arg20 : memref<!tpu.dma_semaphore, #tpu.memory_space<semaphore_mem>>) src(%dma_wait3A_637 : memref<32x512xf32, #tpu.memory_space<hbm>>) dst(%arg8 : memref<32x512xf32, #tpu.memory_space<vmem>>)
    %dma_wait3A_638 = arith.constant 0 : i32
    %dma_wait3A_639 = tpu.memref_slice %arg3[%div3A_544, %add3A_550, %dma_wait3A_638] : memref<24x512x512xf32, #tpu.memory_space<hbm>> -> memref<1x32x512xf32, #tpu.memory_space<hbm>>
    %dma_wait3A_640 = tpu.memref_squeeze %dma_wait3A_639 : memref<1x32x512xf32, #tpu.memory_space<hbm>> -> memref<32x512xf32, #tpu.memory_space<hbm>>
    %dma_wait3A_641 = arith.constant 0 : i32
    %dma_wait3A_642 = tpu.memref_slice %arg3[%div3A_544, %add3A_550, %dma_wait3A_641] : memref<24x512x512xf32, #tpu.memory_space<hbm>> -> memref<1x32x512xf32, #tpu.memory_space<hbm>>
    %dma_wait3A_643 = tpu.memref_squeeze %dma_wait3A_642 : memref<1x32x512xf32, #tpu.memory_space<hbm>> -> memref<32x512xf32, #tpu.memory_space<hbm>>
    tpu.wait_dma2 semaphore(%arg20 : memref<!tpu.dma_semaphore, #tpu.memory_space<semaphore_mem>>) src(%dma_wait3A_643 : memref<32x512xf32, #tpu.memory_space<hbm>>) dst(%arg10 : memref<32x512xf32, #tpu.memory_space<vmem>>)
    %dma_wait3A_644 = arith.constant 0 : i32
    %dma_wait3A_645 = tpu.memref_slice %arg4[%div3A_544, %add3A_550, %dma_wait3A_644] : memref<24x512x512xf32, #tpu.memory_space<hbm>> -> memref<1x32x512xf32, #tpu.memory_space<hbm>>
    %dma_wait3A_646 = tpu.memref_squeeze %dma_wait3A_645 : memref<1x32x512xf32, #tpu.memory_space<hbm>> -> memref<32x512xf32, #tpu.memory_space<hbm>>
    %dma_wait3A_647 = arith.constant 0 : i32
    %dma_wait3A_648 = tpu.memref_slice %arg4[%div3A_544, %add3A_550, %dma_wait3A_647] : memref<24x512x512xf32, #tpu.memory_space<hbm>> -> memref<1x32x512xf32, #tpu.memory_space<hbm>>
    %dma_wait3A_649 = tpu.memref_squeeze %dma_wait3A_648 : memref<1x32x512xf32, #tpu.memory_space<hbm>> -> memref<32x512xf32, #tpu.memory_space<hbm>>
    tpu.wait_dma2 semaphore(%arg20 : memref<!tpu.dma_semaphore, #tpu.memory_space<semaphore_mem>>) src(%dma_wait3A_649 : memref<32x512xf32, #tpu.memory_space<hbm>>) dst(%arg12 : memref<32x512xf32, #tpu.memory_space<vmem>>)
    %mul3A_650 = arith.constant 3 : i32
    %mul3A_651 = arith.muli %add3A, %mul3A_650 : i32
    %add3A_652 = arith.constant 2 : i32
    %add3A_653 = arith.addi %mul3A_651, %add3A_652 : i32
    %div3A_654 = arith.constant 4 : i32
    %div3A_655 = arith.divsi %add3A_653, %div3A_654 : i32
    %rem3A_656 = arith.constant 3 : i32
    %rem3A_657 = arith.remsi %div3A_655, %rem3A_656 : i32
    %mul3A_658 = arith.constant 512 : i32
    %mul3A_659 = arith.muli %rem3A_657, %mul3A_658 : i32
    %add3A_660 = vector.broadcast %mul3A_659 : i32 to vector<16xi32>
    %add3A_661 = arith.addi %iota3A, %add3A_660 : vector<16xi32>
    %parallel_loop3A_662 = arith.constant 0 : i32
    %parallel_loop3A_663 = arith.constant 512 : i32
    %parallel_loop3A_664 = arith.constant 1 : i32
    scf.for %parallel_loop3A_1842 = %parallel_loop3A_662 to %parallel_loop3A_663 step %parallel_loop3A_664  : i32 {
      %parallel_loop3A_1843 = arith.constant 2 : i32
      %parallel_loop3A_1844 = arith.muli %parallel_loop3A_1842, %parallel_loop3A_1843 : i32
      %parallel_loop3A_1845 = arith.constant 0 : i32
      %parallel_loop3A_1846 = arith.addi %parallel_loop3A_1844, %parallel_loop3A_1845 : i32
      %parallel_loop3A_1847 = arith.constant 32 : i32
      %parallel_loop3A_1848 = arith.divsi %parallel_loop3A_1846, %parallel_loop3A_1847 : i32
      %parallel_loop3A_1849 = arith.constant 32 : i32
      %parallel_loop3A_1850 = arith.remsi %parallel_loop3A_1846, %parallel_loop3A_1849 : i32
      %parallel_loop3A_1851 = arith.constant 16 : i32
      %parallel_loop3A_1852 = arith.muli %parallel_loop3A_1850, %parallel_loop3A_1851 : i32
      %parallel_loop3A_1853 = arith.index_cast %parallel_loop3A_1848 : i32 to index
      %parallel_loop3A_1854 = arith.index_cast %parallel_loop3A_1852 : i32 to index
      %parallel_loop3A_1855 = tpu.vector_load %arg8[%parallel_loop3A_1853, %parallel_loop3A_1854] {strides = array<i32>} : memref<32x512xf32, #tpu.memory_space<vmem>>, vector<16xf32>,
      %parallel_loop3A_1856 = arith.index_cast %parallel_loop3A_1848 : i32 to index
      %parallel_loop3A_1857 = arith.index_cast %parallel_loop3A_1852 : i32 to index
      %parallel_loop3A_1858 = tpu.vector_load %arg10[%parallel_loop3A_1856, %parallel_loop3A_1857] {strides = array<i32>} : memref<32x512xf32, #tpu.memory_space<vmem>>, vector<16xf32>,
      %parallel_loop3A_1859 = arith.index_cast %parallel_loop3A_1848 : i32 to index
      %parallel_loop3A_1860 = arith.index_cast %parallel_loop3A_1852 : i32 to index
      %parallel_loop3A_1861 = tpu.vector_load %arg12[%parallel_loop3A_1859, %parallel_loop3A_1860] {strides = array<i32>} : memref<32x512xf32, #tpu.memory_space<vmem>>, vector<16xf32>,
      %parallel_loop3A_1862 = arith.subf %parallel_loop3A_1858, %parallel_loop3A_1861 : vector<16xf32>
      %parallel_loop3A_1863 = arith.constant 3.200000e+01 : f32
      %parallel_loop3A_1864 = vector.broadcast %parallel_loop3A_1863 : f32 to vector<16xf32>
      %parallel_loop3A_1865 = arith.mulf %parallel_loop3A_1855, %parallel_loop3A_1864 : vector<16xf32>
      %parallel_loop3A_1866 = arith.fptosi %parallel_loop3A_1865 : vector<16xf32> to vector<16xi32>
      %parallel_loop3A_1867 = arith.constant 0 : i32
      %parallel_loop3A_1868 = vector.broadcast %parallel_loop3A_1867 : i32 to vector<16xi32>
      %parallel_loop3A_1869 = arith.maxsi %parallel_loop3A_1866, %parallel_loop3A_1868 : vector<16xi32>
      %parallel_loop3A_1870 = arith.constant 31 : i32
      %parallel_loop3A_1871 = vector.broadcast %parallel_loop3A_1870 : i32 to vector<16xi32>
      %parallel_loop3A_1872 = arith.minsi %parallel_loop3A_1869, %parallel_loop3A_1871 : vector<16xi32>
      %parallel_loop3A_1873 = arith.constant 16 : i32
      %parallel_loop3A_1874 = vector.broadcast %parallel_loop3A_1873 : i32 to vector<16xi32>
      %parallel_loop3A_1875 = arith.muli %parallel_loop3A_1872, %parallel_loop3A_1874 : vector<16xi32>
      %parallel_loop3A_1876 = arith.addi %add3A_661, %parallel_loop3A_1875 : vector<16xi32>
      tpu.vector_store_idx %arg13[%parallel_loop3A_1876], %parallel_loop3A_1862 {add = true} : memref<1536xf32, #tpu.memory_space<vmem>>[vector<16xi32>], vector<16xf32>,
      tpu.vector_store_idx %arg15[%parallel_loop3A_1876], %broadcast_in_dim3A_3 {add = true} : memref<1536xf32, #tpu.memory_space<vmem>>[vector<16xi32>], vector<16xf32>,
      %parallel_loop3A_1877 = arith.constant 2 : i32
      %parallel_loop3A_1878 = arith.muli %parallel_loop3A_1842, %parallel_loop3A_1877 : i32
      %parallel_loop3A_1879 = arith.constant 1 : i32
      %parallel_loop3A_1880 = arith.addi %parallel_loop3A_1878, %parallel_loop3A_1879 : i32
      %parallel_loop3A_1881 = arith.constant 32 : i32
      %parallel_loop3A_1882 = arith.divsi %parallel_loop3A_1880, %parallel_loop3A_1881 : i32
      %parallel_loop3A_1883 = arith.constant 32 : i32
      %parallel_loop3A_1884 = arith.remsi %parallel_loop3A_1880, %parallel_loop3A_1883 : i32
      %parallel_loop3A_1885 = arith.constant 16 : i32
      %parallel_loop3A_1886 = arith.muli %parallel_loop3A_1884, %parallel_loop3A_1885 : i32
      %parallel_loop3A_1887 = arith.index_cast %parallel_loop3A_1882 : i32 to index
      %parallel_loop3A_1888 = arith.index_cast %parallel_loop3A_1886 : i32 to index
      %parallel_loop3A_1889 = tpu.vector_load %arg8[%parallel_loop3A_1887, %parallel_loop3A_1888] {strides = array<i32>} : memref<32x512xf32, #tpu.memory_space<vmem>>, vector<16xf32>,
      %parallel_loop3A_1890 = arith.index_cast %parallel_loop3A_1882 : i32 to index
      %parallel_loop3A_1891 = arith.index_cast %parallel_loop3A_1886 : i32 to index
      %parallel_loop3A_1892 = tpu.vector_load %arg10[%parallel_loop3A_1890, %parallel_loop3A_1891] {strides = array<i32>} : memref<32x512xf32, #tpu.memory_space<vmem>>, vector<16xf32>,
      %parallel_loop3A_1893 = arith.index_cast %parallel_loop3A_1882 : i32 to index
      %parallel_loop3A_1894 = arith.index_cast %parallel_loop3A_1886 : i32 to index
      %parallel_loop3A_1895 = tpu.vector_load %arg12[%parallel_loop3A_1893, %parallel_loop3A_1894] {strides = array<i32>} : memref<32x512xf32, #tpu.memory_space<vmem>>, vector<16xf32>,
      %parallel_loop3A_1896 = arith.subf %parallel_loop3A_1892, %parallel_loop3A_1895 : vector<16xf32>
      %parallel_loop3A_1897 = arith.constant 3.200000e+01 : f32
      %parallel_loop3A_1898 = vector.broadcast %parallel_loop3A_1897 : f32 to vector<16xf32>
      %parallel_loop3A_1899 = arith.mulf %parallel_loop3A_1889, %parallel_loop3A_1898 : vector<16xf32>
      %parallel_loop3A_1900 = arith.fptosi %parallel_loop3A_1899 : vector<16xf32> to vector<16xi32>
      %parallel_loop3A_1901 = arith.constant 0 : i32
      %parallel_loop3A_1902 = vector.broadcast %parallel_loop3A_1901 : i32 to vector<16xi32>
      %parallel_loop3A_1903 = arith.maxsi %parallel_loop3A_1900, %parallel_loop3A_1902 : vector<16xi32>
      %parallel_loop3A_1904 = arith.constant 31 : i32
      %parallel_loop3A_1905 = vector.broadcast %parallel_loop3A_1904 : i32 to vector<16xi32>
      %parallel_loop3A_1906 = arith.minsi %parallel_loop3A_1903, %parallel_loop3A_1905 : vector<16xi32>
      %parallel_loop3A_1907 = arith.constant 16 : i32
      %parallel_loop3A_1908 = vector.broadcast %parallel_loop3A_1907 : i32 to vector<16xi32>
      %parallel_loop3A_1909 = arith.muli %parallel_loop3A_1906, %parallel_loop3A_1908 : vector<16xi32>
      %parallel_loop3A_1910 = arith.addi %add3A_661, %parallel_loop3A_1909 : vector<16xi32>
      tpu.vector_store_idx %arg14[%parallel_loop3A_1910], %parallel_loop3A_1896 {add = true} : memref<1536xf32, #tpu.memory_space<vmem>>[vector<16xi32>], vector<16xf32>,
      tpu.vector_store_idx %arg16[%parallel_loop3A_1910], %broadcast_in_dim3A_3 {add = true} : memref<1536xf32, #tpu.memory_space<vmem>>[vector<16xi32>], vector<16xf32>,
    } {sc.loop_unroll_factor = 4 : i64, sc.parallel_access}
    %mul3A_665 = arith.constant 3 : i32
    %mul3A_666 = arith.muli %add3A, %mul3A_665 : i32
    %add3A_667 = arith.constant 2 : i32
    %add3A_668 = arith.addi %mul3A_666, %add3A_667 : i32
    %div3A_669 = arith.constant 4 : i32
    %div3A_670 = arith.divsi %add3A_668, %div3A_669 : i32
    %rem3A_671 = arith.constant 4 : i32
    %rem3A_672 = arith.remsi %add3A_668, %rem3A_671 : i32
    %mul3A_673 = arith.constant 128 : i32
    %mul3A_674 = arith.muli %rem3A_672, %mul3A_673 : i32
    %add3A_675 = arith.constant 96 : i32
    %add3A_676 = arith.addi %mul3A_674, %add3A_675 : i32
    %dma_start3A_677 = arith.constant 0 : i32
    %dma_start3A_678 = tpu.memref_slice %arg2[%div3A_670, %add3A_676, %dma_start3A_677] : memref<24x512x512xf32, #tpu.memory_space<hbm>> -> memref<1x32x512xf32, #tpu.memory_space<hbm>>
    %dma_start3A_679 = tpu.memref_squeeze %dma_start3A_678 : memref<1x32x512xf32, #tpu.memory_space<hbm>> -> memref<32x512xf32, #tpu.memory_space<hbm>>
    %dma_start3A_680 = arith.constant 0 : i32
    %dma_start3A_681 = tpu.memref_slice %arg2[%div3A_670, %add3A_676, %dma_start3A_680] : memref<24x512x512xf32, #tpu.memory_space<hbm>> -> memref<1x32x512xf32, #tpu.memory_space<hbm>>
    %dma_start3A_682 = tpu.memref_squeeze %dma_start3A_681 : memref<1x32x512xf32, #tpu.memory_space<hbm>> -> memref<32x512xf32, #tpu.memory_space<hbm>>
    tpu.enqueue_dma source(%dma_start3A_682 : memref<32x512xf32, #tpu.memory_space<hbm>>) target(%arg8 : memref<32x512xf32, #tpu.memory_space<vmem>>) target_semaphore(%arg20 : memref<!tpu.dma_semaphore, #tpu.memory_space<semaphore_mem>>)
    %dma_start3A_683 = arith.constant 0 : i32
    %dma_start3A_684 = tpu.memref_slice %arg3[%div3A_670, %add3A_676, %dma_start3A_683] : memref<24x512x512xf32, #tpu.memory_space<hbm>> -> memref<1x32x512xf32, #tpu.memory_space<hbm>>
    %dma_start3A_685 = tpu.memref_squeeze %dma_start3A_684 : memref<1x32x512xf32, #tpu.memory_space<hbm>> -> memref<32x512xf32, #tpu.memory_space<hbm>>
    %dma_start3A_686 = arith.constant 0 : i32
    %dma_start3A_687 = tpu.memref_slice %arg3[%div3A_670, %add3A_676, %dma_start3A_686] : memref<24x512x512xf32, #tpu.memory_space<hbm>> -> memref<1x32x512xf32, #tpu.memory_space<hbm>>
    %dma_start3A_688 = tpu.memref_squeeze %dma_start3A_687 : memref<1x32x512xf32, #tpu.memory_space<hbm>> -> memref<32x512xf32, #tpu.memory_space<hbm>>
    tpu.enqueue_dma source(%dma_start3A_688 : memref<32x512xf32, #tpu.memory_space<hbm>>) target(%arg10 : memref<32x512xf32, #tpu.memory_space<vmem>>) target_semaphore(%arg20 : memref<!tpu.dma_semaphore, #tpu.memory_space<semaphore_mem>>)
    %dma_start3A_689 = arith.constant 0 : i32
    %dma_start3A_690 = tpu.memref_slice %arg4[%div3A_670, %add3A_676, %dma_start3A_689] : memref<24x512x512xf32, #tpu.memory_space<hbm>> -> memref<1x32x512xf32, #tpu.memory_space<hbm>>
    %dma_start3A_691 = tpu.memref_squeeze %dma_start3A_690 : memref<1x32x512xf32, #tpu.memory_space<hbm>> -> memref<32x512xf32, #tpu.memory_space<hbm>>
    %dma_start3A_692 = arith.constant 0 : i32
    %dma_start3A_693 = tpu.memref_slice %arg4[%div3A_670, %add3A_676, %dma_start3A_692] : memref<24x512x512xf32, #tpu.memory_space<hbm>> -> memref<1x32x512xf32, #tpu.memory_space<hbm>>
    %dma_start3A_694 = tpu.memref_squeeze %dma_start3A_693 : memref<1x32x512xf32, #tpu.memory_space<hbm>> -> memref<32x512xf32, #tpu.memory_space<hbm>>
    tpu.enqueue_dma source(%dma_start3A_694 : memref<32x512xf32, #tpu.memory_space<hbm>>) target(%arg12 : memref<32x512xf32, #tpu.memory_space<vmem>>) target_semaphore(%arg20 : memref<!tpu.dma_semaphore, #tpu.memory_space<semaphore_mem>>)
    %dma_wait3A_695 = arith.constant 0 : i32
    %dma_wait3A_696 = tpu.memref_slice %arg2[%div3A_607, %add3A_613, %dma_wait3A_695] : memref<24x512x512xf32, #tpu.memory_space<hbm>> -> memref<1x32x512xf32, #tpu.memory_space<hbm>>
    %dma_wait3A_697 = tpu.memref_squeeze %dma_wait3A_696 : memref<1x32x512xf32, #tpu.memory_space<hbm>> -> memref<32x512xf32, #tpu.memory_space<hbm>>
    %dma_wait3A_698 = arith.constant 0 : i32
    %dma_wait3A_699 = tpu.memref_slice %arg2[%div3A_607, %add3A_613, %dma_wait3A_698] : memref<24x512x512xf32, #tpu.memory_space<hbm>> -> memref<1x32x512xf32, #tpu.memory_space<hbm>>
    %dma_wait3A_700 = tpu.memref_squeeze %dma_wait3A_699 : memref<1x32x512xf32, #tpu.memory_space<hbm>> -> memref<32x512xf32, #tpu.memory_space<hbm>>
    tpu.wait_dma2 semaphore(%arg19 : memref<!tpu.dma_semaphore, #tpu.memory_space<semaphore_mem>>) src(%dma_wait3A_700 : memref<32x512xf32, #tpu.memory_space<hbm>>) dst(%arg7 : memref<32x512xf32, #tpu.memory_space<vmem>>)
    %dma_wait3A_701 = arith.constant 0 : i32
    %dma_wait3A_702 = tpu.memref_slice %arg3[%div3A_607, %add3A_613, %dma_wait3A_701] : memref<24x512x512xf32, #tpu.memory_space<hbm>> -> memref<1x32x512xf32, #tpu.memory_space<hbm>>
    %dma_wait3A_703 = tpu.memref_squeeze %dma_wait3A_702 : memref<1x32x512xf32, #tpu.memory_space<hbm>> -> memref<32x512xf32, #tpu.memory_space<hbm>>
    %dma_wait3A_704 = arith.constant 0 : i32
    %dma_wait3A_705 = tpu.memref_slice %arg3[%div3A_607, %add3A_613, %dma_wait3A_704] : memref<24x512x512xf32, #tpu.memory_space<hbm>> -> memref<1x32x512xf32, #tpu.memory_space<hbm>>
    %dma_wait3A_706 = tpu.memref_squeeze %dma_wait3A_705 : memref<1x32x512xf32, #tpu.memory_space<hbm>> -> memref<32x512xf32, #tpu.memory_space<hbm>>
    tpu.wait_dma2 semaphore(%arg19 : memref<!tpu.dma_semaphore, #tpu.memory_space<semaphore_mem>>) src(%dma_wait3A_706 : memref<32x512xf32, #tpu.memory_space<hbm>>) dst(%arg9 : memref<32x512xf32, #tpu.memory_space<vmem>>)
    %dma_wait3A_707 = arith.constant 0 : i32
    %dma_wait3A_708 = tpu.memref_slice %arg4[%div3A_607, %add3A_613, %dma_wait3A_707] : memref<24x512x512xf32, #tpu.memory_space<hbm>> -> memref<1x32x512xf32, #tpu.memory_space<hbm>>
    %dma_wait3A_709 = tpu.memref_squeeze %dma_wait3A_708 : memref<1x32x512xf32, #tpu.memory_space<hbm>> -> memref<32x512xf32, #tpu.memory_space<hbm>>
    %dma_wait3A_710 = arith.constant 0 : i32
    %dma_wait3A_711 = tpu.memref_slice %arg4[%div3A_607, %add3A_613, %dma_wait3A_710] : memref<24x512x512xf32, #tpu.memory_space<hbm>> -> memref<1x32x512xf32, #tpu.memory_space<hbm>>
    %dma_wait3A_712 = tpu.memref_squeeze %dma_wait3A_711 : memref<1x32x512xf32, #tpu.memory_space<hbm>> -> memref<32x512xf32, #tpu.memory_space<hbm>>
    tpu.wait_dma2 semaphore(%arg19 : memref<!tpu.dma_semaphore, #tpu.memory_space<semaphore_mem>>) src(%dma_wait3A_712 : memref<32x512xf32, #tpu.memory_space<hbm>>) dst(%arg11 : memref<32x512xf32, #tpu.memory_space<vmem>>)
    %mul3A_713 = arith.constant 3 : i32
    %mul3A_714 = arith.muli %add3A, %mul3A_713 : i32
    %add3A_715 = arith.constant 2 : i32
    %add3A_716 = arith.addi %mul3A_714, %add3A_715 : i32
    %div3A_717 = arith.constant 4 : i32
    %div3A_718 = arith.divsi %add3A_716, %div3A_717 : i32
    %rem3A_719 = arith.constant 3 : i32
    %rem3A_720 = arith.remsi %div3A_718, %rem3A_719 : i32
    %mul3A_721 = arith.constant 512 : i32
    %mul3A_722 = arith.muli %rem3A_720, %mul3A_721 : i32
    %add3A_723 = vector.broadcast %mul3A_722 : i32 to vector<16xi32>
    %add3A_724 = arith.addi %iota3A, %add3A_723 : vector<16xi32>
    %parallel_loop3A_725 = arith.constant 0 : i32
    %parallel_loop3A_726 = arith.constant 512 : i32
    %parallel_loop3A_727 = arith.constant 1 : i32
    scf.for %parallel_loop3A_1842 = %parallel_loop3A_725 to %parallel_loop3A_726 step %parallel_loop3A_727  : i32 {
      %parallel_loop3A_1843 = arith.constant 2 : i32
      %parallel_loop3A_1844 = arith.muli %parallel_loop3A_1842, %parallel_loop3A_1843 : i32
      %parallel_loop3A_1845 = arith.constant 0 : i32
      %parallel_loop3A_1846 = arith.addi %parallel_loop3A_1844, %parallel_loop3A_1845 : i32
      %parallel_loop3A_1847 = arith.constant 32 : i32
      %parallel_loop3A_1848 = arith.divsi %parallel_loop3A_1846, %parallel_loop3A_1847 : i32
      %parallel_loop3A_1849 = arith.constant 32 : i32
      %parallel_loop3A_1850 = arith.remsi %parallel_loop3A_1846, %parallel_loop3A_1849 : i32
      %parallel_loop3A_1851 = arith.constant 16 : i32
      %parallel_loop3A_1852 = arith.muli %parallel_loop3A_1850, %parallel_loop3A_1851 : i32
      %parallel_loop3A_1853 = arith.index_cast %parallel_loop3A_1848 : i32 to index
      %parallel_loop3A_1854 = arith.index_cast %parallel_loop3A_1852 : i32 to index
      %parallel_loop3A_1855 = tpu.vector_load %arg7[%parallel_loop3A_1853, %parallel_loop3A_1854] {strides = array<i32>} : memref<32x512xf32, #tpu.memory_space<vmem>>, vector<16xf32>,
      %parallel_loop3A_1856 = arith.index_cast %parallel_loop3A_1848 : i32 to index
      %parallel_loop3A_1857 = arith.index_cast %parallel_loop3A_1852 : i32 to index
      %parallel_loop3A_1858 = tpu.vector_load %arg9[%parallel_loop3A_1856, %parallel_loop3A_1857] {strides = array<i32>} : memref<32x512xf32, #tpu.memory_space<vmem>>, vector<16xf32>,
      %parallel_loop3A_1859 = arith.index_cast %parallel_loop3A_1848 : i32 to index
      %parallel_loop3A_1860 = arith.index_cast %parallel_loop3A_1852 : i32 to index
      %parallel_loop3A_1861 = tpu.vector_load %arg11[%parallel_loop3A_1859, %parallel_loop3A_1860] {strides = array<i32>} : memref<32x512xf32, #tpu.memory_space<vmem>>, vector<16xf32>,
      %parallel_loop3A_1862 = arith.subf %parallel_loop3A_1858, %parallel_loop3A_1861 : vector<16xf32>
      %parallel_loop3A_1863 = arith.constant 3.200000e+01 : f32
      %parallel_loop3A_1864 = vector.broadcast %parallel_loop3A_1863 : f32 to vector<16xf32>
      %parallel_loop3A_1865 = arith.mulf %parallel_loop3A_1855, %parallel_loop3A_1864 : vector<16xf32>
      %parallel_loop3A_1866 = arith.fptosi %parallel_loop3A_1865 : vector<16xf32> to vector<16xi32>
      %parallel_loop3A_1867 = arith.constant 0 : i32
      %parallel_loop3A_1868 = vector.broadcast %parallel_loop3A_1867 : i32 to vector<16xi32>
      %parallel_loop3A_1869 = arith.maxsi %parallel_loop3A_1866, %parallel_loop3A_1868 : vector<16xi32>
      %parallel_loop3A_1870 = arith.constant 31 : i32
      %parallel_loop3A_1871 = vector.broadcast %parallel_loop3A_1870 : i32 to vector<16xi32>
      %parallel_loop3A_1872 = arith.minsi %parallel_loop3A_1869, %parallel_loop3A_1871 : vector<16xi32>
      %parallel_loop3A_1873 = arith.constant 16 : i32
      %parallel_loop3A_1874 = vector.broadcast %parallel_loop3A_1873 : i32 to vector<16xi32>
      %parallel_loop3A_1875 = arith.muli %parallel_loop3A_1872, %parallel_loop3A_1874 : vector<16xi32>
      %parallel_loop3A_1876 = arith.addi %add3A_724, %parallel_loop3A_1875 : vector<16xi32>
      tpu.vector_store_idx %arg13[%parallel_loop3A_1876], %parallel_loop3A_1862 {add = true} : memref<1536xf32, #tpu.memory_space<vmem>>[vector<16xi32>], vector<16xf32>,
      tpu.vector_store_idx %arg15[%parallel_loop3A_1876], %broadcast_in_dim3A_3 {add = true} : memref<1536xf32, #tpu.memory_space<vmem>>[vector<16xi32>], vector<16xf32>,
      %parallel_loop3A_1877 = arith.constant 2 : i32
      %parallel_loop3A_1878 = arith.muli %parallel_loop3A_1842, %parallel_loop3A_1877 : i32
      %parallel_loop3A_1879 = arith.constant 1 : i32
      %parallel_loop3A_1880 = arith.addi %parallel_loop3A_1878, %parallel_loop3A_1879 : i32
      %parallel_loop3A_1881 = arith.constant 32 : i32
      %parallel_loop3A_1882 = arith.divsi %parallel_loop3A_1880, %parallel_loop3A_1881 : i32
      %parallel_loop3A_1883 = arith.constant 32 : i32
      %parallel_loop3A_1884 = arith.remsi %parallel_loop3A_1880, %parallel_loop3A_1883 : i32
      %parallel_loop3A_1885 = arith.constant 16 : i32
      %parallel_loop3A_1886 = arith.muli %parallel_loop3A_1884, %parallel_loop3A_1885 : i32
      %parallel_loop3A_1887 = arith.index_cast %parallel_loop3A_1882 : i32 to index
      %parallel_loop3A_1888 = arith.index_cast %parallel_loop3A_1886 : i32 to index
      %parallel_loop3A_1889 = tpu.vector_load %arg7[%parallel_loop3A_1887, %parallel_loop3A_1888] {strides = array<i32>} : memref<32x512xf32, #tpu.memory_space<vmem>>, vector<16xf32>,
      %parallel_loop3A_1890 = arith.index_cast %parallel_loop3A_1882 : i32 to index
      %parallel_loop3A_1891 = arith.index_cast %parallel_loop3A_1886 : i32 to index
      %parallel_loop3A_1892 = tpu.vector_load %arg9[%parallel_loop3A_1890, %parallel_loop3A_1891] {strides = array<i32>} : memref<32x512xf32, #tpu.memory_space<vmem>>, vector<16xf32>,
      %parallel_loop3A_1893 = arith.index_cast %parallel_loop3A_1882 : i32 to index
      %parallel_loop3A_1894 = arith.index_cast %parallel_loop3A_1886 : i32 to index
      %parallel_loop3A_1895 = tpu.vector_load %arg11[%parallel_loop3A_1893, %parallel_loop3A_1894] {strides = array<i32>} : memref<32x512xf32, #tpu.memory_space<vmem>>, vector<16xf32>,
      %parallel_loop3A_1896 = arith.subf %parallel_loop3A_1892, %parallel_loop3A_1895 : vector<16xf32>
      %parallel_loop3A_1897 = arith.constant 3.200000e+01 : f32
      %parallel_loop3A_1898 = vector.broadcast %parallel_loop3A_1897 : f32 to vector<16xf32>
      %parallel_loop3A_1899 = arith.mulf %parallel_loop3A_1889, %parallel_loop3A_1898 : vector<16xf32>
      %parallel_loop3A_1900 = arith.fptosi %parallel_loop3A_1899 : vector<16xf32> to vector<16xi32>
      %parallel_loop3A_1901 = arith.constant 0 : i32
      %parallel_loop3A_1902 = vector.broadcast %parallel_loop3A_1901 : i32 to vector<16xi32>
      %parallel_loop3A_1903 = arith.maxsi %parallel_loop3A_1900, %parallel_loop3A_1902 : vector<16xi32>
      %parallel_loop3A_1904 = arith.constant 31 : i32
      %parallel_loop3A_1905 = vector.broadcast %parallel_loop3A_1904 : i32 to vector<16xi32>
      %parallel_loop3A_1906 = arith.minsi %parallel_loop3A_1903, %parallel_loop3A_1905 : vector<16xi32>
      %parallel_loop3A_1907 = arith.constant 16 : i32
      %parallel_loop3A_1908 = vector.broadcast %parallel_loop3A_1907 : i32 to vector<16xi32>
      %parallel_loop3A_1909 = arith.muli %parallel_loop3A_1906, %parallel_loop3A_1908 : vector<16xi32>
      %parallel_loop3A_1910 = arith.addi %add3A_724, %parallel_loop3A_1909 : vector<16xi32>
      tpu.vector_store_idx %arg14[%parallel_loop3A_1910], %parallel_loop3A_1896 {add = true} : memref<1536xf32, #tpu.memory_space<vmem>>[vector<16xi32>], vector<16xf32>,
      tpu.vector_store_idx %arg16[%parallel_loop3A_1910], %broadcast_in_dim3A_3 {add = true} : memref<1536xf32, #tpu.memory_space<vmem>>[vector<16xi32>], vector<16xf32>,
    } {sc.loop_unroll_factor = 4 : i64, sc.parallel_access}
    %dma_wait3A_728 = arith.constant 0 : i32
    %dma_wait3A_729 = tpu.memref_slice %arg2[%div3A_670, %add3A_676, %dma_wait3A_728] : memref<24x512x512xf32, #tpu.memory_space<hbm>> -> memref<1x32x512xf32, #tpu.memory_space<hbm>>
    %dma_wait3A_730 = tpu.memref_squeeze %dma_wait3A_729 : memref<1x32x512xf32, #tpu.memory_space<hbm>> -> memref<32x512xf32, #tpu.memory_space<hbm>>
    %dma_wait3A_731 = arith.constant 0 : i32
    %dma_wait3A_732 = tpu.memref_slice %arg2[%div3A_670, %add3A_676, %dma_wait3A_731] : memref<24x512x512xf32, #tpu.memory_space<hbm>> -> memref<1x32x512xf32, #tpu.memory_space<hbm>>
    %dma_wait3A_733 = tpu.memref_squeeze %dma_wait3A_732 : memref<1x32x512xf32, #tpu.memory_space<hbm>> -> memref<32x512xf32, #tpu.memory_space<hbm>>
    tpu.wait_dma2 semaphore(%arg20 : memref<!tpu.dma_semaphore, #tpu.memory_space<semaphore_mem>>) src(%dma_wait3A_733 : memref<32x512xf32, #tpu.memory_space<hbm>>) dst(%arg8 : memref<32x512xf32, #tpu.memory_space<vmem>>)
    %dma_wait3A_734 = arith.constant 0 : i32
    %dma_wait3A_735 = tpu.memref_slice %arg3[%div3A_670, %add3A_676, %dma_wait3A_734] : memref<24x512x512xf32, #tpu.memory_space<hbm>> -> memref<1x32x512xf32, #tpu.memory_space<hbm>>
    %dma_wait3A_736 = tpu.memref_squeeze %dma_wait3A_735 : memref<1x32x512xf32, #tpu.memory_space<hbm>> -> memref<32x512xf32, #tpu.memory_space<hbm>>
    %dma_wait3A_737 = arith.constant 0 : i32
    %dma_wait3A_738 = tpu.memref_slice %arg3[%div3A_670, %add3A_676, %dma_wait3A_737] : memref<24x512x512xf32, #tpu.memory_space<hbm>> -> memref<1x32x512xf32, #tpu.memory_space<hbm>>
    %dma_wait3A_739 = tpu.memref_squeeze %dma_wait3A_738 : memref<1x32x512xf32, #tpu.memory_space<hbm>> -> memref<32x512xf32, #tpu.memory_space<hbm>>
    tpu.wait_dma2 semaphore(%arg20 : memref<!tpu.dma_semaphore, #tpu.memory_space<semaphore_mem>>) src(%dma_wait3A_739 : memref<32x512xf32, #tpu.memory_space<hbm>>) dst(%arg10 : memref<32x512xf32, #tpu.memory_space<vmem>>)
    %dma_wait3A_740 = arith.constant 0 : i32
    %dma_wait3A_741 = tpu.memref_slice %arg4[%div3A_670, %add3A_676, %dma_wait3A_740] : memref<24x512x512xf32, #tpu.memory_space<hbm>> -> memref<1x32x512xf32, #tpu.memory_space<hbm>>
    %dma_wait3A_742 = tpu.memref_squeeze %dma_wait3A_741 : memref<1x32x512xf32, #tpu.memory_space<hbm>> -> memref<32x512xf32, #tpu.memory_space<hbm>>
    %dma_wait3A_743 = arith.constant 0 : i32
    %dma_wait3A_744 = tpu.memref_slice %arg4[%div3A_670, %add3A_676, %dma_wait3A_743] : memref<24x512x512xf32, #tpu.memory_space<hbm>> -> memref<1x32x512xf32, #tpu.memory_space<hbm>>
    %dma_wait3A_745 = tpu.memref_squeeze %dma_wait3A_744 : memref<1x32x512xf32, #tpu.memory_space<hbm>> -> memref<32x512xf32, #tpu.memory_space<hbm>>
    tpu.wait_dma2 semaphore(%arg20 : memref<!tpu.dma_semaphore, #tpu.memory_space<semaphore_mem>>) src(%dma_wait3A_745 : memref<32x512xf32, #tpu.memory_space<hbm>>) dst(%arg12 : memref<32x512xf32, #tpu.memory_space<vmem>>)
    %mul3A_746 = arith.constant 3 : i32
    %mul3A_747 = arith.muli %add3A, %mul3A_746 : i32
    %add3A_748 = arith.constant 2 : i32
    %add3A_749 = arith.addi %mul3A_747, %add3A_748 : i32
    %div3A_750 = arith.constant 4 : i32
    %div3A_751 = arith.divsi %add3A_749, %div3A_750 : i32
    %rem3A_752 = arith.constant 3 : i32
    %rem3A_753 = arith.remsi %div3A_751, %rem3A_752 : i32
    %mul3A_754 = arith.constant 512 : i32
    %mul3A_755 = arith.muli %rem3A_753, %mul3A_754 : i32
    %add3A_756 = vector.broadcast %mul3A_755 : i32 to vector<16xi32>
    %add3A_757 = arith.addi %iota3A, %add3A_756 : vector<16xi32>
    %parallel_loop3A_758 = arith.constant 0 : i32
    %parallel_loop3A_759 = arith.constant 512 : i32
    %parallel_loop3A_760 = arith.constant 1 : i32
    scf.for %parallel_loop3A_1842 = %parallel_loop3A_758 to %parallel_loop3A_759 step %parallel_loop3A_760  : i32 {
      %parallel_loop3A_1843 = arith.constant 2 : i32
      %parallel_loop3A_1844 = arith.muli %parallel_loop3A_1842, %parallel_loop3A_1843 : i32
      %parallel_loop3A_1845 = arith.constant 0 : i32
      %parallel_loop3A_1846 = arith.addi %parallel_loop3A_1844, %parallel_loop3A_1845 : i32
      %parallel_loop3A_1847 = arith.constant 32 : i32
      %parallel_loop3A_1848 = arith.divsi %parallel_loop3A_1846, %parallel_loop3A_1847 : i32
      %parallel_loop3A_1849 = arith.constant 32 : i32
      %parallel_loop3A_1850 = arith.remsi %parallel_loop3A_1846, %parallel_loop3A_1849 : i32
      %parallel_loop3A_1851 = arith.constant 16 : i32
      %parallel_loop3A_1852 = arith.muli %parallel_loop3A_1850, %parallel_loop3A_1851 : i32
      %parallel_loop3A_1853 = arith.index_cast %parallel_loop3A_1848 : i32 to index
      %parallel_loop3A_1854 = arith.index_cast %parallel_loop3A_1852 : i32 to index
      %parallel_loop3A_1855 = tpu.vector_load %arg8[%parallel_loop3A_1853, %parallel_loop3A_1854] {strides = array<i32>} : memref<32x512xf32, #tpu.memory_space<vmem>>, vector<16xf32>,
      %parallel_loop3A_1856 = arith.index_cast %parallel_loop3A_1848 : i32 to index
      %parallel_loop3A_1857 = arith.index_cast %parallel_loop3A_1852 : i32 to index
      %parallel_loop3A_1858 = tpu.vector_load %arg10[%parallel_loop3A_1856, %parallel_loop3A_1857] {strides = array<i32>} : memref<32x512xf32, #tpu.memory_space<vmem>>, vector<16xf32>,
      %parallel_loop3A_1859 = arith.index_cast %parallel_loop3A_1848 : i32 to index
      %parallel_loop3A_1860 = arith.index_cast %parallel_loop3A_1852 : i32 to index
      %parallel_loop3A_1861 = tpu.vector_load %arg12[%parallel_loop3A_1859, %parallel_loop3A_1860] {strides = array<i32>} : memref<32x512xf32, #tpu.memory_space<vmem>>, vector<16xf32>,
      %parallel_loop3A_1862 = arith.subf %parallel_loop3A_1858, %parallel_loop3A_1861 : vector<16xf32>
      %parallel_loop3A_1863 = arith.constant 3.200000e+01 : f32
      %parallel_loop3A_1864 = vector.broadcast %parallel_loop3A_1863 : f32 to vector<16xf32>
      %parallel_loop3A_1865 = arith.mulf %parallel_loop3A_1855, %parallel_loop3A_1864 : vector<16xf32>
      %parallel_loop3A_1866 = arith.fptosi %parallel_loop3A_1865 : vector<16xf32> to vector<16xi32>
      %parallel_loop3A_1867 = arith.constant 0 : i32
      %parallel_loop3A_1868 = vector.broadcast %parallel_loop3A_1867 : i32 to vector<16xi32>
      %parallel_loop3A_1869 = arith.maxsi %parallel_loop3A_1866, %parallel_loop3A_1868 : vector<16xi32>
      %parallel_loop3A_1870 = arith.constant 31 : i32
      %parallel_loop3A_1871 = vector.broadcast %parallel_loop3A_1870 : i32 to vector<16xi32>
      %parallel_loop3A_1872 = arith.minsi %parallel_loop3A_1869, %parallel_loop3A_1871 : vector<16xi32>
      %parallel_loop3A_1873 = arith.constant 16 : i32
      %parallel_loop3A_1874 = vector.broadcast %parallel_loop3A_1873 : i32 to vector<16xi32>
      %parallel_loop3A_1875 = arith.muli %parallel_loop3A_1872, %parallel_loop3A_1874 : vector<16xi32>
      %parallel_loop3A_1876 = arith.addi %add3A_757, %parallel_loop3A_1875 : vector<16xi32>
      tpu.vector_store_idx %arg13[%parallel_loop3A_1876], %parallel_loop3A_1862 {add = true} : memref<1536xf32, #tpu.memory_space<vmem>>[vector<16xi32>], vector<16xf32>,
      tpu.vector_store_idx %arg15[%parallel_loop3A_1876], %broadcast_in_dim3A_3 {add = true} : memref<1536xf32, #tpu.memory_space<vmem>>[vector<16xi32>], vector<16xf32>,
      %parallel_loop3A_1877 = arith.constant 2 : i32
      %parallel_loop3A_1878 = arith.muli %parallel_loop3A_1842, %parallel_loop3A_1877 : i32
      %parallel_loop3A_1879 = arith.constant 1 : i32
      %parallel_loop3A_1880 = arith.addi %parallel_loop3A_1878, %parallel_loop3A_1879 : i32
      %parallel_loop3A_1881 = arith.constant 32 : i32
      %parallel_loop3A_1882 = arith.divsi %parallel_loop3A_1880, %parallel_loop3A_1881 : i32
      %parallel_loop3A_1883 = arith.constant 32 : i32
      %parallel_loop3A_1884 = arith.remsi %parallel_loop3A_1880, %parallel_loop3A_1883 : i32
      %parallel_loop3A_1885 = arith.constant 16 : i32
      %parallel_loop3A_1886 = arith.muli %parallel_loop3A_1884, %parallel_loop3A_1885 : i32
      %parallel_loop3A_1887 = arith.index_cast %parallel_loop3A_1882 : i32 to index
      %parallel_loop3A_1888 = arith.index_cast %parallel_loop3A_1886 : i32 to index
      %parallel_loop3A_1889 = tpu.vector_load %arg8[%parallel_loop3A_1887, %parallel_loop3A_1888] {strides = array<i32>} : memref<32x512xf32, #tpu.memory_space<vmem>>, vector<16xf32>,
      %parallel_loop3A_1890 = arith.index_cast %parallel_loop3A_1882 : i32 to index
      %parallel_loop3A_1891 = arith.index_cast %parallel_loop3A_1886 : i32 to index
      %parallel_loop3A_1892 = tpu.vector_load %arg10[%parallel_loop3A_1890, %parallel_loop3A_1891] {strides = array<i32>} : memref<32x512xf32, #tpu.memory_space<vmem>>, vector<16xf32>,
      %parallel_loop3A_1893 = arith.index_cast %parallel_loop3A_1882 : i32 to index
      %parallel_loop3A_1894 = arith.index_cast %parallel_loop3A_1886 : i32 to index
      %parallel_loop3A_1895 = tpu.vector_load %arg12[%parallel_loop3A_1893, %parallel_loop3A_1894] {strides = array<i32>} : memref<32x512xf32, #tpu.memory_space<vmem>>, vector<16xf32>,
      %parallel_loop3A_1896 = arith.subf %parallel_loop3A_1892, %parallel_loop3A_1895 : vector<16xf32>
      %parallel_loop3A_1897 = arith.constant 3.200000e+01 : f32
      %parallel_loop3A_1898 = vector.broadcast %parallel_loop3A_1897 : f32 to vector<16xf32>
      %parallel_loop3A_1899 = arith.mulf %parallel_loop3A_1889, %parallel_loop3A_1898 : vector<16xf32>
      %parallel_loop3A_1900 = arith.fptosi %parallel_loop3A_1899 : vector<16xf32> to vector<16xi32>
      %parallel_loop3A_1901 = arith.constant 0 : i32
      %parallel_loop3A_1902 = vector.broadcast %parallel_loop3A_1901 : i32 to vector<16xi32>
      %parallel_loop3A_1903 = arith.maxsi %parallel_loop3A_1900, %parallel_loop3A_1902 : vector<16xi32>
      %parallel_loop3A_1904 = arith.constant 31 : i32
      %parallel_loop3A_1905 = vector.broadcast %parallel_loop3A_1904 : i32 to vector<16xi32>
      %parallel_loop3A_1906 = arith.minsi %parallel_loop3A_1903, %parallel_loop3A_1905 : vector<16xi32>
      %parallel_loop3A_1907 = arith.constant 16 : i32
      %parallel_loop3A_1908 = vector.broadcast %parallel_loop3A_1907 : i32 to vector<16xi32>
      %parallel_loop3A_1909 = arith.muli %parallel_loop3A_1906, %parallel_loop3A_1908 : vector<16xi32>
      %parallel_loop3A_1910 = arith.addi %add3A_757, %parallel_loop3A_1909 : vector<16xi32>
      tpu.vector_store_idx %arg14[%parallel_loop3A_1910], %parallel_loop3A_1896 {add = true} : memref<1536xf32, #tpu.memory_space<vmem>>[vector<16xi32>], vector<16xf32>,
      tpu.vector_store_idx %arg16[%parallel_loop3A_1910], %broadcast_in_dim3A_3 {add = true} : memref<1536xf32, #tpu.memory_space<vmem>>[vector<16xi32>], vector<16xf32>,
    } {sc.loop_unroll_factor = 4 : i64, sc.parallel_access}
    %mul3A_761 = arith.constant 16 : i32
    %mul3A_762 = vector.broadcast %mul3A_761 : i32 to vector<16xi32>
    %mul3A_763 = arith.muli %iota3A, %mul3A_762 : vector<16xi32>
    %add3A_764 = arith.constant 0 : i32
    %add3A_765 = vector.broadcast %add3A_764 : i32 to vector<16xi32>
    %add3A_766 = arith.addi %mul3A_763, %add3A_765 : vector<16xi32>
    %gather3A = tpu.vector_load_idx %arg13[%add3A_766] : memref<1536xf32, #tpu.memory_space<vmem>>[vector<16xi32>], vector<16xf32>,
    %add3A_767 = arith.addf %broadcast_in_dim3A_1, %gather3A : vector<16xf32>
    %gather3A_768 = tpu.vector_load_idx %arg14[%add3A_766] : memref<1536xf32, #tpu.memory_space<vmem>>[vector<16xi32>], vector<16xf32>,
    %add3A_769 = arith.addf %add3A_767, %gather3A_768 : vector<16xf32>
    %gather3A_770 = tpu.vector_load_idx %arg15[%add3A_766] : memref<1536xf32, #tpu.memory_space<vmem>>[vector<16xi32>], vector<16xf32>,
    %add3A_771 = arith.addf %broadcast_in_dim3A_1, %gather3A_770 : vector<16xf32>
    %gather3A_772 = tpu.vector_load_idx %arg16[%add3A_766] : memref<1536xf32, #tpu.memory_space<vmem>>[vector<16xi32>], vector<16xf32>,
    %add3A_773 = arith.addf %add3A_771, %gather3A_772 : vector<16xf32>
    %add3A_774 = arith.constant 1 : i32
    %add3A_775 = vector.broadcast %add3A_774 : i32 to vector<16xi32>
    %add3A_776 = arith.addi %mul3A_763, %add3A_775 : vector<16xi32>
    %gather3A_777 = tpu.vector_load_idx %arg13[%add3A_776] : memref<1536xf32, #tpu.memory_space<vmem>>[vector<16xi32>], vector<16xf32>,
    %add3A_778 = arith.addf %add3A_769, %gather3A_777 : vector<16xf32>
    %gather3A_779 = tpu.vector_load_idx %arg14[%add3A_776] : memref<1536xf32, #tpu.memory_space<vmem>>[vector<16xi32>], vector<16xf32>,
    %add3A_780 = arith.addf %add3A_778, %gather3A_779 : vector<16xf32>
    %gather3A_781 = tpu.vector_load_idx %arg15[%add3A_776] : memref<1536xf32, #tpu.memory_space<vmem>>[vector<16xi32>], vector<16xf32>,
    %add3A_782 = arith.addf %add3A_773, %gather3A_781 : vector<16xf32>
    %gather3A_783 = tpu.vector_load_idx %arg16[%add3A_776] : memref<1536xf32, #tpu.memory_space<vmem>>[vector<16xi32>], vector<16xf32>,
    %add3A_784 = arith.addf %add3A_782, %gather3A_783 : vector<16xf32>
    %add3A_785 = arith.constant 2 : i32
    %add3A_786 = vector.broadcast %add3A_785 : i32 to vector<16xi32>
    %add3A_787 = arith.addi %mul3A_763, %add3A_786 : vector<16xi32>
    %gather3A_788 = tpu.vector_load_idx %arg13[%add3A_787] : memref<1536xf32, #tpu.memory_space<vmem>>[vector<16xi32>], vector<16xf32>,
    %add3A_789 = arith.addf %add3A_780, %gather3A_788 : vector<16xf32>
    %gather3A_790 = tpu.vector_load_idx %arg14[%add3A_787] : memref<1536xf32, #tpu.memory_space<vmem>>[vector<16xi32>], vector<16xf32>,
    %add3A_791 = arith.addf %add3A_789, %gather3A_790 : vector<16xf32>
    %gather3A_792 = tpu.vector_load_idx %arg15[%add3A_787] : memref<1536xf32, #tpu.memory_space<vmem>>[vector<16xi32>], vector<16xf32>,
    %add3A_793 = arith.addf %add3A_784, %gather3A_792 : vector<16xf32>
    %gather3A_794 = tpu.vector_load_idx %arg16[%add3A_787] : memref<1536xf32, #tpu.memory_space<vmem>>[vector<16xi32>], vector<16xf32>,
    %add3A_795 = arith.addf %add3A_793, %gather3A_794 : vector<16xf32>
    %add3A_796 = arith.constant 3 : i32
    %add3A_797 = vector.broadcast %add3A_796 : i32 to vector<16xi32>
    %add3A_798 = arith.addi %mul3A_763, %add3A_797 : vector<16xi32>
    %gather3A_799 = tpu.vector_load_idx %arg13[%add3A_798] : memref<1536xf32, #tpu.memory_space<vmem>>[vector<16xi32>], vector<16xf32>,
    %add3A_800 = arith.addf %add3A_791, %gather3A_799 : vector<16xf32>
    %gather3A_801 = tpu.vector_load_idx %arg14[%add3A_798] : memref<1536xf32, #tpu.memory_space<vmem>>[vector<16xi32>], vector<16xf32>,
    %add3A_802 = arith.addf %add3A_800, %gather3A_801 : vector<16xf32>
    %gather3A_803 = tpu.vector_load_idx %arg15[%add3A_798] : memref<1536xf32, #tpu.memory_space<vmem>>[vector<16xi32>], vector<16xf32>,
    %add3A_804 = arith.addf %add3A_795, %gather3A_803 : vector<16xf32>
    %gather3A_805 = tpu.vector_load_idx %arg16[%add3A_798] : memref<1536xf32, #tpu.memory_space<vmem>>[vector<16xi32>], vector<16xf32>,
    %add3A_806 = arith.addf %add3A_804, %gather3A_805 : vector<16xf32>
    %add3A_807 = arith.constant 4 : i32
    %add3A_808 = vector.broadcast %add3A_807 : i32 to vector<16xi32>
    %add3A_809 = arith.addi %mul3A_763, %add3A_808 : vector<16xi32>
    %gather3A_810 = tpu.vector_load_idx %arg13[%add3A_809] : memref<1536xf32, #tpu.memory_space<vmem>>[vector<16xi32>], vector<16xf32>,
    %add3A_811 = arith.addf %add3A_802, %gather3A_810 : vector<16xf32>
    %gather3A_812 = tpu.vector_load_idx %arg14[%add3A_809] : memref<1536xf32, #tpu.memory_space<vmem>>[vector<16xi32>], vector<16xf32>,
    %add3A_813 = arith.addf %add3A_811, %gather3A_812 : vector<16xf32>
    %gather3A_814 = tpu.vector_load_idx %arg15[%add3A_809] : memref<1536xf32, #tpu.memory_space<vmem>>[vector<16xi32>], vector<16xf32>,
    %add3A_815 = arith.addf %add3A_806, %gather3A_814 : vector<16xf32>
    %gather3A_816 = tpu.vector_load_idx %arg16[%add3A_809] : memref<1536xf32, #tpu.memory_space<vmem>>[vector<16xi32>], vector<16xf32>,
    %add3A_817 = arith.addf %add3A_815, %gather3A_816 : vector<16xf32>
    %add3A_818 = arith.constant 5 : i32
    %add3A_819 = vector.broadcast %add3A_818 : i32 to vector<16xi32>
    %add3A_820 = arith.addi %mul3A_763, %add3A_819 : vector<16xi32>
    %gather3A_821 = tpu.vector_load_idx %arg13[%add3A_820] : memref<1536xf32, #tpu.memory_space<vmem>>[vector<16xi32>], vector<16xf32>,
    %add3A_822 = arith.addf %add3A_813, %gather3A_821 : vector<16xf32>
    %gather3A_823 = tpu.vector_load_idx %arg14[%add3A_820] : memref<1536xf32, #tpu.memory_space<vmem>>[vector<16xi32>], vector<16xf32>,
    %add3A_824 = arith.addf %add3A_822, %gather3A_823 : vector<16xf32>
    %gather3A_825 = tpu.vector_load_idx %arg15[%add3A_820] : memref<1536xf32, #tpu.memory_space<vmem>>[vector<16xi32>], vector<16xf32>,
    %add3A_826 = arith.addf %add3A_817, %gather3A_825 : vector<16xf32>
    %gather3A_827 = tpu.vector_load_idx %arg16[%add3A_820] : memref<1536xf32, #tpu.memory_space<vmem>>[vector<16xi32>], vector<16xf32>,
    %add3A_828 = arith.addf %add3A_826, %gather3A_827 : vector<16xf32>
    %add3A_829 = arith.constant 6 : i32
    %add3A_830 = vector.broadcast %add3A_829 : i32 to vector<16xi32>
    %add3A_831 = arith.addi %mul3A_763, %add3A_830 : vector<16xi32>
    %gather3A_832 = tpu.vector_load_idx %arg13[%add3A_831] : memref<1536xf32, #tpu.memory_space<vmem>>[vector<16xi32>], vector<16xf32>,
    %add3A_833 = arith.addf %add3A_824, %gather3A_832 : vector<16xf32>
    %gather3A_834 = tpu.vector_load_idx %arg14[%add3A_831] : memref<1536xf32, #tpu.memory_space<vmem>>[vector<16xi32>], vector<16xf32>,
    %add3A_835 = arith.addf %add3A_833, %gather3A_834 : vector<16xf32>
    %gather3A_836 = tpu.vector_load_idx %arg15[%add3A_831] : memref<1536xf32, #tpu.memory_space<vmem>>[vector<16xi32>], vector<16xf32>,
    %add3A_837 = arith.addf %add3A_828, %gather3A_836 : vector<16xf32>
    %gather3A_838 = tpu.vector_load_idx %arg16[%add3A_831] : memref<1536xf32, #tpu.memory_space<vmem>>[vector<16xi32>], vector<16xf32>,
    %add3A_839 = arith.addf %add3A_837, %gather3A_838 : vector<16xf32>
    %add3A_840 = arith.constant 7 : i32
    %add3A_841 = vector.broadcast %add3A_840 : i32 to vector<16xi32>
    %add3A_842 = arith.addi %mul3A_763, %add3A_841 : vector<16xi32>
    %gather3A_843 = tpu.vector_load_idx %arg13[%add3A_842] : memref<1536xf32, #tpu.memory_space<vmem>>[vector<16xi32>], vector<16xf32>,
    %add3A_844 = arith.addf %add3A_835, %gather3A_843 : vector<16xf32>
    %gather3A_845 = tpu.vector_load_idx %arg14[%add3A_842] : memref<1536xf32, #tpu.memory_space<vmem>>[vector<16xi32>], vector<16xf32>,
    %add3A_846 = arith.addf %add3A_844, %gather3A_845 : vector<16xf32>
    %gather3A_847 = tpu.vector_load_idx %arg15[%add3A_842] : memref<1536xf32, #tpu.memory_space<vmem>>[vector<16xi32>], vector<16xf32>,
    %add3A_848 = arith.addf %add3A_839, %gather3A_847 : vector<16xf32>
    %gather3A_849 = tpu.vector_load_idx %arg16[%add3A_842] : memref<1536xf32, #tpu.memory_space<vmem>>[vector<16xi32>], vector<16xf32>,
    %add3A_850 = arith.addf %add3A_848, %gather3A_849 : vector<16xf32>
    %add3A_851 = arith.constant 8 : i32
    %add3A_852 = vector.broadcast %add3A_851 : i32 to vector<16xi32>
    %add3A_853 = arith.addi %mul3A_763, %add3A_852 : vector<16xi32>
    %gather3A_854 = tpu.vector_load_idx %arg13[%add3A_853] : memref<1536xf32, #tpu.memory_space<vmem>>[vector<16xi32>], vector<16xf32>,
    %add3A_855 = arith.addf %add3A_846, %gather3A_854 : vector<16xf32>
    %gather3A_856 = tpu.vector_load_idx %arg14[%add3A_853] : memref<1536xf32, #tpu.memory_space<vmem>>[vector<16xi32>], vector<16xf32>,
    %add3A_857 = arith.addf %add3A_855, %gather3A_856 : vector<16xf32>
    %gather3A_858 = tpu.vector_load_idx %arg15[%add3A_853] : memref<1536xf32, #tpu.memory_space<vmem>>[vector<16xi32>], vector<16xf32>,
    %add3A_859 = arith.addf %add3A_850, %gather3A_858 : vector<16xf32>
    %gather3A_860 = tpu.vector_load_idx %arg16[%add3A_853] : memref<1536xf32, #tpu.memory_space<vmem>>[vector<16xi32>], vector<16xf32>,
    %add3A_861 = arith.addf %add3A_859, %gather3A_860 : vector<16xf32>
    %add3A_862 = arith.constant 9 : i32
    %add3A_863 = vector.broadcast %add3A_862 : i32 to vector<16xi32>
    %add3A_864 = arith.addi %mul3A_763, %add3A_863 : vector<16xi32>
    %gather3A_865 = tpu.vector_load_idx %arg13[%add3A_864] : memref<1536xf32, #tpu.memory_space<vmem>>[vector<16xi32>], vector<16xf32>,
    %add3A_866 = arith.addf %add3A_857, %gather3A_865 : vector<16xf32>
    %gather3A_867 = tpu.vector_load_idx %arg14[%add3A_864] : memref<1536xf32, #tpu.memory_space<vmem>>[vector<16xi32>], vector<16xf32>,
    %add3A_868 = arith.addf %add3A_866, %gather3A_867 : vector<16xf32>
    %gather3A_869 = tpu.vector_load_idx %arg15[%add3A_864] : memref<1536xf32, #tpu.memory_space<vmem>>[vector<16xi32>], vector<16xf32>,
    %add3A_870 = arith.addf %add3A_861, %gather3A_869 : vector<16xf32>
    %gather3A_871 = tpu.vector_load_idx %arg16[%add3A_864] : memref<1536xf32, #tpu.memory_space<vmem>>[vector<16xi32>], vector<16xf32>,
    %add3A_872 = arith.addf %add3A_870, %gather3A_871 : vector<16xf32>
    %add3A_873 = arith.constant 10 : i32
    %add3A_874 = vector.broadcast %add3A_873 : i32 to vector<16xi32>
    %add3A_875 = arith.addi %mul3A_763, %add3A_874 : vector<16xi32>
    %gather3A_876 = tpu.vector_load_idx %arg13[%add3A_875] : memref<1536xf32, #tpu.memory_space<vmem>>[vector<16xi32>], vector<16xf32>,
    %add3A_877 = arith.addf %add3A_868, %gather3A_876 : vector<16xf32>
    %gather3A_878 = tpu.vector_load_idx %arg14[%add3A_875] : memref<1536xf32, #tpu.memory_space<vmem>>[vector<16xi32>], vector<16xf32>,
    %add3A_879 = arith.addf %add3A_877, %gather3A_878 : vector<16xf32>
    %gather3A_880 = tpu.vector_load_idx %arg15[%add3A_875] : memref<1536xf32, #tpu.memory_space<vmem>>[vector<16xi32>], vector<16xf32>,
    %add3A_881 = arith.addf %add3A_872, %gather3A_880 : vector<16xf32>
    %gather3A_882 = tpu.vector_load_idx %arg16[%add3A_875] : memref<1536xf32, #tpu.memory_space<vmem>>[vector<16xi32>], vector<16xf32>,
    %add3A_883 = arith.addf %add3A_881, %gather3A_882 : vector<16xf32>
    %add3A_884 = arith.constant 11 : i32
    %add3A_885 = vector.broadcast %add3A_884 : i32 to vector<16xi32>
    %add3A_886 = arith.addi %mul3A_763, %add3A_885 : vector<16xi32>
    %gather3A_887 = tpu.vector_load_idx %arg13[%add3A_886] : memref<1536xf32, #tpu.memory_space<vmem>>[vector<16xi32>], vector<16xf32>,
    %add3A_888 = arith.addf %add3A_879, %gather3A_887 : vector<16xf32>
    %gather3A_889 = tpu.vector_load_idx %arg14[%add3A_886] : memref<1536xf32, #tpu.memory_space<vmem>>[vector<16xi32>], vector<16xf32>,
    %add3A_890 = arith.addf %add3A_888, %gather3A_889 : vector<16xf32>
    %gather3A_891 = tpu.vector_load_idx %arg15[%add3A_886] : memref<1536xf32, #tpu.memory_space<vmem>>[vector<16xi32>], vector<16xf32>,
    %add3A_892 = arith.addf %add3A_883, %gather3A_891 : vector<16xf32>
    %gather3A_893 = tpu.vector_load_idx %arg16[%add3A_886] : memref<1536xf32, #tpu.memory_space<vmem>>[vector<16xi32>], vector<16xf32>,
    %add3A_894 = arith.addf %add3A_892, %gather3A_893 : vector<16xf32>
    %add3A_895 = arith.constant 12 : i32
    %add3A_896 = vector.broadcast %add3A_895 : i32 to vector<16xi32>
    %add3A_897 = arith.addi %mul3A_763, %add3A_896 : vector<16xi32>
    %gather3A_898 = tpu.vector_load_idx %arg13[%add3A_897] : memref<1536xf32, #tpu.memory_space<vmem>>[vector<16xi32>], vector<16xf32>,
    %add3A_899 = arith.addf %add3A_890, %gather3A_898 : vector<16xf32>
    %gather3A_900 = tpu.vector_load_idx %arg14[%add3A_897] : memref<1536xf32, #tpu.memory_space<vmem>>[vector<16xi32>], vector<16xf32>,
    %add3A_901 = arith.addf %add3A_899, %gather3A_900 : vector<16xf32>
    %gather3A_902 = tpu.vector_load_idx %arg15[%add3A_897] : memref<1536xf32, #tpu.memory_space<vmem>>[vector<16xi32>], vector<16xf32>,
    %add3A_903 = arith.addf %add3A_894, %gather3A_902 : vector<16xf32>
    %gather3A_904 = tpu.vector_load_idx %arg16[%add3A_897] : memref<1536xf32, #tpu.memory_space<vmem>>[vector<16xi32>], vector<16xf32>,
    %add3A_905 = arith.addf %add3A_903, %gather3A_904 : vector<16xf32>
    %add3A_906 = arith.constant 13 : i32
    %add3A_907 = vector.broadcast %add3A_906 : i32 to vector<16xi32>
    %add3A_908 = arith.addi %mul3A_763, %add3A_907 : vector<16xi32>
    %gather3A_909 = tpu.vector_load_idx %arg13[%add3A_908] : memref<1536xf32, #tpu.memory_space<vmem>>[vector<16xi32>], vector<16xf32>,
    %add3A_910 = arith.addf %add3A_901, %gather3A_909 : vector<16xf32>
    %gather3A_911 = tpu.vector_load_idx %arg14[%add3A_908] : memref<1536xf32, #tpu.memory_space<vmem>>[vector<16xi32>], vector<16xf32>,
    %add3A_912 = arith.addf %add3A_910, %gather3A_911 : vector<16xf32>
    %gather3A_913 = tpu.vector_load_idx %arg15[%add3A_908] : memref<1536xf32, #tpu.memory_space<vmem>>[vector<16xi32>], vector<16xf32>,
    %add3A_914 = arith.addf %add3A_905, %gather3A_913 : vector<16xf32>
    %gather3A_915 = tpu.vector_load_idx %arg16[%add3A_908] : memref<1536xf32, #tpu.memory_space<vmem>>[vector<16xi32>], vector<16xf32>,
    %add3A_916 = arith.addf %add3A_914, %gather3A_915 : vector<16xf32>
    %add3A_917 = arith.constant 14 : i32
    %add3A_918 = vector.broadcast %add3A_917 : i32 to vector<16xi32>
    %add3A_919 = arith.addi %mul3A_763, %add3A_918 : vector<16xi32>
    %gather3A_920 = tpu.vector_load_idx %arg13[%add3A_919] : memref<1536xf32, #tpu.memory_space<vmem>>[vector<16xi32>], vector<16xf32>,
    %add3A_921 = arith.addf %add3A_912, %gather3A_920 : vector<16xf32>
    %gather3A_922 = tpu.vector_load_idx %arg14[%add3A_919] : memref<1536xf32, #tpu.memory_space<vmem>>[vector<16xi32>], vector<16xf32>,
    %add3A_923 = arith.addf %add3A_921, %gather3A_922 : vector<16xf32>
    %gather3A_924 = tpu.vector_load_idx %arg15[%add3A_919] : memref<1536xf32, #tpu.memory_space<vmem>>[vector<16xi32>], vector<16xf32>,
    %add3A_925 = arith.addf %add3A_916, %gather3A_924 : vector<16xf32>
    %gather3A_926 = tpu.vector_load_idx %arg16[%add3A_919] : memref<1536xf32, #tpu.memory_space<vmem>>[vector<16xi32>], vector<16xf32>,
    %add3A_927 = arith.addf %add3A_925, %gather3A_926 : vector<16xf32>
    %add3A_928 = arith.constant 15 : i32
    %add3A_929 = vector.broadcast %add3A_928 : i32 to vector<16xi32>
    %add3A_930 = arith.addi %mul3A_763, %add3A_929 : vector<16xi32>
    %gather3A_931 = tpu.vector_load_idx %arg13[%add3A_930] : memref<1536xf32, #tpu.memory_space<vmem>>[vector<16xi32>], vector<16xf32>,
    %add3A_932 = arith.addf %add3A_923, %gather3A_931 : vector<16xf32>
    %gather3A_933 = tpu.vector_load_idx %arg14[%add3A_930] : memref<1536xf32, #tpu.memory_space<vmem>>[vector<16xi32>], vector<16xf32>,
    %add3A_934 = arith.addf %add3A_932, %gather3A_933 : vector<16xf32>
    %gather3A_935 = tpu.vector_load_idx %arg15[%add3A_930] : memref<1536xf32, #tpu.memory_space<vmem>>[vector<16xi32>], vector<16xf32>,
    %add3A_936 = arith.addf %add3A_927, %gather3A_935 : vector<16xf32>
    %gather3A_937 = tpu.vector_load_idx %arg16[%add3A_930] : memref<1536xf32, #tpu.memory_space<vmem>>[vector<16xi32>], vector<16xf32>,
    %add3A_938 = arith.addf %add3A_936, %gather3A_937 : vector<16xf32>
    %swap3A = arith.constant 0 : index
    %swap3A_939 = tpu.vector_load %arg17[%swap3A] {strides = array<i32>} : memref<96xf32, #tpu.memory_space<vmem>>, vector<16xf32>,
    tpu.vector_store %arg17[%swap3A], %add3A_934 {strides = array<i32>} : memref<96xf32, #tpu.memory_space<vmem>>, vector<16xf32>,
    %swap3A_940 = arith.constant 0 : index
    %swap3A_941 = tpu.vector_load %arg18[%swap3A_940] {strides = array<i32>} : memref<96xf32, #tpu.memory_space<vmem>>, vector<16xf32>,
    tpu.vector_store %arg18[%swap3A_940], %add3A_938 {strides = array<i32>} : memref<96xf32, #tpu.memory_space<vmem>>, vector<16xf32>,
    %add3A_942 = arith.constant 256 : i32
    %add3A_943 = vector.broadcast %add3A_942 : i32 to vector<16xi32>
    %add3A_944 = arith.addi %mul3A_763, %add3A_943 : vector<16xi32>
    %gather3A_945 = tpu.vector_load_idx %arg13[%add3A_944] : memref<1536xf32, #tpu.memory_space<vmem>>[vector<16xi32>], vector<16xf32>,
    %add3A_946 = arith.addf %broadcast_in_dim3A_1, %gather3A_945 : vector<16xf32>
    %gather3A_947 = tpu.vector_load_idx %arg14[%add3A_944] : memref<1536xf32, #tpu.memory_space<vmem>>[vector<16xi32>], vector<16xf32>,
    %add3A_948 = arith.addf %add3A_946, %gather3A_947 : vector<16xf32>
    %gather3A_949 = tpu.vector_load_idx %arg15[%add3A_944] : memref<1536xf32, #tpu.memory_space<vmem>>[vector<16xi32>], vector<16xf32>,
    %add3A_950 = arith.addf %broadcast_in_dim3A_1, %gather3A_949 : vector<16xf32>
    %gather3A_951 = tpu.vector_load_idx %arg16[%add3A_944] : memref<1536xf32, #tpu.memory_space<vmem>>[vector<16xi32>], vector<16xf32>,
    %add3A_952 = arith.addf %add3A_950, %gather3A_951 : vector<16xf32>
    %add3A_953 = arith.constant 257 : i32
    %add3A_954 = vector.broadcast %add3A_953 : i32 to vector<16xi32>
    %add3A_955 = arith.addi %mul3A_763, %add3A_954 : vector<16xi32>
    %gather3A_956 = tpu.vector_load_idx %arg13[%add3A_955] : memref<1536xf32, #tpu.memory_space<vmem>>[vector<16xi32>], vector<16xf32>,
    %add3A_957 = arith.addf %add3A_948, %gather3A_956 : vector<16xf32>
    %gather3A_958 = tpu.vector_load_idx %arg14[%add3A_955] : memref<1536xf32, #tpu.memory_space<vmem>>[vector<16xi32>], vector<16xf32>,
    %add3A_959 = arith.addf %add3A_957, %gather3A_958 : vector<16xf32>
    %gather3A_960 = tpu.vector_load_idx %arg15[%add3A_955] : memref<1536xf32, #tpu.memory_space<vmem>>[vector<16xi32>], vector<16xf32>,
    %add3A_961 = arith.addf %add3A_952, %gather3A_960 : vector<16xf32>
    %gather3A_962 = tpu.vector_load_idx %arg16[%add3A_955] : memref<1536xf32, #tpu.memory_space<vmem>>[vector<16xi32>], vector<16xf32>,
    %add3A_963 = arith.addf %add3A_961, %gather3A_962 : vector<16xf32>
    %add3A_964 = arith.constant 258 : i32
    %add3A_965 = vector.broadcast %add3A_964 : i32 to vector<16xi32>
    %add3A_966 = arith.addi %mul3A_763, %add3A_965 : vector<16xi32>
    %gather3A_967 = tpu.vector_load_idx %arg13[%add3A_966] : memref<1536xf32, #tpu.memory_space<vmem>>[vector<16xi32>], vector<16xf32>,
    %add3A_968 = arith.addf %add3A_959, %gather3A_967 : vector<16xf32>
    %gather3A_969 = tpu.vector_load_idx %arg14[%add3A_966] : memref<1536xf32, #tpu.memory_space<vmem>>[vector<16xi32>], vector<16xf32>,
    %add3A_970 = arith.addf %add3A_968, %gather3A_969 : vector<16xf32>
    %gather3A_971 = tpu.vector_load_idx %arg15[%add3A_966] : memref<1536xf32, #tpu.memory_space<vmem>>[vector<16xi32>], vector<16xf32>,
    %add3A_972 = arith.addf %add3A_963, %gather3A_971 : vector<16xf32>
    %gather3A_973 = tpu.vector_load_idx %arg16[%add3A_966] : memref<1536xf32, #tpu.memory_space<vmem>>[vector<16xi32>], vector<16xf32>,
    %add3A_974 = arith.addf %add3A_972, %gather3A_973 : vector<16xf32>
    %add3A_975 = arith.constant 259 : i32
    %add3A_976 = vector.broadcast %add3A_975 : i32 to vector<16xi32>
    %add3A_977 = arith.addi %mul3A_763, %add3A_976 : vector<16xi32>
    %gather3A_978 = tpu.vector_load_idx %arg13[%add3A_977] : memref<1536xf32, #tpu.memory_space<vmem>>[vector<16xi32>], vector<16xf32>,
    %add3A_979 = arith.addf %add3A_970, %gather3A_978 : vector<16xf32>
    %gather3A_980 = tpu.vector_load_idx %arg14[%add3A_977] : memref<1536xf32, #tpu.memory_space<vmem>>[vector<16xi32>], vector<16xf32>,
    %add3A_981 = arith.addf %add3A_979, %gather3A_980 : vector<16xf32>
    %gather3A_982 = tpu.vector_load_idx %arg15[%add3A_977] : memref<1536xf32, #tpu.memory_space<vmem>>[vector<16xi32>], vector<16xf32>,
    %add3A_983 = arith.addf %add3A_974, %gather3A_982 : vector<16xf32>
    %gather3A_984 = tpu.vector_load_idx %arg16[%add3A_977] : memref<1536xf32, #tpu.memory_space<vmem>>[vector<16xi32>], vector<16xf32>,
    %add3A_985 = arith.addf %add3A_983, %gather3A_984 : vector<16xf32>
    %add3A_986 = arith.constant 260 : i32
    %add3A_987 = vector.broadcast %add3A_986 : i32 to vector<16xi32>
    %add3A_988 = arith.addi %mul3A_763, %add3A_987 : vector<16xi32>
    %gather3A_989 = tpu.vector_load_idx %arg13[%add3A_988] : memref<1536xf32, #tpu.memory_space<vmem>>[vector<16xi32>], vector<16xf32>,
    %add3A_990 = arith.addf %add3A_981, %gather3A_989 : vector<16xf32>
    %gather3A_991 = tpu.vector_load_idx %arg14[%add3A_988] : memref<1536xf32, #tpu.memory_space<vmem>>[vector<16xi32>], vector<16xf32>,
    %add3A_992 = arith.addf %add3A_990, %gather3A_991 : vector<16xf32>
    %gather3A_993 = tpu.vector_load_idx %arg15[%add3A_988] : memref<1536xf32, #tpu.memory_space<vmem>>[vector<16xi32>], vector<16xf32>,
    %add3A_994 = arith.addf %add3A_985, %gather3A_993 : vector<16xf32>
    %gather3A_995 = tpu.vector_load_idx %arg16[%add3A_988] : memref<1536xf32, #tpu.memory_space<vmem>>[vector<16xi32>], vector<16xf32>,
    %add3A_996 = arith.addf %add3A_994, %gather3A_995 : vector<16xf32>
    %add3A_997 = arith.constant 261 : i32
    %add3A_998 = vector.broadcast %add3A_997 : i32 to vector<16xi32>
    %add3A_999 = arith.addi %mul3A_763, %add3A_998 : vector<16xi32>
    %gather3A_1000 = tpu.vector_load_idx %arg13[%add3A_999] : memref<1536xf32, #tpu.memory_space<vmem>>[vector<16xi32>], vector<16xf32>,
    %add3A_1001 = arith.addf %add3A_992, %gather3A_1000 : vector<16xf32>
    %gather3A_1002 = tpu.vector_load_idx %arg14[%add3A_999] : memref<1536xf32, #tpu.memory_space<vmem>>[vector<16xi32>], vector<16xf32>,
    %add3A_1003 = arith.addf %add3A_1001, %gather3A_1002 : vector<16xf32>
    %gather3A_1004 = tpu.vector_load_idx %arg15[%add3A_999] : memref<1536xf32, #tpu.memory_space<vmem>>[vector<16xi32>], vector<16xf32>,
    %add3A_1005 = arith.addf %add3A_996, %gather3A_1004 : vector<16xf32>
    %gather3A_1006 = tpu.vector_load_idx %arg16[%add3A_999] : memref<1536xf32, #tpu.memory_space<vmem>>[vector<16xi32>], vector<16xf32>,
    %add3A_1007 = arith.addf %add3A_1005, %gather3A_1006 : vector<16xf32>
    %add3A_1008 = arith.constant 262 : i32
    %add3A_1009 = vector.broadcast %add3A_1008 : i32 to vector<16xi32>
    %add3A_1010 = arith.addi %mul3A_763, %add3A_1009 : vector<16xi32>
    %gather3A_1011 = tpu.vector_load_idx %arg13[%add3A_1010] : memref<1536xf32, #tpu.memory_space<vmem>>[vector<16xi32>], vector<16xf32>,
    %add3A_1012 = arith.addf %add3A_1003, %gather3A_1011 : vector<16xf32>
    %gather3A_1013 = tpu.vector_load_idx %arg14[%add3A_1010] : memref<1536xf32, #tpu.memory_space<vmem>>[vector<16xi32>], vector<16xf32>,
    %add3A_1014 = arith.addf %add3A_1012, %gather3A_1013 : vector<16xf32>
    %gather3A_1015 = tpu.vector_load_idx %arg15[%add3A_1010] : memref<1536xf32, #tpu.memory_space<vmem>>[vector<16xi32>], vector<16xf32>,
    %add3A_1016 = arith.addf %add3A_1007, %gather3A_1015 : vector<16xf32>
    %gather3A_1017 = tpu.vector_load_idx %arg16[%add3A_1010] : memref<1536xf32, #tpu.memory_space<vmem>>[vector<16xi32>], vector<16xf32>,
    %add3A_1018 = arith.addf %add3A_1016, %gather3A_1017 : vector<16xf32>
    %add3A_1019 = arith.constant 263 : i32
    %add3A_1020 = vector.broadcast %add3A_1019 : i32 to vector<16xi32>
    %add3A_1021 = arith.addi %mul3A_763, %add3A_1020 : vector<16xi32>
    %gather3A_1022 = tpu.vector_load_idx %arg13[%add3A_1021] : memref<1536xf32, #tpu.memory_space<vmem>>[vector<16xi32>], vector<16xf32>,
    %add3A_1023 = arith.addf %add3A_1014, %gather3A_1022 : vector<16xf32>
    %gather3A_1024 = tpu.vector_load_idx %arg14[%add3A_1021] : memref<1536xf32, #tpu.memory_space<vmem>>[vector<16xi32>], vector<16xf32>,
    %add3A_1025 = arith.addf %add3A_1023, %gather3A_1024 : vector<16xf32>
    %gather3A_1026 = tpu.vector_load_idx %arg15[%add3A_1021] : memref<1536xf32, #tpu.memory_space<vmem>>[vector<16xi32>], vector<16xf32>,
    %add3A_1027 = arith.addf %add3A_1018, %gather3A_1026 : vector<16xf32>
    %gather3A_1028 = tpu.vector_load_idx %arg16[%add3A_1021] : memref<1536xf32, #tpu.memory_space<vmem>>[vector<16xi32>], vector<16xf32>,
    %add3A_1029 = arith.addf %add3A_1027, %gather3A_1028 : vector<16xf32>
    %add3A_1030 = arith.constant 264 : i32
    %add3A_1031 = vector.broadcast %add3A_1030 : i32 to vector<16xi32>
    %add3A_1032 = arith.addi %mul3A_763, %add3A_1031 : vector<16xi32>
    %gather3A_1033 = tpu.vector_load_idx %arg13[%add3A_1032] : memref<1536xf32, #tpu.memory_space<vmem>>[vector<16xi32>], vector<16xf32>,
    %add3A_1034 = arith.addf %add3A_1025, %gather3A_1033 : vector<16xf32>
    %gather3A_1035 = tpu.vector_load_idx %arg14[%add3A_1032] : memref<1536xf32, #tpu.memory_space<vmem>>[vector<16xi32>], vector<16xf32>,
    %add3A_1036 = arith.addf %add3A_1034, %gather3A_1035 : vector<16xf32>
    %gather3A_1037 = tpu.vector_load_idx %arg15[%add3A_1032] : memref<1536xf32, #tpu.memory_space<vmem>>[vector<16xi32>], vector<16xf32>,
    %add3A_1038 = arith.addf %add3A_1029, %gather3A_1037 : vector<16xf32>
    %gather3A_1039 = tpu.vector_load_idx %arg16[%add3A_1032] : memref<1536xf32, #tpu.memory_space<vmem>>[vector<16xi32>], vector<16xf32>,
    %add3A_1040 = arith.addf %add3A_1038, %gather3A_1039 : vector<16xf32>
    %add3A_1041 = arith.constant 265 : i32
    %add3A_1042 = vector.broadcast %add3A_1041 : i32 to vector<16xi32>
    %add3A_1043 = arith.addi %mul3A_763, %add3A_1042 : vector<16xi32>
    %gather3A_1044 = tpu.vector_load_idx %arg13[%add3A_1043] : memref<1536xf32, #tpu.memory_space<vmem>>[vector<16xi32>], vector<16xf32>,
    %add3A_1045 = arith.addf %add3A_1036, %gather3A_1044 : vector<16xf32>
    %gather3A_1046 = tpu.vector_load_idx %arg14[%add3A_1043] : memref<1536xf32, #tpu.memory_space<vmem>>[vector<16xi32>], vector<16xf32>,
    %add3A_1047 = arith.addf %add3A_1045, %gather3A_1046 : vector<16xf32>
    %gather3A_1048 = tpu.vector_load_idx %arg15[%add3A_1043] : memref<1536xf32, #tpu.memory_space<vmem>>[vector<16xi32>], vector<16xf32>,
    %add3A_1049 = arith.addf %add3A_1040, %gather3A_1048 : vector<16xf32>
    %gather3A_1050 = tpu.vector_load_idx %arg16[%add3A_1043] : memref<1536xf32, #tpu.memory_space<vmem>>[vector<16xi32>], vector<16xf32>,
    %add3A_1051 = arith.addf %add3A_1049, %gather3A_1050 : vector<16xf32>
    %add3A_1052 = arith.constant 266 : i32
    %add3A_1053 = vector.broadcast %add3A_1052 : i32 to vector<16xi32>
    %add3A_1054 = arith.addi %mul3A_763, %add3A_1053 : vector<16xi32>
    %gather3A_1055 = tpu.vector_load_idx %arg13[%add3A_1054] : memref<1536xf32, #tpu.memory_space<vmem>>[vector<16xi32>], vector<16xf32>,
    %add3A_1056 = arith.addf %add3A_1047, %gather3A_1055 : vector<16xf32>
    %gather3A_1057 = tpu.vector_load_idx %arg14[%add3A_1054] : memref<1536xf32, #tpu.memory_space<vmem>>[vector<16xi32>], vector<16xf32>,
    %add3A_1058 = arith.addf %add3A_1056, %gather3A_1057 : vector<16xf32>
    %gather3A_1059 = tpu.vector_load_idx %arg15[%add3A_1054] : memref<1536xf32, #tpu.memory_space<vmem>>[vector<16xi32>], vector<16xf32>,
    %add3A_1060 = arith.addf %add3A_1051, %gather3A_1059 : vector<16xf32>
    %gather3A_1061 = tpu.vector_load_idx %arg16[%add3A_1054] : memref<1536xf32, #tpu.memory_space<vmem>>[vector<16xi32>], vector<16xf32>,
    %add3A_1062 = arith.addf %add3A_1060, %gather3A_1061 : vector<16xf32>
    %add3A_1063 = arith.constant 267 : i32
    %add3A_1064 = vector.broadcast %add3A_1063 : i32 to vector<16xi32>
    %add3A_1065 = arith.addi %mul3A_763, %add3A_1064 : vector<16xi32>
    %gather3A_1066 = tpu.vector_load_idx %arg13[%add3A_1065] : memref<1536xf32, #tpu.memory_space<vmem>>[vector<16xi32>], vector<16xf32>,
    %add3A_1067 = arith.addf %add3A_1058, %gather3A_1066 : vector<16xf32>
    %gather3A_1068 = tpu.vector_load_idx %arg14[%add3A_1065] : memref<1536xf32, #tpu.memory_space<vmem>>[vector<16xi32>], vector<16xf32>,
    %add3A_1069 = arith.addf %add3A_1067, %gather3A_1068 : vector<16xf32>
    %gather3A_1070 = tpu.vector_load_idx %arg15[%add3A_1065] : memref<1536xf32, #tpu.memory_space<vmem>>[vector<16xi32>], vector<16xf32>,
    %add3A_1071 = arith.addf %add3A_1062, %gather3A_1070 : vector<16xf32>
    %gather3A_1072 = tpu.vector_load_idx %arg16[%add3A_1065] : memref<1536xf32, #tpu.memory_space<vmem>>[vector<16xi32>], vector<16xf32>,
    %add3A_1073 = arith.addf %add3A_1071, %gather3A_1072 : vector<16xf32>
    %add3A_1074 = arith.constant 268 : i32
    %add3A_1075 = vector.broadcast %add3A_1074 : i32 to vector<16xi32>
    %add3A_1076 = arith.addi %mul3A_763, %add3A_1075 : vector<16xi32>
    %gather3A_1077 = tpu.vector_load_idx %arg13[%add3A_1076] : memref<1536xf32, #tpu.memory_space<vmem>>[vector<16xi32>], vector<16xf32>,
    %add3A_1078 = arith.addf %add3A_1069, %gather3A_1077 : vector<16xf32>
    %gather3A_1079 = tpu.vector_load_idx %arg14[%add3A_1076] : memref<1536xf32, #tpu.memory_space<vmem>>[vector<16xi32>], vector<16xf32>,
    %add3A_1080 = arith.addf %add3A_1078, %gather3A_1079 : vector<16xf32>
    %gather3A_1081 = tpu.vector_load_idx %arg15[%add3A_1076] : memref<1536xf32, #tpu.memory_space<vmem>>[vector<16xi32>], vector<16xf32>,
    %add3A_1082 = arith.addf %add3A_1073, %gather3A_1081 : vector<16xf32>
    %gather3A_1083 = tpu.vector_load_idx %arg16[%add3A_1076] : memref<1536xf32, #tpu.memory_space<vmem>>[vector<16xi32>], vector<16xf32>,
    %add3A_1084 = arith.addf %add3A_1082, %gather3A_1083 : vector<16xf32>
    %add3A_1085 = arith.constant 269 : i32
    %add3A_1086 = vector.broadcast %add3A_1085 : i32 to vector<16xi32>
    %add3A_1087 = arith.addi %mul3A_763, %add3A_1086 : vector<16xi32>
    %gather3A_1088 = tpu.vector_load_idx %arg13[%add3A_1087] : memref<1536xf32, #tpu.memory_space<vmem>>[vector<16xi32>], vector<16xf32>,
    %add3A_1089 = arith.addf %add3A_1080, %gather3A_1088 : vector<16xf32>
    %gather3A_1090 = tpu.vector_load_idx %arg14[%add3A_1087] : memref<1536xf32, #tpu.memory_space<vmem>>[vector<16xi32>], vector<16xf32>,
    %add3A_1091 = arith.addf %add3A_1089, %gather3A_1090 : vector<16xf32>
    %gather3A_1092 = tpu.vector_load_idx %arg15[%add3A_1087] : memref<1536xf32, #tpu.memory_space<vmem>>[vector<16xi32>], vector<16xf32>,
    %add3A_1093 = arith.addf %add3A_1084, %gather3A_1092 : vector<16xf32>
    %gather3A_1094 = tpu.vector_load_idx %arg16[%add3A_1087] : memref<1536xf32, #tpu.memory_space<vmem>>[vector<16xi32>], vector<16xf32>,
    %add3A_1095 = arith.addf %add3A_1093, %gather3A_1094 : vector<16xf32>
    %add3A_1096 = arith.constant 270 : i32
    %add3A_1097 = vector.broadcast %add3A_1096 : i32 to vector<16xi32>
    %add3A_1098 = arith.addi %mul3A_763, %add3A_1097 : vector<16xi32>
    %gather3A_1099 = tpu.vector_load_idx %arg13[%add3A_1098] : memref<1536xf32, #tpu.memory_space<vmem>>[vector<16xi32>], vector<16xf32>,
    %add3A_1100 = arith.addf %add3A_1091, %gather3A_1099 : vector<16xf32>
    %gather3A_1101 = tpu.vector_load_idx %arg14[%add3A_1098] : memref<1536xf32, #tpu.memory_space<vmem>>[vector<16xi32>], vector<16xf32>,
    %add3A_1102 = arith.addf %add3A_1100, %gather3A_1101 : vector<16xf32>
    %gather3A_1103 = tpu.vector_load_idx %arg15[%add3A_1098] : memref<1536xf32, #tpu.memory_space<vmem>>[vector<16xi32>], vector<16xf32>,
    %add3A_1104 = arith.addf %add3A_1095, %gather3A_1103 : vector<16xf32>
    %gather3A_1105 = tpu.vector_load_idx %arg16[%add3A_1098] : memref<1536xf32, #tpu.memory_space<vmem>>[vector<16xi32>], vector<16xf32>,
    %add3A_1106 = arith.addf %add3A_1104, %gather3A_1105 : vector<16xf32>
    %add3A_1107 = arith.constant 271 : i32
    %add3A_1108 = vector.broadcast %add3A_1107 : i32 to vector<16xi32>
    %add3A_1109 = arith.addi %mul3A_763, %add3A_1108 : vector<16xi32>
    %gather3A_1110 = tpu.vector_load_idx %arg13[%add3A_1109] : memref<1536xf32, #tpu.memory_space<vmem>>[vector<16xi32>], vector<16xf32>,
    %add3A_1111 = arith.addf %add3A_1102, %gather3A_1110 : vector<16xf32>
    %gather3A_1112 = tpu.vector_load_idx %arg14[%add3A_1109] : memref<1536xf32, #tpu.memory_space<vmem>>[vector<16xi32>], vector<16xf32>,
    %add3A_1113 = arith.addf %add3A_1111, %gather3A_1112 : vector<16xf32>
    %gather3A_1114 = tpu.vector_load_idx %arg15[%add3A_1109] : memref<1536xf32, #tpu.memory_space<vmem>>[vector<16xi32>], vector<16xf32>,
    %add3A_1115 = arith.addf %add3A_1106, %gather3A_1114 : vector<16xf32>
    %gather3A_1116 = tpu.vector_load_idx %arg16[%add3A_1109] : memref<1536xf32, #tpu.memory_space<vmem>>[vector<16xi32>], vector<16xf32>,
    %add3A_1117 = arith.addf %add3A_1115, %gather3A_1116 : vector<16xf32>
    %swap3A_1118 = arith.constant 16 : index
    %swap3A_1119 = tpu.vector_load %arg17[%swap3A_1118] {strides = array<i32>} : memref<96xf32, #tpu.memory_space<vmem>>, vector<16xf32>,
    tpu.vector_store %arg17[%swap3A_1118], %add3A_1113 {strides = array<i32>} : memref<96xf32, #tpu.memory_space<vmem>>, vector<16xf32>,
    %swap3A_1120 = arith.constant 16 : index
    %swap3A_1121 = tpu.vector_load %arg18[%swap3A_1120] {strides = array<i32>} : memref<96xf32, #tpu.memory_space<vmem>>, vector<16xf32>,
    tpu.vector_store %arg18[%swap3A_1120], %add3A_1117 {strides = array<i32>} : memref<96xf32, #tpu.memory_space<vmem>>, vector<16xf32>,
    %add3A_1122 = arith.constant 512 : i32
    %add3A_1123 = vector.broadcast %add3A_1122 : i32 to vector<16xi32>
    %add3A_1124 = arith.addi %mul3A_763, %add3A_1123 : vector<16xi32>
    %gather3A_1125 = tpu.vector_load_idx %arg13[%add3A_1124] : memref<1536xf32, #tpu.memory_space<vmem>>[vector<16xi32>], vector<16xf32>,
    %add3A_1126 = arith.addf %broadcast_in_dim3A_1, %gather3A_1125 : vector<16xf32>
    %gather3A_1127 = tpu.vector_load_idx %arg14[%add3A_1124] : memref<1536xf32, #tpu.memory_space<vmem>>[vector<16xi32>], vector<16xf32>,
    %add3A_1128 = arith.addf %add3A_1126, %gather3A_1127 : vector<16xf32>
    %gather3A_1129 = tpu.vector_load_idx %arg15[%add3A_1124] : memref<1536xf32, #tpu.memory_space<vmem>>[vector<16xi32>], vector<16xf32>,
    %add3A_1130 = arith.addf %broadcast_in_dim3A_1, %gather3A_1129 : vector<16xf32>
    %gather3A_1131 = tpu.vector_load_idx %arg16[%add3A_1124] : memref<1536xf32, #tpu.memory_space<vmem>>[vector<16xi32>], vector<16xf32>,
    %add3A_1132 = arith.addf %add3A_1130, %gather3A_1131 : vector<16xf32>
    %add3A_1133 = arith.constant 513 : i32
    %add3A_1134 = vector.broadcast %add3A_1133 : i32 to vector<16xi32>
    %add3A_1135 = arith.addi %mul3A_763, %add3A_1134 : vector<16xi32>
    %gather3A_1136 = tpu.vector_load_idx %arg13[%add3A_1135] : memref<1536xf32, #tpu.memory_space<vmem>>[vector<16xi32>], vector<16xf32>,
    %add3A_1137 = arith.addf %add3A_1128, %gather3A_1136 : vector<16xf32>
    %gather3A_1138 = tpu.vector_load_idx %arg14[%add3A_1135] : memref<1536xf32, #tpu.memory_space<vmem>>[vector<16xi32>], vector<16xf32>,
    %add3A_1139 = arith.addf %add3A_1137, %gather3A_1138 : vector<16xf32>
    %gather3A_1140 = tpu.vector_load_idx %arg15[%add3A_1135] : memref<1536xf32, #tpu.memory_space<vmem>>[vector<16xi32>], vector<16xf32>,
    %add3A_1141 = arith.addf %add3A_1132, %gather3A_1140 : vector<16xf32>
    %gather3A_1142 = tpu.vector_load_idx %arg16[%add3A_1135] : memref<1536xf32, #tpu.memory_space<vmem>>[vector<16xi32>], vector<16xf32>,
    %add3A_1143 = arith.addf %add3A_1141, %gather3A_1142 : vector<16xf32>
    %add3A_1144 = arith.constant 514 : i32
    %add3A_1145 = vector.broadcast %add3A_1144 : i32 to vector<16xi32>
    %add3A_1146 = arith.addi %mul3A_763, %add3A_1145 : vector<16xi32>
    %gather3A_1147 = tpu.vector_load_idx %arg13[%add3A_1146] : memref<1536xf32, #tpu.memory_space<vmem>>[vector<16xi32>], vector<16xf32>,
    %add3A_1148 = arith.addf %add3A_1139, %gather3A_1147 : vector<16xf32>
    %gather3A_1149 = tpu.vector_load_idx %arg14[%add3A_1146] : memref<1536xf32, #tpu.memory_space<vmem>>[vector<16xi32>], vector<16xf32>,
    %add3A_1150 = arith.addf %add3A_1148, %gather3A_1149 : vector<16xf32>
    %gather3A_1151 = tpu.vector_load_idx %arg15[%add3A_1146] : memref<1536xf32, #tpu.memory_space<vmem>>[vector<16xi32>], vector<16xf32>,
    %add3A_1152 = arith.addf %add3A_1143, %gather3A_1151 : vector<16xf32>
    %gather3A_1153 = tpu.vector_load_idx %arg16[%add3A_1146] : memref<1536xf32, #tpu.memory_space<vmem>>[vector<16xi32>], vector<16xf32>,
    %add3A_1154 = arith.addf %add3A_1152, %gather3A_1153 : vector<16xf32>
    %add3A_1155 = arith.constant 515 : i32
    %add3A_1156 = vector.broadcast %add3A_1155 : i32 to vector<16xi32>
    %add3A_1157 = arith.addi %mul3A_763, %add3A_1156 : vector<16xi32>
    %gather3A_1158 = tpu.vector_load_idx %arg13[%add3A_1157] : memref<1536xf32, #tpu.memory_space<vmem>>[vector<16xi32>], vector<16xf32>,
    %add3A_1159 = arith.addf %add3A_1150, %gather3A_1158 : vector<16xf32>
    %gather3A_1160 = tpu.vector_load_idx %arg14[%add3A_1157] : memref<1536xf32, #tpu.memory_space<vmem>>[vector<16xi32>], vector<16xf32>,
    %add3A_1161 = arith.addf %add3A_1159, %gather3A_1160 : vector<16xf32>
    %gather3A_1162 = tpu.vector_load_idx %arg15[%add3A_1157] : memref<1536xf32, #tpu.memory_space<vmem>>[vector<16xi32>], vector<16xf32>,
    %add3A_1163 = arith.addf %add3A_1154, %gather3A_1162 : vector<16xf32>
    %gather3A_1164 = tpu.vector_load_idx %arg16[%add3A_1157] : memref<1536xf32, #tpu.memory_space<vmem>>[vector<16xi32>], vector<16xf32>,
    %add3A_1165 = arith.addf %add3A_1163, %gather3A_1164 : vector<16xf32>
    %add3A_1166 = arith.constant 516 : i32
    %add3A_1167 = vector.broadcast %add3A_1166 : i32 to vector<16xi32>
    %add3A_1168 = arith.addi %mul3A_763, %add3A_1167 : vector<16xi32>
    %gather3A_1169 = tpu.vector_load_idx %arg13[%add3A_1168] : memref<1536xf32, #tpu.memory_space<vmem>>[vector<16xi32>], vector<16xf32>,
    %add3A_1170 = arith.addf %add3A_1161, %gather3A_1169 : vector<16xf32>
    %gather3A_1171 = tpu.vector_load_idx %arg14[%add3A_1168] : memref<1536xf32, #tpu.memory_space<vmem>>[vector<16xi32>], vector<16xf32>,
    %add3A_1172 = arith.addf %add3A_1170, %gather3A_1171 : vector<16xf32>
    %gather3A_1173 = tpu.vector_load_idx %arg15[%add3A_1168] : memref<1536xf32, #tpu.memory_space<vmem>>[vector<16xi32>], vector<16xf32>,
    %add3A_1174 = arith.addf %add3A_1165, %gather3A_1173 : vector<16xf32>
    %gather3A_1175 = tpu.vector_load_idx %arg16[%add3A_1168] : memref<1536xf32, #tpu.memory_space<vmem>>[vector<16xi32>], vector<16xf32>,
    %add3A_1176 = arith.addf %add3A_1174, %gather3A_1175 : vector<16xf32>
    %add3A_1177 = arith.constant 517 : i32
    %add3A_1178 = vector.broadcast %add3A_1177 : i32 to vector<16xi32>
    %add3A_1179 = arith.addi %mul3A_763, %add3A_1178 : vector<16xi32>
    %gather3A_1180 = tpu.vector_load_idx %arg13[%add3A_1179] : memref<1536xf32, #tpu.memory_space<vmem>>[vector<16xi32>], vector<16xf32>,
    %add3A_1181 = arith.addf %add3A_1172, %gather3A_1180 : vector<16xf32>
    %gather3A_1182 = tpu.vector_load_idx %arg14[%add3A_1179] : memref<1536xf32, #tpu.memory_space<vmem>>[vector<16xi32>], vector<16xf32>,
    %add3A_1183 = arith.addf %add3A_1181, %gather3A_1182 : vector<16xf32>
    %gather3A_1184 = tpu.vector_load_idx %arg15[%add3A_1179] : memref<1536xf32, #tpu.memory_space<vmem>>[vector<16xi32>], vector<16xf32>,
    %add3A_1185 = arith.addf %add3A_1176, %gather3A_1184 : vector<16xf32>
    %gather3A_1186 = tpu.vector_load_idx %arg16[%add3A_1179] : memref<1536xf32, #tpu.memory_space<vmem>>[vector<16xi32>], vector<16xf32>,
    %add3A_1187 = arith.addf %add3A_1185, %gather3A_1186 : vector<16xf32>
    %add3A_1188 = arith.constant 518 : i32
    %add3A_1189 = vector.broadcast %add3A_1188 : i32 to vector<16xi32>
    %add3A_1190 = arith.addi %mul3A_763, %add3A_1189 : vector<16xi32>
    %gather3A_1191 = tpu.vector_load_idx %arg13[%add3A_1190] : memref<1536xf32, #tpu.memory_space<vmem>>[vector<16xi32>], vector<16xf32>,
    %add3A_1192 = arith.addf %add3A_1183, %gather3A_1191 : vector<16xf32>
    %gather3A_1193 = tpu.vector_load_idx %arg14[%add3A_1190] : memref<1536xf32, #tpu.memory_space<vmem>>[vector<16xi32>], vector<16xf32>,
    %add3A_1194 = arith.addf %add3A_1192, %gather3A_1193 : vector<16xf32>
    %gather3A_1195 = tpu.vector_load_idx %arg15[%add3A_1190] : memref<1536xf32, #tpu.memory_space<vmem>>[vector<16xi32>], vector<16xf32>,
    %add3A_1196 = arith.addf %add3A_1187, %gather3A_1195 : vector<16xf32>
    %gather3A_1197 = tpu.vector_load_idx %arg16[%add3A_1190] : memref<1536xf32, #tpu.memory_space<vmem>>[vector<16xi32>], vector<16xf32>,
    %add3A_1198 = arith.addf %add3A_1196, %gather3A_1197 : vector<16xf32>
    %add3A_1199 = arith.constant 519 : i32
    %add3A_1200 = vector.broadcast %add3A_1199 : i32 to vector<16xi32>
    %add3A_1201 = arith.addi %mul3A_763, %add3A_1200 : vector<16xi32>
    %gather3A_1202 = tpu.vector_load_idx %arg13[%add3A_1201] : memref<1536xf32, #tpu.memory_space<vmem>>[vector<16xi32>], vector<16xf32>,
    %add3A_1203 = arith.addf %add3A_1194, %gather3A_1202 : vector<16xf32>
    %gather3A_1204 = tpu.vector_load_idx %arg14[%add3A_1201] : memref<1536xf32, #tpu.memory_space<vmem>>[vector<16xi32>], vector<16xf32>,
    %add3A_1205 = arith.addf %add3A_1203, %gather3A_1204 : vector<16xf32>
    %gather3A_1206 = tpu.vector_load_idx %arg15[%add3A_1201] : memref<1536xf32, #tpu.memory_space<vmem>>[vector<16xi32>], vector<16xf32>,
    %add3A_1207 = arith.addf %add3A_1198, %gather3A_1206 : vector<16xf32>
    %gather3A_1208 = tpu.vector_load_idx %arg16[%add3A_1201] : memref<1536xf32, #tpu.memory_space<vmem>>[vector<16xi32>], vector<16xf32>,
    %add3A_1209 = arith.addf %add3A_1207, %gather3A_1208 : vector<16xf32>
    %add3A_1210 = arith.constant 520 : i32
    %add3A_1211 = vector.broadcast %add3A_1210 : i32 to vector<16xi32>
    %add3A_1212 = arith.addi %mul3A_763, %add3A_1211 : vector<16xi32>
    %gather3A_1213 = tpu.vector_load_idx %arg13[%add3A_1212] : memref<1536xf32, #tpu.memory_space<vmem>>[vector<16xi32>], vector<16xf32>,
    %add3A_1214 = arith.addf %add3A_1205, %gather3A_1213 : vector<16xf32>
    %gather3A_1215 = tpu.vector_load_idx %arg14[%add3A_1212] : memref<1536xf32, #tpu.memory_space<vmem>>[vector<16xi32>], vector<16xf32>,
    %add3A_1216 = arith.addf %add3A_1214, %gather3A_1215 : vector<16xf32>
    %gather3A_1217 = tpu.vector_load_idx %arg15[%add3A_1212] : memref<1536xf32, #tpu.memory_space<vmem>>[vector<16xi32>], vector<16xf32>,
    %add3A_1218 = arith.addf %add3A_1209, %gather3A_1217 : vector<16xf32>
    %gather3A_1219 = tpu.vector_load_idx %arg16[%add3A_1212] : memref<1536xf32, #tpu.memory_space<vmem>>[vector<16xi32>], vector<16xf32>,
    %add3A_1220 = arith.addf %add3A_1218, %gather3A_1219 : vector<16xf32>
    %add3A_1221 = arith.constant 521 : i32
    %add3A_1222 = vector.broadcast %add3A_1221 : i32 to vector<16xi32>
    %add3A_1223 = arith.addi %mul3A_763, %add3A_1222 : vector<16xi32>
    %gather3A_1224 = tpu.vector_load_idx %arg13[%add3A_1223] : memref<1536xf32, #tpu.memory_space<vmem>>[vector<16xi32>], vector<16xf32>,
    %add3A_1225 = arith.addf %add3A_1216, %gather3A_1224 : vector<16xf32>
    %gather3A_1226 = tpu.vector_load_idx %arg14[%add3A_1223] : memref<1536xf32, #tpu.memory_space<vmem>>[vector<16xi32>], vector<16xf32>,
    %add3A_1227 = arith.addf %add3A_1225, %gather3A_1226 : vector<16xf32>
    %gather3A_1228 = tpu.vector_load_idx %arg15[%add3A_1223] : memref<1536xf32, #tpu.memory_space<vmem>>[vector<16xi32>], vector<16xf32>,
    %add3A_1229 = arith.addf %add3A_1220, %gather3A_1228 : vector<16xf32>
    %gather3A_1230 = tpu.vector_load_idx %arg16[%add3A_1223] : memref<1536xf32, #tpu.memory_space<vmem>>[vector<16xi32>], vector<16xf32>,
    %add3A_1231 = arith.addf %add3A_1229, %gather3A_1230 : vector<16xf32>
    %add3A_1232 = arith.constant 522 : i32
    %add3A_1233 = vector.broadcast %add3A_1232 : i32 to vector<16xi32>
    %add3A_1234 = arith.addi %mul3A_763, %add3A_1233 : vector<16xi32>
    %gather3A_1235 = tpu.vector_load_idx %arg13[%add3A_1234] : memref<1536xf32, #tpu.memory_space<vmem>>[vector<16xi32>], vector<16xf32>,
    %add3A_1236 = arith.addf %add3A_1227, %gather3A_1235 : vector<16xf32>
    %gather3A_1237 = tpu.vector_load_idx %arg14[%add3A_1234] : memref<1536xf32, #tpu.memory_space<vmem>>[vector<16xi32>], vector<16xf32>,
    %add3A_1238 = arith.addf %add3A_1236, %gather3A_1237 : vector<16xf32>
    %gather3A_1239 = tpu.vector_load_idx %arg15[%add3A_1234] : memref<1536xf32, #tpu.memory_space<vmem>>[vector<16xi32>], vector<16xf32>,
    %add3A_1240 = arith.addf %add3A_1231, %gather3A_1239 : vector<16xf32>
    %gather3A_1241 = tpu.vector_load_idx %arg16[%add3A_1234] : memref<1536xf32, #tpu.memory_space<vmem>>[vector<16xi32>], vector<16xf32>,
    %add3A_1242 = arith.addf %add3A_1240, %gather3A_1241 : vector<16xf32>
    %add3A_1243 = arith.constant 523 : i32
    %add3A_1244 = vector.broadcast %add3A_1243 : i32 to vector<16xi32>
    %add3A_1245 = arith.addi %mul3A_763, %add3A_1244 : vector<16xi32>
    %gather3A_1246 = tpu.vector_load_idx %arg13[%add3A_1245] : memref<1536xf32, #tpu.memory_space<vmem>>[vector<16xi32>], vector<16xf32>,
    %add3A_1247 = arith.addf %add3A_1238, %gather3A_1246 : vector<16xf32>
    %gather3A_1248 = tpu.vector_load_idx %arg14[%add3A_1245] : memref<1536xf32, #tpu.memory_space<vmem>>[vector<16xi32>], vector<16xf32>,
    %add3A_1249 = arith.addf %add3A_1247, %gather3A_1248 : vector<16xf32>
    %gather3A_1250 = tpu.vector_load_idx %arg15[%add3A_1245] : memref<1536xf32, #tpu.memory_space<vmem>>[vector<16xi32>], vector<16xf32>,
    %add3A_1251 = arith.addf %add3A_1242, %gather3A_1250 : vector<16xf32>
    %gather3A_1252 = tpu.vector_load_idx %arg16[%add3A_1245] : memref<1536xf32, #tpu.memory_space<vmem>>[vector<16xi32>], vector<16xf32>,
    %add3A_1253 = arith.addf %add3A_1251, %gather3A_1252 : vector<16xf32>
    %add3A_1254 = arith.constant 524 : i32
    %add3A_1255 = vector.broadcast %add3A_1254 : i32 to vector<16xi32>
    %add3A_1256 = arith.addi %mul3A_763, %add3A_1255 : vector<16xi32>
    %gather3A_1257 = tpu.vector_load_idx %arg13[%add3A_1256] : memref<1536xf32, #tpu.memory_space<vmem>>[vector<16xi32>], vector<16xf32>,
    %add3A_1258 = arith.addf %add3A_1249, %gather3A_1257 : vector<16xf32>
    %gather3A_1259 = tpu.vector_load_idx %arg14[%add3A_1256] : memref<1536xf32, #tpu.memory_space<vmem>>[vector<16xi32>], vector<16xf32>,
    %add3A_1260 = arith.addf %add3A_1258, %gather3A_1259 : vector<16xf32>
    %gather3A_1261 = tpu.vector_load_idx %arg15[%add3A_1256] : memref<1536xf32, #tpu.memory_space<vmem>>[vector<16xi32>], vector<16xf32>,
    %add3A_1262 = arith.addf %add3A_1253, %gather3A_1261 : vector<16xf32>
    %gather3A_1263 = tpu.vector_load_idx %arg16[%add3A_1256] : memref<1536xf32, #tpu.memory_space<vmem>>[vector<16xi32>], vector<16xf32>,
    %add3A_1264 = arith.addf %add3A_1262, %gather3A_1263 : vector<16xf32>
    %add3A_1265 = arith.constant 525 : i32
    %add3A_1266 = vector.broadcast %add3A_1265 : i32 to vector<16xi32>
    %add3A_1267 = arith.addi %mul3A_763, %add3A_1266 : vector<16xi32>
    %gather3A_1268 = tpu.vector_load_idx %arg13[%add3A_1267] : memref<1536xf32, #tpu.memory_space<vmem>>[vector<16xi32>], vector<16xf32>,
    %add3A_1269 = arith.addf %add3A_1260, %gather3A_1268 : vector<16xf32>
    %gather3A_1270 = tpu.vector_load_idx %arg14[%add3A_1267] : memref<1536xf32, #tpu.memory_space<vmem>>[vector<16xi32>], vector<16xf32>,
    %add3A_1271 = arith.addf %add3A_1269, %gather3A_1270 : vector<16xf32>
    %gather3A_1272 = tpu.vector_load_idx %arg15[%add3A_1267] : memref<1536xf32, #tpu.memory_space<vmem>>[vector<16xi32>], vector<16xf32>,
    %add3A_1273 = arith.addf %add3A_1264, %gather3A_1272 : vector<16xf32>
    %gather3A_1274 = tpu.vector_load_idx %arg16[%add3A_1267] : memref<1536xf32, #tpu.memory_space<vmem>>[vector<16xi32>], vector<16xf32>,
    %add3A_1275 = arith.addf %add3A_1273, %gather3A_1274 : vector<16xf32>
    %add3A_1276 = arith.constant 526 : i32
    %add3A_1277 = vector.broadcast %add3A_1276 : i32 to vector<16xi32>
    %add3A_1278 = arith.addi %mul3A_763, %add3A_1277 : vector<16xi32>
    %gather3A_1279 = tpu.vector_load_idx %arg13[%add3A_1278] : memref<1536xf32, #tpu.memory_space<vmem>>[vector<16xi32>], vector<16xf32>,
    %add3A_1280 = arith.addf %add3A_1271, %gather3A_1279 : vector<16xf32>
    %gather3A_1281 = tpu.vector_load_idx %arg14[%add3A_1278] : memref<1536xf32, #tpu.memory_space<vmem>>[vector<16xi32>], vector<16xf32>,
    %add3A_1282 = arith.addf %add3A_1280, %gather3A_1281 : vector<16xf32>
    %gather3A_1283 = tpu.vector_load_idx %arg15[%add3A_1278] : memref<1536xf32, #tpu.memory_space<vmem>>[vector<16xi32>], vector<16xf32>,
    %add3A_1284 = arith.addf %add3A_1275, %gather3A_1283 : vector<16xf32>
    %gather3A_1285 = tpu.vector_load_idx %arg16[%add3A_1278] : memref<1536xf32, #tpu.memory_space<vmem>>[vector<16xi32>], vector<16xf32>,
    %add3A_1286 = arith.addf %add3A_1284, %gather3A_1285 : vector<16xf32>
    %add3A_1287 = arith.constant 527 : i32
    %add3A_1288 = vector.broadcast %add3A_1287 : i32 to vector<16xi32>
    %add3A_1289 = arith.addi %mul3A_763, %add3A_1288 : vector<16xi32>
    %gather3A_1290 = tpu.vector_load_idx %arg13[%add3A_1289] : memref<1536xf32, #tpu.memory_space<vmem>>[vector<16xi32>], vector<16xf32>,
    %add3A_1291 = arith.addf %add3A_1282, %gather3A_1290 : vector<16xf32>
    %gather3A_1292 = tpu.vector_load_idx %arg14[%add3A_1289] : memref<1536xf32, #tpu.memory_space<vmem>>[vector<16xi32>], vector<16xf32>,
    %add3A_1293 = arith.addf %add3A_1291, %gather3A_1292 : vector<16xf32>
    %gather3A_1294 = tpu.vector_load_idx %arg15[%add3A_1289] : memref<1536xf32, #tpu.memory_space<vmem>>[vector<16xi32>], vector<16xf32>,
    %add3A_1295 = arith.addf %add3A_1286, %gather3A_1294 : vector<16xf32>
    %gather3A_1296 = tpu.vector_load_idx %arg16[%add3A_1289] : memref<1536xf32, #tpu.memory_space<vmem>>[vector<16xi32>], vector<16xf32>,
    %add3A_1297 = arith.addf %add3A_1295, %gather3A_1296 : vector<16xf32>
    %swap3A_1298 = arith.constant 32 : index
    %swap3A_1299 = tpu.vector_load %arg17[%swap3A_1298] {strides = array<i32>} : memref<96xf32, #tpu.memory_space<vmem>>, vector<16xf32>,
    tpu.vector_store %arg17[%swap3A_1298], %add3A_1293 {strides = array<i32>} : memref<96xf32, #tpu.memory_space<vmem>>, vector<16xf32>,
    %swap3A_1300 = arith.constant 32 : index
    %swap3A_1301 = tpu.vector_load %arg18[%swap3A_1300] {strides = array<i32>} : memref<96xf32, #tpu.memory_space<vmem>>, vector<16xf32>,
    tpu.vector_store %arg18[%swap3A_1300], %add3A_1297 {strides = array<i32>} : memref<96xf32, #tpu.memory_space<vmem>>, vector<16xf32>,
    %add3A_1302 = arith.constant 768 : i32
    %add3A_1303 = vector.broadcast %add3A_1302 : i32 to vector<16xi32>
    %add3A_1304 = arith.addi %mul3A_763, %add3A_1303 : vector<16xi32>
    %gather3A_1305 = tpu.vector_load_idx %arg13[%add3A_1304] : memref<1536xf32, #tpu.memory_space<vmem>>[vector<16xi32>], vector<16xf32>,
    %add3A_1306 = arith.addf %broadcast_in_dim3A_1, %gather3A_1305 : vector<16xf32>
    %gather3A_1307 = tpu.vector_load_idx %arg14[%add3A_1304] : memref<1536xf32, #tpu.memory_space<vmem>>[vector<16xi32>], vector<16xf32>,
    %add3A_1308 = arith.addf %add3A_1306, %gather3A_1307 : vector<16xf32>
    %gather3A_1309 = tpu.vector_load_idx %arg15[%add3A_1304] : memref<1536xf32, #tpu.memory_space<vmem>>[vector<16xi32>], vector<16xf32>,
    %add3A_1310 = arith.addf %broadcast_in_dim3A_1, %gather3A_1309 : vector<16xf32>
    %gather3A_1311 = tpu.vector_load_idx %arg16[%add3A_1304] : memref<1536xf32, #tpu.memory_space<vmem>>[vector<16xi32>], vector<16xf32>,
    %add3A_1312 = arith.addf %add3A_1310, %gather3A_1311 : vector<16xf32>
    %add3A_1313 = arith.constant 769 : i32
    %add3A_1314 = vector.broadcast %add3A_1313 : i32 to vector<16xi32>
    %add3A_1315 = arith.addi %mul3A_763, %add3A_1314 : vector<16xi32>
    %gather3A_1316 = tpu.vector_load_idx %arg13[%add3A_1315] : memref<1536xf32, #tpu.memory_space<vmem>>[vector<16xi32>], vector<16xf32>,
    %add3A_1317 = arith.addf %add3A_1308, %gather3A_1316 : vector<16xf32>
    %gather3A_1318 = tpu.vector_load_idx %arg14[%add3A_1315] : memref<1536xf32, #tpu.memory_space<vmem>>[vector<16xi32>], vector<16xf32>,
    %add3A_1319 = arith.addf %add3A_1317, %gather3A_1318 : vector<16xf32>
    %gather3A_1320 = tpu.vector_load_idx %arg15[%add3A_1315] : memref<1536xf32, #tpu.memory_space<vmem>>[vector<16xi32>], vector<16xf32>,
    %add3A_1321 = arith.addf %add3A_1312, %gather3A_1320 : vector<16xf32>
    %gather3A_1322 = tpu.vector_load_idx %arg16[%add3A_1315] : memref<1536xf32, #tpu.memory_space<vmem>>[vector<16xi32>], vector<16xf32>,
    %add3A_1323 = arith.addf %add3A_1321, %gather3A_1322 : vector<16xf32>
    %add3A_1324 = arith.constant 770 : i32
    %add3A_1325 = vector.broadcast %add3A_1324 : i32 to vector<16xi32>
    %add3A_1326 = arith.addi %mul3A_763, %add3A_1325 : vector<16xi32>
    %gather3A_1327 = tpu.vector_load_idx %arg13[%add3A_1326] : memref<1536xf32, #tpu.memory_space<vmem>>[vector<16xi32>], vector<16xf32>,
    %add3A_1328 = arith.addf %add3A_1319, %gather3A_1327 : vector<16xf32>
    %gather3A_1329 = tpu.vector_load_idx %arg14[%add3A_1326] : memref<1536xf32, #tpu.memory_space<vmem>>[vector<16xi32>], vector<16xf32>,
    %add3A_1330 = arith.addf %add3A_1328, %gather3A_1329 : vector<16xf32>
    %gather3A_1331 = tpu.vector_load_idx %arg15[%add3A_1326] : memref<1536xf32, #tpu.memory_space<vmem>>[vector<16xi32>], vector<16xf32>,
    %add3A_1332 = arith.addf %add3A_1323, %gather3A_1331 : vector<16xf32>
    %gather3A_1333 = tpu.vector_load_idx %arg16[%add3A_1326] : memref<1536xf32, #tpu.memory_space<vmem>>[vector<16xi32>], vector<16xf32>,
    %add3A_1334 = arith.addf %add3A_1332, %gather3A_1333 : vector<16xf32>
    %add3A_1335 = arith.constant 771 : i32
    %add3A_1336 = vector.broadcast %add3A_1335 : i32 to vector<16xi32>
    %add3A_1337 = arith.addi %mul3A_763, %add3A_1336 : vector<16xi32>
    %gather3A_1338 = tpu.vector_load_idx %arg13[%add3A_1337] : memref<1536xf32, #tpu.memory_space<vmem>>[vector<16xi32>], vector<16xf32>,
    %add3A_1339 = arith.addf %add3A_1330, %gather3A_1338 : vector<16xf32>
    %gather3A_1340 = tpu.vector_load_idx %arg14[%add3A_1337] : memref<1536xf32, #tpu.memory_space<vmem>>[vector<16xi32>], vector<16xf32>,
    %add3A_1341 = arith.addf %add3A_1339, %gather3A_1340 : vector<16xf32>
    %gather3A_1342 = tpu.vector_load_idx %arg15[%add3A_1337] : memref<1536xf32, #tpu.memory_space<vmem>>[vector<16xi32>], vector<16xf32>,
    %add3A_1343 = arith.addf %add3A_1334, %gather3A_1342 : vector<16xf32>
    %gather3A_1344 = tpu.vector_load_idx %arg16[%add3A_1337] : memref<1536xf32, #tpu.memory_space<vmem>>[vector<16xi32>], vector<16xf32>,
    %add3A_1345 = arith.addf %add3A_1343, %gather3A_1344 : vector<16xf32>
    %add3A_1346 = arith.constant 772 : i32
    %add3A_1347 = vector.broadcast %add3A_1346 : i32 to vector<16xi32>
    %add3A_1348 = arith.addi %mul3A_763, %add3A_1347 : vector<16xi32>
    %gather3A_1349 = tpu.vector_load_idx %arg13[%add3A_1348] : memref<1536xf32, #tpu.memory_space<vmem>>[vector<16xi32>], vector<16xf32>,
    %add3A_1350 = arith.addf %add3A_1341, %gather3A_1349 : vector<16xf32>
    %gather3A_1351 = tpu.vector_load_idx %arg14[%add3A_1348] : memref<1536xf32, #tpu.memory_space<vmem>>[vector<16xi32>], vector<16xf32>,
    %add3A_1352 = arith.addf %add3A_1350, %gather3A_1351 : vector<16xf32>
    %gather3A_1353 = tpu.vector_load_idx %arg15[%add3A_1348] : memref<1536xf32, #tpu.memory_space<vmem>>[vector<16xi32>], vector<16xf32>,
    %add3A_1354 = arith.addf %add3A_1345, %gather3A_1353 : vector<16xf32>
    %gather3A_1355 = tpu.vector_load_idx %arg16[%add3A_1348] : memref<1536xf32, #tpu.memory_space<vmem>>[vector<16xi32>], vector<16xf32>,
    %add3A_1356 = arith.addf %add3A_1354, %gather3A_1355 : vector<16xf32>
    %add3A_1357 = arith.constant 773 : i32
    %add3A_1358 = vector.broadcast %add3A_1357 : i32 to vector<16xi32>
    %add3A_1359 = arith.addi %mul3A_763, %add3A_1358 : vector<16xi32>
    %gather3A_1360 = tpu.vector_load_idx %arg13[%add3A_1359] : memref<1536xf32, #tpu.memory_space<vmem>>[vector<16xi32>], vector<16xf32>,
    %add3A_1361 = arith.addf %add3A_1352, %gather3A_1360 : vector<16xf32>
    %gather3A_1362 = tpu.vector_load_idx %arg14[%add3A_1359] : memref<1536xf32, #tpu.memory_space<vmem>>[vector<16xi32>], vector<16xf32>,
    %add3A_1363 = arith.addf %add3A_1361, %gather3A_1362 : vector<16xf32>
    %gather3A_1364 = tpu.vector_load_idx %arg15[%add3A_1359] : memref<1536xf32, #tpu.memory_space<vmem>>[vector<16xi32>], vector<16xf32>,
    %add3A_1365 = arith.addf %add3A_1356, %gather3A_1364 : vector<16xf32>
    %gather3A_1366 = tpu.vector_load_idx %arg16[%add3A_1359] : memref<1536xf32, #tpu.memory_space<vmem>>[vector<16xi32>], vector<16xf32>,
    %add3A_1367 = arith.addf %add3A_1365, %gather3A_1366 : vector<16xf32>
    %add3A_1368 = arith.constant 774 : i32
    %add3A_1369 = vector.broadcast %add3A_1368 : i32 to vector<16xi32>
    %add3A_1370 = arith.addi %mul3A_763, %add3A_1369 : vector<16xi32>
    %gather3A_1371 = tpu.vector_load_idx %arg13[%add3A_1370] : memref<1536xf32, #tpu.memory_space<vmem>>[vector<16xi32>], vector<16xf32>,
    %add3A_1372 = arith.addf %add3A_1363, %gather3A_1371 : vector<16xf32>
    %gather3A_1373 = tpu.vector_load_idx %arg14[%add3A_1370] : memref<1536xf32, #tpu.memory_space<vmem>>[vector<16xi32>], vector<16xf32>,
    %add3A_1374 = arith.addf %add3A_1372, %gather3A_1373 : vector<16xf32>
    %gather3A_1375 = tpu.vector_load_idx %arg15[%add3A_1370] : memref<1536xf32, #tpu.memory_space<vmem>>[vector<16xi32>], vector<16xf32>,
    %add3A_1376 = arith.addf %add3A_1367, %gather3A_1375 : vector<16xf32>
    %gather3A_1377 = tpu.vector_load_idx %arg16[%add3A_1370] : memref<1536xf32, #tpu.memory_space<vmem>>[vector<16xi32>], vector<16xf32>,
    %add3A_1378 = arith.addf %add3A_1376, %gather3A_1377 : vector<16xf32>
    %add3A_1379 = arith.constant 775 : i32
    %add3A_1380 = vector.broadcast %add3A_1379 : i32 to vector<16xi32>
    %add3A_1381 = arith.addi %mul3A_763, %add3A_1380 : vector<16xi32>
    %gather3A_1382 = tpu.vector_load_idx %arg13[%add3A_1381] : memref<1536xf32, #tpu.memory_space<vmem>>[vector<16xi32>], vector<16xf32>,
    %add3A_1383 = arith.addf %add3A_1374, %gather3A_1382 : vector<16xf32>
    %gather3A_1384 = tpu.vector_load_idx %arg14[%add3A_1381] : memref<1536xf32, #tpu.memory_space<vmem>>[vector<16xi32>], vector<16xf32>,
    %add3A_1385 = arith.addf %add3A_1383, %gather3A_1384 : vector<16xf32>
    %gather3A_1386 = tpu.vector_load_idx %arg15[%add3A_1381] : memref<1536xf32, #tpu.memory_space<vmem>>[vector<16xi32>], vector<16xf32>,
    %add3A_1387 = arith.addf %add3A_1378, %gather3A_1386 : vector<16xf32>
    %gather3A_1388 = tpu.vector_load_idx %arg16[%add3A_1381] : memref<1536xf32, #tpu.memory_space<vmem>>[vector<16xi32>], vector<16xf32>,
    %add3A_1389 = arith.addf %add3A_1387, %gather3A_1388 : vector<16xf32>
    %add3A_1390 = arith.constant 776 : i32
    %add3A_1391 = vector.broadcast %add3A_1390 : i32 to vector<16xi32>
    %add3A_1392 = arith.addi %mul3A_763, %add3A_1391 : vector<16xi32>
    %gather3A_1393 = tpu.vector_load_idx %arg13[%add3A_1392] : memref<1536xf32, #tpu.memory_space<vmem>>[vector<16xi32>], vector<16xf32>,
    %add3A_1394 = arith.addf %add3A_1385, %gather3A_1393 : vector<16xf32>
    %gather3A_1395 = tpu.vector_load_idx %arg14[%add3A_1392] : memref<1536xf32, #tpu.memory_space<vmem>>[vector<16xi32>], vector<16xf32>,
    %add3A_1396 = arith.addf %add3A_1394, %gather3A_1395 : vector<16xf32>
    %gather3A_1397 = tpu.vector_load_idx %arg15[%add3A_1392] : memref<1536xf32, #tpu.memory_space<vmem>>[vector<16xi32>], vector<16xf32>,
    %add3A_1398 = arith.addf %add3A_1389, %gather3A_1397 : vector<16xf32>
    %gather3A_1399 = tpu.vector_load_idx %arg16[%add3A_1392] : memref<1536xf32, #tpu.memory_space<vmem>>[vector<16xi32>], vector<16xf32>,
    %add3A_1400 = arith.addf %add3A_1398, %gather3A_1399 : vector<16xf32>
    %add3A_1401 = arith.constant 777 : i32
    %add3A_1402 = vector.broadcast %add3A_1401 : i32 to vector<16xi32>
    %add3A_1403 = arith.addi %mul3A_763, %add3A_1402 : vector<16xi32>
    %gather3A_1404 = tpu.vector_load_idx %arg13[%add3A_1403] : memref<1536xf32, #tpu.memory_space<vmem>>[vector<16xi32>], vector<16xf32>,
    %add3A_1405 = arith.addf %add3A_1396, %gather3A_1404 : vector<16xf32>
    %gather3A_1406 = tpu.vector_load_idx %arg14[%add3A_1403] : memref<1536xf32, #tpu.memory_space<vmem>>[vector<16xi32>], vector<16xf32>,
    %add3A_1407 = arith.addf %add3A_1405, %gather3A_1406 : vector<16xf32>
    %gather3A_1408 = tpu.vector_load_idx %arg15[%add3A_1403] : memref<1536xf32, #tpu.memory_space<vmem>>[vector<16xi32>], vector<16xf32>,
    %add3A_1409 = arith.addf %add3A_1400, %gather3A_1408 : vector<16xf32>
    %gather3A_1410 = tpu.vector_load_idx %arg16[%add3A_1403] : memref<1536xf32, #tpu.memory_space<vmem>>[vector<16xi32>], vector<16xf32>,
    %add3A_1411 = arith.addf %add3A_1409, %gather3A_1410 : vector<16xf32>
    %add3A_1412 = arith.constant 778 : i32
    %add3A_1413 = vector.broadcast %add3A_1412 : i32 to vector<16xi32>
    %add3A_1414 = arith.addi %mul3A_763, %add3A_1413 : vector<16xi32>
    %gather3A_1415 = tpu.vector_load_idx %arg13[%add3A_1414] : memref<1536xf32, #tpu.memory_space<vmem>>[vector<16xi32>], vector<16xf32>,
    %add3A_1416 = arith.addf %add3A_1407, %gather3A_1415 : vector<16xf32>
    %gather3A_1417 = tpu.vector_load_idx %arg14[%add3A_1414] : memref<1536xf32, #tpu.memory_space<vmem>>[vector<16xi32>], vector<16xf32>,
    %add3A_1418 = arith.addf %add3A_1416, %gather3A_1417 : vector<16xf32>
    %gather3A_1419 = tpu.vector_load_idx %arg15[%add3A_1414] : memref<1536xf32, #tpu.memory_space<vmem>>[vector<16xi32>], vector<16xf32>,
    %add3A_1420 = arith.addf %add3A_1411, %gather3A_1419 : vector<16xf32>
    %gather3A_1421 = tpu.vector_load_idx %arg16[%add3A_1414] : memref<1536xf32, #tpu.memory_space<vmem>>[vector<16xi32>], vector<16xf32>,
    %add3A_1422 = arith.addf %add3A_1420, %gather3A_1421 : vector<16xf32>
    %add3A_1423 = arith.constant 779 : i32
    %add3A_1424 = vector.broadcast %add3A_1423 : i32 to vector<16xi32>
    %add3A_1425 = arith.addi %mul3A_763, %add3A_1424 : vector<16xi32>
    %gather3A_1426 = tpu.vector_load_idx %arg13[%add3A_1425] : memref<1536xf32, #tpu.memory_space<vmem>>[vector<16xi32>], vector<16xf32>,
    %add3A_1427 = arith.addf %add3A_1418, %gather3A_1426 : vector<16xf32>
    %gather3A_1428 = tpu.vector_load_idx %arg14[%add3A_1425] : memref<1536xf32, #tpu.memory_space<vmem>>[vector<16xi32>], vector<16xf32>,
    %add3A_1429 = arith.addf %add3A_1427, %gather3A_1428 : vector<16xf32>
    %gather3A_1430 = tpu.vector_load_idx %arg15[%add3A_1425] : memref<1536xf32, #tpu.memory_space<vmem>>[vector<16xi32>], vector<16xf32>,
    %add3A_1431 = arith.addf %add3A_1422, %gather3A_1430 : vector<16xf32>
    %gather3A_1432 = tpu.vector_load_idx %arg16[%add3A_1425] : memref<1536xf32, #tpu.memory_space<vmem>>[vector<16xi32>], vector<16xf32>,
    %add3A_1433 = arith.addf %add3A_1431, %gather3A_1432 : vector<16xf32>
    %add3A_1434 = arith.constant 780 : i32
    %add3A_1435 = vector.broadcast %add3A_1434 : i32 to vector<16xi32>
    %add3A_1436 = arith.addi %mul3A_763, %add3A_1435 : vector<16xi32>
    %gather3A_1437 = tpu.vector_load_idx %arg13[%add3A_1436] : memref<1536xf32, #tpu.memory_space<vmem>>[vector<16xi32>], vector<16xf32>,
    %add3A_1438 = arith.addf %add3A_1429, %gather3A_1437 : vector<16xf32>
    %gather3A_1439 = tpu.vector_load_idx %arg14[%add3A_1436] : memref<1536xf32, #tpu.memory_space<vmem>>[vector<16xi32>], vector<16xf32>,
    %add3A_1440 = arith.addf %add3A_1438, %gather3A_1439 : vector<16xf32>
    %gather3A_1441 = tpu.vector_load_idx %arg15[%add3A_1436] : memref<1536xf32, #tpu.memory_space<vmem>>[vector<16xi32>], vector<16xf32>,
    %add3A_1442 = arith.addf %add3A_1433, %gather3A_1441 : vector<16xf32>
    %gather3A_1443 = tpu.vector_load_idx %arg16[%add3A_1436] : memref<1536xf32, #tpu.memory_space<vmem>>[vector<16xi32>], vector<16xf32>,
    %add3A_1444 = arith.addf %add3A_1442, %gather3A_1443 : vector<16xf32>
    %add3A_1445 = arith.constant 781 : i32
    %add3A_1446 = vector.broadcast %add3A_1445 : i32 to vector<16xi32>
    %add3A_1447 = arith.addi %mul3A_763, %add3A_1446 : vector<16xi32>
    %gather3A_1448 = tpu.vector_load_idx %arg13[%add3A_1447] : memref<1536xf32, #tpu.memory_space<vmem>>[vector<16xi32>], vector<16xf32>,
    %add3A_1449 = arith.addf %add3A_1440, %gather3A_1448 : vector<16xf32>
    %gather3A_1450 = tpu.vector_load_idx %arg14[%add3A_1447] : memref<1536xf32, #tpu.memory_space<vmem>>[vector<16xi32>], vector<16xf32>,
    %add3A_1451 = arith.addf %add3A_1449, %gather3A_1450 : vector<16xf32>
    %gather3A_1452 = tpu.vector_load_idx %arg15[%add3A_1447] : memref<1536xf32, #tpu.memory_space<vmem>>[vector<16xi32>], vector<16xf32>,
    %add3A_1453 = arith.addf %add3A_1444, %gather3A_1452 : vector<16xf32>
    %gather3A_1454 = tpu.vector_load_idx %arg16[%add3A_1447] : memref<1536xf32, #tpu.memory_space<vmem>>[vector<16xi32>], vector<16xf32>,
    %add3A_1455 = arith.addf %add3A_1453, %gather3A_1454 : vector<16xf32>
    %add3A_1456 = arith.constant 782 : i32
    %add3A_1457 = vector.broadcast %add3A_1456 : i32 to vector<16xi32>
    %add3A_1458 = arith.addi %mul3A_763, %add3A_1457 : vector<16xi32>
    %gather3A_1459 = tpu.vector_load_idx %arg13[%add3A_1458] : memref<1536xf32, #tpu.memory_space<vmem>>[vector<16xi32>], vector<16xf32>,
    %add3A_1460 = arith.addf %add3A_1451, %gather3A_1459 : vector<16xf32>
    %gather3A_1461 = tpu.vector_load_idx %arg14[%add3A_1458] : memref<1536xf32, #tpu.memory_space<vmem>>[vector<16xi32>], vector<16xf32>,
    %add3A_1462 = arith.addf %add3A_1460, %gather3A_1461 : vector<16xf32>
    %gather3A_1463 = tpu.vector_load_idx %arg15[%add3A_1458] : memref<1536xf32, #tpu.memory_space<vmem>>[vector<16xi32>], vector<16xf32>,
    %add3A_1464 = arith.addf %add3A_1455, %gather3A_1463 : vector<16xf32>
    %gather3A_1465 = tpu.vector_load_idx %arg16[%add3A_1458] : memref<1536xf32, #tpu.memory_space<vmem>>[vector<16xi32>], vector<16xf32>,
    %add3A_1466 = arith.addf %add3A_1464, %gather3A_1465 : vector<16xf32>
    %add3A_1467 = arith.constant 783 : i32
    %add3A_1468 = vector.broadcast %add3A_1467 : i32 to vector<16xi32>
    %add3A_1469 = arith.addi %mul3A_763, %add3A_1468 : vector<16xi32>
    %gather3A_1470 = tpu.vector_load_idx %arg13[%add3A_1469] : memref<1536xf32, #tpu.memory_space<vmem>>[vector<16xi32>], vector<16xf32>,
    %add3A_1471 = arith.addf %add3A_1462, %gather3A_1470 : vector<16xf32>
    %gather3A_1472 = tpu.vector_load_idx %arg14[%add3A_1469] : memref<1536xf32, #tpu.memory_space<vmem>>[vector<16xi32>], vector<16xf32>,
    %add3A_1473 = arith.addf %add3A_1471, %gather3A_1472 : vector<16xf32>
    %gather3A_1474 = tpu.vector_load_idx %arg15[%add3A_1469] : memref<1536xf32, #tpu.memory_space<vmem>>[vector<16xi32>], vector<16xf32>,
    %add3A_1475 = arith.addf %add3A_1466, %gather3A_1474 : vector<16xf32>
    %gather3A_1476 = tpu.vector_load_idx %arg16[%add3A_1469] : memref<1536xf32, #tpu.memory_space<vmem>>[vector<16xi32>], vector<16xf32>,
    %add3A_1477 = arith.addf %add3A_1475, %gather3A_1476 : vector<16xf32>
    %swap3A_1478 = arith.constant 48 : index
    %swap3A_1479 = tpu.vector_load %arg17[%swap3A_1478] {strides = array<i32>} : memref<96xf32, #tpu.memory_space<vmem>>, vector<16xf32>,
    tpu.vector_store %arg17[%swap3A_1478], %add3A_1473 {strides = array<i32>} : memref<96xf32, #tpu.memory_space<vmem>>, vector<16xf32>,
    %swap3A_1480 = arith.constant 48 : index
    %swap3A_1481 = tpu.vector_load %arg18[%swap3A_1480] {strides = array<i32>} : memref<96xf32, #tpu.memory_space<vmem>>, vector<16xf32>,
    tpu.vector_store %arg18[%swap3A_1480], %add3A_1477 {strides = array<i32>} : memref<96xf32, #tpu.memory_space<vmem>>, vector<16xf32>,
    %add3A_1482 = arith.constant 1024 : i32
    %add3A_1483 = vector.broadcast %add3A_1482 : i32 to vector<16xi32>
    %add3A_1484 = arith.addi %mul3A_763, %add3A_1483 : vector<16xi32>
    %gather3A_1485 = tpu.vector_load_idx %arg13[%add3A_1484] : memref<1536xf32, #tpu.memory_space<vmem>>[vector<16xi32>], vector<16xf32>,
    %add3A_1486 = arith.addf %broadcast_in_dim3A_1, %gather3A_1485 : vector<16xf32>
    %gather3A_1487 = tpu.vector_load_idx %arg14[%add3A_1484] : memref<1536xf32, #tpu.memory_space<vmem>>[vector<16xi32>], vector<16xf32>,
    %add3A_1488 = arith.addf %add3A_1486, %gather3A_1487 : vector<16xf32>
    %gather3A_1489 = tpu.vector_load_idx %arg15[%add3A_1484] : memref<1536xf32, #tpu.memory_space<vmem>>[vector<16xi32>], vector<16xf32>,
    %add3A_1490 = arith.addf %broadcast_in_dim3A_1, %gather3A_1489 : vector<16xf32>
    %gather3A_1491 = tpu.vector_load_idx %arg16[%add3A_1484] : memref<1536xf32, #tpu.memory_space<vmem>>[vector<16xi32>], vector<16xf32>,
    %add3A_1492 = arith.addf %add3A_1490, %gather3A_1491 : vector<16xf32>
    %add3A_1493 = arith.constant 1025 : i32
    %add3A_1494 = vector.broadcast %add3A_1493 : i32 to vector<16xi32>
    %add3A_1495 = arith.addi %mul3A_763, %add3A_1494 : vector<16xi32>
    %gather3A_1496 = tpu.vector_load_idx %arg13[%add3A_1495] : memref<1536xf32, #tpu.memory_space<vmem>>[vector<16xi32>], vector<16xf32>,
    %add3A_1497 = arith.addf %add3A_1488, %gather3A_1496 : vector<16xf32>
    %gather3A_1498 = tpu.vector_load_idx %arg14[%add3A_1495] : memref<1536xf32, #tpu.memory_space<vmem>>[vector<16xi32>], vector<16xf32>,
    %add3A_1499 = arith.addf %add3A_1497, %gather3A_1498 : vector<16xf32>
    %gather3A_1500 = tpu.vector_load_idx %arg15[%add3A_1495] : memref<1536xf32, #tpu.memory_space<vmem>>[vector<16xi32>], vector<16xf32>,
    %add3A_1501 = arith.addf %add3A_1492, %gather3A_1500 : vector<16xf32>
    %gather3A_1502 = tpu.vector_load_idx %arg16[%add3A_1495] : memref<1536xf32, #tpu.memory_space<vmem>>[vector<16xi32>], vector<16xf32>,
    %add3A_1503 = arith.addf %add3A_1501, %gather3A_1502 : vector<16xf32>
    %add3A_1504 = arith.constant 1026 : i32
    %add3A_1505 = vector.broadcast %add3A_1504 : i32 to vector<16xi32>
    %add3A_1506 = arith.addi %mul3A_763, %add3A_1505 : vector<16xi32>
    %gather3A_1507 = tpu.vector_load_idx %arg13[%add3A_1506] : memref<1536xf32, #tpu.memory_space<vmem>>[vector<16xi32>], vector<16xf32>,
    %add3A_1508 = arith.addf %add3A_1499, %gather3A_1507 : vector<16xf32>
    %gather3A_1509 = tpu.vector_load_idx %arg14[%add3A_1506] : memref<1536xf32, #tpu.memory_space<vmem>>[vector<16xi32>], vector<16xf32>,
    %add3A_1510 = arith.addf %add3A_1508, %gather3A_1509 : vector<16xf32>
    %gather3A_1511 = tpu.vector_load_idx %arg15[%add3A_1506] : memref<1536xf32, #tpu.memory_space<vmem>>[vector<16xi32>], vector<16xf32>,
    %add3A_1512 = arith.addf %add3A_1503, %gather3A_1511 : vector<16xf32>
    %gather3A_1513 = tpu.vector_load_idx %arg16[%add3A_1506] : memref<1536xf32, #tpu.memory_space<vmem>>[vector<16xi32>], vector<16xf32>,
    %add3A_1514 = arith.addf %add3A_1512, %gather3A_1513 : vector<16xf32>
    %add3A_1515 = arith.constant 1027 : i32
    %add3A_1516 = vector.broadcast %add3A_1515 : i32 to vector<16xi32>
    %add3A_1517 = arith.addi %mul3A_763, %add3A_1516 : vector<16xi32>
    %gather3A_1518 = tpu.vector_load_idx %arg13[%add3A_1517] : memref<1536xf32, #tpu.memory_space<vmem>>[vector<16xi32>], vector<16xf32>,
    %add3A_1519 = arith.addf %add3A_1510, %gather3A_1518 : vector<16xf32>
    %gather3A_1520 = tpu.vector_load_idx %arg14[%add3A_1517] : memref<1536xf32, #tpu.memory_space<vmem>>[vector<16xi32>], vector<16xf32>,
    %add3A_1521 = arith.addf %add3A_1519, %gather3A_1520 : vector<16xf32>
    %gather3A_1522 = tpu.vector_load_idx %arg15[%add3A_1517] : memref<1536xf32, #tpu.memory_space<vmem>>[vector<16xi32>], vector<16xf32>,
    %add3A_1523 = arith.addf %add3A_1514, %gather3A_1522 : vector<16xf32>
    %gather3A_1524 = tpu.vector_load_idx %arg16[%add3A_1517] : memref<1536xf32, #tpu.memory_space<vmem>>[vector<16xi32>], vector<16xf32>,
    %add3A_1525 = arith.addf %add3A_1523, %gather3A_1524 : vector<16xf32>
    %add3A_1526 = arith.constant 1028 : i32
    %add3A_1527 = vector.broadcast %add3A_1526 : i32 to vector<16xi32>
    %add3A_1528 = arith.addi %mul3A_763, %add3A_1527 : vector<16xi32>
    %gather3A_1529 = tpu.vector_load_idx %arg13[%add3A_1528] : memref<1536xf32, #tpu.memory_space<vmem>>[vector<16xi32>], vector<16xf32>,
    %add3A_1530 = arith.addf %add3A_1521, %gather3A_1529 : vector<16xf32>
    %gather3A_1531 = tpu.vector_load_idx %arg14[%add3A_1528] : memref<1536xf32, #tpu.memory_space<vmem>>[vector<16xi32>], vector<16xf32>,
    %add3A_1532 = arith.addf %add3A_1530, %gather3A_1531 : vector<16xf32>
    %gather3A_1533 = tpu.vector_load_idx %arg15[%add3A_1528] : memref<1536xf32, #tpu.memory_space<vmem>>[vector<16xi32>], vector<16xf32>,
    %add3A_1534 = arith.addf %add3A_1525, %gather3A_1533 : vector<16xf32>
    %gather3A_1535 = tpu.vector_load_idx %arg16[%add3A_1528] : memref<1536xf32, #tpu.memory_space<vmem>>[vector<16xi32>], vector<16xf32>,
    %add3A_1536 = arith.addf %add3A_1534, %gather3A_1535 : vector<16xf32>
    %add3A_1537 = arith.constant 1029 : i32
    %add3A_1538 = vector.broadcast %add3A_1537 : i32 to vector<16xi32>
    %add3A_1539 = arith.addi %mul3A_763, %add3A_1538 : vector<16xi32>
    %gather3A_1540 = tpu.vector_load_idx %arg13[%add3A_1539] : memref<1536xf32, #tpu.memory_space<vmem>>[vector<16xi32>], vector<16xf32>,
    %add3A_1541 = arith.addf %add3A_1532, %gather3A_1540 : vector<16xf32>
    %gather3A_1542 = tpu.vector_load_idx %arg14[%add3A_1539] : memref<1536xf32, #tpu.memory_space<vmem>>[vector<16xi32>], vector<16xf32>,
    %add3A_1543 = arith.addf %add3A_1541, %gather3A_1542 : vector<16xf32>
    %gather3A_1544 = tpu.vector_load_idx %arg15[%add3A_1539] : memref<1536xf32, #tpu.memory_space<vmem>>[vector<16xi32>], vector<16xf32>,
    %add3A_1545 = arith.addf %add3A_1536, %gather3A_1544 : vector<16xf32>
    %gather3A_1546 = tpu.vector_load_idx %arg16[%add3A_1539] : memref<1536xf32, #tpu.memory_space<vmem>>[vector<16xi32>], vector<16xf32>,
    %add3A_1547 = arith.addf %add3A_1545, %gather3A_1546 : vector<16xf32>
    %add3A_1548 = arith.constant 1030 : i32
    %add3A_1549 = vector.broadcast %add3A_1548 : i32 to vector<16xi32>
    %add3A_1550 = arith.addi %mul3A_763, %add3A_1549 : vector<16xi32>
    %gather3A_1551 = tpu.vector_load_idx %arg13[%add3A_1550] : memref<1536xf32, #tpu.memory_space<vmem>>[vector<16xi32>], vector<16xf32>,
    %add3A_1552 = arith.addf %add3A_1543, %gather3A_1551 : vector<16xf32>
    %gather3A_1553 = tpu.vector_load_idx %arg14[%add3A_1550] : memref<1536xf32, #tpu.memory_space<vmem>>[vector<16xi32>], vector<16xf32>,
    %add3A_1554 = arith.addf %add3A_1552, %gather3A_1553 : vector<16xf32>
    %gather3A_1555 = tpu.vector_load_idx %arg15[%add3A_1550] : memref<1536xf32, #tpu.memory_space<vmem>>[vector<16xi32>], vector<16xf32>,
    %add3A_1556 = arith.addf %add3A_1547, %gather3A_1555 : vector<16xf32>
    %gather3A_1557 = tpu.vector_load_idx %arg16[%add3A_1550] : memref<1536xf32, #tpu.memory_space<vmem>>[vector<16xi32>], vector<16xf32>,
    %add3A_1558 = arith.addf %add3A_1556, %gather3A_1557 : vector<16xf32>
    %add3A_1559 = arith.constant 1031 : i32
    %add3A_1560 = vector.broadcast %add3A_1559 : i32 to vector<16xi32>
    %add3A_1561 = arith.addi %mul3A_763, %add3A_1560 : vector<16xi32>
    %gather3A_1562 = tpu.vector_load_idx %arg13[%add3A_1561] : memref<1536xf32, #tpu.memory_space<vmem>>[vector<16xi32>], vector<16xf32>,
    %add3A_1563 = arith.addf %add3A_1554, %gather3A_1562 : vector<16xf32>
    %gather3A_1564 = tpu.vector_load_idx %arg14[%add3A_1561] : memref<1536xf32, #tpu.memory_space<vmem>>[vector<16xi32>], vector<16xf32>,
    %add3A_1565 = arith.addf %add3A_1563, %gather3A_1564 : vector<16xf32>
    %gather3A_1566 = tpu.vector_load_idx %arg15[%add3A_1561] : memref<1536xf32, #tpu.memory_space<vmem>>[vector<16xi32>], vector<16xf32>,
    %add3A_1567 = arith.addf %add3A_1558, %gather3A_1566 : vector<16xf32>
    %gather3A_1568 = tpu.vector_load_idx %arg16[%add3A_1561] : memref<1536xf32, #tpu.memory_space<vmem>>[vector<16xi32>], vector<16xf32>,
    %add3A_1569 = arith.addf %add3A_1567, %gather3A_1568 : vector<16xf32>
    %add3A_1570 = arith.constant 1032 : i32
    %add3A_1571 = vector.broadcast %add3A_1570 : i32 to vector<16xi32>
    %add3A_1572 = arith.addi %mul3A_763, %add3A_1571 : vector<16xi32>
    %gather3A_1573 = tpu.vector_load_idx %arg13[%add3A_1572] : memref<1536xf32, #tpu.memory_space<vmem>>[vector<16xi32>], vector<16xf32>,
    %add3A_1574 = arith.addf %add3A_1565, %gather3A_1573 : vector<16xf32>
    %gather3A_1575 = tpu.vector_load_idx %arg14[%add3A_1572] : memref<1536xf32, #tpu.memory_space<vmem>>[vector<16xi32>], vector<16xf32>,
    %add3A_1576 = arith.addf %add3A_1574, %gather3A_1575 : vector<16xf32>
    %gather3A_1577 = tpu.vector_load_idx %arg15[%add3A_1572] : memref<1536xf32, #tpu.memory_space<vmem>>[vector<16xi32>], vector<16xf32>,
    %add3A_1578 = arith.addf %add3A_1569, %gather3A_1577 : vector<16xf32>
    %gather3A_1579 = tpu.vector_load_idx %arg16[%add3A_1572] : memref<1536xf32, #tpu.memory_space<vmem>>[vector<16xi32>], vector<16xf32>,
    %add3A_1580 = arith.addf %add3A_1578, %gather3A_1579 : vector<16xf32>
    %add3A_1581 = arith.constant 1033 : i32
    %add3A_1582 = vector.broadcast %add3A_1581 : i32 to vector<16xi32>
    %add3A_1583 = arith.addi %mul3A_763, %add3A_1582 : vector<16xi32>
    %gather3A_1584 = tpu.vector_load_idx %arg13[%add3A_1583] : memref<1536xf32, #tpu.memory_space<vmem>>[vector<16xi32>], vector<16xf32>,
    %add3A_1585 = arith.addf %add3A_1576, %gather3A_1584 : vector<16xf32>
    %gather3A_1586 = tpu.vector_load_idx %arg14[%add3A_1583] : memref<1536xf32, #tpu.memory_space<vmem>>[vector<16xi32>], vector<16xf32>,
    %add3A_1587 = arith.addf %add3A_1585, %gather3A_1586 : vector<16xf32>
    %gather3A_1588 = tpu.vector_load_idx %arg15[%add3A_1583] : memref<1536xf32, #tpu.memory_space<vmem>>[vector<16xi32>], vector<16xf32>,
    %add3A_1589 = arith.addf %add3A_1580, %gather3A_1588 : vector<16xf32>
    %gather3A_1590 = tpu.vector_load_idx %arg16[%add3A_1583] : memref<1536xf32, #tpu.memory_space<vmem>>[vector<16xi32>], vector<16xf32>,
    %add3A_1591 = arith.addf %add3A_1589, %gather3A_1590 : vector<16xf32>
    %add3A_1592 = arith.constant 1034 : i32
    %add3A_1593 = vector.broadcast %add3A_1592 : i32 to vector<16xi32>
    %add3A_1594 = arith.addi %mul3A_763, %add3A_1593 : vector<16xi32>
    %gather3A_1595 = tpu.vector_load_idx %arg13[%add3A_1594] : memref<1536xf32, #tpu.memory_space<vmem>>[vector<16xi32>], vector<16xf32>,
    %add3A_1596 = arith.addf %add3A_1587, %gather3A_1595 : vector<16xf32>
    %gather3A_1597 = tpu.vector_load_idx %arg14[%add3A_1594] : memref<1536xf32, #tpu.memory_space<vmem>>[vector<16xi32>], vector<16xf32>,
    %add3A_1598 = arith.addf %add3A_1596, %gather3A_1597 : vector<16xf32>
    %gather3A_1599 = tpu.vector_load_idx %arg15[%add3A_1594] : memref<1536xf32, #tpu.memory_space<vmem>>[vector<16xi32>], vector<16xf32>,
    %add3A_1600 = arith.addf %add3A_1591, %gather3A_1599 : vector<16xf32>
    %gather3A_1601 = tpu.vector_load_idx %arg16[%add3A_1594] : memref<1536xf32, #tpu.memory_space<vmem>>[vector<16xi32>], vector<16xf32>,
    %add3A_1602 = arith.addf %add3A_1600, %gather3A_1601 : vector<16xf32>
    %add3A_1603 = arith.constant 1035 : i32
    %add3A_1604 = vector.broadcast %add3A_1603 : i32 to vector<16xi32>
    %add3A_1605 = arith.addi %mul3A_763, %add3A_1604 : vector<16xi32>
    %gather3A_1606 = tpu.vector_load_idx %arg13[%add3A_1605] : memref<1536xf32, #tpu.memory_space<vmem>>[vector<16xi32>], vector<16xf32>,
    %add3A_1607 = arith.addf %add3A_1598, %gather3A_1606 : vector<16xf32>
    %gather3A_1608 = tpu.vector_load_idx %arg14[%add3A_1605] : memref<1536xf32, #tpu.memory_space<vmem>>[vector<16xi32>], vector<16xf32>,
    %add3A_1609 = arith.addf %add3A_1607, %gather3A_1608 : vector<16xf32>
    %gather3A_1610 = tpu.vector_load_idx %arg15[%add3A_1605] : memref<1536xf32, #tpu.memory_space<vmem>>[vector<16xi32>], vector<16xf32>,
    %add3A_1611 = arith.addf %add3A_1602, %gather3A_1610 : vector<16xf32>
    %gather3A_1612 = tpu.vector_load_idx %arg16[%add3A_1605] : memref<1536xf32, #tpu.memory_space<vmem>>[vector<16xi32>], vector<16xf32>,
    %add3A_1613 = arith.addf %add3A_1611, %gather3A_1612 : vector<16xf32>
    %add3A_1614 = arith.constant 1036 : i32
    %add3A_1615 = vector.broadcast %add3A_1614 : i32 to vector<16xi32>
    %add3A_1616 = arith.addi %mul3A_763, %add3A_1615 : vector<16xi32>
    %gather3A_1617 = tpu.vector_load_idx %arg13[%add3A_1616] : memref<1536xf32, #tpu.memory_space<vmem>>[vector<16xi32>], vector<16xf32>,
    %add3A_1618 = arith.addf %add3A_1609, %gather3A_1617 : vector<16xf32>
    %gather3A_1619 = tpu.vector_load_idx %arg14[%add3A_1616] : memref<1536xf32, #tpu.memory_space<vmem>>[vector<16xi32>], vector<16xf32>,
    %add3A_1620 = arith.addf %add3A_1618, %gather3A_1619 : vector<16xf32>
    %gather3A_1621 = tpu.vector_load_idx %arg15[%add3A_1616] : memref<1536xf32, #tpu.memory_space<vmem>>[vector<16xi32>], vector<16xf32>,
    %add3A_1622 = arith.addf %add3A_1613, %gather3A_1621 : vector<16xf32>
    %gather3A_1623 = tpu.vector_load_idx %arg16[%add3A_1616] : memref<1536xf32, #tpu.memory_space<vmem>>[vector<16xi32>], vector<16xf32>,
    %add3A_1624 = arith.addf %add3A_1622, %gather3A_1623 : vector<16xf32>
    %add3A_1625 = arith.constant 1037 : i32
    %add3A_1626 = vector.broadcast %add3A_1625 : i32 to vector<16xi32>
    %add3A_1627 = arith.addi %mul3A_763, %add3A_1626 : vector<16xi32>
    %gather3A_1628 = tpu.vector_load_idx %arg13[%add3A_1627] : memref<1536xf32, #tpu.memory_space<vmem>>[vector<16xi32>], vector<16xf32>,
    %add3A_1629 = arith.addf %add3A_1620, %gather3A_1628 : vector<16xf32>
    %gather3A_1630 = tpu.vector_load_idx %arg14[%add3A_1627] : memref<1536xf32, #tpu.memory_space<vmem>>[vector<16xi32>], vector<16xf32>,
    %add3A_1631 = arith.addf %add3A_1629, %gather3A_1630 : vector<16xf32>
    %gather3A_1632 = tpu.vector_load_idx %arg15[%add3A_1627] : memref<1536xf32, #tpu.memory_space<vmem>>[vector<16xi32>], vector<16xf32>,
    %add3A_1633 = arith.addf %add3A_1624, %gather3A_1632 : vector<16xf32>
    %gather3A_1634 = tpu.vector_load_idx %arg16[%add3A_1627] : memref<1536xf32, #tpu.memory_space<vmem>>[vector<16xi32>], vector<16xf32>,
    %add3A_1635 = arith.addf %add3A_1633, %gather3A_1634 : vector<16xf32>
    %add3A_1636 = arith.constant 1038 : i32
    %add3A_1637 = vector.broadcast %add3A_1636 : i32 to vector<16xi32>
    %add3A_1638 = arith.addi %mul3A_763, %add3A_1637 : vector<16xi32>
    %gather3A_1639 = tpu.vector_load_idx %arg13[%add3A_1638] : memref<1536xf32, #tpu.memory_space<vmem>>[vector<16xi32>], vector<16xf32>,
    %add3A_1640 = arith.addf %add3A_1631, %gather3A_1639 : vector<16xf32>
    %gather3A_1641 = tpu.vector_load_idx %arg14[%add3A_1638] : memref<1536xf32, #tpu.memory_space<vmem>>[vector<16xi32>], vector<16xf32>,
    %add3A_1642 = arith.addf %add3A_1640, %gather3A_1641 : vector<16xf32>
    %gather3A_1643 = tpu.vector_load_idx %arg15[%add3A_1638] : memref<1536xf32, #tpu.memory_space<vmem>>[vector<16xi32>], vector<16xf32>,
    %add3A_1644 = arith.addf %add3A_1635, %gather3A_1643 : vector<16xf32>
    %gather3A_1645 = tpu.vector_load_idx %arg16[%add3A_1638] : memref<1536xf32, #tpu.memory_space<vmem>>[vector<16xi32>], vector<16xf32>,
    %add3A_1646 = arith.addf %add3A_1644, %gather3A_1645 : vector<16xf32>
    %add3A_1647 = arith.constant 1039 : i32
    %add3A_1648 = vector.broadcast %add3A_1647 : i32 to vector<16xi32>
    %add3A_1649 = arith.addi %mul3A_763, %add3A_1648 : vector<16xi32>
    %gather3A_1650 = tpu.vector_load_idx %arg13[%add3A_1649] : memref<1536xf32, #tpu.memory_space<vmem>>[vector<16xi32>], vector<16xf32>,
    %add3A_1651 = arith.addf %add3A_1642, %gather3A_1650 : vector<16xf32>
    %gather3A_1652 = tpu.vector_load_idx %arg14[%add3A_1649] : memref<1536xf32, #tpu.memory_space<vmem>>[vector<16xi32>], vector<16xf32>,
    %add3A_1653 = arith.addf %add3A_1651, %gather3A_1652 : vector<16xf32>
    %gather3A_1654 = tpu.vector_load_idx %arg15[%add3A_1649] : memref<1536xf32, #tpu.memory_space<vmem>>[vector<16xi32>], vector<16xf32>,
    %add3A_1655 = arith.addf %add3A_1646, %gather3A_1654 : vector<16xf32>
    %gather3A_1656 = tpu.vector_load_idx %arg16[%add3A_1649] : memref<1536xf32, #tpu.memory_space<vmem>>[vector<16xi32>], vector<16xf32>,
    %add3A_1657 = arith.addf %add3A_1655, %gather3A_1656 : vector<16xf32>
    %swap3A_1658 = arith.constant 64 : index
    %swap3A_1659 = tpu.vector_load %arg17[%swap3A_1658] {strides = array<i32>} : memref<96xf32, #tpu.memory_space<vmem>>, vector<16xf32>,
    tpu.vector_store %arg17[%swap3A_1658], %add3A_1653 {strides = array<i32>} : memref<96xf32, #tpu.memory_space<vmem>>, vector<16xf32>,
    %swap3A_1660 = arith.constant 64 : index
    %swap3A_1661 = tpu.vector_load %arg18[%swap3A_1660] {strides = array<i32>} : memref<96xf32, #tpu.memory_space<vmem>>, vector<16xf32>,
    tpu.vector_store %arg18[%swap3A_1660], %add3A_1657 {strides = array<i32>} : memref<96xf32, #tpu.memory_space<vmem>>, vector<16xf32>,
    %add3A_1662 = arith.constant 1280 : i32
    %add3A_1663 = vector.broadcast %add3A_1662 : i32 to vector<16xi32>
    %add3A_1664 = arith.addi %mul3A_763, %add3A_1663 : vector<16xi32>
    %gather3A_1665 = tpu.vector_load_idx %arg13[%add3A_1664] : memref<1536xf32, #tpu.memory_space<vmem>>[vector<16xi32>], vector<16xf32>,
    %add3A_1666 = arith.addf %broadcast_in_dim3A_1, %gather3A_1665 : vector<16xf32>
    %gather3A_1667 = tpu.vector_load_idx %arg14[%add3A_1664] : memref<1536xf32, #tpu.memory_space<vmem>>[vector<16xi32>], vector<16xf32>,
    %add3A_1668 = arith.addf %add3A_1666, %gather3A_1667 : vector<16xf32>
    %gather3A_1669 = tpu.vector_load_idx %arg15[%add3A_1664] : memref<1536xf32, #tpu.memory_space<vmem>>[vector<16xi32>], vector<16xf32>,
    %add3A_1670 = arith.addf %broadcast_in_dim3A_1, %gather3A_1669 : vector<16xf32>
    %gather3A_1671 = tpu.vector_load_idx %arg16[%add3A_1664] : memref<1536xf32, #tpu.memory_space<vmem>>[vector<16xi32>], vector<16xf32>,
    %add3A_1672 = arith.addf %add3A_1670, %gather3A_1671 : vector<16xf32>
    %add3A_1673 = arith.constant 1281 : i32
    %add3A_1674 = vector.broadcast %add3A_1673 : i32 to vector<16xi32>
    %add3A_1675 = arith.addi %mul3A_763, %add3A_1674 : vector<16xi32>
    %gather3A_1676 = tpu.vector_load_idx %arg13[%add3A_1675] : memref<1536xf32, #tpu.memory_space<vmem>>[vector<16xi32>], vector<16xf32>,
    %add3A_1677 = arith.addf %add3A_1668, %gather3A_1676 : vector<16xf32>
    %gather3A_1678 = tpu.vector_load_idx %arg14[%add3A_1675] : memref<1536xf32, #tpu.memory_space<vmem>>[vector<16xi32>], vector<16xf32>,
    %add3A_1679 = arith.addf %add3A_1677, %gather3A_1678 : vector<16xf32>
    %gather3A_1680 = tpu.vector_load_idx %arg15[%add3A_1675] : memref<1536xf32, #tpu.memory_space<vmem>>[vector<16xi32>], vector<16xf32>,
    %add3A_1681 = arith.addf %add3A_1672, %gather3A_1680 : vector<16xf32>
    %gather3A_1682 = tpu.vector_load_idx %arg16[%add3A_1675] : memref<1536xf32, #tpu.memory_space<vmem>>[vector<16xi32>], vector<16xf32>,
    %add3A_1683 = arith.addf %add3A_1681, %gather3A_1682 : vector<16xf32>
    %add3A_1684 = arith.constant 1282 : i32
    %add3A_1685 = vector.broadcast %add3A_1684 : i32 to vector<16xi32>
    %add3A_1686 = arith.addi %mul3A_763, %add3A_1685 : vector<16xi32>
    %gather3A_1687 = tpu.vector_load_idx %arg13[%add3A_1686] : memref<1536xf32, #tpu.memory_space<vmem>>[vector<16xi32>], vector<16xf32>,
    %add3A_1688 = arith.addf %add3A_1679, %gather3A_1687 : vector<16xf32>
    %gather3A_1689 = tpu.vector_load_idx %arg14[%add3A_1686] : memref<1536xf32, #tpu.memory_space<vmem>>[vector<16xi32>], vector<16xf32>,
    %add3A_1690 = arith.addf %add3A_1688, %gather3A_1689 : vector<16xf32>
    %gather3A_1691 = tpu.vector_load_idx %arg15[%add3A_1686] : memref<1536xf32, #tpu.memory_space<vmem>>[vector<16xi32>], vector<16xf32>,
    %add3A_1692 = arith.addf %add3A_1683, %gather3A_1691 : vector<16xf32>
    %gather3A_1693 = tpu.vector_load_idx %arg16[%add3A_1686] : memref<1536xf32, #tpu.memory_space<vmem>>[vector<16xi32>], vector<16xf32>,
    %add3A_1694 = arith.addf %add3A_1692, %gather3A_1693 : vector<16xf32>
    %add3A_1695 = arith.constant 1283 : i32
    %add3A_1696 = vector.broadcast %add3A_1695 : i32 to vector<16xi32>
    %add3A_1697 = arith.addi %mul3A_763, %add3A_1696 : vector<16xi32>
    %gather3A_1698 = tpu.vector_load_idx %arg13[%add3A_1697] : memref<1536xf32, #tpu.memory_space<vmem>>[vector<16xi32>], vector<16xf32>,
    %add3A_1699 = arith.addf %add3A_1690, %gather3A_1698 : vector<16xf32>
    %gather3A_1700 = tpu.vector_load_idx %arg14[%add3A_1697] : memref<1536xf32, #tpu.memory_space<vmem>>[vector<16xi32>], vector<16xf32>,
    %add3A_1701 = arith.addf %add3A_1699, %gather3A_1700 : vector<16xf32>
    %gather3A_1702 = tpu.vector_load_idx %arg15[%add3A_1697] : memref<1536xf32, #tpu.memory_space<vmem>>[vector<16xi32>], vector<16xf32>,
    %add3A_1703 = arith.addf %add3A_1694, %gather3A_1702 : vector<16xf32>
    %gather3A_1704 = tpu.vector_load_idx %arg16[%add3A_1697] : memref<1536xf32, #tpu.memory_space<vmem>>[vector<16xi32>], vector<16xf32>,
    %add3A_1705 = arith.addf %add3A_1703, %gather3A_1704 : vector<16xf32>
    %add3A_1706 = arith.constant 1284 : i32
    %add3A_1707 = vector.broadcast %add3A_1706 : i32 to vector<16xi32>
    %add3A_1708 = arith.addi %mul3A_763, %add3A_1707 : vector<16xi32>
    %gather3A_1709 = tpu.vector_load_idx %arg13[%add3A_1708] : memref<1536xf32, #tpu.memory_space<vmem>>[vector<16xi32>], vector<16xf32>,
    %add3A_1710 = arith.addf %add3A_1701, %gather3A_1709 : vector<16xf32>
    %gather3A_1711 = tpu.vector_load_idx %arg14[%add3A_1708] : memref<1536xf32, #tpu.memory_space<vmem>>[vector<16xi32>], vector<16xf32>,
    %add3A_1712 = arith.addf %add3A_1710, %gather3A_1711 : vector<16xf32>
    %gather3A_1713 = tpu.vector_load_idx %arg15[%add3A_1708] : memref<1536xf32, #tpu.memory_space<vmem>>[vector<16xi32>], vector<16xf32>,
    %add3A_1714 = arith.addf %add3A_1705, %gather3A_1713 : vector<16xf32>
    %gather3A_1715 = tpu.vector_load_idx %arg16[%add3A_1708] : memref<1536xf32, #tpu.memory_space<vmem>>[vector<16xi32>], vector<16xf32>,
    %add3A_1716 = arith.addf %add3A_1714, %gather3A_1715 : vector<16xf32>
    %add3A_1717 = arith.constant 1285 : i32
    %add3A_1718 = vector.broadcast %add3A_1717 : i32 to vector<16xi32>
    %add3A_1719 = arith.addi %mul3A_763, %add3A_1718 : vector<16xi32>
    %gather3A_1720 = tpu.vector_load_idx %arg13[%add3A_1719] : memref<1536xf32, #tpu.memory_space<vmem>>[vector<16xi32>], vector<16xf32>,
    %add3A_1721 = arith.addf %add3A_1712, %gather3A_1720 : vector<16xf32>
    %gather3A_1722 = tpu.vector_load_idx %arg14[%add3A_1719] : memref<1536xf32, #tpu.memory_space<vmem>>[vector<16xi32>], vector<16xf32>,
    %add3A_1723 = arith.addf %add3A_1721, %gather3A_1722 : vector<16xf32>
    %gather3A_1724 = tpu.vector_load_idx %arg15[%add3A_1719] : memref<1536xf32, #tpu.memory_space<vmem>>[vector<16xi32>], vector<16xf32>,
    %add3A_1725 = arith.addf %add3A_1716, %gather3A_1724 : vector<16xf32>
    %gather3A_1726 = tpu.vector_load_idx %arg16[%add3A_1719] : memref<1536xf32, #tpu.memory_space<vmem>>[vector<16xi32>], vector<16xf32>,
    %add3A_1727 = arith.addf %add3A_1725, %gather3A_1726 : vector<16xf32>
    %add3A_1728 = arith.constant 1286 : i32
    %add3A_1729 = vector.broadcast %add3A_1728 : i32 to vector<16xi32>
    %add3A_1730 = arith.addi %mul3A_763, %add3A_1729 : vector<16xi32>
    %gather3A_1731 = tpu.vector_load_idx %arg13[%add3A_1730] : memref<1536xf32, #tpu.memory_space<vmem>>[vector<16xi32>], vector<16xf32>,
    %add3A_1732 = arith.addf %add3A_1723, %gather3A_1731 : vector<16xf32>
    %gather3A_1733 = tpu.vector_load_idx %arg14[%add3A_1730] : memref<1536xf32, #tpu.memory_space<vmem>>[vector<16xi32>], vector<16xf32>,
    %add3A_1734 = arith.addf %add3A_1732, %gather3A_1733 : vector<16xf32>
    %gather3A_1735 = tpu.vector_load_idx %arg15[%add3A_1730] : memref<1536xf32, #tpu.memory_space<vmem>>[vector<16xi32>], vector<16xf32>,
    %add3A_1736 = arith.addf %add3A_1727, %gather3A_1735 : vector<16xf32>
    %gather3A_1737 = tpu.vector_load_idx %arg16[%add3A_1730] : memref<1536xf32, #tpu.memory_space<vmem>>[vector<16xi32>], vector<16xf32>,
    %add3A_1738 = arith.addf %add3A_1736, %gather3A_1737 : vector<16xf32>
    %add3A_1739 = arith.constant 1287 : i32
    %add3A_1740 = vector.broadcast %add3A_1739 : i32 to vector<16xi32>
    %add3A_1741 = arith.addi %mul3A_763, %add3A_1740 : vector<16xi32>
    %gather3A_1742 = tpu.vector_load_idx %arg13[%add3A_1741] : memref<1536xf32, #tpu.memory_space<vmem>>[vector<16xi32>], vector<16xf32>,
    %add3A_1743 = arith.addf %add3A_1734, %gather3A_1742 : vector<16xf32>
    %gather3A_1744 = tpu.vector_load_idx %arg14[%add3A_1741] : memref<1536xf32, #tpu.memory_space<vmem>>[vector<16xi32>], vector<16xf32>,
    %add3A_1745 = arith.addf %add3A_1743, %gather3A_1744 : vector<16xf32>
    %gather3A_1746 = tpu.vector_load_idx %arg15[%add3A_1741] : memref<1536xf32, #tpu.memory_space<vmem>>[vector<16xi32>], vector<16xf32>,
    %add3A_1747 = arith.addf %add3A_1738, %gather3A_1746 : vector<16xf32>
    %gather3A_1748 = tpu.vector_load_idx %arg16[%add3A_1741] : memref<1536xf32, #tpu.memory_space<vmem>>[vector<16xi32>], vector<16xf32>,
    %add3A_1749 = arith.addf %add3A_1747, %gather3A_1748 : vector<16xf32>
    %add3A_1750 = arith.constant 1288 : i32
    %add3A_1751 = vector.broadcast %add3A_1750 : i32 to vector<16xi32>
    %add3A_1752 = arith.addi %mul3A_763, %add3A_1751 : vector<16xi32>
    %gather3A_1753 = tpu.vector_load_idx %arg13[%add3A_1752] : memref<1536xf32, #tpu.memory_space<vmem>>[vector<16xi32>], vector<16xf32>,
    %add3A_1754 = arith.addf %add3A_1745, %gather3A_1753 : vector<16xf32>
    %gather3A_1755 = tpu.vector_load_idx %arg14[%add3A_1752] : memref<1536xf32, #tpu.memory_space<vmem>>[vector<16xi32>], vector<16xf32>,
    %add3A_1756 = arith.addf %add3A_1754, %gather3A_1755 : vector<16xf32>
    %gather3A_1757 = tpu.vector_load_idx %arg15[%add3A_1752] : memref<1536xf32, #tpu.memory_space<vmem>>[vector<16xi32>], vector<16xf32>,
    %add3A_1758 = arith.addf %add3A_1749, %gather3A_1757 : vector<16xf32>
    %gather3A_1759 = tpu.vector_load_idx %arg16[%add3A_1752] : memref<1536xf32, #tpu.memory_space<vmem>>[vector<16xi32>], vector<16xf32>,
    %add3A_1760 = arith.addf %add3A_1758, %gather3A_1759 : vector<16xf32>
    %add3A_1761 = arith.constant 1289 : i32
    %add3A_1762 = vector.broadcast %add3A_1761 : i32 to vector<16xi32>
    %add3A_1763 = arith.addi %mul3A_763, %add3A_1762 : vector<16xi32>
    %gather3A_1764 = tpu.vector_load_idx %arg13[%add3A_1763] : memref<1536xf32, #tpu.memory_space<vmem>>[vector<16xi32>], vector<16xf32>,
    %add3A_1765 = arith.addf %add3A_1756, %gather3A_1764 : vector<16xf32>
    %gather3A_1766 = tpu.vector_load_idx %arg14[%add3A_1763] : memref<1536xf32, #tpu.memory_space<vmem>>[vector<16xi32>], vector<16xf32>,
    %add3A_1767 = arith.addf %add3A_1765, %gather3A_1766 : vector<16xf32>
    %gather3A_1768 = tpu.vector_load_idx %arg15[%add3A_1763] : memref<1536xf32, #tpu.memory_space<vmem>>[vector<16xi32>], vector<16xf32>,
    %add3A_1769 = arith.addf %add3A_1760, %gather3A_1768 : vector<16xf32>
    %gather3A_1770 = tpu.vector_load_idx %arg16[%add3A_1763] : memref<1536xf32, #tpu.memory_space<vmem>>[vector<16xi32>], vector<16xf32>,
    %add3A_1771 = arith.addf %add3A_1769, %gather3A_1770 : vector<16xf32>
    %add3A_1772 = arith.constant 1290 : i32
    %add3A_1773 = vector.broadcast %add3A_1772 : i32 to vector<16xi32>
    %add3A_1774 = arith.addi %mul3A_763, %add3A_1773 : vector<16xi32>
    %gather3A_1775 = tpu.vector_load_idx %arg13[%add3A_1774] : memref<1536xf32, #tpu.memory_space<vmem>>[vector<16xi32>], vector<16xf32>,
    %add3A_1776 = arith.addf %add3A_1767, %gather3A_1775 : vector<16xf32>
    %gather3A_1777 = tpu.vector_load_idx %arg14[%add3A_1774] : memref<1536xf32, #tpu.memory_space<vmem>>[vector<16xi32>], vector<16xf32>,
    %add3A_1778 = arith.addf %add3A_1776, %gather3A_1777 : vector<16xf32>
    %gather3A_1779 = tpu.vector_load_idx %arg15[%add3A_1774] : memref<1536xf32, #tpu.memory_space<vmem>>[vector<16xi32>], vector<16xf32>,
    %add3A_1780 = arith.addf %add3A_1771, %gather3A_1779 : vector<16xf32>
    %gather3A_1781 = tpu.vector_load_idx %arg16[%add3A_1774] : memref<1536xf32, #tpu.memory_space<vmem>>[vector<16xi32>], vector<16xf32>,
    %add3A_1782 = arith.addf %add3A_1780, %gather3A_1781 : vector<16xf32>
    %add3A_1783 = arith.constant 1291 : i32
    %add3A_1784 = vector.broadcast %add3A_1783 : i32 to vector<16xi32>
    %add3A_1785 = arith.addi %mul3A_763, %add3A_1784 : vector<16xi32>
    %gather3A_1786 = tpu.vector_load_idx %arg13[%add3A_1785] : memref<1536xf32, #tpu.memory_space<vmem>>[vector<16xi32>], vector<16xf32>,
    %add3A_1787 = arith.addf %add3A_1778, %gather3A_1786 : vector<16xf32>
    %gather3A_1788 = tpu.vector_load_idx %arg14[%add3A_1785] : memref<1536xf32, #tpu.memory_space<vmem>>[vector<16xi32>], vector<16xf32>,
    %add3A_1789 = arith.addf %add3A_1787, %gather3A_1788 : vector<16xf32>
    %gather3A_1790 = tpu.vector_load_idx %arg15[%add3A_1785] : memref<1536xf32, #tpu.memory_space<vmem>>[vector<16xi32>], vector<16xf32>,
    %add3A_1791 = arith.addf %add3A_1782, %gather3A_1790 : vector<16xf32>
    %gather3A_1792 = tpu.vector_load_idx %arg16[%add3A_1785] : memref<1536xf32, #tpu.memory_space<vmem>>[vector<16xi32>], vector<16xf32>,
    %add3A_1793 = arith.addf %add3A_1791, %gather3A_1792 : vector<16xf32>
    %add3A_1794 = arith.constant 1292 : i32
    %add3A_1795 = vector.broadcast %add3A_1794 : i32 to vector<16xi32>
    %add3A_1796 = arith.addi %mul3A_763, %add3A_1795 : vector<16xi32>
    %gather3A_1797 = tpu.vector_load_idx %arg13[%add3A_1796] : memref<1536xf32, #tpu.memory_space<vmem>>[vector<16xi32>], vector<16xf32>,
    %add3A_1798 = arith.addf %add3A_1789, %gather3A_1797 : vector<16xf32>
    %gather3A_1799 = tpu.vector_load_idx %arg14[%add3A_1796] : memref<1536xf32, #tpu.memory_space<vmem>>[vector<16xi32>], vector<16xf32>,
    %add3A_1800 = arith.addf %add3A_1798, %gather3A_1799 : vector<16xf32>
    %gather3A_1801 = tpu.vector_load_idx %arg15[%add3A_1796] : memref<1536xf32, #tpu.memory_space<vmem>>[vector<16xi32>], vector<16xf32>,
    %add3A_1802 = arith.addf %add3A_1793, %gather3A_1801 : vector<16xf32>
    %gather3A_1803 = tpu.vector_load_idx %arg16[%add3A_1796] : memref<1536xf32, #tpu.memory_space<vmem>>[vector<16xi32>], vector<16xf32>,
    %add3A_1804 = arith.addf %add3A_1802, %gather3A_1803 : vector<16xf32>
    %add3A_1805 = arith.constant 1293 : i32
    %add3A_1806 = vector.broadcast %add3A_1805 : i32 to vector<16xi32>
    %add3A_1807 = arith.addi %mul3A_763, %add3A_1806 : vector<16xi32>
    %gather3A_1808 = tpu.vector_load_idx %arg13[%add3A_1807] : memref<1536xf32, #tpu.memory_space<vmem>>[vector<16xi32>], vector<16xf32>,
    %add3A_1809 = arith.addf %add3A_1800, %gather3A_1808 : vector<16xf32>
    %gather3A_1810 = tpu.vector_load_idx %arg14[%add3A_1807] : memref<1536xf32, #tpu.memory_space<vmem>>[vector<16xi32>], vector<16xf32>,
    %add3A_1811 = arith.addf %add3A_1809, %gather3A_1810 : vector<16xf32>
    %gather3A_1812 = tpu.vector_load_idx %arg15[%add3A_1807] : memref<1536xf32, #tpu.memory_space<vmem>>[vector<16xi32>], vector<16xf32>,
    %add3A_1813 = arith.addf %add3A_1804, %gather3A_1812 : vector<16xf32>
    %gather3A_1814 = tpu.vector_load_idx %arg16[%add3A_1807] : memref<1536xf32, #tpu.memory_space<vmem>>[vector<16xi32>], vector<16xf32>,
    %add3A_1815 = arith.addf %add3A_1813, %gather3A_1814 : vector<16xf32>
    %add3A_1816 = arith.constant 1294 : i32
    %add3A_1817 = vector.broadcast %add3A_1816 : i32 to vector<16xi32>
    %add3A_1818 = arith.addi %mul3A_763, %add3A_1817 : vector<16xi32>
    %gather3A_1819 = tpu.vector_load_idx %arg13[%add3A_1818] : memref<1536xf32, #tpu.memory_space<vmem>>[vector<16xi32>], vector<16xf32>,
    %add3A_1820 = arith.addf %add3A_1811, %gather3A_1819 : vector<16xf32>
    %gather3A_1821 = tpu.vector_load_idx %arg14[%add3A_1818] : memref<1536xf32, #tpu.memory_space<vmem>>[vector<16xi32>], vector<16xf32>,
    %add3A_1822 = arith.addf %add3A_1820, %gather3A_1821 : vector<16xf32>
    %gather3A_1823 = tpu.vector_load_idx %arg15[%add3A_1818] : memref<1536xf32, #tpu.memory_space<vmem>>[vector<16xi32>], vector<16xf32>,
    %add3A_1824 = arith.addf %add3A_1815, %gather3A_1823 : vector<16xf32>
    %gather3A_1825 = tpu.vector_load_idx %arg16[%add3A_1818] : memref<1536xf32, #tpu.memory_space<vmem>>[vector<16xi32>], vector<16xf32>,
    %add3A_1826 = arith.addf %add3A_1824, %gather3A_1825 : vector<16xf32>
    %add3A_1827 = arith.constant 1295 : i32
    %add3A_1828 = vector.broadcast %add3A_1827 : i32 to vector<16xi32>
    %add3A_1829 = arith.addi %mul3A_763, %add3A_1828 : vector<16xi32>
    %gather3A_1830 = tpu.vector_load_idx %arg13[%add3A_1829] : memref<1536xf32, #tpu.memory_space<vmem>>[vector<16xi32>], vector<16xf32>,
    %add3A_1831 = arith.addf %add3A_1822, %gather3A_1830 : vector<16xf32>
    %gather3A_1832 = tpu.vector_load_idx %arg14[%add3A_1829] : memref<1536xf32, #tpu.memory_space<vmem>>[vector<16xi32>], vector<16xf32>,
    %add3A_1833 = arith.addf %add3A_1831, %gather3A_1832 : vector<16xf32>
    %gather3A_1834 = tpu.vector_load_idx %arg15[%add3A_1829] : memref<1536xf32, #tpu.memory_space<vmem>>[vector<16xi32>], vector<16xf32>,
    %add3A_1835 = arith.addf %add3A_1826, %gather3A_1834 : vector<16xf32>
    %gather3A_1836 = tpu.vector_load_idx %arg16[%add3A_1829] : memref<1536xf32, #tpu.memory_space<vmem>>[vector<16xi32>], vector<16xf32>,
    %add3A_1837 = arith.addf %add3A_1835, %gather3A_1836 : vector<16xf32>
    %swap3A_1838 = arith.constant 80 : index
    %swap3A_1839 = tpu.vector_load %arg17[%swap3A_1838] {strides = array<i32>} : memref<96xf32, #tpu.memory_space<vmem>>, vector<16xf32>,
    tpu.vector_store %arg17[%swap3A_1838], %add3A_1833 {strides = array<i32>} : memref<96xf32, #tpu.memory_space<vmem>>, vector<16xf32>,
    %swap3A_1840 = arith.constant 80 : index
    %swap3A_1841 = tpu.vector_load %arg18[%swap3A_1840] {strides = array<i32>} : memref<96xf32, #tpu.memory_space<vmem>>, vector<16xf32>,
    tpu.vector_store %arg18[%swap3A_1840], %add3A_1837 {strides = array<i32>} : memref<96xf32, #tpu.memory_space<vmem>>, vector<16xf32>,
    "tpu.region"() ({
      %run_scoped3A = tpu.sem_alloc : memref<!tpu.dma_semaphore, #tpu.memory_space<semaphore_mem>>
      %dma_start3A_1842 = arith.constant 0 : i32
      %dma_start3A_1843 = tpu.memref_slice %arg5[%add3A, %dma_start3A_1842] : memref<32x96xf32, #tpu.memory_space<hbm>> -> memref<1x96xf32, #tpu.memory_space<hbm>>
      %dma_start3A_1844 = tpu.memref_squeeze %dma_start3A_1843 : memref<1x96xf32, #tpu.memory_space<hbm>> -> memref<96xf32, #tpu.memory_space<hbm>>
      %dma_start3A_1845 = arith.constant 0 : i32
      %dma_start3A_1846 = tpu.memref_slice %arg5[%add3A, %dma_start3A_1845] : memref<32x96xf32, #tpu.memory_space<hbm>> -> memref<1x96xf32, #tpu.memory_space<hbm>>
      %dma_start3A_1847 = tpu.memref_squeeze %dma_start3A_1846 : memref<1x96xf32, #tpu.memory_space<hbm>> -> memref<96xf32, #tpu.memory_space<hbm>>
      tpu.enqueue_dma source(%arg17 : memref<96xf32, #tpu.memory_space<vmem>>) target(%dma_start3A_1847 : memref<96xf32, #tpu.memory_space<hbm>>) target_semaphore(%run_scoped3A : memref<!tpu.dma_semaphore, #tpu.memory_space<semaphore_mem>>)
      %dma_wait3A_1848 = arith.constant 0 : i32
      %dma_wait3A_1849 = tpu.memref_slice %arg5[%add3A, %dma_wait3A_1848] : memref<32x96xf32, #tpu.memory_space<hbm>> -> memref<1x96xf32, #tpu.memory_space<hbm>>
      %dma_wait3A_1850 = tpu.memref_squeeze %dma_wait3A_1849 : memref<1x96xf32, #tpu.memory_space<hbm>> -> memref<96xf32, #tpu.memory_space<hbm>>
      %dma_wait3A_1851 = arith.constant 0 : i32
      %dma_wait3A_1852 = tpu.memref_slice %arg5[%add3A, %dma_wait3A_1851] : memref<32x96xf32, #tpu.memory_space<hbm>> -> memref<1x96xf32, #tpu.memory_space<hbm>>
      %dma_wait3A_1853 = tpu.memref_squeeze %dma_wait3A_1852 : memref<1x96xf32, #tpu.memory_space<hbm>> -> memref<96xf32, #tpu.memory_space<hbm>>
      tpu.wait_dma2 semaphore(%run_scoped3A : memref<!tpu.dma_semaphore, #tpu.memory_space<semaphore_mem>>) src(%arg17 : memref<96xf32, #tpu.memory_space<vmem>>) dst(%dma_wait3A_1853 : memref<96xf32, #tpu.memory_space<hbm>>)
      tpu.yield
    }) : () -> ()
    "tpu.region"() ({
      %run_scoped3A = tpu.sem_alloc : memref<!tpu.dma_semaphore, #tpu.memory_space<semaphore_mem>>
      %dma_start3A_1842 = arith.constant 0 : i32
      %dma_start3A_1843 = tpu.memref_slice %arg6[%add3A, %dma_start3A_1842] : memref<32x96xf32, #tpu.memory_space<hbm>> -> memref<1x96xf32, #tpu.memory_space<hbm>>
      %dma_start3A_1844 = tpu.memref_squeeze %dma_start3A_1843 : memref<1x96xf32, #tpu.memory_space<hbm>> -> memref<96xf32, #tpu.memory_space<hbm>>
      %dma_start3A_1845 = arith.constant 0 : i32
      %dma_start3A_1846 = tpu.memref_slice %arg6[%add3A, %dma_start3A_1845] : memref<32x96xf32, #tpu.memory_space<hbm>> -> memref<1x96xf32, #tpu.memory_space<hbm>>
      %dma_start3A_1847 = tpu.memref_squeeze %dma_start3A_1846 : memref<1x96xf32, #tpu.memory_space<hbm>> -> memref<96xf32, #tpu.memory_space<hbm>>
      tpu.enqueue_dma source(%arg18 : memref<96xf32, #tpu.memory_space<vmem>>) target(%dma_start3A_1847 : memref<96xf32, #tpu.memory_space<hbm>>) target_semaphore(%run_scoped3A : memref<!tpu.dma_semaphore, #tpu.memory_space<semaphore_mem>>)
      %dma_wait3A_1848 = arith.constant 0 : i32
      %dma_wait3A_1849 = tpu.memref_slice %arg6[%add3A, %dma_wait3A_1848] : memref<32x96xf32, #tpu.memory_space<hbm>> -> memref<1x96xf32, #tpu.memory_space<hbm>>
      %dma_wait3A_1850 = tpu.memref_squeeze %dma_wait3A_1849 : memref<1x96xf32, #tpu.memory_space<hbm>> -> memref<96xf32, #tpu.memory_space<hbm>>
      %dma_wait3A_1851 = arith.constant 0 : i32
      %dma_wait3A_1852 = tpu.memref_slice %arg6[%add3A, %dma_wait3A_1851] : memref<32x96xf32, #tpu.memory_space<hbm>> -> memref<1x96xf32, #tpu.memory_space<hbm>>
      %dma_wait3A_1853 = tpu.memref_squeeze %dma_wait3A_1852 : memref<1x96xf32, #tpu.memory_space<hbm>> -> memref<96xf32, #tpu.memory_space<hbm>>
      tpu.wait_dma2 semaphore(%run_scoped3A : memref<!tpu.dma_semaphore, #tpu.memory_space<semaphore_mem>>) src(%arg18 : memref<96xf32, #tpu.memory_space<vmem>>) dst(%dma_wait3A_1853 : memref<96xf32, #tpu.memory_space<hbm>>)
      tpu.yield
    }) : () -> ()
    return
  }
}

module attributes {stable_mosaic.version = 14 : i64} {
  func.func @_tc_body(%arg0: memref<32x96xf32, #tpu.memory_space<vmem>>, %arg1: memref<32x96xf32, #tpu.memory_space<vmem>>, %arg2: memref<1x1xf32, #tpu.memory_space<vmem>>) attributes {dimension_semantics = [], scalar_prefetch = 0 : i64, scratch_operands = 0 : i64, tpu.core_type = #tpu.core_type<tc>} {
    %get3A = arith.constant 0 : index
    %get3A_0 = arith.constant 0 : index
    %get3A_1 = vector.load %arg0[%get3A, %get3A_0] : memref<32x96xf32, #tpu.memory_space<vmem>>, vector<32x96xf32>
    %reduce_sum3A = arith.constant dense<0.000000e+00> : vector<96xf32>
    %reduce_sum3A_2 = vector.multi_reduction <add>, %get3A_1, %reduce_sum3A [0] : vector<32x96xf32> to vector<96xf32>
    %broadcast_in_dim3A = vector.shape_cast %reduce_sum3A_2 : vector<96xf32> to vector<1x96xf32>
    %get3A_3 = arith.constant 0 : index
    %get3A_4 = arith.constant 0 : index
    %get3A_5 = vector.load %arg1[%get3A_3, %get3A_4] : memref<32x96xf32, #tpu.memory_space<vmem>>, vector<32x96xf32>
    %reduce_sum3A_6 = arith.constant dense<0.000000e+00> : vector<96xf32>
    %reduce_sum3A_7 = vector.multi_reduction <add>, %get3A_5, %reduce_sum3A_6 [0] : vector<32x96xf32> to vector<96xf32>
    %broadcast_in_dim3A_8 = vector.shape_cast %reduce_sum3A_7 : vector<96xf32> to vector<1x96xf32>
    %gt3A = arith.constant 0.000000e+00 : f32
    %gt3A_9 = vector.broadcast %gt3A : f32 to vector<1x96xf32>
    %gt3A_10 = arith.cmpf ogt, %broadcast_in_dim3A_8, %gt3A_9 : vector<1x96xf32>
    %abs3A = math.absf %broadcast_in_dim3A : vector<1x96xf32>
    %jit3A = arith.constant 1.000000e+00 : f32
    %broadcast_in_dim3A_11 = vector.broadcast %jit3A : f32 to vector<1x96xf32>
    %select_n3A = arith.select %gt3A_10, %broadcast_in_dim3A_8, %broadcast_in_dim3A_11 : vector<1x96xi1>, vector<1x96xf32>
    %div3A = arith.divf %abs3A, %select_n3A : vector<1x96xf32>
    %jit3A_12 = arith.constant 0.000000e+00 : f32
    %broadcast_in_dim3A_13 = vector.broadcast %jit3A_12 : f32 to vector<1x96xf32>
    %select_n3A_14 = arith.select %gt3A_10, %div3A, %broadcast_in_dim3A_13 : vector<1x96xi1>, vector<1x96xf32>
    %reduce_sum3A_15 = vector.shape_cast %select_n3A_14 : vector<1x96xf32> to vector<1x1x96xf32>
    %reduce_sum3A_16 = arith.constant dense<0.000000e+00> : vector<1xf32>
    %reduce_sum3A_17 = vector.multi_reduction <add>, %reduce_sum3A_15, %reduce_sum3A_16 [1, 2] : vector<1x1x96xf32> to vector<1xf32>
    %reduce_sum3A_18 = vector.shape_cast %reduce_sum3A_17 : vector<1xf32> to vector<1x1x1xf32>
    %reduce_sum3A_19 = vector.extract %reduce_sum3A_18[0, 0, 0] : f32 from vector<1x1x1xf32>
    %div3A_20 = arith.constant 9.600000e+01 : f32
    %div3A_21 = arith.divf %reduce_sum3A_19, %div3A_20 : f32
    %broadcast_in_dim3A_22 = vector.broadcast %div3A_21 : f32 to vector<1x1xf32>
    %swap3A = arith.constant 0 : index
    %swap3A_23 = arith.constant 0 : index
    %swap3A_24 = vector.load %arg2[%swap3A, %swap3A_23] : memref<1x1xf32, #tpu.memory_space<vmem>>, vector<1x1xf32>
    tpu.vector_store %arg2[%swap3A, %swap3A_23], %broadcast_in_dim3A_22 {strides = array<i32>} : memref<1x1xf32, #tpu.memory_space<vmem>>, vector<1x1xf32>,
    return
  }
}

</mosaic_0001>

<sc_bundles>
// kernel: kernel.4.cloned.1.call-start
scs
__scs_entry_jumppad:
0x0: {  	(pc) =	sbr.rel $0x88, $3  }
0x1: {  	(tag) =	ssettag $0x0;
	lr =	simm.s32 $0x1  }
0x2: {  	[smem:$0x3F9E] =	sst lr;
	_ =	strace $0xD0000000  }
0x3: {  	_ = 	snop  }
0x4: {  	_ = 	snop  }
0x5: {  	_ = 	snop  }
0x6: {  	_ = 	snop  }
0x7: {  	_ = 	snop  }
__scs_overlays_trampoline_lowered:
0x8: {  	[smem:$0x3FAD] =	sst s0  }
0x9: {  	[smem:$0x3FAE] =	sst s1  }
0xa: {  	[smem:$0x3FAF] =	sst s2  }
0xb: {  	[smem:$0x3FB0] =	sst s3  }
0xc: {  	[smem:$0x3FB1] =	sst s4  }
0xd: {  	[smem:$0x3FB2] =	sst s5  }
0xe: {  	[smem:$0x3FB3] =	sst s6  }
0xf: {  	[smem:$0x3FB4] =	sst s7  }
0x10: {  	[smem:$0x3FB5] =	sst s8  }
0x11: {  	[smem:$0x3FB6] =	sst s9;
	s0 =	simm.s32 @!p0 $0x0  }
0x12: {  	s1 =	sld [smem:$0x3F9C];
	s0 =	simm.s32 @p0 $0x1  }
0x13: {  	[smem:$0x3FB7] =	sst s0;
	s0 =	simm.s32 @!p1 $0x0  }
0x14: {  	s2 =	sld [smem:$0x3F9B];
	s0 =	simm.s32 @p1 $0x1  }
0x15: {  	[smem:$0x3FB8] =	sst s0;
	s0 =	simm.s32 @!p2 $0x0  }
0x16: {  	s3 =	sld [smem:$0x3FDB];
	s0 =	simm.s32 @p2 $0x1  }
0x17: {  	s4 =	simm.s32 $0x1BF5;
	[smem:$0x3FBA] =	sst s0  }
0x18: {  	s0 =	sld [smem:$0x3F9D];
	_ =	swait.ge [sflag:s4], $0x0  }
0x19: {  	s7 =	sld [smem:$0x3F9E]  }
0x1a: {  	s8 =	sadd.s32 $0xFFFFE003, lr  }
0x1b: {  	s9 =	sadd.s32 $0xFFFFFEF7, lr;
	s5 =	simm.s32 $0xFFFFFFFF;
	p2 =	slt.u32 s8, $0xFFFFF086  }
0x1c: {  	p1 =	slt.u32 s9, $0xF7A;
	s5 =	simm.s32 @!p2 $0x0  }
0x1d: {  	s5 =	simm.s32 @p1 $0x1;
	p0 =	seq.s32 s7, s2  }
0x1e: {  	s7 =	smul.u32 @!p0 $0xF7A, s2;
	p2 =	seq.s32 @!p0 s5, $0x0  }
0x1f: {  	s9 =	smul.u32 $0xF7A, s1;
	s8 =	simm.s32 @!p0 $0x1BF5;
	p2 =	por !p2, p0  }
0x20: {  	[sflag:s8] =	ssyncset.s32 @!p0 $0xFFFFF086;
	s6 =	sadd.s32 @!p0 s3, s7;
	s7 =	simm.s32 @!p0 $0x108  }
0x21: {  	s3 =	sadd.s32 s3, s9;
	s6 =	sadd.s32 @!p0 $0x88, s6;
	s7 =	simm.s32 @p2 $0x1082  }
0x22: {  	[simem:s7], [sflag:s8] =	dma.local @!p0 [hbm:s6], $0xF7A  }
0x23: {  	s9 =	sor.u32 $0xD0000000, s2;
	s6 =	simm.s32 $0x108;
	_ =	swait.ge @!p0 [sflag:s8], $0x0  }
0x24: {  	s3 =	sadd.s32 $0x88, s3;
	s6 =	simm.s32 @!p1 $0x1082;
	[sflag:s4] =	ssyncset.s32 $0xFFFFF086  }
0x25: {  	[simem:s6], [sflag:s4] =	dma.local [hbm:s3], $0xF7A  }
0x26: {  	[smem:$0x3F9E] =	sst s1;
	(tag) =	ssettag s2;
	_ =	strace s9  }
0x27: {  	s1 =	sld [smem:$0x3FAE]  }
0x28: {  	s2 =	sld [smem:$0x3FAF]  }
0x29: {  	s4 =	sld [smem:$0x3FB1]  }
0x2a: {  	p0 =	seq.s32 s5, $0x0;
	s5 =	sld [smem:$0x3FB2]  }
0x2b: {  	s6 =	sld [smem:$0x3FB3]  }
0x2c: {  	s7 =	sld [smem:$0x3FB4]  }
0x2d: {  	s3 =	simm.s32 $0x108;
	s8 =	sld [smem:$0x3FB5]  }
0x2e: {  	s3 =	simm.s32 @!p0 $0x1082;
	s9 =	sld [smem:$0x3FB6]  }
0x2f: {  	lr =	sadd.s32 s0, s3;
	s0 =	sld [smem:$0x3FAD]  }
0x30: {  	s3 =	sld [smem:$0x3FB0]  }
0x31: {  	[smem:$0x3FB9] =	sst s10  }
0x32: {  	s10 =	sld [smem:$0x3FB7];
	_ =	sdelay $0x3  }
0x33: {  	p0 =	seq.s32 s10, $0x1;
	s10 =	sld [smem:$0x3FB9];
	_ =	sdelay $0x3  }
0x34: {  	[smem:$0x3FB9] =	sst s10  }
0x35: {  	s10 =	sld [smem:$0x3FB8];
	_ =	sdelay $0x3  }
0x36: {  	p1 =	seq.s32 s10, $0x1;
	s10 =	sld [smem:$0x3FB9];
	_ =	sdelay $0x3  }
0x37: {  	[smem:$0x3FB9] =	sst s10  }
0x38: {  	s10 =	sld [smem:$0x3FBA]  }
0x39: {  	_ = 	snop;
	(pc) =	sbr.ind lr, $3  }
0x3a: {  	_ = 	snop  }
0x3b: {  	_ = 	snop  }
0x3c: {  	p2 =	seq.s32 s10, $0x1;
	s10 =	sld [smem:$0x3FB9]  }
0x3d: {  	_ =	shalt  }
0x3e: {  	_ =	shalt  }
0x3f: {  	_ =	shalt  }
0x40: {  	_ =	shalt  }
0x41: {  	_ =	shalt  }
0x42: {  	_ =	shalt  }
0x43: {  	_ =	shalt  }
0x44: {  	_ =	shalt  }
0x45: {  	_ =	shalt  }
0x46: {  	_ =	shalt  }
0x47: {  	_ =	shalt  }
0x48: {  	_ =	shalt  }
0x49: {  	_ =	shalt  }
0x4a: {  	_ =	shalt  }
0x4b: {  	_ =	shalt  }
0x4c: {  	_ =	shalt  }
0x4d: {  	_ =	shalt  }
0x4e: {  	_ =	shalt  }
0x4f: {  	_ =	shalt  }
0x50: {  	_ =	shalt  }
0x51: {  	_ =	shalt  }
0x52: {  	_ =	shalt  }
0x53: {  	_ =	shalt  }
0x54: {  	_ =	shalt  }
0x55: {  	_ =	shalt  }
0x56: {  	_ =	shalt  }
0x57: {  	_ =	shalt  }
0x58: {  	_ =	shalt  }
0x59: {  	_ =	shalt  }
0x5a: {  	_ =	shalt  }
0x5b: {  	_ =	shalt  }
0x5c: {  	_ =	shalt  }
0x5d: {  	_ =	shalt  }
0x5e: {  	_ =	shalt  }
0x5f: {  	_ =	shalt  }
0x60: {  	_ =	shalt  }
0x61: {  	_ =	shalt  }
0x62: {  	_ =	shalt  }
0x63: {  	_ =	shalt  }
0x64: {  	_ =	shalt  }
0x65: {  	_ =	shalt  }
0x66: {  	_ =	shalt  }
0x67: {  	_ =	shalt  }
0x68: {  	_ =	shalt  }
0x69: {  	_ =	shalt  }
0x6a: {  	_ =	shalt  }
0x6b: {  	_ =	shalt  }
0x6c: {  	_ =	shalt  }
0x6d: {  	_ =	shalt  }
0x6e: {  	_ =	shalt  }
0x6f: {  	_ =	shalt  }
0x70: {  	_ =	shalt  }
0x71: {  	_ =	shalt  }
0x72: {  	_ =	shalt  }
0x73: {  	_ =	shalt  }
0x74: {  	_ =	shalt  }
0x75: {  	_ =	shalt  }
0x76: {  	_ =	shalt  }
0x77: {  	_ =	shalt  }
0x78: {  	_ =	shalt  }
0x79: {  	_ =	shalt  }
0x7a: {  	_ =	shalt  }
0x7b: {  	_ =	shalt  }
0x7c: {  	_ =	shalt  }
0x7d: {  	_ =	shalt  }
0x7e: {  	_ =	shalt  }
0x7f: {  	_ =	shalt  }
0x80: {  	_ =	shalt  }
0x81: {  	_ =	shalt  }
0x82: {  	_ =	shalt  }
0x83: {  	_ =	shalt  }
0x84: {  	_ =	shalt  }
0x85: {  	_ =	shalt  }
0x86: {  	_ =	shalt  }
0x87: {  	_ =	shalt  }
.Lfunc_end0:
.L_simem_size_0:
called_computation_lowered:
.L_overlay_start_0:
0x88: {  	s2 =	sld [smem:$0x3FD9]  }
0x89: {  	s3 =	sld [smem:$0x3FFE];
	_ =	sdelay $0x1  }
0x8a: {  	s1 =	srdreg.scid  }
0x8b: {  	s0 =	sand.u32 $0x1, s1  }
0x8c: {  	s17 =	sshll.u32 s0, $0xA;
	s2 =	sadd.s32 s3, s2  }
0x8d: {  	s2 =	sadd.s32 s2, s17  }
0x8e: {  	[smem:$0x3FC5] =	sst s2  }
0x8f: {  	_ = 	snop  }
0x90: {  	s2 =	sld [smem:$0x3FC9]  }
0x91: {  	s18 =	sld [smem:$0x3FC8]  }
0x92: {  	s4 =	sld [smem:$0x3FC7];
	(tm) =	ssettm $0x1  }
0x93: {  	s5 =	sld [smem:$0x3FFB];
	_ =	sdelay $0x3  }
0x94: {  	_ =	strace s5  }
0x95: {  	s5 =	sld [smem:$0x3FFC];
	_ =	sdelay $0x3  }
0x96: {  	_ =	strace s5  }
0x97: {  	s5 =	sld [smem:$0x3FFD];
	_ =	sdelay $0x3  }
0x98: {  	_ =	strace s5  }
0x99: {  	_ =	strace $0x8FFFFFFF  }
0x9a: {  	s19 =	sld [smem:$0x3FDB];
	_ =	sdelay $0x1  }
0x9b: {  	s6 =	simm.s32 $_scs_section_size  }
0x9c: {  	s7 =	simm.s32 $_size__tile_overlayer_lowered;
	s8 =	simm.s32 $_tile_overlayer_lowered  }
0x9d: {  	s22 =	simm.s32 $0x1BFF;
	s21 =	sshll.u32 s8, $0x1;
	s5 =	sadd.s32 s6, s19  }
0x9e: {  	s9 =	simm.s32 $0x0;
	s20 =	sshll.u32 s7, $0x1;
	s7 =	sadd.s32 s21, s5  }
0x9f: {  	[timem:s9], [sflag:s22] =	dma.local [hbm:s7], s20  }
0xa0: {  	_ =	swait.ge [sflag:s22], s20  }
0xa1: {  	s6 =	ssub.s32 $0x0, s20;
	[sflag:s22] =	ssyncset.done $0x0  }
0xa2: {  	[sflag:s22] =	ssyncadd.s32 s6;
	_ =	sdelay $0x1  }
0xa3: {  	s23 =	simm.s32 $0x1B8B  }
0xa4: {  	_ =	swait.ge [sflag:s23], $0x1  }
0xa5: {  	[sflag:s23] =	ssyncset.done $0x0  }
0xa6: {  	s25 =	simm.s32 $0x1B8E;
	s24 =	sld [smem:$0x3FFE];
	[sflag:s23] =	ssyncadd.s32 $0xFFFFFFFF  }
0xa7: {  	s26 =	simm.s32 $execute0_lowered;
	[smem:$0x3FD2] =	sst s25  }
0xa8: {  	s7 =	sshll.u32 s26, $0x1;
	_ =	strace $0x80000046;
	[dreg:$0x1] =	wrdreg $0xFFFFFFFF  }
0xa9: {  	s28 =	simm.s32 $_size_execute0_lowered;
	s5 =	sadd.s32 s5, s7;
	[dreg:$0x0] =	wrdreg $0x0  }
0xaa: {  	s7 =	sshll.u32 s28, $0x1;
	[dreg:$0x2] =	wrdreg s5  }
0xab: {  	[dreg:$0x3] =	wrdreg s7  }
0xac: {  	[dreg:$0x4] =	wrdreg $0xC0  }
0xad: {  	_ =	task [dreg:s9], $0x5FFFF  }
0xae: {  	[dreg:$0x1] =	wrdreg $0xFFFFFFFF  }
0xaf: {  	[dreg:$0x0] =	wrdreg $0x60  }
0xb0: {  	[dreg:$0x2] =	wrdreg s4  }
0xb1: {  	[dreg:$0x3] =	wrdreg s2  }
0xb2: {  	[dreg:$0x4] =	wrdreg s18  }
0xb3: {  	[dreg:$0x5] =	wrdreg s24  }
0xb4: {  	[dreg:$0x6] =	wrdreg $0x9  }
0xb5: {  	_ =	task.clear_ibuf [dreg:s9], $0x7FFFF;
	_ =	strace $0x90000046  }
0xb6: {  	s29 =	simm.s32 $0x9;
	_ =	strace $0x80000048  }
0xb7: {  	_ =	swait.ge [sflag:s29], $0x1  }
0xb8: {  	[sflag:s29] =	ssyncadd.s32 $0xFFFFFFFF  }
0xb9: {  	_ =	strace $0x90000048  }
0xba: {  	_ =	sfence  }
0xbb: {  	s30 =	sld [smem:$0x0];
	_ =	sdelay $0x2  }
0xbc: {  	s31 =	sshll.u32 s1, $0xD;
	s1 =	sshrl.u32 s1, $0x2  }
0xbd: {  	s3 =	sand.u32 $0x4000, s31;
	s1 =	sadd.s32 s1, s30  }
0xbe: {  	s0 =	sor.u32 s3, s0;
	s1 =	sshll.u32 s1, $0x11  }
0xbf: {  	s0 =	sor.u32 s1, s0  }
0xc0: {  	s0 =	sadd.s32 $0x8F2B, s0  }
0xc1: {  	[sflag:s0] =	ssyncadd.remote.s32 $0x1  }
0xc2: {  	_ =	sfence.sel $0xFFFF  }
0xc3: {  	[dreg:$0x0] =	wrdreg $0xFFFFFFFF;
	(pc) =	sbr.abs _section_cstart, $3  }
0xc4: {  	[dreg:$0x1] =	wrdreg $0xFFFFFFFF  }
0xc5: {  	_ =	task.clear_ibuf [dreg:s9], $0x2FFFF;
	_ =	strace $0x9FFFFFFF  }
0xc6: {  	(tm) =	ssettm $0x7FFFFFFF  }
0xc7: {  	_ =	shalt  }
tec
execute0_lowered:
.L_overlay_start_1:
0x0: {  	(tag) =	ssettag $0x1  }
0x1: {  	s0 =	srdreg.scid;
	s4 =	rddreg [dreg:$0x0]  }
0x2: {  	s1 =	stileid.u32;
	s5 =	rddreg [dreg:$0x1]  }
0x3: {  	s6 =	rddreg [dreg:$0x2];
	s0 =	sand.u32 $0x1, s0;
	s1 =	sshll.u32 s1, $0x1  }
0x4: {  	s3 =	rddreg [dreg:$0x3];
	s8 =	simm.s32 $0x0;
	s1 =	sor.u32 s0, s1  }
0x5: {  	[smem:$0x7FF] =	sst s8;
	s2 =	smul.u32 $0x3, s1  }
0x6: {  	s0 =	ssub.s32 $0x2, s0;
	s7 =	smul.u32 $0x30000, s1;
	s1 =	sshll.u32 s1, $0x4  }
0x7: {  	s25 =	sshrl.u32 s0, $0x1;
	s8 =	sadd.s32 s1, s3;
	s10 =	sshrl.u32 s2, $0x2  }
0x8: {  	s7 =	sand.u32 $0x30000, s7;
	s16 =	sadd.s32 $0x1, s2;
	s2 =	sadd.s32 $0x2, s2  }
0x9: {  	s9 =	sshll.u32 s10, $0x12;
	s29 =	smul.u32 $0x56, s10;
	s20 =	sshrl.u32 s2, $0x2  }
0xa: {  	s22 =	sshll.u32 s2, $0xD;
	s26 =	sor.u32 s7, s9;
	s9 =	ssub.s32 s0, s25  }
0xb: {  	s7 =	sshll.u32 s16, $0xD;
	s21 =	smul.u32 $0xAB, s20;
	s28 =	sshrl.u32 s26, $0x3  }
0xc: {  	s24 =	sshll.u32 s20, $0xF;
	s1 =	sshrl.u32 s29, $0x8;
	s3 =	sadd.s32 s4, s28  }
0xd: {  	s7 =	sand.u32 $0x6000, s7;
	s11 =	sadd.s32 s5, s28;
	[dreg:$0x5] =	wrdreg s3  }
0xe: {  	s12 =	sor.u32 $0x800, s28;
	s13 =	sadd.s32 s6, s28;
	[dreg:$0x6] =	wrdreg s11  }
0xf: {  	s9 =	smax.u32 s9, $0x1;
	[dreg:$0x7] =	wrdreg s13;
	s14 =	sadd.s32 s4, s12  }
0x10: {  	s1 =	smul.u32 $0x3, s1;
	s15 =	sadd.s32 s5, s12;
	[dreg:$0x8] =	wrdreg s14  }
0x11: {  	s17 =	sor.u32 $0x1000, s28;
	s3 =	sadd.s32 s6, s12;
	[dreg:$0x9] =	wrdreg s15  }
0x12: {  	s0 =	sor.u32 $0x1800, s28;
	s18 =	sadd.s32 s4, s17;
	[dreg:$0xa] =	wrdreg s3  }
0x13: {  	s11 =	sshrl.u32 s16, $0x2;
	s12 =	sadd.s32 s5, s17;
	[dreg:$0xb] =	wrdreg s18  }
0x14: {  	s25 =	sadd.s32 s5, s0;
	s10 =	ssub.s32 s10, s1;
	[dreg:$0xc] =	wrdreg s12  }
0x15: {  	s19 =	smul.u32 $0xAB, s11;
	s3 =	sadd.s32 s6, s17;
	[dreg:$0xf] =	wrdreg s25  }
0x16: {  	s13 =	sshll.u32 s11, $0xF;
	s14 =	sadd.s32 s4, s0;
	[dreg:$0xd] =	wrdreg s3  }
0x17: {  	s12 =	sshrl.u32 s21, $0x9;
	s0 =	sadd.s32 s6, s0;
	[dreg:$0xe] =	wrdreg s14  }
0x18: {  	s7 =	sor.u32 s7, s13;
	s23 =	sand.u32 $0x7F, s12;
	[dreg:$0x10] =	wrdreg s0  }
0x19: {  	s1 =	sshrl.u32 s19, $0x9;
	s2 =	smul.u32 $0x3, s23;
	s26 =	sor.u32 $0x800, s7  }
0x1a: {  	s3 =	sadd.s32 s4, s7;
	s12 =	sadd.s32 s5, s7;
	s14 =	sadd.s32 s6, s7  }
0x1b: {  	s15 =	sor.u32 $0x1000, s7;
	s16 =	sor.u32 $0x1800, s7;
	[dreg:$0x14] =	wrdreg s3  }
0x1c: {  	s7 =	sadd.s32 $0xC00, s8;
	s8 =	sadd.s32 $0xE00, s8;
	[dreg:$0x15] =	wrdreg s12  }
0x1d: {  	s1 =	sand.u32 $0x7F, s1;
	s28 =	sadd.s32 s4, s26;
	[dreg:$0x16] =	wrdreg s14  }
0x1e: {  	s29 =	sadd.s32 s5, s26;
	s17 =	sadd.s32 s4, s15;
	[dreg:$0x11] =	wrdreg s28  }
0x1f: {  	s18 =	sadd.s32 s5, s15;
	s0 =	sadd.s32 s6, s15;
	[dreg:$0x12] =	wrdreg s29  }
0x20: {  	s19 =	sadd.s32 s4, s16;
	s21 =	sadd.s32 s5, s16;
	[dreg:$0x17] =	wrdreg s17  }
0x21: {  	s12 =	simm.s32 $0x4000;
	s14 =	simm.s32 $0x14000;
	[dreg:$0x18] =	wrdreg s18  }
0x22: {  	s15 =	simm.s32 $0x1;
	s1 =	smul.u32 $0x3, s1;
	[dreg:$0x19] =	wrdreg s0  }
0x23: {  	s13 =	ssub.s32 s20, s2;
	s2 =	sadd.s32 s6, s26;
	[dreg:$0x1a] =	wrdreg s19  }
0x24: {  	[dreg:$0x1b] =	wrdreg s21;
	s26 =	sand.u32 $0xFF, s10;
	s10 =	simm.s32 $0x8000  }
0x25: {  	s17 =	simm.s32 $0x18C00;
	s18 =	simm.s32 $0x18600;
	[dreg:$0x13] =	wrdreg s2  }
0x26: {  	s2 =	sadd.s32 s6, s16;
	s29 =	sand.u32 $0xFF, s13;
	s19 =	sshll.u32 s26, $0x9  }
0x27: {  	s13 =	simm.s32 $0xC000;
	s16 =	simm.s32 $0x18000;
	s11 =	ssub.s32 s11, s1  }
0x28: {  	v0 =	vlaneseq.u32;
	s1 =	sand.u32 $0x6000, s22;
	[dreg:$0x1c] =	wrdreg s2;
	s21 =	sshll.u32 s29, $0x9  }
0x29: {  	v1 =	vor.u32 s19, v0;
	s19 =	simm.s32 $0x19200;
	s1 =	sor.u32 s1, s24;
	s28 =	sand.u32 $0xFF, s11  }
0x2a: {  	s11 =	simm.s32 $0x10000;
	v3 =	vor.u32 s21, v0;
	s21 =	simm.s32 $0x3;
	s20 =	sor.u32 $0x800, s1  }
0x2b: {  	s30 =	sadd.s32 s4, s1;
	s31 =	sadd.s32 s5, s1;
	s24 =	sor.u32 $0x1000, s1  }
0x2c: {  	s25 =	sor.u32 $0x1800, s1;
	s22 =	sadd.s32 s4, s20;
	s23 =	sadd.s32 s5, s20  }
0x2d: {  	s0 =	sadd.s32 s6, s20;
	s2 =	sadd.s32 s5, s24;
	[dreg:$0x1d] =	wrdreg s22  }
0x2e: {  	s3 =	sadd.s32 s6, s24;
	s5 =	sadd.s32 s5, s25;
	[dreg:$0x1e] =	wrdreg s23  }
0x2f: {  	s20 =	sshll.u32 s28, $0x9;
	[dreg:$0x1f] =	wrdreg s0;
	s0 =	sadd.s32 s6, s1  }
0x30: {  	s1 =	sadd.s32 s4, s24;
	s4 =	sadd.s32 s4, s25;
	s6 =	sadd.s32 s6, s25  }
0x31: {  	v4 =	vimm.f32 $0.0e+00;
	v5 =	vimm.f32 $1.000000000e+00;
	v2 =	vor.u32 s20, v0;
	s20 =	simm.s32 $0x2;
	s22 =	simm.s32 $0x0;
	_ =	strace $0x80000047  }
.LBB2_1:
0x32: {  	s24 =	simm.s32 $0x40;
	s23 =	simm.s32 $0x0  }
.LBB2_2:
0x33: {  	p0 =	sne.s32 s24, $0x17C0;
	[tilespmem:s23+$0x19200] =	vst v4;
	s25 =	smov.u32 s24;
	s24 =	sadd.s32 $0x40, s24  }
.Ltmp0:
0x34: {  	[tilespmem:s23+$0x18C00] =	vst v4;
	(pc) =	sbr.rel @p0 .LBB2_2-.Ltmp0, $3  }
0x35: {  	[tilespmem:s23+$0x18000] =	vst v4  }
0x36: {  	[tilespmem:s23+$0x18600] =	vst v4;
	_ =	sdelay $0x1  }
0x37: {  	s23 =	sshra.s32 s25, $0x2  }
0x38: {  	[tilespmem:s23+$0x19200] =	vst v4  }
0x39: {  	[tilespmem:s23+$0x18C00] =	vst v4  }
0x3a: {  	[tilespmem:s23+$0x18000] =	vst v4  }
0x3b: {  	[tilespmem:s23+$0x18600] =	vst v4;
	s24 =	simm.s32 $0x0;
	s26 =	rddreg [dreg:$0x5]  }
0x3c: {  	[tilespmem:s24], [sflag:$0x1] =	stream.linear.gather [hbm4b:s26+s24], $0x4000, $0x38;
	[tilespmem:$0x19900] =	vst v63  }
0x3d: {  	s28 =	rddreg [dreg:$0x6]  }
0x3e: {  	[tilespmem:s10], [sflag:$0x1] =	stream.linear.gather [hbm4b:s28+s24], $0x4000, $0x38;
	[tilespmem:$0x19900] =	vst v63  }
0x3f: {  	s29 =	rddreg [dreg:$0x7]  }
0x40: {  	[tilespmem:s11], [sflag:$0x1] =	stream.linear.gather [hbm4b:s29+s24], $0x4000, $0x38;
	[tilespmem:$0x19900] =	vst v63  }
0x41: {  	s25 =	rddreg [dreg:$0x8]  }
0x42: {  	[tilespmem:s12], [sflag:$0x2] =	stream.linear.gather [hbm4b:s25+s24], $0x4000, $0x38;
	[tilespmem:$0x19900] =	vst v63  }
0x43: {  	s26 =	rddreg [dreg:$0x9]  }
0x44: {  	[tilespmem:s13], [sflag:$0x2] =	stream.linear.gather [hbm4b:s26+s24], $0x4000, $0x38;
	[tilespmem:$0x19900] =	vst v63  }
0x45: {  	s28 =	rddreg [dreg:$0xa]  }
0x46: {  	[tilespmem:s14], [sflag:$0x2] =	stream.linear.gather [hbm4b:s28+s24], $0x4000, $0x38;
	[tilespmem:$0x19900] =	vst v63  }
0x47: {  	_ =	swait.ge [sflag:s15], $0x4000  }
0x48: {  	[sflag:s15] =	ssyncset.done $0x0  }
0x49: {  	[sflag:s15] =	ssyncadd.s32 $0xFFFFC000  }
0x4a: {  	_ =	swait.ge [sflag:s15], $0x4000  }
0x4b: {  	s29 =	simm.s32 $0x0;
	[sflag:s15] =	ssyncset.done $0x0  }
0x4c: {  	s23 =	sand.u32 $0x3000, s29;
	[sflag:s15] =	ssyncadd.s32 $0xFFFFC000  }
0x4d: {  	s25 =	simm.s32 $0x0;
	s26 =	sand.u32 $0xC00, s24;
	_ =	swait.ge [sflag:s15], $0x4000  }
0x4e: {  	s25 =	sand.u32 $0x380, s25;
	s23 =	sor.u32 s26, s23;
	[sflag:s15] =	ssyncset.done $0x0  }
0x4f: {  	s23 =	sor.u32 s25, s23;
	[sflag:s15] =	ssyncadd.s32 $0xFFFFC000  }
0x50: {  	v6 =	vld [tilespmem:s23+$0x20];
	_ =	sdelay $0x2  }
0x51: {  	v7 =	vld [tilespmem:s23+$0x60];
	_ =	sdelay $0x1  }
0x52: {  	v6 =	vmul.f32 $3.200000000e+01, v6;
	_ =	sdelay $0x1  }
0x53: {  	v6 =	vtrunc.f32 v6  }
0x54: {  	v7 =	vmul.f32 $3.200000000e+01, v7;
	v6 =	vcvt.f32.s32 v6  }
0x55: {  	v8 =	vld [tilespmem:s23+$0x0]  }
0x56: {  	v9 =	vld [tilespmem:s23+$0x40];
	v7 =	vtrunc.f32 v7;
	vm0 =	vgt.s32 v6, $0x0  }
0x57: {  	v10 =	vld [tilespmem:s23+$0x10020];
	v7 =	vcvt.f32.s32 v7;
	v6 =	vnsel vm0, $0x0, v6  }
0x58: {  	v11 =	vld [tilespmem:s23+$0x8020];
	v6 =	vmin.u32 v6, $0x1F  }
0x59: {  	v12 =	vld [tilespmem:s23+$0x10040];
	vm12 =	vgt.s32 v7, $0x0;
	v6 =	vshll.u32 v6, $0x4  }
0x5a: {  	v13 =	vld [tilespmem:s23+$0x8060];
	v7 =	vnsel vm12, $0x0, v7;
	v6 =	vor.u32 v1, v6  }
0x5b: {  	v14 =	vld [tilespmem:s23+$0x10060];
	v9 =	vmul.f32 $3.200000000e+01, v9;
	v7 =	vmin.u32 v7, $0x1F  }
0x5c: {  	v15 =	vld [tilespmem:s23+$0x8040];
	v7 =	vshll.u32 v7, $0x4  }
0x5d: {  	v16 =	vld [tilespmem:s23+$0x10000];
	v10 =	vsub.f32 v11, v10;
	v9 =	vtrunc.f32 v9;
	v7 =	vor.u32 v1, v7  }
0x5e: {  	v8 =	vmul.f32 $3.200000000e+01, v8;
	v11 =	vld [tilespmem:s23+$0x8000];
	v9 =	vcvt.f32.s32 v9  }
0x5f: {  	[tilespmem:v6+s16+$0x0] =	vst.idx.add.f32.msk $0xffff, v10  }
0x60: {  	v8 =	vtrunc.f32 v8;
	vm13 =	vgt.s32 v9, $0x0;
	[tilespmem:v6+s17+$0x0] =	vst.idx.add.f32.msk $0xffff, v5;
	v6 =	vsub.f32 v13, v14  }
0x61: {  	v8 =	vcvt.f32.s32 v8;
	v9 =	vnsel vm13, $0x0, v9;
	v10 =	vld [tilespmem:s23+$0x30]  }
0x62: {  	v9 =	vmin.u32 v9, $0x1F;
	[tilespmem:v7+s16+$0x0] =	vst.idx.add.f32.msk $0xffff, v6  }
0x63: {  	vm14 =	vgt.s32 v8, $0x0;
	v6 =	vshll.u32 v9, $0x4;
	[tilespmem:v7+s17+$0x0] =	vst.idx.add.f32.msk $0xffff, v5  }
0x64: {  	v7 =	vnsel vm14, $0x0, v8;
	v6 =	vor.u32 v1, v6;
	v8 =	vld [tilespmem:s23+$0x70]  }
0x65: {  	v13 =	vld [tilespmem:s23+$0x8030];
	v7 =	vmin.u32 v7, $0x1F  }
0x66: {  	v14 =	vld [tilespmem:s23+$0x10030];
	v7 =	vshll.u32 v7, $0x4;
	v10 =	vmul.f32 $3.200000000e+01, v10  }
0x67: {  	v12 =	vsub.f32 v15, v12;
	v15 =	vld [tilespmem:s23+$0x10070];
	v9 =	vor.u32 v1, v7  }
0x68: {  	v7 =	vld [tilespmem:s23+$0x8070];
	v10 =	vtrunc.f32 v10  }
0x69: {  	[tilespmem:v6+s16+$0x0] =	vst.idx.add.f32.msk $0xffff, v12;
	v17 =	vcvt.f32.s32 v10;
	v8 =	vmul.f32 $3.200000000e+01, v8  }
0x6a: {  	v11 =	vsub.f32 v11, v16;
	[tilespmem:v6+s17+$0x0] =	vst.idx.add.f32.msk $0xffff, v5  }
0x6b: {  	v10 =	vld [tilespmem:s23+$0x50];
	vm15 =	vgt.s32 v17, $0x0;
	v8 =	vtrunc.f32 v8  }
0x6c: {  	[tilespmem:v9+s16+$0x0] =	vst.idx.add.f32.msk $0xffff, v11;
	v12 =	vnsel vm15, $0x0, v17;
	v11 =	vcvt.f32.s32 v8  }
0x6d: {  	s25 =	simm.s32 $0x0;
	v6 =	vsub.f32 v13, v14;
	v7 =	vsub.f32 v7, v15;
	v8 =	vld [tilespmem:s23+$0x8050];
	v12 =	vmin.u32 v12, $0x1F  }
.LBB2_4:
0x6e: {  	s25 =	sadd.s32 $0x4, s25;
	v13 =	vld [tilespmem:s23+$0x10050];
	vm0 =	vgt.s32 v11, $0x0  }
0x6f: {  	s24 =	sadd.s32 $0x400, s24;
	s26 =	sshll.u32 s25, $0x5;
	s28 =	sshll.u32 s25, $0x3;
	[tilespmem:v9+s17+$0x0] =	vst.idx.add.f32.msk $0xffff, v5;
	v9 =	vshll.u32 v12, $0x4;
	v11 =	vnsel vm0, $0x0, v11  }
0x70: {  	s29 =	sand.u32 $0xC00, s24;
	s26 =	sand.u32 $0x3000, s26;
	s28 =	sand.u32 $0x380, s28;
	v12 =	vld [tilespmem:s23+$0x10];
	v9 =	vor.u32 v1, v9;
	v10 =	vmul.f32 $3.200000000e+01, v10;
	v11 =	vmin.u32 v11, $0x1F  }
0x71: {  	p0 =	slt.u32 s25, $0x1FC;
	s26 =	sor.u32 s29, s26;
	v14 =	vld [tilespmem:s23+$0x8010]  }
0x72: {  	v11 =	vshll.u32 v11, $0x4;
	v15 =	vld [tilespmem:s23+$0x10010];
	s23 =	sor.u32 s28, s26;
	v10 =	vtrunc.f32 v10  }
0x73: {  	v11 =	vor.u32 v1, v11;
	v16 =	vld [tilespmem:s23+$0x0];
	v8 =	vsub.f32 v8, v13;
	v10 =	vcvt.f32.s32 v10  }
0x74: {  	v13 =	vld [tilespmem:s23+$0x20]  }
0x75: {  	v12 =	vmul.f32 $3.200000000e+01, v12;
	[tilespmem:v9+s18+$0x0] =	vst.idx.add.f32.msk $0xffff, v6;
	vm0 =	vgt.s32 v10, $0x0  }
0x76: {  	v6 =	vld [tilespmem:s23+$0x40];
	v10 =	vnsel vm0, $0x0, v10  }
0x77: {  	v17 =	vld [tilespmem:s23+$0x60];
	v14 =	vsub.f32 v14, v15;
	v12 =	vtrunc.f32 v12;
	v10 =	vmin.u32 v10, $0x1F  }
0x78: {  	v15 =	vmul.f32 $3.200000000e+01, v16;
	v12 =	vcvt.f32.s32 v12;
	v10 =	vshll.u32 v10, $0x4;
	[tilespmem:v11+s18+$0x0] =	vst.idx.add.f32.msk $0xffff, v7  }
0x79: {  	v7 =	vmul.f32 $3.200000000e+01, v13;
	[tilespmem:v11+s19+$0x0] =	vst.idx.add.f32.msk $0xffff, v5  }
0x7a: {  	v11 =	vtrunc.f32 v15;
	vm0 =	vgt.s32 v12, $0x0;
	[tilespmem:v9+s19+$0x0] =	vst.idx.add.f32.msk $0xffff, v5;
	v9 =	vor.u32 v1, v10  }
0x7b: {  	v7 =	vtrunc.f32 v7;
	v10 =	vld [tilespmem:s23+$0x10040];
	v6 =	vmul.f32 $3.200000000e+01, v6;
	v12 =	vnsel vm0, $0x0, v12  }
0x7c: {  	v7 =	vcvt.f32.s32 v7;
	v13 =	vld [tilespmem:s23+$0x8040];
	v15 =	vmul.f32 $3.200000000e+01, v17;
	v12 =	vmin.u32 v12, $0x1F  }
0x7d: {  	v11 =	vcvt.f32.s32 v11;
	v16 =	vld [tilespmem:s23+$0x10000];
	v6 =	vtrunc.f32 v6;
	v12 =	vshll.u32 v12, $0x4  }
0x7e: {  	v17 =	vld [tilespmem:s23+$0x10020];
	vm0 =	vgt.s32 v7, $0x0;
	v6 =	vcvt.f32.s32 v6;
	v15 =	vtrunc.f32 v15  }
0x7f: {  	v12 =	vor.u32 v1, v12;
	v18 =	vld [tilespmem:s23+$0x8000];
	v7 =	vnsel vm0, $0x0, v7;
	v15 =	vcvt.f32.s32 v15  }
0x80: {  	vm0 =	vgt.s32 v11, $0x0;
	v19 =	vld [tilespmem:s23+$0x8020];
	v7 =	vmin.u32 v7, $0x1F;
	vm1 =	vgt.s32 v6, $0x0  }
0x81: {  	v7 =	vshll.u32 v7, $0x4;
	v6 =	vnsel vm1, $0x0, v6;
	vm1 =	vgt.s32 v15, $0x0;
	[tilespmem:v9+s18+$0x0] =	vst.idx.add.f32.msk $0xffff, v8  }
0x82: {  	v7 =	vor.u32 v1, v7;
	v6 =	vmin.u32 v6, $0x1F;
	v8 =	vld [tilespmem:s23+$0x8060];
	v15 =	vnsel vm1, $0x0, v15  }
0x83: {  	v11 =	vnsel vm0, $0x0, v11;
	v20 =	vld [tilespmem:s23+$0x10060];
	v15 =	vmin.u32 v15, $0x1F  }
0x84: {  	v11 =	vmin.u32 v11, $0x1F;
	v16 =	vsub.f32 v18, v16;
	v15 =	vshll.u32 v15, $0x4;
	[tilespmem:v12+s18+$0x0] =	vst.idx.add.f32.msk $0xffff, v14  }
0x85: {  	v11 =	vshll.u32 v11, $0x4;
	v14 =	vsub.f32 v19, v17;
	v15 =	vor.u32 v1, v15;
	[tilespmem:v12+s19+$0x0] =	vst.idx.add.f32.msk $0xffff, v5  }
0x86: {  	[tilespmem:v9+s19+$0x0] =	vst.idx.add.f32.msk $0xffff, v5  }
0x87: {  	[tilespmem:v7+s16+$0x0] =	vst.idx.add.f32.msk $0xffff, v14  }
0x88: {  	[tilespmem:v7+s17+$0x0] =	vst.idx.add.f32.msk $0xffff, v5;
	v7 =	vsub.f32 v8, v20  }
0x89: {  	v8 =	vld [tilespmem:s23+$0x30]  }
0x8a: {  	v10 =	vsub.f32 v13, v10;
	[tilespmem:v15+s16+$0x0] =	vst.idx.add.f32.msk $0xffff, v7  }
0x8b: {  	v6 =	vshll.u32 v6, $0x4;
	[tilespmem:v15+s17+$0x0] =	vst.idx.add.f32.msk $0xffff, v5  }
0x8c: {  	v6 =	vor.u32 v1, v6;
	v7 =	vld [tilespmem:s23+$0x70]  }
0x8d: {  	v12 =	vld [tilespmem:s23+$0x8030]  }
0x8e: {  	v13 =	vld [tilespmem:s23+$0x10030];
	v8 =	vmul.f32 $3.200000000e+01, v8  }
0x8f: {  	v9 =	vor.u32 v1, v11;
	v14 =	vld [tilespmem:s23+$0x8070]  }
0x90: {  	v8 =	vtrunc.f32 v8;
	v15 =	vld [tilespmem:s23+$0x10070]  }
.Ltmp1:
0x91: {  	v8 =	vcvt.f32.s32 v8;
	[tilespmem:v6+s16+$0x0] =	vst.idx.add.f32.msk $0xffff, v10;
	v7 =	vmul.f32 $3.200000000e+01, v7;
	(pc) =	sbr.rel @p0 .LBB2_4-.Ltmp1, $4  }
0x92: {  	[tilespmem:v6+s17+$0x0] =	vst.idx.add.f32.msk $0xffff, v5  }
0x93: {  	v6 =	vsub.f32 v12, v13;
	vm0 =	vgt.s32 v8, $0x0;
	v10 =	vld [tilespmem:s23+$0x50];
	v7 =	vtrunc.f32 v7  }
0x94: {  	[tilespmem:v9+s16+$0x0] =	vst.idx.add.f32.msk $0xffff, v16;
	v8 =	vnsel vm0, $0x0, v8;
	v11 =	vcvt.f32.s32 v7  }
0x95: {  	v12 =	vmin.u32 v8, $0x1F;
	v8 =	vld [tilespmem:s23+$0x8050];
	v7 =	vsub.f32 v14, v15  }
0x96: {  	_ =	sdelay $0x3  }
0x97: {  	[tilespmem:v9+s17+$0x0] =	vst.idx.add.f32.msk $0xffff, v5  }
0x98: {  	v9 =	vld [tilespmem:s23+$0x10];
	_ =	sdelay $0x2  }
0x99: {  	v10 =	vmul.f32 $3.200000000e+01, v10;
	_ =	sdelay $0x1  }
0x9a: {  	v10 =	vtrunc.f32 v10;
	v9 =	vmul.f32 $3.200000000e+01, v9  }
0x9b: {  	vm0 =	vgt.s32 v11, $0x0;
	v12 =	vshll.u32 v12, $0x4;
	v10 =	vcvt.f32.s32 v10  }
0x9c: {  	v11 =	vnsel vm0, $0x0, v11;
	v12 =	vor.u32 v1, v12;
	v9 =	vtrunc.f32 v9  }
0x9d: {  	v11 =	vmin.u32 v11, $0x1F;
	vm9 =	vgt.s32 v10, $0x0;
	v9 =	vcvt.f32.s32 v9  }
0x9e: {  	v11 =	vshll.u32 v11, $0x4;
	v10 =	vnsel vm9, $0x0, v10  }
0x9f: {  	v13 =	vld [tilespmem:s23+$0x10050];
	v11 =	vor.u32 v1, v11;
	v10 =	vmin.u32 v10, $0x1F;
	vm10 =	vgt.s32 v9, $0x0  }
0xa0: {  	v14 =	vld [tilespmem:s23+$0x8010];
	v10 =	vshll.u32 v10, $0x4;
	v9 =	vnsel vm10, $0x0, v9  }
0xa1: {  	v15 =	vld [tilespmem:s23+$0x10010];
	v10 =	vor.u32 v1, v10;
	v9 =	vmin.u32 v9, $0x1F  }
0xa2: {  	[tilespmem:v12+s18+$0x0] =	vst.idx.add.f32.msk $0xffff, v6;
	v9 =	vshll.u32 v9, $0x4  }
0xa3: {  	[tilespmem:v12+s19+$0x0] =	vst.idx.add.f32.msk $0xffff, v5;
	v6 =	vor.u32 v1, v9  }
0xa4: {  	[tilespmem:v11+s18+$0x0] =	vst.idx.add.f32.msk $0xffff, v7;
	v7 =	vsub.f32 v8, v13  }
0xa5: {  	[tilespmem:v11+s19+$0x0] =	vst.idx.add.f32.msk $0xffff, v5  }
0xa6: {  	v8 =	vsub.f32 v14, v15;
	[tilespmem:v10+s18+$0x0] =	vst.idx.add.f32.msk $0xffff, v7  }
0xa7: {  	[tilespmem:v10+s19+$0x0] =	vst.idx.add.f32.msk $0xffff, v5  }
0xa8: {  	[tilespmem:v6+s18+$0x0] =	vst.idx.add.f32.msk $0xffff, v8  }
0xa9: {  	[tilespmem:v6+s19+$0x0] =	vst.idx.add.f32.msk $0xffff, v5  }
0xaa: {  	s24 =	simm.s32 $0x0;
	s25 =	rddreg [dreg:$0xb]  }
0xab: {  	[tilespmem:s24], [sflag:$0x1] =	stream.linear.gather [hbm4b:s25+s24], $0x4000, $0x38;
	[tilespmem:$0x19900] =	vst v63  }
0xac: {  	s26 =	rddreg [dreg:$0xc]  }
0xad: {  	[tilespmem:s10], [sflag:$0x1] =	stream.linear.gather [hbm4b:s26+s24], $0x4000, $0x38;
	[tilespmem:$0x19900] =	vst v63  }
0xae: {  	s28 =	rddreg [dreg:$0xd]  }
0xaf: {  	[tilespmem:s11], [sflag:$0x1] =	stream.linear.gather [hbm4b:s28+s24], $0x4000, $0x38;
	[tilespmem:$0x19900] =	vst v63  }
0xb0: {  	_ =	swait.ge [sflag:s20], $0x4000  }
0xb1: {  	[sflag:s20] =	ssyncset.done $0x0  }
0xb2: {  	[sflag:s20] =	ssyncadd.s32 $0xFFFFC000  }
0xb3: {  	_ =	swait.ge [sflag:s20], $0x4000  }
0xb4: {  	s29 =	simm.s32 $0x0;
	[sflag:s20] =	ssyncset.done $0x0  }
0xb5: {  	s23 =	sand.u32 $0x3000, s29;
	[sflag:s20] =	ssyncadd.s32 $0xFFFFC000  }
0xb6: {  	s25 =	simm.s32 $0x0;
	s26 =	sand.u32 $0xC00, s24;
	_ =	swait.ge [sflag:s20], $0x4000  }
0xb7: {  	s25 =	sand.u32 $0x380, s25;
	s23 =	sor.u32 s26, s23;
	[sflag:s20] =	ssyncset.done $0x0  }
0xb8: {  	s23 =	sor.u32 s25, s23;
	[sflag:s20] =	ssyncadd.s32 $0xFFFFC000  }
0xb9: {  	v6 =	vld [tilespmem:s23+$0x4020];
	_ =	sdelay $0x2  }
0xba: {  	v7 =	vld [tilespmem:s23+$0x4060];
	_ =	sdelay $0x1  }
0xbb: {  	v6 =	vmul.f32 $3.200000000e+01, v6;
	_ =	sdelay $0x1  }
0xbc: {  	v6 =	vtrunc.f32 v6  }
0xbd: {  	v7 =	vmul.f32 $3.200000000e+01, v7;
	v6 =	vcvt.f32.s32 v6  }
0xbe: {  	v8 =	vld [tilespmem:s23+$0x4000]  }
0xbf: {  	v9 =	vld [tilespmem:s23+$0x4040];
	v7 =	vtrunc.f32 v7;
	vm11 =	vgt.s32 v6, $0x0  }
0xc0: {  	v10 =	vld [tilespmem:s23+$0x14020];
	v7 =	vcvt.f32.s32 v7;
	v6 =	vnsel vm11, $0x0, v6  }
0xc1: {  	v11 =	vld [tilespmem:s23+$0xC020];
	v6 =	vmin.u32 v6, $0x1F  }
0xc2: {  	v12 =	vld [tilespmem:s23+$0x14040];
	vm12 =	vgt.s32 v7, $0x0;
	v6 =	vshll.u32 v6, $0x4  }
0xc3: {  	v13 =	vld [tilespmem:s23+$0xC060];
	v7 =	vnsel vm12, $0x0, v7;
	v6 =	vor.u32 v1, v6  }
0xc4: {  	v14 =	vld [tilespmem:s23+$0x14060];
	v9 =	vmul.f32 $3.200000000e+01, v9;
	v7 =	vmin.u32 v7, $0x1F  }
0xc5: {  	v15 =	vld [tilespmem:s23+$0xC040];
	v7 =	vshll.u32 v7, $0x4  }
0xc6: {  	v16 =	vld [tilespmem:s23+$0x14000];
	v10 =	vsub.f32 v11, v10;
	v9 =	vtrunc.f32 v9;
	v7 =	vor.u32 v1, v7  }
0xc7: {  	v8 =	vmul.f32 $3.200000000e+01, v8;
	v11 =	vld [tilespmem:s23+$0xC000];
	v9 =	vcvt.f32.s32 v9  }
0xc8: {  	[tilespmem:v6+s16+$0x0] =	vst.idx.add.f32.msk $0xffff, v10  }
0xc9: {  	v8 =	vtrunc.f32 v8;
	vm13 =	vgt.s32 v9, $0x0;
	[tilespmem:v6+s17+$0x0] =	vst.idx.add.f32.msk $0xffff, v5;
	v6 =	vsub.f32 v13, v14  }
0xca: {  	v8 =	vcvt.f32.s32 v8;
	v9 =	vnsel vm13, $0x0, v9;
	v10 =	vld [tilespmem:s23+$0x4030]  }
0xcb: {  	v9 =	vmin.u32 v9, $0x1F;
	[tilespmem:v7+s16+$0x0] =	vst.idx.add.f32.msk $0xffff, v6  }
0xcc: {  	vm14 =	vgt.s32 v8, $0x0;
	v6 =	vshll.u32 v9, $0x4;
	[tilespmem:v7+s17+$0x0] =	vst.idx.add.f32.msk $0xffff, v5  }
0xcd: {  	v7 =	vnsel vm14, $0x0, v8;
	v6 =	vor.u32 v1, v6;
	v8 =	vld [tilespmem:s23+$0x4070]  }
0xce: {  	v13 =	vld [tilespmem:s23+$0xC030];
	v7 =	vmin.u32 v7, $0x1F  }
0xcf: {  	v14 =	vld [tilespmem:s23+$0x14030];
	v7 =	vshll.u32 v7, $0x4;
	v10 =	vmul.f32 $3.200000000e+01, v10  }
0xd0: {  	v12 =	vsub.f32 v15, v12;
	v15 =	vld [tilespmem:s23+$0x14070];
	v9 =	vor.u32 v1, v7  }
0xd1: {  	v7 =	vld [tilespmem:s23+$0xC070];
	v10 =	vtrunc.f32 v10  }
0xd2: {  	[tilespmem:v6+s16+$0x0] =	vst.idx.add.f32.msk $0xffff, v12;
	v17 =	vcvt.f32.s32 v10;
	v8 =	vmul.f32 $3.200000000e+01, v8  }
0xd3: {  	v11 =	vsub.f32 v11, v16;
	[tilespmem:v6+s17+$0x0] =	vst.idx.add.f32.msk $0xffff, v5  }
0xd4: {  	v10 =	vld [tilespmem:s23+$0x4050];
	vm15 =	vgt.s32 v17, $0x0;
	v8 =	vtrunc.f32 v8  }
0xd5: {  	[tilespmem:v9+s16+$0x0] =	vst.idx.add.f32.msk $0xffff, v11;
	v12 =	vnsel vm15, $0x0, v17;
	v11 =	vcvt.f32.s32 v8  }
0xd6: {  	s25 =	simm.s32 $0x0;
	v6 =	vsub.f32 v13, v14;
	v7 =	vsub.f32 v7, v15;
	v8 =	vld [tilespmem:s23+$0xC050];
	v12 =	vmin.u32 v12, $0x1F  }
.LBB2_6:
0xd7: {  	s25 =	sadd.s32 $0x4, s25;
	v13 =	vld [tilespmem:s23+$0x14050];
	vm0 =	vgt.s32 v11, $0x0  }
0xd8: {  	s24 =	sadd.s32 $0x400, s24;
	s26 =	sshll.u32 s25, $0x5;
	s28 =	sshll.u32 s25, $0x3;
	[tilespmem:v9+s17+$0x0] =	vst.idx.add.f32.msk $0xffff, v5;
	v9 =	vshll.u32 v12, $0x4;
	v11 =	vnsel vm0, $0x0, v11  }
0xd9: {  	s29 =	sand.u32 $0xC00, s24;
	s26 =	sand.u32 $0x3000, s26;
	s28 =	sand.u32 $0x380, s28;
	v12 =	vld [tilespmem:s23+$0x4010];
	v9 =	vor.u32 v1, v9;
	v10 =	vmul.f32 $3.200000000e+01, v10;
	v11 =	vmin.u32 v11, $0x1F  }
0xda: {  	p0 =	slt.u32 s25, $0x1FC;
	s26 =	sor.u32 s29, s26;
	v14 =	vld [tilespmem:s23+$0xC010]  }
0xdb: {  	v11 =	vshll.u32 v11, $0x4;
	v15 =	vld [tilespmem:s23+$0x14010];
	s23 =	sor.u32 s28, s26;
	v10 =	vtrunc.f32 v10  }
0xdc: {  	v11 =	vor.u32 v1, v11;
	v16 =	vld [tilespmem:s23+$0x4000];
	v8 =	vsub.f32 v8, v13;
	v10 =	vcvt.f32.s32 v10  }
0xdd: {  	v13 =	vld [tilespmem:s23+$0x4020]  }
0xde: {  	v12 =	vmul.f32 $3.200000000e+01, v12;
	[tilespmem:v9+s18+$0x0] =	vst.idx.add.f32.msk $0xffff, v6;
	vm0 =	vgt.s32 v10, $0x0  }
0xdf: {  	v6 =	vld [tilespmem:s23+$0x4040];
	v10 =	vnsel vm0, $0x0, v10  }
0xe0: {  	v17 =	vld [tilespmem:s23+$0x4060];
	v14 =	vsub.f32 v14, v15;
	v12 =	vtrunc.f32 v12;
	v10 =	vmin.u32 v10, $0x1F  }
0xe1: {  	v15 =	vmul.f32 $3.200000000e+01, v16;
	v12 =	vcvt.f32.s32 v12;
	v10 =	vshll.u32 v10, $0x4;
	[tilespmem:v11+s18+$0x0] =	vst.idx.add.f32.msk $0xffff, v7  }
0xe2: {  	v7 =	vmul.f32 $3.200000000e+01, v13;
	[tilespmem:v11+s19+$0x0] =	vst.idx.add.f32.msk $0xffff, v5  }
0xe3: {  	v11 =	vtrunc.f32 v15;
	vm0 =	vgt.s32 v12, $0x0;
	[tilespmem:v9+s19+$0x0] =	vst.idx.add.f32.msk $0xffff, v5;
	v9 =	vor.u32 v1, v10  }
0xe4: {  	v7 =	vtrunc.f32 v7;
	v10 =	vld [tilespmem:s23+$0x14040];
	v6 =	vmul.f32 $3.200000000e+01, v6;
	v12 =	vnsel vm0, $0x0, v12  }
0xe5: {  	v7 =	vcvt.f32.s32 v7;
	v13 =	vld [tilespmem:s23+$0xC040];
	v15 =	vmul.f32 $3.200000000e+01, v17;
	v12 =	vmin.u32 v12, $0x1F  }
0xe6: {  	v11 =	vcvt.f32.s32 v11;
	v16 =	vld [tilespmem:s23+$0x14000];
	v6 =	vtrunc.f32 v6;
	v12 =	vshll.u32 v12, $0x4  }
0xe7: {  	v17 =	vld [tilespmem:s23+$0x14020];
	vm0 =	vgt.s32 v7, $0x0;
	v6 =	vcvt.f32.s32 v6;
	v15 =	vtrunc.f32 v15  }
0xe8: {  	v12 =	vor.u32 v1, v12;
	v18 =	vld [tilespmem:s23+$0xC000];
	v7 =	vnsel vm0, $0x0, v7;
	v15 =	vcvt.f32.s32 v15  }
0xe9: {  	vm0 =	vgt.s32 v11, $0x0;
	v19 =	vld [tilespmem:s23+$0xC020];
	v7 =	vmin.u32 v7, $0x1F;
	vm1 =	vgt.s32 v6, $0x0  }
0xea: {  	v7 =	vshll.u32 v7, $0x4;
	v6 =	vnsel vm1, $0x0, v6;
	vm1 =	vgt.s32 v15, $0x0;
	[tilespmem:v9+s18+$0x0] =	vst.idx.add.f32.msk $0xffff, v8  }
0xeb: {  	v7 =	vor.u32 v1, v7;
	v6 =	vmin.u32 v6, $0x1F;
	v8 =	vld [tilespmem:s23+$0xC060];
	v15 =	vnsel vm1, $0x0, v15  }
0xec: {  	v11 =	vnsel vm0, $0x0, v11;
	v20 =	vld [tilespmem:s23+$0x14060];
	v15 =	vmin.u32 v15, $0x1F  }
0xed: {  	v11 =	vmin.u32 v11, $0x1F;
	v16 =	vsub.f32 v18, v16;
	v15 =	vshll.u32 v15, $0x4;
	[tilespmem:v12+s18+$0x0] =	vst.idx.add.f32.msk $0xffff, v14  }
0xee: {  	v11 =	vshll.u32 v11, $0x4;
	v14 =	vsub.f32 v19, v17;
	v15 =	vor.u32 v1, v15;
	[tilespmem:v12+s19+$0x0] =	vst.idx.add.f32.msk $0xffff, v5  }
0xef: {  	[tilespmem:v9+s19+$0x0] =	vst.idx.add.f32.msk $0xffff, v5  }
0xf0: {  	[tilespmem:v7+s16+$0x0] =	vst.idx.add.f32.msk $0xffff, v14  }
0xf1: {  	[tilespmem:v7+s17+$0x0] =	vst.idx.add.f32.msk $0xffff, v5;
	v7 =	vsub.f32 v8, v20  }
0xf2: {  	v8 =	vld [tilespmem:s23+$0x4030]  }
0xf3: {  	v10 =	vsub.f32 v13, v10;
	[tilespmem:v15+s16+$0x0] =	vst.idx.add.f32.msk $0xffff, v7  }
0xf4: {  	v6 =	vshll.u32 v6, $0x4;
	[tilespmem:v15+s17+$0x0] =	vst.idx.add.f32.msk $0xffff, v5  }
0xf5: {  	v6 =	vor.u32 v1, v6;
	v7 =	vld [tilespmem:s23+$0x4070]  }
0xf6: {  	v12 =	vld [tilespmem:s23+$0xC030]  }
0xf7: {  	v13 =	vld [tilespmem:s23+$0x14030];
	v8 =	vmul.f32 $3.200000000e+01, v8  }
0xf8: {  	v9 =	vor.u32 v1, v11;
	v14 =	vld [tilespmem:s23+$0xC070]  }
0xf9: {  	v8 =	vtrunc.f32 v8;
	v15 =	vld [tilespmem:s23+$0x14070]  }
.Ltmp2:
0xfa: {  	v8 =	vcvt.f32.s32 v8;
	[tilespmem:v6+s16+$0x0] =	vst.idx.add.f32.msk $0xffff, v10;
	v7 =	vmul.f32 $3.200000000e+01, v7;
	(pc) =	sbr.rel @p0 .LBB2_6-.Ltmp2, $4  }
0xfb: {  	[tilespmem:v6+s17+$0x0] =	vst.idx.add.f32.msk $0xffff, v5  }
0xfc: {  	v6 =	vsub.f32 v12, v13;
	vm0 =	vgt.s32 v8, $0x0;
	v10 =	vld [tilespmem:s23+$0x4050];
	v7 =	vtrunc.f32 v7  }
0xfd: {  	[tilespmem:v9+s16+$0x0] =	vst.idx.add.f32.msk $0xffff, v16;
	v8 =	vnsel vm0, $0x0, v8;
	v11 =	vcvt.f32.s32 v7  }
0xfe: {  	v12 =	vmin.u32 v8, $0x1F;
	v8 =	vld [tilespmem:s23+$0xC050];
	v7 =	vsub.f32 v14, v15  }
0xff: {  	_ =	sdelay $0x3  }
0x100: {  	[tilespmem:v9+s17+$0x0] =	vst.idx.add.f32.msk $0xffff, v5  }
0x101: {  	v9 =	vld [tilespmem:s23+$0x4010];
	_ =	sdelay $0x2  }
0x102: {  	v10 =	vmul.f32 $3.200000000e+01, v10;
	_ =	sdelay $0x1  }
0x103: {  	v10 =	vtrunc.f32 v10;
	v9 =	vmul.f32 $3.200000000e+01, v9  }
0x104: {  	vm0 =	vgt.s32 v11, $0x0;
	v12 =	vshll.u32 v12, $0x4;
	v10 =	vcvt.f32.s32 v10  }
0x105: {  	v11 =	vnsel vm0, $0x0, v11;
	v12 =	vor.u32 v1, v12;
	v9 =	vtrunc.f32 v9  }
0x106: {  	v11 =	vmin.u32 v11, $0x1F;
	vm9 =	vgt.s32 v10, $0x0;
	v9 =	vcvt.f32.s32 v9  }
0x107: {  	v11 =	vshll.u32 v11, $0x4;
	v10 =	vnsel vm9, $0x0, v10  }
0x108: {  	v13 =	vld [tilespmem:s23+$0x14050];
	v11 =	vor.u32 v1, v11;
	v10 =	vmin.u32 v10, $0x1F;
	vm10 =	vgt.s32 v9, $0x0  }
0x109: {  	v14 =	vld [tilespmem:s23+$0xC010];
	v10 =	vshll.u32 v10, $0x4;
	v9 =	vnsel vm10, $0x0, v9  }
0x10a: {  	v15 =	vld [tilespmem:s23+$0x14010];
	v10 =	vor.u32 v1, v10;
	v9 =	vmin.u32 v9, $0x1F  }
0x10b: {  	[tilespmem:v12+s18+$0x0] =	vst.idx.add.f32.msk $0xffff, v6;
	v9 =	vshll.u32 v9, $0x4  }
0x10c: {  	[tilespmem:v12+s19+$0x0] =	vst.idx.add.f32.msk $0xffff, v5;
	v6 =	vor.u32 v1, v9  }
0x10d: {  	[tilespmem:v11+s18+$0x0] =	vst.idx.add.f32.msk $0xffff, v7;
	v7 =	vsub.f32 v8, v13  }
0x10e: {  	[tilespmem:v11+s19+$0x0] =	vst.idx.add.f32.msk $0xffff, v5  }
0x10f: {  	v8 =	vsub.f32 v14, v15;
	[tilespmem:v10+s18+$0x0] =	vst.idx.add.f32.msk $0xffff, v7  }
0x110: {  	[tilespmem:v10+s19+$0x0] =	vst.idx.add.f32.msk $0xffff, v5  }
0x111: {  	[tilespmem:v6+s18+$0x0] =	vst.idx.add.f32.msk $0xffff, v8  }
0x112: {  	[tilespmem:v6+s19+$0x0] =	vst.idx.add.f32.msk $0xffff, v5  }
0x113: {  	s24 =	simm.s32 $0x0;
	s25 =	rddreg [dreg:$0xe]  }
0x114: {  	[tilespmem:s12], [sflag:$0x2] =	stream.linear.gather [hbm4b:s25+s24], $0x4000, $0x38;
	[tilespmem:$0x19900] =	vst v63  }
0x115: {  	s26 =	rddreg [dreg:$0xf]  }
0x116: {  	[tilespmem:s13], [sflag:$0x2] =	stream.linear.gather [hbm4b:s26+s24], $0x4000, $0x38;
	[tilespmem:$0x19900] =	vst v63  }
0x117: {  	s28 =	rddreg [dreg:$0x10]  }
0x118: {  	[tilespmem:s14], [sflag:$0x2] =	stream.linear.gather [hbm4b:s28+s24], $0x4000, $0x38;
	[tilespmem:$0x19900] =	vst v63  }
0x119: {  	_ =	swait.ge [sflag:s15], $0x4000  }
0x11a: {  	[sflag:s15] =	ssyncset.done $0x0  }
0x11b: {  	[sflag:s15] =	ssyncadd.s32 $0xFFFFC000  }
0x11c: {  	_ =	swait.ge [sflag:s15], $0x4000  }
0x11d: {  	s29 =	simm.s32 $0x0;
	[sflag:s15] =	ssyncset.done $0x0  }
0x11e: {  	s23 =	sand.u32 $0x3000, s29;
	[sflag:s15] =	ssyncadd.s32 $0xFFFFC000  }
0x11f: {  	s25 =	simm.s32 $0x0;
	s26 =	sand.u32 $0xC00, s24;
	_ =	swait.ge [sflag:s15], $0x4000  }
0x120: {  	s25 =	sand.u32 $0x380, s25;
	s23 =	sor.u32 s26, s23;
	[sflag:s15] =	ssyncset.done $0x0  }
0x121: {  	s23 =	sor.u32 s25, s23;
	[sflag:s15] =	ssyncadd.s32 $0xFFFFC000  }
0x122: {  	v6 =	vld [tilespmem:s23+$0x20];
	_ =	sdelay $0x2  }
0x123: {  	v7 =	vld [tilespmem:s23+$0x60];
	_ =	sdelay $0x1  }
0x124: {  	v6 =	vmul.f32 $3.200000000e+01, v6;
	_ =	sdelay $0x1  }
0x125: {  	v6 =	vtrunc.f32 v6  }
0x126: {  	v7 =	vmul.f32 $3.200000000e+01, v7;
	v6 =	vcvt.f32.s32 v6  }
0x127: {  	v8 =	vld [tilespmem:s23+$0x0]  }
0x128: {  	v9 =	vld [tilespmem:s23+$0x40];
	v7 =	vtrunc.f32 v7;
	vm11 =	vgt.s32 v6, $0x0  }
0x129: {  	v10 =	vld [tilespmem:s23+$0x10020];
	v7 =	vcvt.f32.s32 v7;
	v6 =	vnsel vm11, $0x0, v6  }
0x12a: {  	v11 =	vld [tilespmem:s23+$0x8020];
	v6 =	vmin.u32 v6, $0x1F  }
0x12b: {  	v12 =	vld [tilespmem:s23+$0x10040];
	vm12 =	vgt.s32 v7, $0x0;
	v6 =	vshll.u32 v6, $0x4  }
0x12c: {  	v13 =	vld [tilespmem:s23+$0x8060];
	v7 =	vnsel vm12, $0x0, v7;
	v6 =	vor.u32 v1, v6  }
0x12d: {  	v14 =	vld [tilespmem:s23+$0x10060];
	v9 =	vmul.f32 $3.200000000e+01, v9;
	v7 =	vmin.u32 v7, $0x1F  }
0x12e: {  	v15 =	vld [tilespmem:s23+$0x8040];
	v7 =	vshll.u32 v7, $0x4  }
0x12f: {  	v16 =	vld [tilespmem:s23+$0x10000];
	v10 =	vsub.f32 v11, v10;
	v9 =	vtrunc.f32 v9;
	v7 =	vor.u32 v1, v7  }
0x130: {  	v8 =	vmul.f32 $3.200000000e+01, v8;
	v11 =	vld [tilespmem:s23+$0x8000];
	v9 =	vcvt.f32.s32 v9  }
0x131: {  	[tilespmem:v6+s16+$0x0] =	vst.idx.add.f32.msk $0xffff, v10  }
0x132: {  	v8 =	vtrunc.f32 v8;
	vm13 =	vgt.s32 v9, $0x0;
	[tilespmem:v6+s17+$0x0] =	vst.idx.add.f32.msk $0xffff, v5;
	v6 =	vsub.f32 v13, v14  }
0x133: {  	v8 =	vcvt.f32.s32 v8;
	v9 =	vnsel vm13, $0x0, v9;
	v10 =	vld [tilespmem:s23+$0x30]  }
0x134: {  	v9 =	vmin.u32 v9, $0x1F;
	[tilespmem:v7+s16+$0x0] =	vst.idx.add.f32.msk $0xffff, v6  }
0x135: {  	vm14 =	vgt.s32 v8, $0x0;
	v6 =	vshll.u32 v9, $0x4;
	[tilespmem:v7+s17+$0x0] =	vst.idx.add.f32.msk $0xffff, v5  }
0x136: {  	v7 =	vnsel vm14, $0x0, v8;
	v6 =	vor.u32 v1, v6;
	v8 =	vld [tilespmem:s23+$0x70]  }
0x137: {  	v13 =	vld [tilespmem:s23+$0x8030];
	v7 =	vmin.u32 v7, $0x1F  }
0x138: {  	v14 =	vld [tilespmem:s23+$0x10030];
	v7 =	vshll.u32 v7, $0x4;
	v10 =	vmul.f32 $3.200000000e+01, v10  }
0x139: {  	v12 =	vsub.f32 v15, v12;
	v15 =	vld [tilespmem:s23+$0x10070];
	v9 =	vor.u32 v1, v7  }
0x13a: {  	v7 =	vld [tilespmem:s23+$0x8070];
	v10 =	vtrunc.f32 v10  }
0x13b: {  	[tilespmem:v6+s16+$0x0] =	vst.idx.add.f32.msk $0xffff, v12;
	v17 =	vcvt.f32.s32 v10;
	v8 =	vmul.f32 $3.200000000e+01, v8  }
0x13c: {  	v11 =	vsub.f32 v11, v16;
	[tilespmem:v6+s17+$0x0] =	vst.idx.add.f32.msk $0xffff, v5  }
0x13d: {  	v10 =	vld [tilespmem:s23+$0x50];
	vm15 =	vgt.s32 v17, $0x0;
	v8 =	vtrunc.f32 v8  }
0x13e: {  	[tilespmem:v9+s16+$0x0] =	vst.idx.add.f32.msk $0xffff, v11;
	v12 =	vnsel vm15, $0x0, v17;
	v11 =	vcvt.f32.s32 v8  }
0x13f: {  	s25 =	simm.s32 $0x0;
	v6 =	vsub.f32 v13, v14;
	v7 =	vsub.f32 v7, v15;
	v8 =	vld [tilespmem:s23+$0x8050];
	v12 =	vmin.u32 v12, $0x1F  }
.LBB2_8:
0x140: {  	s25 =	sadd.s32 $0x4, s25;
	v13 =	vld [tilespmem:s23+$0x10050];
	vm0 =	vgt.s32 v11, $0x0  }
0x141: {  	s24 =	sadd.s32 $0x400, s24;
	s26 =	sshll.u32 s25, $0x5;
	s28 =	sshll.u32 s25, $0x3;
	[tilespmem:v9+s17+$0x0] =	vst.idx.add.f32.msk $0xffff, v5;
	v9 =	vshll.u32 v12, $0x4;
	v11 =	vnsel vm0, $0x0, v11  }
0x142: {  	s29 =	sand.u32 $0xC00, s24;
	s26 =	sand.u32 $0x3000, s26;
	s28 =	sand.u32 $0x380, s28;
	v12 =	vld [tilespmem:s23+$0x10];
	v9 =	vor.u32 v1, v9;
	v10 =	vmul.f32 $3.200000000e+01, v10;
	v11 =	vmin.u32 v11, $0x1F  }
0x143: {  	p0 =	slt.u32 s25, $0x1FC;
	s26 =	sor.u32 s29, s26;
	v14 =	vld [tilespmem:s23+$0x8010]  }
0x144: {  	v11 =	vshll.u32 v11, $0x4;
	v15 =	vld [tilespmem:s23+$0x10010];
	s23 =	sor.u32 s28, s26;
	v10 =	vtrunc.f32 v10  }
0x145: {  	v11 =	vor.u32 v1, v11;
	v16 =	vld [tilespmem:s23+$0x0];
	v8 =	vsub.f32 v8, v13;
	v10 =	vcvt.f32.s32 v10  }
0x146: {  	v13 =	vld [tilespmem:s23+$0x20]  }
0x147: {  	v12 =	vmul.f32 $3.200000000e+01, v12;
	[tilespmem:v9+s18+$0x0] =	vst.idx.add.f32.msk $0xffff, v6;
	vm0 =	vgt.s32 v10, $0x0  }
0x148: {  	v6 =	vld [tilespmem:s23+$0x40];
	v10 =	vnsel vm0, $0x0, v10  }
0x149: {  	v17 =	vld [tilespmem:s23+$0x60];
	v14 =	vsub.f32 v14, v15;
	v12 =	vtrunc.f32 v12;
	v10 =	vmin.u32 v10, $0x1F  }
0x14a: {  	v15 =	vmul.f32 $3.200000000e+01, v16;
	v12 =	vcvt.f32.s32 v12;
	v10 =	vshll.u32 v10, $0x4;
	[tilespmem:v11+s18+$0x0] =	vst.idx.add.f32.msk $0xffff, v7  }
0x14b: {  	v7 =	vmul.f32 $3.200000000e+01, v13;
	[tilespmem:v11+s19+$0x0] =	vst.idx.add.f32.msk $0xffff, v5  }
0x14c: {  	v11 =	vtrunc.f32 v15;
	vm0 =	vgt.s32 v12, $0x0;
	[tilespmem:v9+s19+$0x0] =	vst.idx.add.f32.msk $0xffff, v5;
	v9 =	vor.u32 v1, v10  }
0x14d: {  	v7 =	vtrunc.f32 v7;
	v10 =	vld [tilespmem:s23+$0x10040];
	v6 =	vmul.f32 $3.200000000e+01, v6;
	v12 =	vnsel vm0, $0x0, v12  }
0x14e: {  	v7 =	vcvt.f32.s32 v7;
	v13 =	vld [tilespmem:s23+$0x8040];
	v15 =	vmul.f32 $3.200000000e+01, v17;
	v12 =	vmin.u32 v12, $0x1F  }
0x14f: {  	v11 =	vcvt.f32.s32 v11;
	v16 =	vld [tilespmem:s23+$0x10000];
	v6 =	vtrunc.f32 v6;
	v12 =	vshll.u32 v12, $0x4  }
0x150: {  	v17 =	vld [tilespmem:s23+$0x10020];
	vm0 =	vgt.s32 v7, $0x0;
	v6 =	vcvt.f32.s32 v6;
	v15 =	vtrunc.f32 v15  }
0x151: {  	v12 =	vor.u32 v1, v12;
	v18 =	vld [tilespmem:s23+$0x8000];
	v7 =	vnsel vm0, $0x0, v7;
	v15 =	vcvt.f32.s32 v15  }
0x152: {  	vm0 =	vgt.s32 v11, $0x0;
	v19 =	vld [tilespmem:s23+$0x8020];
	v7 =	vmin.u32 v7, $0x1F;
	vm1 =	vgt.s32 v6, $0x0  }
0x153: {  	v7 =	vshll.u32 v7, $0x4;
	v6 =	vnsel vm1, $0x0, v6;
	vm1 =	vgt.s32 v15, $0x0;
	[tilespmem:v9+s18+$0x0] =	vst.idx.add.f32.msk $0xffff, v8  }
0x154: {  	v7 =	vor.u32 v1, v7;
	v6 =	vmin.u32 v6, $0x1F;
	v8 =	vld [tilespmem:s23+$0x8060];
	v15 =	vnsel vm1, $0x0, v15  }
0x155: {  	v11 =	vnsel vm0, $0x0, v11;
	v20 =	vld [tilespmem:s23+$0x10060];
	v15 =	vmin.u32 v15, $0x1F  }
0x156: {  	v11 =	vmin.u32 v11, $0x1F;
	v16 =	vsub.f32 v18, v16;
	v15 =	vshll.u32 v15, $0x4;
	[tilespmem:v12+s18+$0x0] =	vst.idx.add.f32.msk $0xffff, v14  }
0x157: {  	v11 =	vshll.u32 v11, $0x4;
	v14 =	vsub.f32 v19, v17;
	v15 =	vor.u32 v1, v15;
	[tilespmem:v12+s19+$0x0] =	vst.idx.add.f32.msk $0xffff, v5  }
0x158: {  	[tilespmem:v9+s19+$0x0] =	vst.idx.add.f32.msk $0xffff, v5  }
0x159: {  	[tilespmem:v7+s16+$0x0] =	vst.idx.add.f32.msk $0xffff, v14  }
0x15a: {  	[tilespmem:v7+s17+$0x0] =	vst.idx.add.f32.msk $0xffff, v5;
	v7 =	vsub.f32 v8, v20  }
0x15b: {  	v8 =	vld [tilespmem:s23+$0x30]  }
0x15c: {  	v10 =	vsub.f32 v13, v10;
	[tilespmem:v15+s16+$0x0] =	vst.idx.add.f32.msk $0xffff, v7  }
0x15d: {  	v6 =	vshll.u32 v6, $0x4;
	[tilespmem:v15+s17+$0x0] =	vst.idx.add.f32.msk $0xffff, v5  }
0x15e: {  	v6 =	vor.u32 v1, v6;
	v7 =	vld [tilespmem:s23+$0x70]  }
0x15f: {  	v12 =	vld [tilespmem:s23+$0x8030]  }
0x160: {  	v13 =	vld [tilespmem:s23+$0x10030];
	v8 =	vmul.f32 $3.200000000e+01, v8  }
0x161: {  	v9 =	vor.u32 v1, v11;
	v14 =	vld [tilespmem:s23+$0x8070]  }
0x162: {  	v8 =	vtrunc.f32 v8;
	v15 =	vld [tilespmem:s23+$0x10070]  }
.Ltmp3:
0x163: {  	v8 =	vcvt.f32.s32 v8;
	[tilespmem:v6+s16+$0x0] =	vst.idx.add.f32.msk $0xffff, v10;
	v7 =	vmul.f32 $3.200000000e+01, v7;
	(pc) =	sbr.rel @p0 .LBB2_8-.Ltmp3, $4  }
0x164: {  	[tilespmem:v6+s17+$0x0] =	vst.idx.add.f32.msk $0xffff, v5  }
0x165: {  	v6 =	vsub.f32 v12, v13;
	vm0 =	vgt.s32 v8, $0x0;
	v10 =	vld [tilespmem:s23+$0x50];
	v7 =	vtrunc.f32 v7  }
0x166: {  	[tilespmem:v9+s16+$0x0] =	vst.idx.add.f32.msk $0xffff, v16;
	v8 =	vnsel vm0, $0x0, v8;
	v11 =	vcvt.f32.s32 v7  }
0x167: {  	v12 =	vmin.u32 v8, $0x1F;
	v8 =	vld [tilespmem:s23+$0x8050];
	v7 =	vsub.f32 v14, v15  }
0x168: {  	_ =	sdelay $0x3  }
0x169: {  	[tilespmem:v9+s17+$0x0] =	vst.idx.add.f32.msk $0xffff, v5  }
0x16a: {  	v9 =	vld [tilespmem:s23+$0x10];
	_ =	sdelay $0x2  }
0x16b: {  	v10 =	vmul.f32 $3.200000000e+01, v10;
	_ =	sdelay $0x1  }
0x16c: {  	v10 =	vtrunc.f32 v10;
	v9 =	vmul.f32 $3.200000000e+01, v9  }
0x16d: {  	vm0 =	vgt.s32 v11, $0x0;
	v12 =	vshll.u32 v12, $0x4;
	v10 =	vcvt.f32.s32 v10  }
0x16e: {  	v11 =	vnsel vm0, $0x0, v11;
	v12 =	vor.u32 v1, v12;
	v9 =	vtrunc.f32 v9  }
0x16f: {  	v11 =	vmin.u32 v11, $0x1F;
	vm9 =	vgt.s32 v10, $0x0;
	v9 =	vcvt.f32.s32 v9  }
0x170: {  	v11 =	vshll.u32 v11, $0x4;
	v10 =	vnsel vm9, $0x0, v10  }
0x171: {  	v13 =	vld [tilespmem:s23+$0x10050];
	v11 =	vor.u32 v1, v11;
	v10 =	vmin.u32 v10, $0x1F;
	vm10 =	vgt.s32 v9, $0x0  }
0x172: {  	v14 =	vld [tilespmem:s23+$0x8010];
	v10 =	vshll.u32 v10, $0x4;
	v9 =	vnsel vm10, $0x0, v9  }
0x173: {  	v15 =	vld [tilespmem:s23+$0x10010];
	v10 =	vor.u32 v1, v10;
	v9 =	vmin.u32 v9, $0x1F  }
0x174: {  	[tilespmem:v12+s18+$0x0] =	vst.idx.add.f32.msk $0xffff, v6;
	v9 =	vshll.u32 v9, $0x4  }
0x175: {  	[tilespmem:v12+s19+$0x0] =	vst.idx.add.f32.msk $0xffff, v5;
	v6 =	vor.u32 v1, v9  }
0x176: {  	[tilespmem:v11+s18+$0x0] =	vst.idx.add.f32.msk $0xffff, v7;
	v7 =	vsub.f32 v8, v13  }
0x177: {  	[tilespmem:v11+s19+$0x0] =	vst.idx.add.f32.msk $0xffff, v5  }
0x178: {  	v8 =	vsub.f32 v14, v15;
	[tilespmem:v10+s18+$0x0] =	vst.idx.add.f32.msk $0xffff, v7  }
0x179: {  	[tilespmem:v10+s19+$0x0] =	vst.idx.add.f32.msk $0xffff, v5  }
0x17a: {  	[tilespmem:v6+s18+$0x0] =	vst.idx.add.f32.msk $0xffff, v8  }
0x17b: {  	[tilespmem:v6+s19+$0x0] =	vst.idx.add.f32.msk $0xffff, v5  }
0x17c: {  	s24 =	simm.s32 $0x0;
	s25 =	rddreg [dreg:$0x14]  }
0x17d: {  	[tilespmem:s24], [sflag:$0x1] =	stream.linear.gather [hbm4b:s25+s24], $0x4000, $0x38;
	[tilespmem:$0x19900] =	vst v63  }
0x17e: {  	s26 =	rddreg [dreg:$0x15]  }
0x17f: {  	[tilespmem:s10], [sflag:$0x1] =	stream.linear.gather [hbm4b:s26+s24], $0x4000, $0x38;
	[tilespmem:$0x19900] =	vst v63  }
0x180: {  	s28 =	rddreg [dreg:$0x16]  }
0x181: {  	[tilespmem:s11], [sflag:$0x1] =	stream.linear.gather [hbm4b:s28+s24], $0x4000, $0x38;
	[tilespmem:$0x19900] =	vst v63  }
0x182: {  	_ =	swait.ge [sflag:s20], $0x4000  }
0x183: {  	[sflag:s20] =	ssyncset.done $0x0  }
0x184: {  	[sflag:s20] =	ssyncadd.s32 $0xFFFFC000  }
0x185: {  	_ =	swait.ge [sflag:s20], $0x4000  }
0x186: {  	s29 =	simm.s32 $0x0;
	[sflag:s20] =	ssyncset.done $0x0  }
0x187: {  	s23 =	sand.u32 $0x3000, s29;
	[sflag:s20] =	ssyncadd.s32 $0xFFFFC000  }
0x188: {  	s25 =	simm.s32 $0x0;
	s26 =	sand.u32 $0xC00, s24;
	_ =	swait.ge [sflag:s20], $0x4000  }
0x189: {  	s25 =	sand.u32 $0x380, s25;
	s23 =	sor.u32 s26, s23;
	[sflag:s20] =	ssyncset.done $0x0  }
0x18a: {  	s23 =	sor.u32 s25, s23;
	[sflag:s20] =	ssyncadd.s32 $0xFFFFC000  }
0x18b: {  	v6 =	vld [tilespmem:s23+$0x4020];
	_ =	sdelay $0x2  }
0x18c: {  	v7 =	vld [tilespmem:s23+$0x4060];
	_ =	sdelay $0x1  }
0x18d: {  	v6 =	vmul.f32 $3.200000000e+01, v6;
	_ =	sdelay $0x1  }
0x18e: {  	v6 =	vtrunc.f32 v6  }
0x18f: {  	v7 =	vmul.f32 $3.200000000e+01, v7;
	v6 =	vcvt.f32.s32 v6  }
0x190: {  	v8 =	vld [tilespmem:s23+$0x4000]  }
0x191: {  	v9 =	vld [tilespmem:s23+$0x4040];
	v7 =	vtrunc.f32 v7;
	vm11 =	vgt.s32 v6, $0x0  }
0x192: {  	v10 =	vld [tilespmem:s23+$0x14020];
	v7 =	vcvt.f32.s32 v7;
	v6 =	vnsel vm11, $0x0, v6  }
0x193: {  	v11 =	vld [tilespmem:s23+$0xC020];
	v6 =	vmin.u32 v6, $0x1F  }
0x194: {  	v12 =	vld [tilespmem:s23+$0x14040];
	vm12 =	vgt.s32 v7, $0x0;
	v6 =	vshll.u32 v6, $0x4  }
0x195: {  	v13 =	vld [tilespmem:s23+$0xC060];
	v7 =	vnsel vm12, $0x0, v7;
	v6 =	vor.u32 v1, v6  }
0x196: {  	v14 =	vld [tilespmem:s23+$0x14060];
	v9 =	vmul.f32 $3.200000000e+01, v9;
	v7 =	vmin.u32 v7, $0x1F  }
0x197: {  	v15 =	vld [tilespmem:s23+$0xC040];
	v7 =	vshll.u32 v7, $0x4  }
0x198: {  	v16 =	vld [tilespmem:s23+$0x14000];
	v10 =	vsub.f32 v11, v10;
	v9 =	vtrunc.f32 v9;
	v7 =	vor.u32 v1, v7  }
0x199: {  	v8 =	vmul.f32 $3.200000000e+01, v8;
	v11 =	vld [tilespmem:s23+$0xC000];
	v9 =	vcvt.f32.s32 v9  }
0x19a: {  	[tilespmem:v6+s16+$0x0] =	vst.idx.add.f32.msk $0xffff, v10  }
0x19b: {  	v8 =	vtrunc.f32 v8;
	vm13 =	vgt.s32 v9, $0x0;
	[tilespmem:v6+s17+$0x0] =	vst.idx.add.f32.msk $0xffff, v5;
	v6 =	vsub.f32 v13, v14  }
0x19c: {  	v8 =	vcvt.f32.s32 v8;
	v9 =	vnsel vm13, $0x0, v9;
	v10 =	vld [tilespmem:s23+$0x4030]  }
0x19d: {  	v9 =	vmin.u32 v9, $0x1F;
	[tilespmem:v7+s16+$0x0] =	vst.idx.add.f32.msk $0xffff, v6  }
0x19e: {  	vm14 =	vgt.s32 v8, $0x0;
	v6 =	vshll.u32 v9, $0x4;
	[tilespmem:v7+s17+$0x0] =	vst.idx.add.f32.msk $0xffff, v5  }
0x19f: {  	v7 =	vnsel vm14, $0x0, v8;
	v6 =	vor.u32 v1, v6;
	v8 =	vld [tilespmem:s23+$0x4070]  }
0x1a0: {  	v13 =	vld [tilespmem:s23+$0xC030];
	v7 =	vmin.u32 v7, $0x1F  }
0x1a1: {  	v14 =	vld [tilespmem:s23+$0x14030];
	v7 =	vshll.u32 v7, $0x4;
	v10 =	vmul.f32 $3.200000000e+01, v10  }
0x1a2: {  	v12 =	vsub.f32 v15, v12;
	v15 =	vld [tilespmem:s23+$0x14070];
	v9 =	vor.u32 v1, v7  }
0x1a3: {  	v7 =	vld [tilespmem:s23+$0xC070];
	v10 =	vtrunc.f32 v10  }
0x1a4: {  	[tilespmem:v6+s16+$0x0] =	vst.idx.add.f32.msk $0xffff, v12;
	v17 =	vcvt.f32.s32 v10;
	v8 =	vmul.f32 $3.200000000e+01, v8  }
0x1a5: {  	v11 =	vsub.f32 v11, v16;
	[tilespmem:v6+s17+$0x0] =	vst.idx.add.f32.msk $0xffff, v5  }
0x1a6: {  	v10 =	vld [tilespmem:s23+$0x4050];
	vm15 =	vgt.s32 v17, $0x0;
	v8 =	vtrunc.f32 v8  }
0x1a7: {  	[tilespmem:v9+s16+$0x0] =	vst.idx.add.f32.msk $0xffff, v11;
	v12 =	vnsel vm15, $0x0, v17;
	v11 =	vcvt.f32.s32 v8  }
0x1a8: {  	s25 =	simm.s32 $0x0;
	v6 =	vsub.f32 v13, v14;
	v7 =	vsub.f32 v7, v15;
	v8 =	vld [tilespmem:s23+$0xC050];
	v12 =	vmin.u32 v12, $0x1F  }
.LBB2_10:
0x1a9: {  	s25 =	sadd.s32 $0x4, s25;
	v13 =	vld [tilespmem:s23+$0x14050];
	vm0 =	vgt.s32 v11, $0x0  }
0x1aa: {  	s24 =	sadd.s32 $0x400, s24;
	s26 =	sshll.u32 s25, $0x5;
	s28 =	sshll.u32 s25, $0x3;
	[tilespmem:v9+s17+$0x0] =	vst.idx.add.f32.msk $0xffff, v5;
	v9 =	vshll.u32 v12, $0x4;
	v11 =	vnsel vm0, $0x0, v11  }
0x1ab: {  	s29 =	sand.u32 $0xC00, s24;
	s26 =	sand.u32 $0x3000, s26;
	s28 =	sand.u32 $0x380, s28;
	v12 =	vld [tilespmem:s23+$0x4010];
	v9 =	vor.u32 v1, v9;
	v10 =	vmul.f32 $3.200000000e+01, v10;
	v11 =	vmin.u32 v11, $0x1F  }
0x1ac: {  	p0 =	slt.u32 s25, $0x1FC;
	s26 =	sor.u32 s29, s26;
	v14 =	vld [tilespmem:s23+$0xC010]  }
0x1ad: {  	v11 =	vshll.u32 v11, $0x4;
	v15 =	vld [tilespmem:s23+$0x14010];
	s23 =	sor.u32 s28, s26;
	v10 =	vtrunc.f32 v10  }
0x1ae: {  	v11 =	vor.u32 v1, v11;
	v16 =	vld [tilespmem:s23+$0x4000];
	v8 =	vsub.f32 v8, v13;
	v10 =	vcvt.f32.s32 v10  }
0x1af: {  	v13 =	vld [tilespmem:s23+$0x4020]  }
0x1b0: {  	v12 =	vmul.f32 $3.200000000e+01, v12;
	[tilespmem:v9+s18+$0x0] =	vst.idx.add.f32.msk $0xffff, v6;
	vm0 =	vgt.s32 v10, $0x0  }
0x1b1: {  	v6 =	vld [tilespmem:s23+$0x4040];
	v10 =	vnsel vm0, $0x0, v10  }
0x1b2: {  	v17 =	vld [tilespmem:s23+$0x4060];
	v14 =	vsub.f32 v14, v15;
	v12 =	vtrunc.f32 v12;
	v10 =	vmin.u32 v10, $0x1F  }
0x1b3: {  	v15 =	vmul.f32 $3.200000000e+01, v16;
	v12 =	vcvt.f32.s32 v12;
	v10 =	vshll.u32 v10, $0x4;
	[tilespmem:v11+s18+$0x0] =	vst.idx.add.f32.msk $0xffff, v7  }
0x1b4: {  	v7 =	vmul.f32 $3.200000000e+01, v13;
	[tilespmem:v11+s19+$0x0] =	vst.idx.add.f32.msk $0xffff, v5  }
0x1b5: {  	v11 =	vtrunc.f32 v15;
	vm0 =	vgt.s32 v12, $0x0;
	[tilespmem:v9+s19+$0x0] =	vst.idx.add.f32.msk $0xffff, v5;
	v9 =	vor.u32 v1, v10  }
0x1b6: {  	v7 =	vtrunc.f32 v7;
	v10 =	vld [tilespmem:s23+$0x14040];
	v6 =	vmul.f32 $3.200000000e+01, v6;
	v12 =	vnsel vm0, $0x0, v12  }
0x1b7: {  	v7 =	vcvt.f32.s32 v7;
	v13 =	vld [tilespmem:s23+$0xC040];
	v15 =	vmul.f32 $3.200000000e+01, v17;
	v12 =	vmin.u32 v12, $0x1F  }
0x1b8: {  	v11 =	vcvt.f32.s32 v11;
	v16 =	vld [tilespmem:s23+$0x14000];
	v6 =	vtrunc.f32 v6;
	v12 =	vshll.u32 v12, $0x4  }
0x1b9: {  	v17 =	vld [tilespmem:s23+$0x14020];
	vm0 =	vgt.s32 v7, $0x0;
	v6 =	vcvt.f32.s32 v6;
	v15 =	vtrunc.f32 v15  }
0x1ba: {  	v12 =	vor.u32 v1, v12;
	v18 =	vld [tilespmem:s23+$0xC000];
	v7 =	vnsel vm0, $0x0, v7;
	v15 =	vcvt.f32.s32 v15  }
0x1bb: {  	vm0 =	vgt.s32 v11, $0x0;
	v19 =	vld [tilespmem:s23+$0xC020];
	v7 =	vmin.u32 v7, $0x1F;
	vm1 =	vgt.s32 v6, $0x0  }
0x1bc: {  	v7 =	vshll.u32 v7, $0x4;
	v6 =	vnsel vm1, $0x0, v6;
	vm1 =	vgt.s32 v15, $0x0;
	[tilespmem:v9+s18+$0x0] =	vst.idx.add.f32.msk $0xffff, v8  }
0x1bd: {  	v7 =	vor.u32 v1, v7;
	v6 =	vmin.u32 v6, $0x1F;
	v8 =	vld [tilespmem:s23+$0xC060];
	v15 =	vnsel vm1, $0x0, v15  }
0x1be: {  	v11 =	vnsel vm0, $0x0, v11;
	v20 =	vld [tilespmem:s23+$0x14060];
	v15 =	vmin.u32 v15, $0x1F  }
0x1bf: {  	v11 =	vmin.u32 v11, $0x1F;
	v16 =	vsub.f32 v18, v16;
	v15 =	vshll.u32 v15, $0x4;
	[tilespmem:v12+s18+$0x0] =	vst.idx.add.f32.msk $0xffff, v14  }
0x1c0: {  	v11 =	vshll.u32 v11, $0x4;
	v14 =	vsub.f32 v19, v17;
	v15 =	vor.u32 v1, v15;
	[tilespmem:v12+s19+$0x0] =	vst.idx.add.f32.msk $0xffff, v5  }
0x1c1: {  	[tilespmem:v9+s19+$0x0] =	vst.idx.add.f32.msk $0xffff, v5  }
0x1c2: {  	[tilespmem:v7+s16+$0x0] =	vst.idx.add.f32.msk $0xffff, v14  }
0x1c3: {  	[tilespmem:v7+s17+$0x0] =	vst.idx.add.f32.msk $0xffff, v5;
	v7 =	vsub.f32 v8, v20  }
0x1c4: {  	v8 =	vld [tilespmem:s23+$0x4030]  }
0x1c5: {  	v10 =	vsub.f32 v13, v10;
	[tilespmem:v15+s16+$0x0] =	vst.idx.add.f32.msk $0xffff, v7  }
0x1c6: {  	v6 =	vshll.u32 v6, $0x4;
	[tilespmem:v15+s17+$0x0] =	vst.idx.add.f32.msk $0xffff, v5  }
0x1c7: {  	v6 =	vor.u32 v1, v6;
	v7 =	vld [tilespmem:s23+$0x4070]  }
0x1c8: {  	v12 =	vld [tilespmem:s23+$0xC030]  }
0x1c9: {  	v13 =	vld [tilespmem:s23+$0x14030];
	v8 =	vmul.f32 $3.200000000e+01, v8  }
0x1ca: {  	v9 =	vor.u32 v1, v11;
	v14 =	vld [tilespmem:s23+$0xC070]  }
0x1cb: {  	v8 =	vtrunc.f32 v8;
	v15 =	vld [tilespmem:s23+$0x14070]  }
.Ltmp4:
0x1cc: {  	v8 =	vcvt.f32.s32 v8;
	[tilespmem:v6+s16+$0x0] =	vst.idx.add.f32.msk $0xffff, v10;
	v7 =	vmul.f32 $3.200000000e+01, v7;
	(pc) =	sbr.rel @p0 .LBB2_10-.Ltmp4, $4  }
0x1cd: {  	[tilespmem:v6+s17+$0x0] =	vst.idx.add.f32.msk $0xffff, v5  }
0x1ce: {  	v6 =	vsub.f32 v12, v13;
	vm0 =	vgt.s32 v8, $0x0;
	v10 =	vld [tilespmem:s23+$0x4050];
	v7 =	vtrunc.f32 v7  }
0x1cf: {  	[tilespmem:v9+s16+$0x0] =	vst.idx.add.f32.msk $0xffff, v16;
	v8 =	vnsel vm0, $0x0, v8;
	v11 =	vcvt.f32.s32 v7  }
0x1d0: {  	v12 =	vmin.u32 v8, $0x1F;
	v8 =	vld [tilespmem:s23+$0xC050];
	v7 =	vsub.f32 v14, v15  }
0x1d1: {  	_ =	sdelay $0x3  }
0x1d2: {  	[tilespmem:v9+s17+$0x0] =	vst.idx.add.f32.msk $0xffff, v5  }
0x1d3: {  	v9 =	vld [tilespmem:s23+$0x4010];
	_ =	sdelay $0x2  }
0x1d4: {  	v10 =	vmul.f32 $3.200000000e+01, v10;
	_ =	sdelay $0x1  }
0x1d5: {  	v10 =	vtrunc.f32 v10;
	v9 =	vmul.f32 $3.200000000e+01, v9  }
0x1d6: {  	vm0 =	vgt.s32 v11, $0x0;
	v12 =	vshll.u32 v12, $0x4;
	v10 =	vcvt.f32.s32 v10  }
0x1d7: {  	v11 =	vnsel vm0, $0x0, v11;
	v12 =	vor.u32 v1, v12;
	v9 =	vtrunc.f32 v9  }
0x1d8: {  	v11 =	vmin.u32 v11, $0x1F;
	vm9 =	vgt.s32 v10, $0x0;
	v9 =	vcvt.f32.s32 v9  }
0x1d9: {  	v11 =	vshll.u32 v11, $0x4;
	v10 =	vnsel vm9, $0x0, v10  }
0x1da: {  	v13 =	vld [tilespmem:s23+$0x14050];
	v11 =	vor.u32 v1, v11;
	v10 =	vmin.u32 v10, $0x1F;
	vm10 =	vgt.s32 v9, $0x0  }
0x1db: {  	v14 =	vld [tilespmem:s23+$0xC010];
	v10 =	vshll.u32 v10, $0x4;
	v9 =	vnsel vm10, $0x0, v9  }
0x1dc: {  	v15 =	vld [tilespmem:s23+$0x14010];
	v10 =	vor.u32 v1, v10;
	v9 =	vmin.u32 v9, $0x1F  }
0x1dd: {  	[tilespmem:v12+s18+$0x0] =	vst.idx.add.f32.msk $0xffff, v6;
	v9 =	vshll.u32 v9, $0x4  }
0x1de: {  	[tilespmem:v12+s19+$0x0] =	vst.idx.add.f32.msk $0xffff, v5;
	v6 =	vor.u32 v1, v9  }
0x1df: {  	[tilespmem:v11+s18+$0x0] =	vst.idx.add.f32.msk $0xffff, v7;
	v7 =	vsub.f32 v8, v13  }
0x1e0: {  	[tilespmem:v11+s19+$0x0] =	vst.idx.add.f32.msk $0xffff, v5  }
0x1e1: {  	v8 =	vsub.f32 v14, v15;
	[tilespmem:v10+s18+$0x0] =	vst.idx.add.f32.msk $0xffff, v7  }
0x1e2: {  	[tilespmem:v10+s19+$0x0] =	vst.idx.add.f32.msk $0xffff, v5  }
0x1e3: {  	[tilespmem:v6+s18+$0x0] =	vst.idx.add.f32.msk $0xffff, v8  }
0x1e4: {  	[tilespmem:v6+s19+$0x0] =	vst.idx.add.f32.msk $0xffff, v5  }
0x1e5: {  	s24 =	simm.s32 $0x0;
	s25 =	rddreg [dreg:$0x11]  }
0x1e6: {  	[tilespmem:s12], [sflag:$0x2] =	stream.linear.gather [hbm4b:s25+s24], $0x4000, $0x38;
	[tilespmem:$0x19900] =	vst v63  }
0x1e7: {  	s26 =	rddreg [dreg:$0x12]  }
0x1e8: {  	[tilespmem:s13], [sflag:$0x2] =	stream.linear.gather [hbm4b:s26+s24], $0x4000, $0x38;
	[tilespmem:$0x19900] =	vst v63  }
0x1e9: {  	s28 =	rddreg [dreg:$0x13]  }
0x1ea: {  	[tilespmem:s14], [sflag:$0x2] =	stream.linear.gather [hbm4b:s28+s24], $0x4000, $0x38;
	[tilespmem:$0x19900] =	vst v63  }
0x1eb: {  	_ =	swait.ge [sflag:s15], $0x4000  }
0x1ec: {  	[sflag:s15] =	ssyncset.done $0x0  }
0x1ed: {  	[sflag:s15] =	ssyncadd.s32 $0xFFFFC000  }
0x1ee: {  	_ =	swait.ge [sflag:s15], $0x4000  }
0x1ef: {  	s29 =	simm.s32 $0x0;
	[sflag:s15] =	ssyncset.done $0x0  }
0x1f0: {  	s23 =	sand.u32 $0x3000, s29;
	[sflag:s15] =	ssyncadd.s32 $0xFFFFC000  }
0x1f1: {  	s25 =	simm.s32 $0x0;
	s26 =	sand.u32 $0xC00, s24;
	_ =	swait.ge [sflag:s15], $0x4000  }
0x1f2: {  	s25 =	sand.u32 $0x380, s25;
	s23 =	sor.u32 s26, s23;
	[sflag:s15] =	ssyncset.done $0x0  }
0x1f3: {  	s23 =	sor.u32 s25, s23;
	[sflag:s15] =	ssyncadd.s32 $0xFFFFC000  }
0x1f4: {  	v6 =	vld [tilespmem:s23+$0x20];
	_ =	sdelay $0x2  }
0x1f5: {  	v7 =	vld [tilespmem:s23+$0x60];
	_ =	sdelay $0x1  }
0x1f6: {  	v6 =	vmul.f32 $3.200000000e+01, v6;
	_ =	sdelay $0x1  }
0x1f7: {  	v6 =	vtrunc.f32 v6  }
0x1f8: {  	v7 =	vmul.f32 $3.200000000e+01, v7;
	v6 =	vcvt.f32.s32 v6  }
0x1f9: {  	v8 =	vld [tilespmem:s23+$0x0]  }
0x1fa: {  	v9 =	vld [tilespmem:s23+$0x40];
	v7 =	vtrunc.f32 v7;
	vm11 =	vgt.s32 v6, $0x0  }
0x1fb: {  	v10 =	vld [tilespmem:s23+$0x10020];
	v7 =	vcvt.f32.s32 v7;
	v6 =	vnsel vm11, $0x0, v6  }
0x1fc: {  	v11 =	vld [tilespmem:s23+$0x8020];
	v6 =	vmin.u32 v6, $0x1F  }
0x1fd: {  	v12 =	vld [tilespmem:s23+$0x10040];
	vm12 =	vgt.s32 v7, $0x0;
	v6 =	vshll.u32 v6, $0x4  }
0x1fe: {  	v13 =	vld [tilespmem:s23+$0x8060];
	v7 =	vnsel vm12, $0x0, v7;
	v6 =	vor.u32 v2, v6  }
0x1ff: {  	v14 =	vld [tilespmem:s23+$0x10060];
	v9 =	vmul.f32 $3.200000000e+01, v9;
	v7 =	vmin.u32 v7, $0x1F  }
0x200: {  	v15 =	vld [tilespmem:s23+$0x8040];
	v7 =	vshll.u32 v7, $0x4  }
0x201: {  	v16 =	vld [tilespmem:s23+$0x10000];
	v10 =	vsub.f32 v11, v10;
	v9 =	vtrunc.f32 v9;
	v7 =	vor.u32 v2, v7  }
0x202: {  	v8 =	vmul.f32 $3.200000000e+01, v8;
	v11 =	vld [tilespmem:s23+$0x8000];
	v9 =	vcvt.f32.s32 v9  }
0x203: {  	[tilespmem:v6+s16+$0x0] =	vst.idx.add.f32.msk $0xffff, v10  }
0x204: {  	v8 =	vtrunc.f32 v8;
	vm13 =	vgt.s32 v9, $0x0;
	[tilespmem:v6+s17+$0x0] =	vst.idx.add.f32.msk $0xffff, v5;
	v6 =	vsub.f32 v13, v14  }
0x205: {  	v8 =	vcvt.f32.s32 v8;
	v9 =	vnsel vm13, $0x0, v9;
	v10 =	vld [tilespmem:s23+$0x30]  }
0x206: {  	v9 =	vmin.u32 v9, $0x1F;
	[tilespmem:v7+s16+$0x0] =	vst.idx.add.f32.msk $0xffff, v6  }
0x207: {  	vm14 =	vgt.s32 v8, $0x0;
	v6 =	vshll.u32 v9, $0x4;
	[tilespmem:v7+s17+$0x0] =	vst.idx.add.f32.msk $0xffff, v5  }
0x208: {  	v7 =	vnsel vm14, $0x0, v8;
	v6 =	vor.u32 v2, v6;
	v8 =	vld [tilespmem:s23+$0x70]  }
0x209: {  	v13 =	vld [tilespmem:s23+$0x8030];
	v7 =	vmin.u32 v7, $0x1F  }
0x20a: {  	v14 =	vld [tilespmem:s23+$0x10030];
	v7 =	vshll.u32 v7, $0x4;
	v10 =	vmul.f32 $3.200000000e+01, v10  }
0x20b: {  	v12 =	vsub.f32 v15, v12;
	v15 =	vld [tilespmem:s23+$0x10070];
	v9 =	vor.u32 v2, v7  }
0x20c: {  	v7 =	vld [tilespmem:s23+$0x8070];
	v10 =	vtrunc.f32 v10  }
0x20d: {  	[tilespmem:v6+s16+$0x0] =	vst.idx.add.f32.msk $0xffff, v12;
	v17 =	vcvt.f32.s32 v10;
	v8 =	vmul.f32 $3.200000000e+01, v8  }
0x20e: {  	v11 =	vsub.f32 v11, v16;
	[tilespmem:v6+s17+$0x0] =	vst.idx.add.f32.msk $0xffff, v5  }
0x20f: {  	v10 =	vld [tilespmem:s23+$0x50];
	vm15 =	vgt.s32 v17, $0x0;
	v8 =	vtrunc.f32 v8  }
0x210: {  	[tilespmem:v9+s16+$0x0] =	vst.idx.add.f32.msk $0xffff, v11;
	v12 =	vnsel vm15, $0x0, v17;
	v11 =	vcvt.f32.s32 v8  }
0x211: {  	s25 =	simm.s32 $0x0;
	v6 =	vsub.f32 v13, v14;
	v7 =	vsub.f32 v7, v15;
	v8 =	vld [tilespmem:s23+$0x8050];
	v12 =	vmin.u32 v12, $0x1F  }
.LBB2_12:
0x212: {  	s25 =	sadd.s32 $0x4, s25;
	v13 =	vld [tilespmem:s23+$0x10050];
	vm0 =	vgt.s32 v11, $0x0  }
0x213: {  	s24 =	sadd.s32 $0x400, s24;
	s26 =	sshll.u32 s25, $0x5;
	s28 =	sshll.u32 s25, $0x3;
	[tilespmem:v9+s17+$0x0] =	vst.idx.add.f32.msk $0xffff, v5;
	v9 =	vshll.u32 v12, $0x4;
	v11 =	vnsel vm0, $0x0, v11  }
0x214: {  	s29 =	sand.u32 $0xC00, s24;
	s26 =	sand.u32 $0x3000, s26;
	s28 =	sand.u32 $0x380, s28;
	v12 =	vld [tilespmem:s23+$0x10];
	v9 =	vor.u32 v2, v9;
	v10 =	vmul.f32 $3.200000000e+01, v10;
	v11 =	vmin.u32 v11, $0x1F  }
0x215: {  	p0 =	slt.u32 s25, $0x1FC;
	s26 =	sor.u32 s29, s26;
	v14 =	vld [tilespmem:s23+$0x8010]  }
0x216: {  	v11 =	vshll.u32 v11, $0x4;
	v15 =	vld [tilespmem:s23+$0x10010];
	s23 =	sor.u32 s28, s26;
	v10 =	vtrunc.f32 v10  }
0x217: {  	v11 =	vor.u32 v2, v11;
	v16 =	vld [tilespmem:s23+$0x0];
	v8 =	vsub.f32 v8, v13;
	v10 =	vcvt.f32.s32 v10  }
0x218: {  	v13 =	vld [tilespmem:s23+$0x20]  }
0x219: {  	v12 =	vmul.f32 $3.200000000e+01, v12;
	[tilespmem:v9+s18+$0x0] =	vst.idx.add.f32.msk $0xffff, v6;
	vm0 =	vgt.s32 v10, $0x0  }
0x21a: {  	v6 =	vld [tilespmem:s23+$0x40];
	v10 =	vnsel vm0, $0x0, v10  }
0x21b: {  	v17 =	vld [tilespmem:s23+$0x60];
	v14 =	vsub.f32 v14, v15;
	v12 =	vtrunc.f32 v12;
	v10 =	vmin.u32 v10, $0x1F  }
0x21c: {  	v15 =	vmul.f32 $3.200000000e+01, v16;
	v12 =	vcvt.f32.s32 v12;
	v10 =	vshll.u32 v10, $0x4;
	[tilespmem:v11+s18+$0x0] =	vst.idx.add.f32.msk $0xffff, v7  }
0x21d: {  	v7 =	vmul.f32 $3.200000000e+01, v13;
	[tilespmem:v11+s19+$0x0] =	vst.idx.add.f32.msk $0xffff, v5  }
0x21e: {  	v11 =	vtrunc.f32 v15;
	vm0 =	vgt.s32 v12, $0x0;
	[tilespmem:v9+s19+$0x0] =	vst.idx.add.f32.msk $0xffff, v5;
	v9 =	vor.u32 v2, v10  }
0x21f: {  	v7 =	vtrunc.f32 v7;
	v10 =	vld [tilespmem:s23+$0x10040];
	v6 =	vmul.f32 $3.200000000e+01, v6;
	v12 =	vnsel vm0, $0x0, v12  }
0x220: {  	v7 =	vcvt.f32.s32 v7;
	v13 =	vld [tilespmem:s23+$0x8040];
	v15 =	vmul.f32 $3.200000000e+01, v17;
	v12 =	vmin.u32 v12, $0x1F  }
0x221: {  	v11 =	vcvt.f32.s32 v11;
	v16 =	vld [tilespmem:s23+$0x10000];
	v6 =	vtrunc.f32 v6;
	v12 =	vshll.u32 v12, $0x4  }
0x222: {  	v17 =	vld [tilespmem:s23+$0x10020];
	vm0 =	vgt.s32 v7, $0x0;
	v6 =	vcvt.f32.s32 v6;
	v15 =	vtrunc.f32 v15  }
0x223: {  	v12 =	vor.u32 v2, v12;
	v18 =	vld [tilespmem:s23+$0x8000];
	v7 =	vnsel vm0, $0x0, v7;
	v15 =	vcvt.f32.s32 v15  }
0x224: {  	vm0 =	vgt.s32 v11, $0x0;
	v19 =	vld [tilespmem:s23+$0x8020];
	v7 =	vmin.u32 v7, $0x1F;
	vm1 =	vgt.s32 v6, $0x0  }
0x225: {  	v7 =	vshll.u32 v7, $0x4;
	v6 =	vnsel vm1, $0x0, v6;
	vm1 =	vgt.s32 v15, $0x0;
	[tilespmem:v9+s18+$0x0] =	vst.idx.add.f32.msk $0xffff, v8  }
0x226: {  	v7 =	vor.u32 v2, v7;
	v6 =	vmin.u32 v6, $0x1F;
	v8 =	vld [tilespmem:s23+$0x8060];
	v15 =	vnsel vm1, $0x0, v15  }
0x227: {  	v11 =	vnsel vm0, $0x0, v11;
	v20 =	vld [tilespmem:s23+$0x10060];
	v15 =	vmin.u32 v15, $0x1F  }
0x228: {  	v11 =	vmin.u32 v11, $0x1F;
	v16 =	vsub.f32 v18, v16;
	v15 =	vshll.u32 v15, $0x4;
	[tilespmem:v12+s18+$0x0] =	vst.idx.add.f32.msk $0xffff, v14  }
0x229: {  	v11 =	vshll.u32 v11, $0x4;
	v14 =	vsub.f32 v19, v17;
	v15 =	vor.u32 v2, v15;
	[tilespmem:v12+s19+$0x0] =	vst.idx.add.f32.msk $0xffff, v5  }
0x22a: {  	[tilespmem:v9+s19+$0x0] =	vst.idx.add.f32.msk $0xffff, v5  }
0x22b: {  	[tilespmem:v7+s16+$0x0] =	vst.idx.add.f32.msk $0xffff, v14  }
0x22c: {  	[tilespmem:v7+s17+$0x0] =	vst.idx.add.f32.msk $0xffff, v5;
	v7 =	vsub.f32 v8, v20  }
0x22d: {  	v8 =	vld [tilespmem:s23+$0x30]  }
0x22e: {  	v10 =	vsub.f32 v13, v10;
	[tilespmem:v15+s16+$0x0] =	vst.idx.add.f32.msk $0xffff, v7  }
0x22f: {  	v6 =	vshll.u32 v6, $0x4;
	[tilespmem:v15+s17+$0x0] =	vst.idx.add.f32.msk $0xffff, v5  }
0x230: {  	v6 =	vor.u32 v2, v6;
	v7 =	vld [tilespmem:s23+$0x70]  }
0x231: {  	v12 =	vld [tilespmem:s23+$0x8030]  }
0x232: {  	v13 =	vld [tilespmem:s23+$0x10030];
	v8 =	vmul.f32 $3.200000000e+01, v8  }
0x233: {  	v9 =	vor.u32 v2, v11;
	v14 =	vld [tilespmem:s23+$0x8070]  }
0x234: {  	v8 =	vtrunc.f32 v8;
	v15 =	vld [tilespmem:s23+$0x10070]  }
.Ltmp5:
0x235: {  	v8 =	vcvt.f32.s32 v8;
	[tilespmem:v6+s16+$0x0] =	vst.idx.add.f32.msk $0xffff, v10;
	v7 =	vmul.f32 $3.200000000e+01, v7;
	(pc) =	sbr.rel @p0 .LBB2_12-.Ltmp5, $4  }
0x236: {  	[tilespmem:v6+s17+$0x0] =	vst.idx.add.f32.msk $0xffff, v5  }
0x237: {  	v6 =	vsub.f32 v12, v13;
	vm0 =	vgt.s32 v8, $0x0;
	v10 =	vld [tilespmem:s23+$0x50];
	v7 =	vtrunc.f32 v7  }
0x238: {  	[tilespmem:v9+s16+$0x0] =	vst.idx.add.f32.msk $0xffff, v16;
	v8 =	vnsel vm0, $0x0, v8;
	v11 =	vcvt.f32.s32 v7  }
0x239: {  	v12 =	vmin.u32 v8, $0x1F;
	v8 =	vld [tilespmem:s23+$0x8050];
	v7 =	vsub.f32 v14, v15  }
0x23a: {  	_ =	sdelay $0x3  }
0x23b: {  	[tilespmem:v9+s17+$0x0] =	vst.idx.add.f32.msk $0xffff, v5  }
0x23c: {  	v9 =	vld [tilespmem:s23+$0x10];
	_ =	sdelay $0x2  }
0x23d: {  	v10 =	vmul.f32 $3.200000000e+01, v10;
	_ =	sdelay $0x1  }
0x23e: {  	v10 =	vtrunc.f32 v10;
	v9 =	vmul.f32 $3.200000000e+01, v9  }
0x23f: {  	vm0 =	vgt.s32 v11, $0x0;
	v12 =	vshll.u32 v12, $0x4;
	v10 =	vcvt.f32.s32 v10  }
0x240: {  	v11 =	vnsel vm0, $0x0, v11;
	v12 =	vor.u32 v2, v12;
	v9 =	vtrunc.f32 v9  }
0x241: {  	v11 =	vmin.u32 v11, $0x1F;
	vm9 =	vgt.s32 v10, $0x0;
	v9 =	vcvt.f32.s32 v9  }
0x242: {  	v11 =	vshll.u32 v11, $0x4;
	v10 =	vnsel vm9, $0x0, v10  }
0x243: {  	v13 =	vld [tilespmem:s23+$0x10050];
	v11 =	vor.u32 v2, v11;
	v10 =	vmin.u32 v10, $0x1F;
	vm10 =	vgt.s32 v9, $0x0  }
0x244: {  	v14 =	vld [tilespmem:s23+$0x8010];
	v10 =	vshll.u32 v10, $0x4;
	v9 =	vnsel vm10, $0x0, v9  }
0x245: {  	v15 =	vld [tilespmem:s23+$0x10010];
	v10 =	vor.u32 v2, v10;
	v9 =	vmin.u32 v9, $0x1F  }
0x246: {  	[tilespmem:v12+s18+$0x0] =	vst.idx.add.f32.msk $0xffff, v6;
	v9 =	vshll.u32 v9, $0x4  }
0x247: {  	[tilespmem:v12+s19+$0x0] =	vst.idx.add.f32.msk $0xffff, v5;
	v6 =	vor.u32 v2, v9  }
0x248: {  	[tilespmem:v11+s18+$0x0] =	vst.idx.add.f32.msk $0xffff, v7;
	v7 =	vsub.f32 v8, v13  }
0x249: {  	[tilespmem:v11+s19+$0x0] =	vst.idx.add.f32.msk $0xffff, v5  }
0x24a: {  	v8 =	vsub.f32 v14, v15;
	[tilespmem:v10+s18+$0x0] =	vst.idx.add.f32.msk $0xffff, v7  }
0x24b: {  	[tilespmem:v10+s19+$0x0] =	vst.idx.add.f32.msk $0xffff, v5  }
0x24c: {  	[tilespmem:v6+s18+$0x0] =	vst.idx.add.f32.msk $0xffff, v8  }
0x24d: {  	[tilespmem:v6+s19+$0x0] =	vst.idx.add.f32.msk $0xffff, v5  }
0x24e: {  	s24 =	simm.s32 $0x0;
	s25 =	rddreg [dreg:$0x17]  }
0x24f: {  	[tilespmem:s24], [sflag:$0x1] =	stream.linear.gather [hbm4b:s25+s24], $0x4000, $0x38;
	[tilespmem:$0x19900] =	vst v63  }
0x250: {  	s26 =	rddreg [dreg:$0x18]  }
0x251: {  	[tilespmem:s10], [sflag:$0x1] =	stream.linear.gather [hbm4b:s26+s24], $0x4000, $0x38;
	[tilespmem:$0x19900] =	vst v63  }
0x252: {  	s28 =	rddreg [dreg:$0x19]  }
0x253: {  	[tilespmem:s11], [sflag:$0x1] =	stream.linear.gather [hbm4b:s28+s24], $0x4000, $0x38;
	[tilespmem:$0x19900] =	vst v63  }
0x254: {  	_ =	swait.ge [sflag:s20], $0x4000  }
0x255: {  	[sflag:s20] =	ssyncset.done $0x0  }
0x256: {  	[sflag:s20] =	ssyncadd.s32 $0xFFFFC000  }
0x257: {  	_ =	swait.ge [sflag:s20], $0x4000  }
0x258: {  	s29 =	simm.s32 $0x0;
	[sflag:s20] =	ssyncset.done $0x0  }
0x259: {  	s23 =	sand.u32 $0x3000, s29;
	[sflag:s20] =	ssyncadd.s32 $0xFFFFC000  }
0x25a: {  	s25 =	simm.s32 $0x0;
	s26 =	sand.u32 $0xC00, s24;
	_ =	swait.ge [sflag:s20], $0x4000  }
0x25b: {  	s25 =	sand.u32 $0x380, s25;
	s23 =	sor.u32 s26, s23;
	[sflag:s20] =	ssyncset.done $0x0  }
0x25c: {  	s23 =	sor.u32 s25, s23;
	[sflag:s20] =	ssyncadd.s32 $0xFFFFC000  }
0x25d: {  	v6 =	vld [tilespmem:s23+$0x4020];
	_ =	sdelay $0x2  }
0x25e: {  	v7 =	vld [tilespmem:s23+$0x4060];
	_ =	sdelay $0x1  }
0x25f: {  	v6 =	vmul.f32 $3.200000000e+01, v6;
	_ =	sdelay $0x1  }
0x260: {  	v6 =	vtrunc.f32 v6  }
0x261: {  	v7 =	vmul.f32 $3.200000000e+01, v7;
	v6 =	vcvt.f32.s32 v6  }
0x262: {  	v8 =	vld [tilespmem:s23+$0x4000]  }
0x263: {  	v9 =	vld [tilespmem:s23+$0x4040];
	v7 =	vtrunc.f32 v7;
	vm11 =	vgt.s32 v6, $0x0  }
0x264: {  	v10 =	vld [tilespmem:s23+$0x14020];
	v7 =	vcvt.f32.s32 v7;
	v6 =	vnsel vm11, $0x0, v6  }
0x265: {  	v11 =	vld [tilespmem:s23+$0xC020];
	v6 =	vmin.u32 v6, $0x1F  }
0x266: {  	v12 =	vld [tilespmem:s23+$0x14040];
	vm12 =	vgt.s32 v7, $0x0;
	v6 =	vshll.u32 v6, $0x4  }
0x267: {  	v13 =	vld [tilespmem:s23+$0xC060];
	v7 =	vnsel vm12, $0x0, v7;
	v6 =	vor.u32 v2, v6  }
0x268: {  	v14 =	vld [tilespmem:s23+$0x14060];
	v9 =	vmul.f32 $3.200000000e+01, v9;
	v7 =	vmin.u32 v7, $0x1F  }
0x269: {  	v15 =	vld [tilespmem:s23+$0xC040];
	v7 =	vshll.u32 v7, $0x4  }
0x26a: {  	v16 =	vld [tilespmem:s23+$0x14000];
	v10 =	vsub.f32 v11, v10;
	v9 =	vtrunc.f32 v9;
	v7 =	vor.u32 v2, v7  }
0x26b: {  	v8 =	vmul.f32 $3.200000000e+01, v8;
	v11 =	vld [tilespmem:s23+$0xC000];
	v9 =	vcvt.f32.s32 v9  }
0x26c: {  	[tilespmem:v6+s16+$0x0] =	vst.idx.add.f32.msk $0xffff, v10  }
0x26d: {  	v8 =	vtrunc.f32 v8;
	vm13 =	vgt.s32 v9, $0x0;
	[tilespmem:v6+s17+$0x0] =	vst.idx.add.f32.msk $0xffff, v5;
	v6 =	vsub.f32 v13, v14  }
0x26e: {  	v8 =	vcvt.f32.s32 v8;
	v9 =	vnsel vm13, $0x0, v9;
	v10 =	vld [tilespmem:s23+$0x4030]  }
0x26f: {  	v9 =	vmin.u32 v9, $0x1F;
	[tilespmem:v7+s16+$0x0] =	vst.idx.add.f32.msk $0xffff, v6  }
0x270: {  	vm14 =	vgt.s32 v8, $0x0;
	v6 =	vshll.u32 v9, $0x4;
	[tilespmem:v7+s17+$0x0] =	vst.idx.add.f32.msk $0xffff, v5  }
0x271: {  	v7 =	vnsel vm14, $0x0, v8;
	v6 =	vor.u32 v2, v6;
	v8 =	vld [tilespmem:s23+$0x4070]  }
0x272: {  	v13 =	vld [tilespmem:s23+$0xC030];
	v7 =	vmin.u32 v7, $0x1F  }
0x273: {  	v14 =	vld [tilespmem:s23+$0x14030];
	v7 =	vshll.u32 v7, $0x4;
	v10 =	vmul.f32 $3.200000000e+01, v10  }
0x274: {  	v12 =	vsub.f32 v15, v12;
	v15 =	vld [tilespmem:s23+$0x14070];
	v9 =	vor.u32 v2, v7  }
0x275: {  	v7 =	vld [tilespmem:s23+$0xC070];
	v10 =	vtrunc.f32 v10  }
0x276: {  	[tilespmem:v6+s16+$0x0] =	vst.idx.add.f32.msk $0xffff, v12;
	v17 =	vcvt.f32.s32 v10;
	v8 =	vmul.f32 $3.200000000e+01, v8  }
0x277: {  	v11 =	vsub.f32 v11, v16;
	[tilespmem:v6+s17+$0x0] =	vst.idx.add.f32.msk $0xffff, v5  }
0x278: {  	v10 =	vld [tilespmem:s23+$0x4050];
	vm15 =	vgt.s32 v17, $0x0;
	v8 =	vtrunc.f32 v8  }
0x279: {  	[tilespmem:v9+s16+$0x0] =	vst.idx.add.f32.msk $0xffff, v11;
	v12 =	vnsel vm15, $0x0, v17;
	v11 =	vcvt.f32.s32 v8  }
0x27a: {  	s25 =	simm.s32 $0x0;
	v6 =	vsub.f32 v13, v14;
	v7 =	vsub.f32 v7, v15;
	v8 =	vld [tilespmem:s23+$0xC050];
	v12 =	vmin.u32 v12, $0x1F  }
.LBB2_14:
0x27b: {  	s25 =	sadd.s32 $0x4, s25;
	v13 =	vld [tilespmem:s23+$0x14050];
	vm0 =	vgt.s32 v11, $0x0  }
0x27c: {  	s24 =	sadd.s32 $0x400, s24;
	s26 =	sshll.u32 s25, $0x5;
	s28 =	sshll.u32 s25, $0x3;
	[tilespmem:v9+s17+$0x0] =	vst.idx.add.f32.msk $0xffff, v5;
	v9 =	vshll.u32 v12, $0x4;
	v11 =	vnsel vm0, $0x0, v11  }
0x27d: {  	s29 =	sand.u32 $0xC00, s24;
	s26 =	sand.u32 $0x3000, s26;
	s28 =	sand.u32 $0x380, s28;
	v12 =	vld [tilespmem:s23+$0x4010];
	v9 =	vor.u32 v2, v9;
	v10 =	vmul.f32 $3.200000000e+01, v10;
	v11 =	vmin.u32 v11, $0x1F  }
0x27e: {  	p0 =	slt.u32 s25, $0x1FC;
	s26 =	sor.u32 s29, s26;
	v14 =	vld [tilespmem:s23+$0xC010]  }
0x27f: {  	v11 =	vshll.u32 v11, $0x4;
	v15 =	vld [tilespmem:s23+$0x14010];
	s23 =	sor.u32 s28, s26;
	v10 =	vtrunc.f32 v10  }
0x280: {  	v11 =	vor.u32 v2, v11;
	v16 =	vld [tilespmem:s23+$0x4000];
	v8 =	vsub.f32 v8, v13;
	v10 =	vcvt.f32.s32 v10  }
0x281: {  	v13 =	vld [tilespmem:s23+$0x4020]  }
0x282: {  	v12 =	vmul.f32 $3.200000000e+01, v12;
	[tilespmem:v9+s18+$0x0] =	vst.idx.add.f32.msk $0xffff, v6;
	vm0 =	vgt.s32 v10, $0x0  }
0x283: {  	v6 =	vld [tilespmem:s23+$0x4040];
	v10 =	vnsel vm0, $0x0, v10  }
0x284: {  	v17 =	vld [tilespmem:s23+$0x4060];
	v14 =	vsub.f32 v14, v15;
	v12 =	vtrunc.f32 v12;
	v10 =	vmin.u32 v10, $0x1F  }
0x285: {  	v15 =	vmul.f32 $3.200000000e+01, v16;
	v12 =	vcvt.f32.s32 v12;
	v10 =	vshll.u32 v10, $0x4;
	[tilespmem:v11+s18+$0x0] =	vst.idx.add.f32.msk $0xffff, v7  }
0x286: {  	v7 =	vmul.f32 $3.200000000e+01, v13;
	[tilespmem:v11+s19+$0x0] =	vst.idx.add.f32.msk $0xffff, v5  }
0x287: {  	v11 =	vtrunc.f32 v15;
	vm0 =	vgt.s32 v12, $0x0;
	[tilespmem:v9+s19+$0x0] =	vst.idx.add.f32.msk $0xffff, v5;
	v9 =	vor.u32 v2, v10  }
0x288: {  	v7 =	vtrunc.f32 v7;
	v10 =	vld [tilespmem:s23+$0x14040];
	v6 =	vmul.f32 $3.200000000e+01, v6;
	v12 =	vnsel vm0, $0x0, v12  }
0x289: {  	v7 =	vcvt.f32.s32 v7;
	v13 =	vld [tilespmem:s23+$0xC040];
	v15 =	vmul.f32 $3.200000000e+01, v17;
	v12 =	vmin.u32 v12, $0x1F  }
0x28a: {  	v11 =	vcvt.f32.s32 v11;
	v16 =	vld [tilespmem:s23+$0x14000];
	v6 =	vtrunc.f32 v6;
	v12 =	vshll.u32 v12, $0x4  }
0x28b: {  	v17 =	vld [tilespmem:s23+$0x14020];
	vm0 =	vgt.s32 v7, $0x0;
	v6 =	vcvt.f32.s32 v6;
	v15 =	vtrunc.f32 v15  }
0x28c: {  	v12 =	vor.u32 v2, v12;
	v18 =	vld [tilespmem:s23+$0xC000];
	v7 =	vnsel vm0, $0x0, v7;
	v15 =	vcvt.f32.s32 v15  }
0x28d: {  	vm0 =	vgt.s32 v11, $0x0;
	v19 =	vld [tilespmem:s23+$0xC020];
	v7 =	vmin.u32 v7, $0x1F;
	vm1 =	vgt.s32 v6, $0x0  }
0x28e: {  	v7 =	vshll.u32 v7, $0x4;
	v6 =	vnsel vm1, $0x0, v6;
	vm1 =	vgt.s32 v15, $0x0;
	[tilespmem:v9+s18+$0x0] =	vst.idx.add.f32.msk $0xffff, v8  }
0x28f: {  	v7 =	vor.u32 v2, v7;
	v6 =	vmin.u32 v6, $0x1F;
	v8 =	vld [tilespmem:s23+$0xC060];
	v15 =	vnsel vm1, $0x0, v15  }
0x290: {  	v11 =	vnsel vm0, $0x0, v11;
	v20 =	vld [tilespmem:s23+$0x14060];
	v15 =	vmin.u32 v15, $0x1F  }
0x291: {  	v11 =	vmin.u32 v11, $0x1F;
	v16 =	vsub.f32 v18, v16;
	v15 =	vshll.u32 v15, $0x4;
	[tilespmem:v12+s18+$0x0] =	vst.idx.add.f32.msk $0xffff, v14  }
0x292: {  	v11 =	vshll.u32 v11, $0x4;
	v14 =	vsub.f32 v19, v17;
	v15 =	vor.u32 v2, v15;
	[tilespmem:v12+s19+$0x0] =	vst.idx.add.f32.msk $0xffff, v5  }
0x293: {  	[tilespmem:v9+s19+$0x0] =	vst.idx.add.f32.msk $0xffff, v5  }
0x294: {  	[tilespmem:v7+s16+$0x0] =	vst.idx.add.f32.msk $0xffff, v14  }
0x295: {  	[tilespmem:v7+s17+$0x0] =	vst.idx.add.f32.msk $0xffff, v5;
	v7 =	vsub.f32 v8, v20  }
0x296: {  	v8 =	vld [tilespmem:s23+$0x4030]  }
0x297: {  	v10 =	vsub.f32 v13, v10;
	[tilespmem:v15+s16+$0x0] =	vst.idx.add.f32.msk $0xffff, v7  }
0x298: {  	v6 =	vshll.u32 v6, $0x4;
	[tilespmem:v15+s17+$0x0] =	vst.idx.add.f32.msk $0xffff, v5  }
0x299: {  	v6 =	vor.u32 v2, v6;
	v7 =	vld [tilespmem:s23+$0x4070]  }
0x29a: {  	v12 =	vld [tilespmem:s23+$0xC030]  }
0x29b: {  	v13 =	vld [tilespmem:s23+$0x14030];
	v8 =	vmul.f32 $3.200000000e+01, v8  }
0x29c: {  	v9 =	vor.u32 v2, v11;
	v14 =	vld [tilespmem:s23+$0xC070]  }
0x29d: {  	v8 =	vtrunc.f32 v8;
	v15 =	vld [tilespmem:s23+$0x14070]  }
.Ltmp6:
0x29e: {  	v8 =	vcvt.f32.s32 v8;
	[tilespmem:v6+s16+$0x0] =	vst.idx.add.f32.msk $0xffff, v10;
	v7 =	vmul.f32 $3.200000000e+01, v7;
	(pc) =	sbr.rel @p0 .LBB2_14-.Ltmp6, $4  }
0x29f: {  	[tilespmem:v6+s17+$0x0] =	vst.idx.add.f32.msk $0xffff, v5  }
0x2a0: {  	v6 =	vsub.f32 v12, v13;
	vm0 =	vgt.s32 v8, $0x0;
	v10 =	vld [tilespmem:s23+$0x4050];
	v7 =	vtrunc.f32 v7  }
0x2a1: {  	[tilespmem:v9+s16+$0x0] =	vst.idx.add.f32.msk $0xffff, v16;
	v8 =	vnsel vm0, $0x0, v8;
	v11 =	vcvt.f32.s32 v7  }
0x2a2: {  	v12 =	vmin.u32 v8, $0x1F;
	v8 =	vld [tilespmem:s23+$0xC050];
	v7 =	vsub.f32 v14, v15  }
0x2a3: {  	_ =	sdelay $0x3  }
0x2a4: {  	[tilespmem:v9+s17+$0x0] =	vst.idx.add.f32.msk $0xffff, v5  }
0x2a5: {  	v9 =	vld [tilespmem:s23+$0x4010];
	_ =	sdelay $0x2  }
0x2a6: {  	v10 =	vmul.f32 $3.200000000e+01, v10;
	_ =	sdelay $0x1  }
0x2a7: {  	v10 =	vtrunc.f32 v10;
	v9 =	vmul.f32 $3.200000000e+01, v9  }
0x2a8: {  	vm0 =	vgt.s32 v11, $0x0;
	v12 =	vshll.u32 v12, $0x4;
	v10 =	vcvt.f32.s32 v10  }
0x2a9: {  	v11 =	vnsel vm0, $0x0, v11;
	v12 =	vor.u32 v2, v12;
	v9 =	vtrunc.f32 v9  }
0x2aa: {  	v11 =	vmin.u32 v11, $0x1F;
	vm9 =	vgt.s32 v10, $0x0;
	v9 =	vcvt.f32.s32 v9  }
0x2ab: {  	v11 =	vshll.u32 v11, $0x4;
	v10 =	vnsel vm9, $0x0, v10  }
0x2ac: {  	v13 =	vld [tilespmem:s23+$0x14050];
	v11 =	vor.u32 v2, v11;
	v10 =	vmin.u32 v10, $0x1F;
	vm10 =	vgt.s32 v9, $0x0  }
0x2ad: {  	v14 =	vld [tilespmem:s23+$0xC010];
	v10 =	vshll.u32 v10, $0x4;
	v9 =	vnsel vm10, $0x0, v9  }
0x2ae: {  	v15 =	vld [tilespmem:s23+$0x14010];
	v10 =	vor.u32 v2, v10;
	v9 =	vmin.u32 v9, $0x1F  }
0x2af: {  	[tilespmem:v12+s18+$0x0] =	vst.idx.add.f32.msk $0xffff, v6;
	v9 =	vshll.u32 v9, $0x4  }
0x2b0: {  	[tilespmem:v12+s19+$0x0] =	vst.idx.add.f32.msk $0xffff, v5;
	v6 =	vor.u32 v2, v9  }
0x2b1: {  	[tilespmem:v11+s18+$0x0] =	vst.idx.add.f32.msk $0xffff, v7;
	v7 =	vsub.f32 v8, v13  }
0x2b2: {  	[tilespmem:v11+s19+$0x0] =	vst.idx.add.f32.msk $0xffff, v5  }
0x2b3: {  	v8 =	vsub.f32 v14, v15;
	[tilespmem:v10+s18+$0x0] =	vst.idx.add.f32.msk $0xffff, v7  }
0x2b4: {  	[tilespmem:v10+s19+$0x0] =	vst.idx.add.f32.msk $0xffff, v5  }
0x2b5: {  	[tilespmem:v6+s18+$0x0] =	vst.idx.add.f32.msk $0xffff, v8  }
0x2b6: {  	[tilespmem:v6+s19+$0x0] =	vst.idx.add.f32.msk $0xffff, v5  }
0x2b7: {  	s24 =	simm.s32 $0x0;
	s25 =	rddreg [dreg:$0x1a]  }
0x2b8: {  	[tilespmem:s12], [sflag:$0x2] =	stream.linear.gather [hbm4b:s25+s24], $0x4000, $0x38;
	[tilespmem:$0x19900] =	vst v63  }
0x2b9: {  	s26 =	rddreg [dreg:$0x1b]  }
0x2ba: {  	[tilespmem:s13], [sflag:$0x2] =	stream.linear.gather [hbm4b:s26+s24], $0x4000, $0x38;
	[tilespmem:$0x19900] =	vst v63  }
0x2bb: {  	s28 =	rddreg [dreg:$0x1c]  }
0x2bc: {  	[tilespmem:s14], [sflag:$0x2] =	stream.linear.gather [hbm4b:s28+s24], $0x4000, $0x38;
	[tilespmem:$0x19900] =	vst v63  }
0x2bd: {  	_ =	swait.ge [sflag:s15], $0x4000  }
0x2be: {  	[sflag:s15] =	ssyncset.done $0x0  }
0x2bf: {  	[sflag:s15] =	ssyncadd.s32 $0xFFFFC000  }
0x2c0: {  	_ =	swait.ge [sflag:s15], $0x4000  }
0x2c1: {  	s29 =	simm.s32 $0x0;
	[sflag:s15] =	ssyncset.done $0x0  }
0x2c2: {  	s23 =	sand.u32 $0x3000, s29;
	[sflag:s15] =	ssyncadd.s32 $0xFFFFC000  }
0x2c3: {  	s25 =	simm.s32 $0x0;
	s26 =	sand.u32 $0xC00, s24;
	_ =	swait.ge [sflag:s15], $0x4000  }
0x2c4: {  	s25 =	sand.u32 $0x380, s25;
	s23 =	sor.u32 s26, s23;
	[sflag:s15] =	ssyncset.done $0x0  }
0x2c5: {  	s23 =	sor.u32 s25, s23;
	[sflag:s15] =	ssyncadd.s32 $0xFFFFC000  }
0x2c6: {  	v6 =	vld [tilespmem:s23+$0x20];
	_ =	sdelay $0x2  }
0x2c7: {  	v7 =	vld [tilespmem:s23+$0x60];
	_ =	sdelay $0x1  }
0x2c8: {  	v6 =	vmul.f32 $3.200000000e+01, v6;
	_ =	sdelay $0x1  }
0x2c9: {  	v6 =	vtrunc.f32 v6  }
0x2ca: {  	v7 =	vmul.f32 $3.200000000e+01, v7;
	v6 =	vcvt.f32.s32 v6  }
0x2cb: {  	v8 =	vld [tilespmem:s23+$0x0]  }
0x2cc: {  	v9 =	vld [tilespmem:s23+$0x40];
	v7 =	vtrunc.f32 v7;
	vm11 =	vgt.s32 v6, $0x0  }
0x2cd: {  	v10 =	vld [tilespmem:s23+$0x10020];
	v7 =	vcvt.f32.s32 v7;
	v6 =	vnsel vm11, $0x0, v6  }
0x2ce: {  	v11 =	vld [tilespmem:s23+$0x8020];
	v6 =	vmin.u32 v6, $0x1F  }
0x2cf: {  	v12 =	vld [tilespmem:s23+$0x10040];
	vm12 =	vgt.s32 v7, $0x0;
	v6 =	vshll.u32 v6, $0x4  }
0x2d0: {  	v13 =	vld [tilespmem:s23+$0x8060];
	v7 =	vnsel vm12, $0x0, v7;
	v6 =	vor.u32 v2, v6  }
0x2d1: {  	v14 =	vld [tilespmem:s23+$0x10060];
	v9 =	vmul.f32 $3.200000000e+01, v9;
	v7 =	vmin.u32 v7, $0x1F  }
0x2d2: {  	v15 =	vld [tilespmem:s23+$0x8040];
	v7 =	vshll.u32 v7, $0x4  }
0x2d3: {  	v16 =	vld [tilespmem:s23+$0x10000];
	v10 =	vsub.f32 v11, v10;
	v9 =	vtrunc.f32 v9;
	v7 =	vor.u32 v2, v7  }
0x2d4: {  	v8 =	vmul.f32 $3.200000000e+01, v8;
	v11 =	vld [tilespmem:s23+$0x8000];
	v9 =	vcvt.f32.s32 v9  }
0x2d5: {  	[tilespmem:v6+s16+$0x0] =	vst.idx.add.f32.msk $0xffff, v10  }
0x2d6: {  	v8 =	vtrunc.f32 v8;
	vm13 =	vgt.s32 v9, $0x0;
	[tilespmem:v6+s17+$0x0] =	vst.idx.add.f32.msk $0xffff, v5;
	v6 =	vsub.f32 v13, v14  }
0x2d7: {  	v8 =	vcvt.f32.s32 v8;
	v9 =	vnsel vm13, $0x0, v9;
	v10 =	vld [tilespmem:s23+$0x30]  }
0x2d8: {  	v9 =	vmin.u32 v9, $0x1F;
	[tilespmem:v7+s16+$0x0] =	vst.idx.add.f32.msk $0xffff, v6  }
0x2d9: {  	vm14 =	vgt.s32 v8, $0x0;
	v6 =	vshll.u32 v9, $0x4;
	[tilespmem:v7+s17+$0x0] =	vst.idx.add.f32.msk $0xffff, v5  }
0x2da: {  	v7 =	vnsel vm14, $0x0, v8;
	v6 =	vor.u32 v2, v6;
	v8 =	vld [tilespmem:s23+$0x70]  }
0x2db: {  	v13 =	vld [tilespmem:s23+$0x8030];
	v7 =	vmin.u32 v7, $0x1F  }
0x2dc: {  	v14 =	vld [tilespmem:s23+$0x10030];
	v7 =	vshll.u32 v7, $0x4;
	v10 =	vmul.f32 $3.200000000e+01, v10  }
0x2dd: {  	v12 =	vsub.f32 v15, v12;
	v15 =	vld [tilespmem:s23+$0x10070];
	v9 =	vor.u32 v2, v7  }
0x2de: {  	v7 =	vld [tilespmem:s23+$0x8070];
	v10 =	vtrunc.f32 v10  }
0x2df: {  	[tilespmem:v6+s16+$0x0] =	vst.idx.add.f32.msk $0xffff, v12;
	v17 =	vcvt.f32.s32 v10;
	v8 =	vmul.f32 $3.200000000e+01, v8  }
0x2e0: {  	v11 =	vsub.f32 v11, v16;
	[tilespmem:v6+s17+$0x0] =	vst.idx.add.f32.msk $0xffff, v5  }
0x2e1: {  	v10 =	vld [tilespmem:s23+$0x50];
	vm15 =	vgt.s32 v17, $0x0;
	v8 =	vtrunc.f32 v8  }
0x2e2: {  	[tilespmem:v9+s16+$0x0] =	vst.idx.add.f32.msk $0xffff, v11;
	v12 =	vnsel vm15, $0x0, v17;
	v11 =	vcvt.f32.s32 v8  }
0x2e3: {  	s25 =	simm.s32 $0x0;
	v6 =	vsub.f32 v13, v14;
	v7 =	vsub.f32 v7, v15;
	v8 =	vld [tilespmem:s23+$0x8050];
	v12 =	vmin.u32 v12, $0x1F  }
.LBB2_16:
0x2e4: {  	s25 =	sadd.s32 $0x4, s25;
	v13 =	vld [tilespmem:s23+$0x10050];
	vm0 =	vgt.s32 v11, $0x0  }
0x2e5: {  	s24 =	sadd.s32 $0x400, s24;
	s26 =	sshll.u32 s25, $0x5;
	s28 =	sshll.u32 s25, $0x3;
	[tilespmem:v9+s17+$0x0] =	vst.idx.add.f32.msk $0xffff, v5;
	v9 =	vshll.u32 v12, $0x4;
	v11 =	vnsel vm0, $0x0, v11  }
0x2e6: {  	s29 =	sand.u32 $0xC00, s24;
	s26 =	sand.u32 $0x3000, s26;
	s28 =	sand.u32 $0x380, s28;
	v12 =	vld [tilespmem:s23+$0x10];
	v9 =	vor.u32 v2, v9;
	v10 =	vmul.f32 $3.200000000e+01, v10;
	v11 =	vmin.u32 v11, $0x1F  }
0x2e7: {  	p0 =	slt.u32 s25, $0x1FC;
	s26 =	sor.u32 s29, s26;
	v14 =	vld [tilespmem:s23+$0x8010]  }
0x2e8: {  	v11 =	vshll.u32 v11, $0x4;
	v15 =	vld [tilespmem:s23+$0x10010];
	s23 =	sor.u32 s28, s26;
	v10 =	vtrunc.f32 v10  }
0x2e9: {  	v11 =	vor.u32 v2, v11;
	v16 =	vld [tilespmem:s23+$0x0];
	v8 =	vsub.f32 v8, v13;
	v10 =	vcvt.f32.s32 v10  }
0x2ea: {  	v13 =	vld [tilespmem:s23+$0x20]  }
0x2eb: {  	v12 =	vmul.f32 $3.200000000e+01, v12;
	[tilespmem:v9+s18+$0x0] =	vst.idx.add.f32.msk $0xffff, v6;
	vm0 =	vgt.s32 v10, $0x0  }
0x2ec: {  	v6 =	vld [tilespmem:s23+$0x40];
	v10 =	vnsel vm0, $0x0, v10  }
0x2ed: {  	v17 =	vld [tilespmem:s23+$0x60];
	v14 =	vsub.f32 v14, v15;
	v12 =	vtrunc.f32 v12;
	v10 =	vmin.u32 v10, $0x1F  }
0x2ee: {  	v15 =	vmul.f32 $3.200000000e+01, v16;
	v12 =	vcvt.f32.s32 v12;
	v10 =	vshll.u32 v10, $0x4;
	[tilespmem:v11+s18+$0x0] =	vst.idx.add.f32.msk $0xffff, v7  }
0x2ef: {  	v7 =	vmul.f32 $3.200000000e+01, v13;
	[tilespmem:v11+s19+$0x0] =	vst.idx.add.f32.msk $0xffff, v5  }
0x2f0: {  	v11 =	vtrunc.f32 v15;
	vm0 =	vgt.s32 v12, $0x0;
	[tilespmem:v9+s19+$0x0] =	vst.idx.add.f32.msk $0xffff, v5;
	v9 =	vor.u32 v2, v10  }
0x2f1: {  	v7 =	vtrunc.f32 v7;
	v10 =	vld [tilespmem:s23+$0x10040];
	v6 =	vmul.f32 $3.200000000e+01, v6;
	v12 =	vnsel vm0, $0x0, v12  }
0x2f2: {  	v7 =	vcvt.f32.s32 v7;
	v13 =	vld [tilespmem:s23+$0x8040];
	v15 =	vmul.f32 $3.200000000e+01, v17;
	v12 =	vmin.u32 v12, $0x1F  }
0x2f3: {  	v11 =	vcvt.f32.s32 v11;
	v16 =	vld [tilespmem:s23+$0x10000];
	v6 =	vtrunc.f32 v6;
	v12 =	vshll.u32 v12, $0x4  }
0x2f4: {  	v17 =	vld [tilespmem:s23+$0x10020];
	vm0 =	vgt.s32 v7, $0x0;
	v6 =	vcvt.f32.s32 v6;
	v15 =	vtrunc.f32 v15  }
0x2f5: {  	v12 =	vor.u32 v2, v12;
	v18 =	vld [tilespmem:s23+$0x8000];
	v7 =	vnsel vm0, $0x0, v7;
	v15 =	vcvt.f32.s32 v15  }
0x2f6: {  	vm0 =	vgt.s32 v11, $0x0;
	v19 =	vld [tilespmem:s23+$0x8020];
	v7 =	vmin.u32 v7, $0x1F;
	vm1 =	vgt.s32 v6, $0x0  }
0x2f7: {  	v7 =	vshll.u32 v7, $0x4;
	v6 =	vnsel vm1, $0x0, v6;
	vm1 =	vgt.s32 v15, $0x0;
	[tilespmem:v9+s18+$0x0] =	vst.idx.add.f32.msk $0xffff, v8  }
0x2f8: {  	v7 =	vor.u32 v2, v7;
	v6 =	vmin.u32 v6, $0x1F;
	v8 =	vld [tilespmem:s23+$0x8060];
	v15 =	vnsel vm1, $0x0, v15  }
0x2f9: {  	v11 =	vnsel vm0, $0x0, v11;
	v20 =	vld [tilespmem:s23+$0x10060];
	v15 =	vmin.u32 v15, $0x1F  }
0x2fa: {  	v11 =	vmin.u32 v11, $0x1F;
	v16 =	vsub.f32 v18, v16;
	v15 =	vshll.u32 v15, $0x4;
	[tilespmem:v12+s18+$0x0] =	vst.idx.add.f32.msk $0xffff, v14  }
0x2fb: {  	v11 =	vshll.u32 v11, $0x4;
	v14 =	vsub.f32 v19, v17;
	v15 =	vor.u32 v2, v15;
	[tilespmem:v12+s19+$0x0] =	vst.idx.add.f32.msk $0xffff, v5  }
0x2fc: {  	[tilespmem:v9+s19+$0x0] =	vst.idx.add.f32.msk $0xffff, v5  }
0x2fd: {  	[tilespmem:v7+s16+$0x0] =	vst.idx.add.f32.msk $0xffff, v14  }
0x2fe: {  	[tilespmem:v7+s17+$0x0] =	vst.idx.add.f32.msk $0xffff, v5;
	v7 =	vsub.f32 v8, v20  }
0x2ff: {  	v8 =	vld [tilespmem:s23+$0x30]  }
0x300: {  	v10 =	vsub.f32 v13, v10;
	[tilespmem:v15+s16+$0x0] =	vst.idx.add.f32.msk $0xffff, v7  }
0x301: {  	v6 =	vshll.u32 v6, $0x4;
	[tilespmem:v15+s17+$0x0] =	vst.idx.add.f32.msk $0xffff, v5  }
0x302: {  	v6 =	vor.u32 v2, v6;
	v7 =	vld [tilespmem:s23+$0x70]  }
0x303: {  	v12 =	vld [tilespmem:s23+$0x8030]  }
0x304: {  	v13 =	vld [tilespmem:s23+$0x10030];
	v8 =	vmul.f32 $3.200000000e+01, v8  }
0x305: {  	v9 =	vor.u32 v2, v11;
	v14 =	vld [tilespmem:s23+$0x8070]  }
0x306: {  	v8 =	vtrunc.f32 v8;
	v15 =	vld [tilespmem:s23+$0x10070]  }
.Ltmp7:
0x307: {  	v8 =	vcvt.f32.s32 v8;
	[tilespmem:v6+s16+$0x0] =	vst.idx.add.f32.msk $0xffff, v10;
	v7 =	vmul.f32 $3.200000000e+01, v7;
	(pc) =	sbr.rel @p0 .LBB2_16-.Ltmp7, $4  }
0x308: {  	[tilespmem:v6+s17+$0x0] =	vst.idx.add.f32.msk $0xffff, v5  }
0x309: {  	v6 =	vsub.f32 v12, v13;
	vm0 =	vgt.s32 v8, $0x0;
	v10 =	vld [tilespmem:s23+$0x50];
	v7 =	vtrunc.f32 v7  }
0x30a: {  	[tilespmem:v9+s16+$0x0] =	vst.idx.add.f32.msk $0xffff, v16;
	v8 =	vnsel vm0, $0x0, v8;
	v11 =	vcvt.f32.s32 v7  }
0x30b: {  	v12 =	vmin.u32 v8, $0x1F;
	v8 =	vld [tilespmem:s23+$0x8050];
	v7 =	vsub.f32 v14, v15  }
0x30c: {  	_ =	sdelay $0x3  }
0x30d: {  	[tilespmem:v9+s17+$0x0] =	vst.idx.add.f32.msk $0xffff, v5  }
0x30e: {  	v9 =	vld [tilespmem:s23+$0x10];
	_ =	sdelay $0x2  }
0x30f: {  	v10 =	vmul.f32 $3.200000000e+01, v10;
	_ =	sdelay $0x1  }
0x310: {  	v10 =	vtrunc.f32 v10;
	v9 =	vmul.f32 $3.200000000e+01, v9  }
0x311: {  	vm0 =	vgt.s32 v11, $0x0;
	v12 =	vshll.u32 v12, $0x4;
	v10 =	vcvt.f32.s32 v10  }
0x312: {  	v11 =	vnsel vm0, $0x0, v11;
	v12 =	vor.u32 v2, v12;
	v9 =	vtrunc.f32 v9  }
0x313: {  	v11 =	vmin.u32 v11, $0x1F;
	vm9 =	vgt.s32 v10, $0x0;
	v9 =	vcvt.f32.s32 v9  }
0x314: {  	v11 =	vshll.u32 v11, $0x4;
	v10 =	vnsel vm9, $0x0, v10  }
0x315: {  	v13 =	vld [tilespmem:s23+$0x10050];
	v11 =	vor.u32 v2, v11;
	v10 =	vmin.u32 v10, $0x1F;
	vm10 =	vgt.s32 v9, $0x0  }
0x316: {  	v14 =	vld [tilespmem:s23+$0x8010];
	v10 =	vshll.u32 v10, $0x4;
	v9 =	vnsel vm10, $0x0, v9  }
0x317: {  	v15 =	vld [tilespmem:s23+$0x10010];
	v10 =	vor.u32 v2, v10;
	v9 =	vmin.u32 v9, $0x1F  }
0x318: {  	[tilespmem:v12+s18+$0x0] =	vst.idx.add.f32.msk $0xffff, v6;
	v9 =	vshll.u32 v9, $0x4  }
0x319: {  	[tilespmem:v12+s19+$0x0] =	vst.idx.add.f32.msk $0xffff, v5;
	v6 =	vor.u32 v2, v9  }
0x31a: {  	[tilespmem:v11+s18+$0x0] =	vst.idx.add.f32.msk $0xffff, v7;
	v7 =	vsub.f32 v8, v13  }
0x31b: {  	[tilespmem:v11+s19+$0x0] =	vst.idx.add.f32.msk $0xffff, v5  }
0x31c: {  	v8 =	vsub.f32 v14, v15;
	[tilespmem:v10+s18+$0x0] =	vst.idx.add.f32.msk $0xffff, v7  }
0x31d: {  	[tilespmem:v10+s19+$0x0] =	vst.idx.add.f32.msk $0xffff, v5  }
0x31e: {  	[tilespmem:v6+s18+$0x0] =	vst.idx.add.f32.msk $0xffff, v8  }
0x31f: {  	s24 =	simm.s32 $0x0;
	[tilespmem:v6+s19+$0x0] =	vst.idx.add.f32.msk $0xffff, v5  }
0x320: {  	[tilespmem:s24], [sflag:$0x1] =	stream.linear.gather [hbm4b:s30+s24], $0x4000, $0x38;
	[tilespmem:$0x19900] =	vst v63  }
0x321: {  	_ = 	snop  }
0x322: {  	[tilespmem:s10], [sflag:$0x1] =	stream.linear.gather [hbm4b:s31+s24], $0x4000, $0x38;
	[tilespmem:$0x19900] =	vst v63  }
0x323: {  	_ = 	snop  }
0x324: {  	[tilespmem:s11], [sflag:$0x1] =	stream.linear.gather [hbm4b:s0+s24], $0x4000, $0x38;
	[tilespmem:$0x19900] =	vst v63  }
0x325: {  	_ =	swait.ge [sflag:s20], $0x4000  }
0x326: {  	[sflag:s20] =	ssyncset.done $0x0  }
0x327: {  	[sflag:s20] =	ssyncadd.s32 $0xFFFFC000  }
0x328: {  	_ =	swait.ge [sflag:s20], $0x4000  }
0x329: {  	[sflag:s20] =	ssyncset.done $0x0  }
0x32a: {  	s29 =	simm.s32 $0x0;
	s25 =	simm.s32 $0x0;
	[sflag:s20] =	ssyncadd.s32 $0xFFFFC000  }
0x32b: {  	s23 =	sand.u32 $0x3000, s29;
	s26 =	sand.u32 $0xC00, s24;
	_ =	swait.ge [sflag:s20], $0x4000  }
0x32c: {  	s25 =	sand.u32 $0x380, s25;
	s23 =	sor.u32 s26, s23;
	[sflag:s20] =	ssyncset.done $0x0  }
0x32d: {  	s23 =	sor.u32 s25, s23;
	[sflag:s20] =	ssyncadd.s32 $0xFFFFC000  }
0x32e: {  	v6 =	vld [tilespmem:s23+$0x4020];
	_ =	sdelay $0x2  }
0x32f: {  	v7 =	vld [tilespmem:s23+$0x4060];
	_ =	sdelay $0x1  }
0x330: {  	v6 =	vmul.f32 $3.200000000e+01, v6;
	_ =	sdelay $0x1  }
0x331: {  	v6 =	vtrunc.f32 v6  }
0x332: {  	v7 =	vmul.f32 $3.200000000e+01, v7;
	v6 =	vcvt.f32.s32 v6  }
0x333: {  	v8 =	vld [tilespmem:s23+$0x4000]  }
0x334: {  	v9 =	vld [tilespmem:s23+$0x4040];
	v7 =	vtrunc.f32 v7;
	vm11 =	vgt.s32 v6, $0x0  }
0x335: {  	v10 =	vld [tilespmem:s23+$0x14020];
	v7 =	vcvt.f32.s32 v7;
	v6 =	vnsel vm11, $0x0, v6  }
0x336: {  	v11 =	vld [tilespmem:s23+$0xC020];
	v6 =	vmin.u32 v6, $0x1F  }
0x337: {  	v12 =	vld [tilespmem:s23+$0x14040];
	vm12 =	vgt.s32 v7, $0x0;
	v6 =	vshll.u32 v6, $0x4  }
0x338: {  	v13 =	vld [tilespmem:s23+$0xC060];
	v7 =	vnsel vm12, $0x0, v7;
	v6 =	vor.u32 v2, v6  }
0x339: {  	v14 =	vld [tilespmem:s23+$0x14060];
	v9 =	vmul.f32 $3.200000000e+01, v9;
	v7 =	vmin.u32 v7, $0x1F  }
0x33a: {  	v15 =	vld [tilespmem:s23+$0xC040];
	v7 =	vshll.u32 v7, $0x4  }
0x33b: {  	v16 =	vld [tilespmem:s23+$0x14000];
	v10 =	vsub.f32 v11, v10;
	v9 =	vtrunc.f32 v9;
	v7 =	vor.u32 v2, v7  }
0x33c: {  	v8 =	vmul.f32 $3.200000000e+01, v8;
	v11 =	vld [tilespmem:s23+$0xC000];
	v9 =	vcvt.f32.s32 v9  }
0x33d: {  	[tilespmem:v6+s16+$0x0] =	vst.idx.add.f32.msk $0xffff, v10  }
0x33e: {  	v8 =	vtrunc.f32 v8;
	vm13 =	vgt.s32 v9, $0x0;
	[tilespmem:v6+s17+$0x0] =	vst.idx.add.f32.msk $0xffff, v5;
	v6 =	vsub.f32 v13, v14  }
0x33f: {  	v8 =	vcvt.f32.s32 v8;
	v9 =	vnsel vm13, $0x0, v9;
	v10 =	vld [tilespmem:s23+$0x4030]  }
0x340: {  	v9 =	vmin.u32 v9, $0x1F;
	[tilespmem:v7+s16+$0x0] =	vst.idx.add.f32.msk $0xffff, v6  }
0x341: {  	vm14 =	vgt.s32 v8, $0x0;
	v6 =	vshll.u32 v9, $0x4;
	[tilespmem:v7+s17+$0x0] =	vst.idx.add.f32.msk $0xffff, v5  }
0x342: {  	v7 =	vnsel vm14, $0x0, v8;
	v6 =	vor.u32 v2, v6;
	v8 =	vld [tilespmem:s23+$0x4070]  }
0x343: {  	v13 =	vld [tilespmem:s23+$0xC030];
	v7 =	vmin.u32 v7, $0x1F  }
0x344: {  	v14 =	vld [tilespmem:s23+$0x14030];
	v7 =	vshll.u32 v7, $0x4;
	v10 =	vmul.f32 $3.200000000e+01, v10  }
0x345: {  	v12 =	vsub.f32 v15, v12;
	v15 =	vld [tilespmem:s23+$0x14070];
	v9 =	vor.u32 v2, v7  }
0x346: {  	v7 =	vld [tilespmem:s23+$0xC070];
	v10 =	vtrunc.f32 v10  }
0x347: {  	[tilespmem:v6+s16+$0x0] =	vst.idx.add.f32.msk $0xffff, v12;
	v17 =	vcvt.f32.s32 v10;
	v8 =	vmul.f32 $3.200000000e+01, v8  }
0x348: {  	v11 =	vsub.f32 v11, v16;
	[tilespmem:v6+s17+$0x0] =	vst.idx.add.f32.msk $0xffff, v5  }
0x349: {  	v10 =	vld [tilespmem:s23+$0x4050];
	vm15 =	vgt.s32 v17, $0x0;
	v8 =	vtrunc.f32 v8  }
0x34a: {  	[tilespmem:v9+s16+$0x0] =	vst.idx.add.f32.msk $0xffff, v11;
	v12 =	vnsel vm15, $0x0, v17;
	v11 =	vcvt.f32.s32 v8  }
0x34b: {  	s25 =	simm.s32 $0x0;
	v6 =	vsub.f32 v13, v14;
	v7 =	vsub.f32 v7, v15;
	v8 =	vld [tilespmem:s23+$0xC050];
	v12 =	vmin.u32 v12, $0x1F  }
.LBB2_18:
0x34c: {  	s25 =	sadd.s32 $0x4, s25;
	v13 =	vld [tilespmem:s23+$0x14050];
	vm0 =	vgt.s32 v11, $0x0  }
0x34d: {  	s24 =	sadd.s32 $0x400, s24;
	s26 =	sshll.u32 s25, $0x5;
	s28 =	sshll.u32 s25, $0x3;
	[tilespmem:v9+s17+$0x0] =	vst.idx.add.f32.msk $0xffff, v5;
	v9 =	vshll.u32 v12, $0x4;
	v11 =	vnsel vm0, $0x0, v11  }
0x34e: {  	s29 =	sand.u32 $0xC00, s24;
	s26 =	sand.u32 $0x3000, s26;
	s28 =	sand.u32 $0x380, s28;
	v12 =	vld [tilespmem:s23+$0x4010];
	v9 =	vor.u32 v2, v9;
	v10 =	vmul.f32 $3.200000000e+01, v10;
	v11 =	vmin.u32 v11, $0x1F  }
0x34f: {  	p0 =	slt.u32 s25, $0x1FC;
	s26 =	sor.u32 s29, s26;
	v14 =	vld [tilespmem:s23+$0xC010]  }
0x350: {  	v11 =	vshll.u32 v11, $0x4;
	v15 =	vld [tilespmem:s23+$0x14010];
	s23 =	sor.u32 s28, s26;
	v10 =	vtrunc.f32 v10  }
0x351: {  	v11 =	vor.u32 v2, v11;
	v16 =	vld [tilespmem:s23+$0x4000];
	v8 =	vsub.f32 v8, v13;
	v10 =	vcvt.f32.s32 v10  }
0x352: {  	v13 =	vld [tilespmem:s23+$0x4020]  }
0x353: {  	v12 =	vmul.f32 $3.200000000e+01, v12;
	[tilespmem:v9+s18+$0x0] =	vst.idx.add.f32.msk $0xffff, v6;
	vm0 =	vgt.s32 v10, $0x0  }
0x354: {  	v6 =	vld [tilespmem:s23+$0x4040];
	v10 =	vnsel vm0, $0x0, v10  }
0x355: {  	v17 =	vld [tilespmem:s23+$0x4060];
	v14 =	vsub.f32 v14, v15;
	v12 =	vtrunc.f32 v12;
	v10 =	vmin.u32 v10, $0x1F  }
0x356: {  	v15 =	vmul.f32 $3.200000000e+01, v16;
	v12 =	vcvt.f32.s32 v12;
	v10 =	vshll.u32 v10, $0x4;
	[tilespmem:v11+s18+$0x0] =	vst.idx.add.f32.msk $0xffff, v7  }
0x357: {  	v7 =	vmul.f32 $3.200000000e+01, v13;
	[tilespmem:v11+s19+$0x0] =	vst.idx.add.f32.msk $0xffff, v5  }
0x358: {  	v11 =	vtrunc.f32 v15;
	vm0 =	vgt.s32 v12, $0x0;
	[tilespmem:v9+s19+$0x0] =	vst.idx.add.f32.msk $0xffff, v5;
	v9 =	vor.u32 v2, v10  }
0x359: {  	v7 =	vtrunc.f32 v7;
	v10 =	vld [tilespmem:s23+$0x14040];
	v6 =	vmul.f32 $3.200000000e+01, v6;
	v12 =	vnsel vm0, $0x0, v12  }
0x35a: {  	v7 =	vcvt.f32.s32 v7;
	v13 =	vld [tilespmem:s23+$0xC040];
	v15 =	vmul.f32 $3.200000000e+01, v17;
	v12 =	vmin.u32 v12, $0x1F  }
0x35b: {  	v11 =	vcvt.f32.s32 v11;
	v16 =	vld [tilespmem:s23+$0x14000];
	v6 =	vtrunc.f32 v6;
	v12 =	vshll.u32 v12, $0x4  }
0x35c: {  	v17 =	vld [tilespmem:s23+$0x14020];
	vm0 =	vgt.s32 v7, $0x0;
	v6 =	vcvt.f32.s32 v6;
	v15 =	vtrunc.f32 v15  }
0x35d: {  	v12 =	vor.u32 v2, v12;
	v18 =	vld [tilespmem:s23+$0xC000];
	v7 =	vnsel vm0, $0x0, v7;
	v15 =	vcvt.f32.s32 v15  }
0x35e: {  	vm0 =	vgt.s32 v11, $0x0;
	v19 =	vld [tilespmem:s23+$0xC020];
	v7 =	vmin.u32 v7, $0x1F;
	vm1 =	vgt.s32 v6, $0x0  }
0x35f: {  	v7 =	vshll.u32 v7, $0x4;
	v6 =	vnsel vm1, $0x0, v6;
	vm1 =	vgt.s32 v15, $0x0;
	[tilespmem:v9+s18+$0x0] =	vst.idx.add.f32.msk $0xffff, v8  }
0x360: {  	v7 =	vor.u32 v2, v7;
	v6 =	vmin.u32 v6, $0x1F;
	v8 =	vld [tilespmem:s23+$0xC060];
	v15 =	vnsel vm1, $0x0, v15  }
0x361: {  	v11 =	vnsel vm0, $0x0, v11;
	v20 =	vld [tilespmem:s23+$0x14060];
	v15 =	vmin.u32 v15, $0x1F  }
0x362: {  	v11 =	vmin.u32 v11, $0x1F;
	v16 =	vsub.f32 v18, v16;
	v15 =	vshll.u32 v15, $0x4;
	[tilespmem:v12+s18+$0x0] =	vst.idx.add.f32.msk $0xffff, v14  }
0x363: {  	v11 =	vshll.u32 v11, $0x4;
	v14 =	vsub.f32 v19, v17;
	v15 =	vor.u32 v2, v15;
	[tilespmem:v12+s19+$0x0] =	vst.idx.add.f32.msk $0xffff, v5  }
0x364: {  	[tilespmem:v9+s19+$0x0] =	vst.idx.add.f32.msk $0xffff, v5  }
0x365: {  	[tilespmem:v7+s16+$0x0] =	vst.idx.add.f32.msk $0xffff, v14  }
0x366: {  	[tilespmem:v7+s17+$0x0] =	vst.idx.add.f32.msk $0xffff, v5;
	v7 =	vsub.f32 v8, v20  }
0x367: {  	v8 =	vld [tilespmem:s23+$0x4030]  }
0x368: {  	v10 =	vsub.f32 v13, v10;
	[tilespmem:v15+s16+$0x0] =	vst.idx.add.f32.msk $0xffff, v7  }
0x369: {  	v6 =	vshll.u32 v6, $0x4;
	[tilespmem:v15+s17+$0x0] =	vst.idx.add.f32.msk $0xffff, v5  }
0x36a: {  	v6 =	vor.u32 v2, v6;
	v7 =	vld [tilespmem:s23+$0x4070]  }
0x36b: {  	v12 =	vld [tilespmem:s23+$0xC030]  }
0x36c: {  	v13 =	vld [tilespmem:s23+$0x14030];
	v8 =	vmul.f32 $3.200000000e+01, v8  }
0x36d: {  	v9 =	vor.u32 v2, v11;
	v14 =	vld [tilespmem:s23+$0xC070]  }
0x36e: {  	v8 =	vtrunc.f32 v8;
	v15 =	vld [tilespmem:s23+$0x14070]  }
.Ltmp8:
0x36f: {  	v8 =	vcvt.f32.s32 v8;
	[tilespmem:v6+s16+$0x0] =	vst.idx.add.f32.msk $0xffff, v10;
	v7 =	vmul.f32 $3.200000000e+01, v7;
	(pc) =	sbr.rel @p0 .LBB2_18-.Ltmp8, $4  }
0x370: {  	[tilespmem:v6+s17+$0x0] =	vst.idx.add.f32.msk $0xffff, v5  }
0x371: {  	v6 =	vsub.f32 v12, v13;
	vm0 =	vgt.s32 v8, $0x0;
	v10 =	vld [tilespmem:s23+$0x4050];
	v7 =	vtrunc.f32 v7  }
0x372: {  	[tilespmem:v9+s16+$0x0] =	vst.idx.add.f32.msk $0xffff, v16;
	v8 =	vnsel vm0, $0x0, v8;
	v11 =	vcvt.f32.s32 v7  }
0x373: {  	v12 =	vmin.u32 v8, $0x1F;
	v8 =	vld [tilespmem:s23+$0xC050];
	v7 =	vsub.f32 v14, v15  }
0x374: {  	_ =	sdelay $0x3  }
0x375: {  	[tilespmem:v9+s17+$0x0] =	vst.idx.add.f32.msk $0xffff, v5  }
0x376: {  	v9 =	vld [tilespmem:s23+$0x4010];
	_ =	sdelay $0x2  }
0x377: {  	v10 =	vmul.f32 $3.200000000e+01, v10;
	_ =	sdelay $0x1  }
0x378: {  	v10 =	vtrunc.f32 v10;
	v9 =	vmul.f32 $3.200000000e+01, v9  }
0x379: {  	vm0 =	vgt.s32 v11, $0x0;
	v12 =	vshll.u32 v12, $0x4;
	v10 =	vcvt.f32.s32 v10  }
0x37a: {  	v11 =	vnsel vm0, $0x0, v11;
	v12 =	vor.u32 v2, v12;
	v9 =	vtrunc.f32 v9  }
0x37b: {  	v11 =	vmin.u32 v11, $0x1F;
	vm9 =	vgt.s32 v10, $0x0;
	v9 =	vcvt.f32.s32 v9  }
0x37c: {  	v11 =	vshll.u32 v11, $0x4;
	v10 =	vnsel vm9, $0x0, v10  }
0x37d: {  	v13 =	vld [tilespmem:s23+$0x14050];
	v11 =	vor.u32 v2, v11;
	v10 =	vmin.u32 v10, $0x1F;
	vm10 =	vgt.s32 v9, $0x0  }
0x37e: {  	v14 =	vld [tilespmem:s23+$0xC010];
	v10 =	vshll.u32 v10, $0x4;
	v9 =	vnsel vm10, $0x0, v9  }
0x37f: {  	v15 =	vld [tilespmem:s23+$0x14010];
	v10 =	vor.u32 v2, v10;
	v9 =	vmin.u32 v9, $0x1F  }
0x380: {  	[tilespmem:v12+s18+$0x0] =	vst.idx.add.f32.msk $0xffff, v6;
	v9 =	vshll.u32 v9, $0x4  }
0x381: {  	[tilespmem:v12+s19+$0x0] =	vst.idx.add.f32.msk $0xffff, v5;
	v6 =	vor.u32 v2, v9  }
0x382: {  	[tilespmem:v11+s18+$0x0] =	vst.idx.add.f32.msk $0xffff, v7;
	v7 =	vsub.f32 v8, v13  }
0x383: {  	[tilespmem:v11+s19+$0x0] =	vst.idx.add.f32.msk $0xffff, v5  }
0x384: {  	v8 =	vsub.f32 v14, v15;
	[tilespmem:v10+s18+$0x0] =	vst.idx.add.f32.msk $0xffff, v7  }
0x385: {  	[tilespmem:v10+s19+$0x0] =	vst.idx.add.f32.msk $0xffff, v5  }
0x386: {  	[tilespmem:v6+s18+$0x0] =	vst.idx.add.f32.msk $0xffff, v8  }
0x387: {  	[tilespmem:v6+s19+$0x0] =	vst.idx.add.f32.msk $0xffff, v5  }
0x388: {  	s24 =	simm.s32 $0x0;
	s25 =	rddreg [dreg:$0x1d]  }
0x389: {  	[tilespmem:s12], [sflag:$0x2] =	stream.linear.gather [hbm4b:s25+s24], $0x4000, $0x38;
	[tilespmem:$0x19900] =	vst v63  }
0x38a: {  	s26 =	rddreg [dreg:$0x1e]  }
0x38b: {  	[tilespmem:s13], [sflag:$0x2] =	stream.linear.gather [hbm4b:s26+s24], $0x4000, $0x38;
	[tilespmem:$0x19900] =	vst v63  }
0x38c: {  	s28 =	rddreg [dreg:$0x1f]  }
0x38d: {  	[tilespmem:s14], [sflag:$0x2] =	stream.linear.gather [hbm4b:s28+s24], $0x4000, $0x38;
	[tilespmem:$0x19900] =	vst v63  }
0x38e: {  	_ =	swait.ge [sflag:s15], $0x4000  }
0x38f: {  	[sflag:s15] =	ssyncset.done $0x0  }
0x390: {  	[sflag:s15] =	ssyncadd.s32 $0xFFFFC000  }
0x391: {  	_ =	swait.ge [sflag:s15], $0x4000  }
0x392: {  	s29 =	simm.s32 $0x0;
	[sflag:s15] =	ssyncset.done $0x0  }
0x393: {  	s23 =	sand.u32 $0x3000, s29;
	[sflag:s15] =	ssyncadd.s32 $0xFFFFC000  }
0x394: {  	s25 =	simm.s32 $0x0;
	s26 =	sand.u32 $0xC00, s24;
	_ =	swait.ge [sflag:s15], $0x4000  }
0x395: {  	s25 =	sand.u32 $0x380, s25;
	s23 =	sor.u32 s26, s23;
	[sflag:s15] =	ssyncset.done $0x0  }
0x396: {  	s23 =	sor.u32 s25, s23;
	[sflag:s15] =	ssyncadd.s32 $0xFFFFC000  }
0x397: {  	v6 =	vld [tilespmem:s23+$0x20];
	_ =	sdelay $0x2  }
0x398: {  	v7 =	vld [tilespmem:s23+$0x60];
	_ =	sdelay $0x1  }
0x399: {  	v6 =	vmul.f32 $3.200000000e+01, v6;
	_ =	sdelay $0x1  }
0x39a: {  	v6 =	vtrunc.f32 v6  }
0x39b: {  	v7 =	vmul.f32 $3.200000000e+01, v7;
	v6 =	vcvt.f32.s32 v6  }
0x39c: {  	v8 =	vld [tilespmem:s23+$0x0]  }
0x39d: {  	v9 =	vld [tilespmem:s23+$0x40];
	v7 =	vtrunc.f32 v7;
	vm11 =	vgt.s32 v6, $0x0  }
0x39e: {  	v10 =	vld [tilespmem:s23+$0x10020];
	v7 =	vcvt.f32.s32 v7;
	v6 =	vnsel vm11, $0x0, v6  }
0x39f: {  	v11 =	vld [tilespmem:s23+$0x8020];
	v6 =	vmin.u32 v6, $0x1F  }
0x3a0: {  	v12 =	vld [tilespmem:s23+$0x10040];
	vm12 =	vgt.s32 v7, $0x0;
	v6 =	vshll.u32 v6, $0x4  }
0x3a1: {  	v13 =	vld [tilespmem:s23+$0x8060];
	v7 =	vnsel vm12, $0x0, v7;
	v6 =	vor.u32 v3, v6  }
0x3a2: {  	v14 =	vld [tilespmem:s23+$0x10060];
	v9 =	vmul.f32 $3.200000000e+01, v9;
	v7 =	vmin.u32 v7, $0x1F  }
0x3a3: {  	v15 =	vld [tilespmem:s23+$0x8040];
	v7 =	vshll.u32 v7, $0x4  }
0x3a4: {  	v16 =	vld [tilespmem:s23+$0x10000];
	v10 =	vsub.f32 v11, v10;
	v9 =	vtrunc.f32 v9;
	v7 =	vor.u32 v3, v7  }
0x3a5: {  	v8 =	vmul.f32 $3.200000000e+01, v8;
	v11 =	vld [tilespmem:s23+$0x8000];
	v9 =	vcvt.f32.s32 v9  }
0x3a6: {  	[tilespmem:v6+s16+$0x0] =	vst.idx.add.f32.msk $0xffff, v10  }
0x3a7: {  	v8 =	vtrunc.f32 v8;
	vm13 =	vgt.s32 v9, $0x0;
	[tilespmem:v6+s17+$0x0] =	vst.idx.add.f32.msk $0xffff, v5;
	v6 =	vsub.f32 v13, v14  }
0x3a8: {  	v8 =	vcvt.f32.s32 v8;
	v9 =	vnsel vm13, $0x0, v9;
	v10 =	vld [tilespmem:s23+$0x30]  }
0x3a9: {  	v9 =	vmin.u32 v9, $0x1F;
	[tilespmem:v7+s16+$0x0] =	vst.idx.add.f32.msk $0xffff, v6  }
0x3aa: {  	vm14 =	vgt.s32 v8, $0x0;
	v6 =	vshll.u32 v9, $0x4;
	[tilespmem:v7+s17+$0x0] =	vst.idx.add.f32.msk $0xffff, v5  }
0x3ab: {  	v7 =	vnsel vm14, $0x0, v8;
	v6 =	vor.u32 v3, v6;
	v8 =	vld [tilespmem:s23+$0x70]  }
0x3ac: {  	v13 =	vld [tilespmem:s23+$0x8030];
	v7 =	vmin.u32 v7, $0x1F  }
0x3ad: {  	v14 =	vld [tilespmem:s23+$0x10030];
	v7 =	vshll.u32 v7, $0x4;
	v10 =	vmul.f32 $3.200000000e+01, v10  }
0x3ae: {  	v12 =	vsub.f32 v15, v12;
	v15 =	vld [tilespmem:s23+$0x10070];
	v9 =	vor.u32 v3, v7  }
0x3af: {  	v7 =	vld [tilespmem:s23+$0x8070];
	v10 =	vtrunc.f32 v10  }
0x3b0: {  	[tilespmem:v6+s16+$0x0] =	vst.idx.add.f32.msk $0xffff, v12;
	v17 =	vcvt.f32.s32 v10;
	v8 =	vmul.f32 $3.200000000e+01, v8  }
0x3b1: {  	v11 =	vsub.f32 v11, v16;
	[tilespmem:v6+s17+$0x0] =	vst.idx.add.f32.msk $0xffff, v5  }
0x3b2: {  	v10 =	vld [tilespmem:s23+$0x50];
	vm15 =	vgt.s32 v17, $0x0;
	v8 =	vtrunc.f32 v8  }
0x3b3: {  	[tilespmem:v9+s16+$0x0] =	vst.idx.add.f32.msk $0xffff, v11;
	v12 =	vnsel vm15, $0x0, v17;
	v11 =	vcvt.f32.s32 v8  }
0x3b4: {  	s25 =	simm.s32 $0x0;
	v6 =	vsub.f32 v13, v14;
	v7 =	vsub.f32 v7, v15;
	v8 =	vld [tilespmem:s23+$0x8050];
	v12 =	vmin.u32 v12, $0x1F  }
.LBB2_20:
0x3b5: {  	s25 =	sadd.s32 $0x4, s25;
	v13 =	vld [tilespmem:s23+$0x10050];
	vm0 =	vgt.s32 v11, $0x0  }
0x3b6: {  	s24 =	sadd.s32 $0x400, s24;
	s26 =	sshll.u32 s25, $0x5;
	s28 =	sshll.u32 s25, $0x3;
	[tilespmem:v9+s17+$0x0] =	vst.idx.add.f32.msk $0xffff, v5;
	v9 =	vshll.u32 v12, $0x4;
	v11 =	vnsel vm0, $0x0, v11  }
0x3b7: {  	s29 =	sand.u32 $0xC00, s24;
	s26 =	sand.u32 $0x3000, s26;
	s28 =	sand.u32 $0x380, s28;
	v12 =	vld [tilespmem:s23+$0x10];
	v9 =	vor.u32 v3, v9;
	v10 =	vmul.f32 $3.200000000e+01, v10;
	v11 =	vmin.u32 v11, $0x1F  }
0x3b8: {  	p0 =	slt.u32 s25, $0x1FC;
	s26 =	sor.u32 s29, s26;
	v14 =	vld [tilespmem:s23+$0x8010]  }
0x3b9: {  	v11 =	vshll.u32 v11, $0x4;
	v15 =	vld [tilespmem:s23+$0x10010];
	s23 =	sor.u32 s28, s26;
	v10 =	vtrunc.f32 v10  }
0x3ba: {  	v11 =	vor.u32 v3, v11;
	v16 =	vld [tilespmem:s23+$0x0];
	v8 =	vsub.f32 v8, v13;
	v10 =	vcvt.f32.s32 v10  }
0x3bb: {  	v13 =	vld [tilespmem:s23+$0x20]  }
0x3bc: {  	v12 =	vmul.f32 $3.200000000e+01, v12;
	[tilespmem:v9+s18+$0x0] =	vst.idx.add.f32.msk $0xffff, v6;
	vm0 =	vgt.s32 v10, $0x0  }
0x3bd: {  	v6 =	vld [tilespmem:s23+$0x40];
	v10 =	vnsel vm0, $0x0, v10  }
0x3be: {  	v17 =	vld [tilespmem:s23+$0x60];
	v14 =	vsub.f32 v14, v15;
	v12 =	vtrunc.f32 v12;
	v10 =	vmin.u32 v10, $0x1F  }
0x3bf: {  	v15 =	vmul.f32 $3.200000000e+01, v16;
	v12 =	vcvt.f32.s32 v12;
	v10 =	vshll.u32 v10, $0x4;
	[tilespmem:v11+s18+$0x0] =	vst.idx.add.f32.msk $0xffff, v7  }
0x3c0: {  	v7 =	vmul.f32 $3.200000000e+01, v13;
	[tilespmem:v11+s19+$0x0] =	vst.idx.add.f32.msk $0xffff, v5  }
0x3c1: {  	v11 =	vtrunc.f32 v15;
	vm0 =	vgt.s32 v12, $0x0;
	[tilespmem:v9+s19+$0x0] =	vst.idx.add.f32.msk $0xffff, v5;
	v9 =	vor.u32 v3, v10  }
0x3c2: {  	v7 =	vtrunc.f32 v7;
	v10 =	vld [tilespmem:s23+$0x10040];
	v6 =	vmul.f32 $3.200000000e+01, v6;
	v12 =	vnsel vm0, $0x0, v12  }
0x3c3: {  	v7 =	vcvt.f32.s32 v7;
	v13 =	vld [tilespmem:s23+$0x8040];
	v15 =	vmul.f32 $3.200000000e+01, v17;
	v12 =	vmin.u32 v12, $0x1F  }
0x3c4: {  	v11 =	vcvt.f32.s32 v11;
	v16 =	vld [tilespmem:s23+$0x10000];
	v6 =	vtrunc.f32 v6;
	v12 =	vshll.u32 v12, $0x4  }
0x3c5: {  	v17 =	vld [tilespmem:s23+$0x10020];
	vm0 =	vgt.s32 v7, $0x0;
	v6 =	vcvt.f32.s32 v6;
	v15 =	vtrunc.f32 v15  }
0x3c6: {  	v12 =	vor.u32 v3, v12;
	v18 =	vld [tilespmem:s23+$0x8000];
	v7 =	vnsel vm0, $0x0, v7;
	v15 =	vcvt.f32.s32 v15  }
0x3c7: {  	vm0 =	vgt.s32 v11, $0x0;
	v19 =	vld [tilespmem:s23+$0x8020];
	v7 =	vmin.u32 v7, $0x1F;
	vm1 =	vgt.s32 v6, $0x0  }
0x3c8: {  	v7 =	vshll.u32 v7, $0x4;
	v6 =	vnsel vm1, $0x0, v6;
	vm1 =	vgt.s32 v15, $0x0;
	[tilespmem:v9+s18+$0x0] =	vst.idx.add.f32.msk $0xffff, v8  }
0x3c9: {  	v7 =	vor.u32 v3, v7;
	v6 =	vmin.u32 v6, $0x1F;
	v8 =	vld [tilespmem:s23+$0x8060];
	v15 =	vnsel vm1, $0x0, v15  }
0x3ca: {  	v11 =	vnsel vm0, $0x0, v11;
	v20 =	vld [tilespmem:s23+$0x10060];
	v15 =	vmin.u32 v15, $0x1F  }
0x3cb: {  	v11 =	vmin.u32 v11, $0x1F;
	v16 =	vsub.f32 v18, v16;
	v15 =	vshll.u32 v15, $0x4;
	[tilespmem:v12+s18+$0x0] =	vst.idx.add.f32.msk $0xffff, v14  }
0x3cc: {  	v11 =	vshll.u32 v11, $0x4;
	v14 =	vsub.f32 v19, v17;
	v15 =	vor.u32 v3, v15;
	[tilespmem:v12+s19+$0x0] =	vst.idx.add.f32.msk $0xffff, v5  }
0x3cd: {  	[tilespmem:v9+s19+$0x0] =	vst.idx.add.f32.msk $0xffff, v5  }
0x3ce: {  	[tilespmem:v7+s16+$0x0] =	vst.idx.add.f32.msk $0xffff, v14  }
0x3cf: {  	[tilespmem:v7+s17+$0x0] =	vst.idx.add.f32.msk $0xffff, v5;
	v7 =	vsub.f32 v8, v20  }
0x3d0: {  	v8 =	vld [tilespmem:s23+$0x30]  }
0x3d1: {  	v10 =	vsub.f32 v13, v10;
	[tilespmem:v15+s16+$0x0] =	vst.idx.add.f32.msk $0xffff, v7  }
0x3d2: {  	v6 =	vshll.u32 v6, $0x4;
	[tilespmem:v15+s17+$0x0] =	vst.idx.add.f32.msk $0xffff, v5  }
0x3d3: {  	v6 =	vor.u32 v3, v6;
	v7 =	vld [tilespmem:s23+$0x70]  }
0x3d4: {  	v12 =	vld [tilespmem:s23+$0x8030]  }
0x3d5: {  	v13 =	vld [tilespmem:s23+$0x10030];
	v8 =	vmul.f32 $3.200000000e+01, v8  }
0x3d6: {  	v9 =	vor.u32 v3, v11;
	v14 =	vld [tilespmem:s23+$0x8070]  }
0x3d7: {  	v8 =	vtrunc.f32 v8;
	v15 =	vld [tilespmem:s23+$0x10070]  }
.Ltmp9:
0x3d8: {  	v8 =	vcvt.f32.s32 v8;
	[tilespmem:v6+s16+$0x0] =	vst.idx.add.f32.msk $0xffff, v10;
	v7 =	vmul.f32 $3.200000000e+01, v7;
	(pc) =	sbr.rel @p0 .LBB2_20-.Ltmp9, $4  }
0x3d9: {  	[tilespmem:v6+s17+$0x0] =	vst.idx.add.f32.msk $0xffff, v5  }
0x3da: {  	v6 =	vsub.f32 v12, v13;
	vm0 =	vgt.s32 v8, $0x0;
	v10 =	vld [tilespmem:s23+$0x50];
	v7 =	vtrunc.f32 v7  }
0x3db: {  	[tilespmem:v9+s16+$0x0] =	vst.idx.add.f32.msk $0xffff, v16;
	v8 =	vnsel vm0, $0x0, v8;
	v11 =	vcvt.f32.s32 v7  }
0x3dc: {  	v12 =	vmin.u32 v8, $0x1F;
	v8 =	vld [tilespmem:s23+$0x8050];
	v7 =	vsub.f32 v14, v15  }
0x3dd: {  	_ =	sdelay $0x3  }
0x3de: {  	[tilespmem:v9+s17+$0x0] =	vst.idx.add.f32.msk $0xffff, v5  }
0x3df: {  	v9 =	vld [tilespmem:s23+$0x10];
	_ =	sdelay $0x2  }
0x3e0: {  	v10 =	vmul.f32 $3.200000000e+01, v10;
	_ =	sdelay $0x1  }
0x3e1: {  	v10 =	vtrunc.f32 v10;
	v9 =	vmul.f32 $3.200000000e+01, v9  }
0x3e2: {  	vm0 =	vgt.s32 v11, $0x0;
	v12 =	vshll.u32 v12, $0x4;
	v10 =	vcvt.f32.s32 v10  }
0x3e3: {  	v11 =	vnsel vm0, $0x0, v11;
	v12 =	vor.u32 v3, v12;
	v9 =	vtrunc.f32 v9  }
0x3e4: {  	v11 =	vmin.u32 v11, $0x1F;
	vm9 =	vgt.s32 v10, $0x0;
	v9 =	vcvt.f32.s32 v9  }
0x3e5: {  	v11 =	vshll.u32 v11, $0x4;
	v10 =	vnsel vm9, $0x0, v10  }
0x3e6: {  	v13 =	vld [tilespmem:s23+$0x10050];
	v11 =	vor.u32 v3, v11;
	v10 =	vmin.u32 v10, $0x1F;
	vm10 =	vgt.s32 v9, $0x0  }
0x3e7: {  	v14 =	vld [tilespmem:s23+$0x8010];
	v10 =	vshll.u32 v10, $0x4;
	v9 =	vnsel vm10, $0x0, v9  }
0x3e8: {  	v15 =	vld [tilespmem:s23+$0x10010];
	v10 =	vor.u32 v3, v10;
	v9 =	vmin.u32 v9, $0x1F  }
0x3e9: {  	[tilespmem:v12+s18+$0x0] =	vst.idx.add.f32.msk $0xffff, v6;
	v9 =	vshll.u32 v9, $0x4  }
0x3ea: {  	[tilespmem:v12+s19+$0x0] =	vst.idx.add.f32.msk $0xffff, v5;
	v6 =	vor.u32 v3, v9  }
0x3eb: {  	[tilespmem:v11+s18+$0x0] =	vst.idx.add.f32.msk $0xffff, v7;
	v7 =	vsub.f32 v8, v13  }
0x3ec: {  	[tilespmem:v11+s19+$0x0] =	vst.idx.add.f32.msk $0xffff, v5  }
0x3ed: {  	v8 =	vsub.f32 v14, v15;
	[tilespmem:v10+s18+$0x0] =	vst.idx.add.f32.msk $0xffff, v7  }
0x3ee: {  	[tilespmem:v10+s19+$0x0] =	vst.idx.add.f32.msk $0xffff, v5  }
0x3ef: {  	[tilespmem:v6+s18+$0x0] =	vst.idx.add.f32.msk $0xffff, v8  }
0x3f0: {  	s24 =	simm.s32 $0x0;
	[tilespmem:v6+s19+$0x0] =	vst.idx.add.f32.msk $0xffff, v5  }
0x3f1: {  	[tilespmem:s24], [sflag:$0x1] =	stream.linear.gather [hbm4b:s1+s24], $0x4000, $0x38;
	[tilespmem:$0x19900] =	vst v63  }
0x3f2: {  	_ = 	snop  }
0x3f3: {  	[tilespmem:s10], [sflag:$0x1] =	stream.linear.gather [hbm4b:s2+s24], $0x4000, $0x38;
	[tilespmem:$0x19900] =	vst v63  }
0x3f4: {  	_ = 	snop  }
0x3f5: {  	[tilespmem:s11], [sflag:$0x1] =	stream.linear.gather [hbm4b:s3+s24], $0x4000, $0x38;
	[tilespmem:$0x19900] =	vst v63  }
0x3f6: {  	_ =	swait.ge [sflag:s20], $0x4000  }
0x3f7: {  	[sflag:s20] =	ssyncset.done $0x0  }
0x3f8: {  	[sflag:s20] =	ssyncadd.s32 $0xFFFFC000  }
0x3f9: {  	_ =	swait.ge [sflag:s20], $0x4000  }
0x3fa: {  	[sflag:s20] =	ssyncset.done $0x0  }
0x3fb: {  	s29 =	simm.s32 $0x0;
	s25 =	simm.s32 $0x0;
	[sflag:s20] =	ssyncadd.s32 $0xFFFFC000  }
0x3fc: {  	s23 =	sand.u32 $0x3000, s29;
	s26 =	sand.u32 $0xC00, s24;
	_ =	swait.ge [sflag:s20], $0x4000  }
0x3fd: {  	s25 =	sand.u32 $0x380, s25;
	s23 =	sor.u32 s26, s23;
	[sflag:s20] =	ssyncset.done $0x0  }
0x3fe: {  	s23 =	sor.u32 s25, s23;
	[sflag:s20] =	ssyncadd.s32 $0xFFFFC000  }
0x3ff: {  	v6 =	vld [tilespmem:s23+$0x4020];
	_ =	sdelay $0x2  }
0x400: {  	v7 =	vld [tilespmem:s23+$0x4060];
	_ =	sdelay $0x1  }
0x401: {  	v6 =	vmul.f32 $3.200000000e+01, v6;
	_ =	sdelay $0x1  }
0x402: {  	v6 =	vtrunc.f32 v6  }
0x403: {  	v7 =	vmul.f32 $3.200000000e+01, v7;
	v6 =	vcvt.f32.s32 v6  }
0x404: {  	v8 =	vld [tilespmem:s23+$0x4000]  }
0x405: {  	v9 =	vld [tilespmem:s23+$0x4040];
	v7 =	vtrunc.f32 v7;
	vm11 =	vgt.s32 v6, $0x0  }
0x406: {  	v10 =	vld [tilespmem:s23+$0x14020];
	v7 =	vcvt.f32.s32 v7;
	v6 =	vnsel vm11, $0x0, v6  }
0x407: {  	v11 =	vld [tilespmem:s23+$0xC020];
	v6 =	vmin.u32 v6, $0x1F  }
0x408: {  	v12 =	vld [tilespmem:s23+$0x14040];
	vm12 =	vgt.s32 v7, $0x0;
	v6 =	vshll.u32 v6, $0x4  }
0x409: {  	v13 =	vld [tilespmem:s23+$0xC060];
	v7 =	vnsel vm12, $0x0, v7;
	v6 =	vor.u32 v3, v6  }
0x40a: {  	v14 =	vld [tilespmem:s23+$0x14060];
	v9 =	vmul.f32 $3.200000000e+01, v9;
	v7 =	vmin.u32 v7, $0x1F  }
0x40b: {  	v15 =	vld [tilespmem:s23+$0xC040];
	v7 =	vshll.u32 v7, $0x4  }
0x40c: {  	v16 =	vld [tilespmem:s23+$0x14000];
	v10 =	vsub.f32 v11, v10;
	v9 =	vtrunc.f32 v9;
	v7 =	vor.u32 v3, v7  }
0x40d: {  	v8 =	vmul.f32 $3.200000000e+01, v8;
	v11 =	vld [tilespmem:s23+$0xC000];
	v9 =	vcvt.f32.s32 v9  }
0x40e: {  	[tilespmem:v6+s16+$0x0] =	vst.idx.add.f32.msk $0xffff, v10  }
0x40f: {  	v8 =	vtrunc.f32 v8;
	vm13 =	vgt.s32 v9, $0x0;
	[tilespmem:v6+s17+$0x0] =	vst.idx.add.f32.msk $0xffff, v5;
	v6 =	vsub.f32 v13, v14  }
0x410: {  	v8 =	vcvt.f32.s32 v8;
	v9 =	vnsel vm13, $0x0, v9;
	v10 =	vld [tilespmem:s23+$0x4030]  }
0x411: {  	v9 =	vmin.u32 v9, $0x1F;
	[tilespmem:v7+s16+$0x0] =	vst.idx.add.f32.msk $0xffff, v6  }
0x412: {  	vm14 =	vgt.s32 v8, $0x0;
	v6 =	vshll.u32 v9, $0x4;
	[tilespmem:v7+s17+$0x0] =	vst.idx.add.f32.msk $0xffff, v5  }
0x413: {  	v7 =	vnsel vm14, $0x0, v8;
	v6 =	vor.u32 v3, v6;
	v8 =	vld [tilespmem:s23+$0x4070]  }
0x414: {  	v13 =	vld [tilespmem:s23+$0xC030];
	v7 =	vmin.u32 v7, $0x1F  }
0x415: {  	v14 =	vld [tilespmem:s23+$0x14030];
	v7 =	vshll.u32 v7, $0x4;
	v10 =	vmul.f32 $3.200000000e+01, v10  }
0x416: {  	v12 =	vsub.f32 v15, v12;
	v15 =	vld [tilespmem:s23+$0x14070];
	v9 =	vor.u32 v3, v7  }
0x417: {  	v7 =	vld [tilespmem:s23+$0xC070];
	v10 =	vtrunc.f32 v10  }
0x418: {  	[tilespmem:v6+s16+$0x0] =	vst.idx.add.f32.msk $0xffff, v12;
	v17 =	vcvt.f32.s32 v10;
	v8 =	vmul.f32 $3.200000000e+01, v8  }
0x419: {  	v11 =	vsub.f32 v11, v16;
	[tilespmem:v6+s17+$0x0] =	vst.idx.add.f32.msk $0xffff, v5  }
0x41a: {  	v10 =	vld [tilespmem:s23+$0x4050];
	vm15 =	vgt.s32 v17, $0x0;
	v8 =	vtrunc.f32 v8  }
0x41b: {  	[tilespmem:v9+s16+$0x0] =	vst.idx.add.f32.msk $0xffff, v11;
	v12 =	vnsel vm15, $0x0, v17;
	v11 =	vcvt.f32.s32 v8  }
0x41c: {  	s25 =	simm.s32 $0x0;
	v6 =	vsub.f32 v13, v14;
	v7 =	vsub.f32 v7, v15;
	v8 =	vld [tilespmem:s23+$0xC050];
	v12 =	vmin.u32 v12, $0x1F  }
.LBB2_22:
0x41d: {  	s25 =	sadd.s32 $0x4, s25;
	v13 =	vld [tilespmem:s23+$0x14050];
	vm0 =	vgt.s32 v11, $0x0  }
0x41e: {  	s24 =	sadd.s32 $0x400, s24;
	s26 =	sshll.u32 s25, $0x5;
	s28 =	sshll.u32 s25, $0x3;
	[tilespmem:v9+s17+$0x0] =	vst.idx.add.f32.msk $0xffff, v5;
	v9 =	vshll.u32 v12, $0x4;
	v11 =	vnsel vm0, $0x0, v11  }
0x41f: {  	s29 =	sand.u32 $0xC00, s24;
	s26 =	sand.u32 $0x3000, s26;
	s28 =	sand.u32 $0x380, s28;
	v12 =	vld [tilespmem:s23+$0x4010];
	v9 =	vor.u32 v3, v9;
	v10 =	vmul.f32 $3.200000000e+01, v10;
	v11 =	vmin.u32 v11, $0x1F  }
0x420: {  	p0 =	slt.u32 s25, $0x1FC;
	s26 =	sor.u32 s29, s26;
	v14 =	vld [tilespmem:s23+$0xC010]  }
0x421: {  	v11 =	vshll.u32 v11, $0x4;
	v15 =	vld [tilespmem:s23+$0x14010];
	s23 =	sor.u32 s28, s26;
	v10 =	vtrunc.f32 v10  }
0x422: {  	v11 =	vor.u32 v3, v11;
	v16 =	vld [tilespmem:s23+$0x4000];
	v8 =	vsub.f32 v8, v13;
	v10 =	vcvt.f32.s32 v10  }
0x423: {  	v13 =	vld [tilespmem:s23+$0x4020]  }
0x424: {  	v12 =	vmul.f32 $3.200000000e+01, v12;
	[tilespmem:v9+s18+$0x0] =	vst.idx.add.f32.msk $0xffff, v6;
	vm0 =	vgt.s32 v10, $0x0  }
0x425: {  	v6 =	vld [tilespmem:s23+$0x4040];
	v10 =	vnsel vm0, $0x0, v10  }
0x426: {  	v17 =	vld [tilespmem:s23+$0x4060];
	v14 =	vsub.f32 v14, v15;
	v12 =	vtrunc.f32 v12;
	v10 =	vmin.u32 v10, $0x1F  }
0x427: {  	v15 =	vmul.f32 $3.200000000e+01, v16;
	v12 =	vcvt.f32.s32 v12;
	v10 =	vshll.u32 v10, $0x4;
	[tilespmem:v11+s18+$0x0] =	vst.idx.add.f32.msk $0xffff, v7  }
0x428: {  	v7 =	vmul.f32 $3.200000000e+01, v13;
	[tilespmem:v11+s19+$0x0] =	vst.idx.add.f32.msk $0xffff, v5  }
0x429: {  	v11 =	vtrunc.f32 v15;
	vm0 =	vgt.s32 v12, $0x0;
	[tilespmem:v9+s19+$0x0] =	vst.idx.add.f32.msk $0xffff, v5;
	v9 =	vor.u32 v3, v10  }
0x42a: {  	v7 =	vtrunc.f32 v7;
	v10 =	vld [tilespmem:s23+$0x14040];
	v6 =	vmul.f32 $3.200000000e+01, v6;
	v12 =	vnsel vm0, $0x0, v12  }
0x42b: {  	v7 =	vcvt.f32.s32 v7;
	v13 =	vld [tilespmem:s23+$0xC040];
	v15 =	vmul.f32 $3.200000000e+01, v17;
	v12 =	vmin.u32 v12, $0x1F  }
0x42c: {  	v11 =	vcvt.f32.s32 v11;
	v16 =	vld [tilespmem:s23+$0x14000];
	v6 =	vtrunc.f32 v6;
	v12 =	vshll.u32 v12, $0x4  }
0x42d: {  	v17 =	vld [tilespmem:s23+$0x14020];
	vm0 =	vgt.s32 v7, $0x0;
	v6 =	vcvt.f32.s32 v6;
	v15 =	vtrunc.f32 v15  }
0x42e: {  	v12 =	vor.u32 v3, v12;
	v18 =	vld [tilespmem:s23+$0xC000];
	v7 =	vnsel vm0, $0x0, v7;
	v15 =	vcvt.f32.s32 v15  }
0x42f: {  	vm0 =	vgt.s32 v11, $0x0;
	v19 =	vld [tilespmem:s23+$0xC020];
	v7 =	vmin.u32 v7, $0x1F;
	vm1 =	vgt.s32 v6, $0x0  }
0x430: {  	v7 =	vshll.u32 v7, $0x4;
	v6 =	vnsel vm1, $0x0, v6;
	vm1 =	vgt.s32 v15, $0x0;
	[tilespmem:v9+s18+$0x0] =	vst.idx.add.f32.msk $0xffff, v8  }
0x431: {  	v7 =	vor.u32 v3, v7;
	v6 =	vmin.u32 v6, $0x1F;
	v8 =	vld [tilespmem:s23+$0xC060];
	v15 =	vnsel vm1, $0x0, v15  }
0x432: {  	v11 =	vnsel vm0, $0x0, v11;
	v20 =	vld [tilespmem:s23+$0x14060];
	v15 =	vmin.u32 v15, $0x1F  }
0x433: {  	v11 =	vmin.u32 v11, $0x1F;
	v16 =	vsub.f32 v18, v16;
	v15 =	vshll.u32 v15, $0x4;
	[tilespmem:v12+s18+$0x0] =	vst.idx.add.f32.msk $0xffff, v14  }
0x434: {  	v11 =	vshll.u32 v11, $0x4;
	v14 =	vsub.f32 v19, v17;
	v15 =	vor.u32 v3, v15;
	[tilespmem:v12+s19+$0x0] =	vst.idx.add.f32.msk $0xffff, v5  }
0x435: {  	[tilespmem:v9+s19+$0x0] =	vst.idx.add.f32.msk $0xffff, v5  }
0x436: {  	[tilespmem:v7+s16+$0x0] =	vst.idx.add.f32.msk $0xffff, v14  }
0x437: {  	[tilespmem:v7+s17+$0x0] =	vst.idx.add.f32.msk $0xffff, v5;
	v7 =	vsub.f32 v8, v20  }
0x438: {  	v8 =	vld [tilespmem:s23+$0x4030]  }
0x439: {  	v10 =	vsub.f32 v13, v10;
	[tilespmem:v15+s16+$0x0] =	vst.idx.add.f32.msk $0xffff, v7  }
0x43a: {  	v6 =	vshll.u32 v6, $0x4;
	[tilespmem:v15+s17+$0x0] =	vst.idx.add.f32.msk $0xffff, v5  }
0x43b: {  	v6 =	vor.u32 v3, v6;
	v7 =	vld [tilespmem:s23+$0x4070]  }
0x43c: {  	v12 =	vld [tilespmem:s23+$0xC030]  }
0x43d: {  	v13 =	vld [tilespmem:s23+$0x14030];
	v8 =	vmul.f32 $3.200000000e+01, v8  }
0x43e: {  	v9 =	vor.u32 v3, v11;
	v14 =	vld [tilespmem:s23+$0xC070]  }
0x43f: {  	v8 =	vtrunc.f32 v8;
	v15 =	vld [tilespmem:s23+$0x14070]  }
.Ltmp10:
0x440: {  	v8 =	vcvt.f32.s32 v8;
	[tilespmem:v6+s16+$0x0] =	vst.idx.add.f32.msk $0xffff, v10;
	v7 =	vmul.f32 $3.200000000e+01, v7;
	(pc) =	sbr.rel @p0 .LBB2_22-.Ltmp10, $4  }
0x441: {  	[tilespmem:v6+s17+$0x0] =	vst.idx.add.f32.msk $0xffff, v5  }
0x442: {  	v6 =	vsub.f32 v12, v13;
	vm0 =	vgt.s32 v8, $0x0;
	v10 =	vld [tilespmem:s23+$0x4050];
	v7 =	vtrunc.f32 v7  }
0x443: {  	[tilespmem:v9+s16+$0x0] =	vst.idx.add.f32.msk $0xffff, v16;
	v8 =	vnsel vm0, $0x0, v8;
	v11 =	vcvt.f32.s32 v7  }
0x444: {  	v12 =	vmin.u32 v8, $0x1F;
	v8 =	vld [tilespmem:s23+$0xC050];
	v7 =	vsub.f32 v14, v15  }
0x445: {  	_ =	sdelay $0x3  }
0x446: {  	[tilespmem:v9+s17+$0x0] =	vst.idx.add.f32.msk $0xffff, v5  }
0x447: {  	v9 =	vld [tilespmem:s23+$0x4010];
	_ =	sdelay $0x2  }
0x448: {  	v10 =	vmul.f32 $3.200000000e+01, v10;
	_ =	sdelay $0x1  }
0x449: {  	v10 =	vtrunc.f32 v10;
	v9 =	vmul.f32 $3.200000000e+01, v9  }
0x44a: {  	vm0 =	vgt.s32 v11, $0x0;
	v12 =	vshll.u32 v12, $0x4;
	v10 =	vcvt.f32.s32 v10  }
0x44b: {  	v11 =	vnsel vm0, $0x0, v11;
	v12 =	vor.u32 v3, v12;
	v9 =	vtrunc.f32 v9  }
0x44c: {  	v11 =	vmin.u32 v11, $0x1F;
	vm9 =	vgt.s32 v10, $0x0;
	v9 =	vcvt.f32.s32 v9  }
0x44d: {  	v11 =	vshll.u32 v11, $0x4;
	v10 =	vnsel vm9, $0x0, v10  }
0x44e: {  	v13 =	vld [tilespmem:s23+$0x14050];
	v11 =	vor.u32 v3, v11;
	v10 =	vmin.u32 v10, $0x1F;
	vm10 =	vgt.s32 v9, $0x0  }
0x44f: {  	v14 =	vld [tilespmem:s23+$0xC010];
	v10 =	vshll.u32 v10, $0x4;
	v9 =	vnsel vm10, $0x0, v9  }
0x450: {  	v15 =	vld [tilespmem:s23+$0x14010];
	v10 =	vor.u32 v3, v10;
	v9 =	vmin.u32 v9, $0x1F  }
0x451: {  	[tilespmem:v12+s18+$0x0] =	vst.idx.add.f32.msk $0xffff, v6;
	v9 =	vshll.u32 v9, $0x4  }
0x452: {  	[tilespmem:v12+s19+$0x0] =	vst.idx.add.f32.msk $0xffff, v5;
	v6 =	vor.u32 v3, v9  }
0x453: {  	[tilespmem:v11+s18+$0x0] =	vst.idx.add.f32.msk $0xffff, v7;
	v7 =	vsub.f32 v8, v13  }
0x454: {  	[tilespmem:v11+s19+$0x0] =	vst.idx.add.f32.msk $0xffff, v5  }
0x455: {  	v8 =	vsub.f32 v14, v15;
	[tilespmem:v10+s18+$0x0] =	vst.idx.add.f32.msk $0xffff, v7  }
0x456: {  	[tilespmem:v10+s19+$0x0] =	vst.idx.add.f32.msk $0xffff, v5  }
0x457: {  	[tilespmem:v6+s18+$0x0] =	vst.idx.add.f32.msk $0xffff, v8  }
0x458: {  	s24 =	simm.s32 $0x0;
	[tilespmem:v6+s19+$0x0] =	vst.idx.add.f32.msk $0xffff, v5  }
0x459: {  	[tilespmem:s12], [sflag:$0x2] =	stream.linear.gather [hbm4b:s4+s24], $0x4000, $0x38;
	[tilespmem:$0x19900] =	vst v63  }
0x45a: {  	_ = 	snop  }
0x45b: {  	[tilespmem:s13], [sflag:$0x2] =	stream.linear.gather [hbm4b:s5+s24], $0x4000, $0x38;
	[tilespmem:$0x19900] =	vst v63  }
0x45c: {  	_ = 	snop  }
0x45d: {  	[tilespmem:s14], [sflag:$0x2] =	stream.linear.gather [hbm4b:s6+s24], $0x4000, $0x38;
	[tilespmem:$0x19900] =	vst v63  }
0x45e: {  	_ =	swait.ge [sflag:s15], $0x4000  }
0x45f: {  	[sflag:s15] =	ssyncset.done $0x0  }
0x460: {  	[sflag:s15] =	ssyncadd.s32 $0xFFFFC000  }
0x461: {  	_ =	swait.ge [sflag:s15], $0x4000  }
0x462: {  	[sflag:s15] =	ssyncset.done $0x0  }
0x463: {  	s29 =	simm.s32 $0x0;
	s25 =	simm.s32 $0x0;
	[sflag:s15] =	ssyncadd.s32 $0xFFFFC000  }
0x464: {  	s23 =	sand.u32 $0x3000, s29;
	s26 =	sand.u32 $0xC00, s24;
	_ =	swait.ge [sflag:s15], $0x4000  }
0x465: {  	s25 =	sand.u32 $0x380, s25;
	s23 =	sor.u32 s26, s23;
	[sflag:s15] =	ssyncset.done $0x0  }
0x466: {  	s23 =	sor.u32 s25, s23;
	[sflag:s15] =	ssyncadd.s32 $0xFFFFC000  }
0x467: {  	v6 =	vld [tilespmem:s23+$0x20];
	_ =	sdelay $0x2  }
0x468: {  	v7 =	vld [tilespmem:s23+$0x60];
	_ =	sdelay $0x1  }
0x469: {  	v6 =	vmul.f32 $3.200000000e+01, v6;
	_ =	sdelay $0x1  }
0x46a: {  	v6 =	vtrunc.f32 v6  }
0x46b: {  	v7 =	vmul.f32 $3.200000000e+01, v7;
	v6 =	vcvt.f32.s32 v6  }
0x46c: {  	v8 =	vld [tilespmem:s23+$0x0]  }
0x46d: {  	v9 =	vld [tilespmem:s23+$0x40];
	v7 =	vtrunc.f32 v7;
	vm11 =	vgt.s32 v6, $0x0  }
0x46e: {  	v10 =	vld [tilespmem:s23+$0x10020];
	v7 =	vcvt.f32.s32 v7;
	v6 =	vnsel vm11, $0x0, v6  }
0x46f: {  	v11 =	vld [tilespmem:s23+$0x8020];
	v6 =	vmin.u32 v6, $0x1F  }
0x470: {  	v12 =	vld [tilespmem:s23+$0x10040];
	vm12 =	vgt.s32 v7, $0x0;
	v6 =	vshll.u32 v6, $0x4  }
0x471: {  	v13 =	vld [tilespmem:s23+$0x8060];
	v7 =	vnsel vm12, $0x0, v7;
	v6 =	vor.u32 v3, v6  }
0x472: {  	v14 =	vld [tilespmem:s23+$0x10060];
	v9 =	vmul.f32 $3.200000000e+01, v9;
	v7 =	vmin.u32 v7, $0x1F  }
0x473: {  	v15 =	vld [tilespmem:s23+$0x8040];
	v7 =	vshll.u32 v7, $0x4  }
0x474: {  	v16 =	vld [tilespmem:s23+$0x10000];
	v10 =	vsub.f32 v11, v10;
	v9 =	vtrunc.f32 v9;
	v7 =	vor.u32 v3, v7  }
0x475: {  	v8 =	vmul.f32 $3.200000000e+01, v8;
	v11 =	vld [tilespmem:s23+$0x8000];
	v9 =	vcvt.f32.s32 v9  }
0x476: {  	[tilespmem:v6+s16+$0x0] =	vst.idx.add.f32.msk $0xffff, v10  }
0x477: {  	v8 =	vtrunc.f32 v8;
	vm13 =	vgt.s32 v9, $0x0;
	[tilespmem:v6+s17+$0x0] =	vst.idx.add.f32.msk $0xffff, v5;
	v6 =	vsub.f32 v13, v14  }
0x478: {  	v8 =	vcvt.f32.s32 v8;
	v9 =	vnsel vm13, $0x0, v9;
	v10 =	vld [tilespmem:s23+$0x30]  }
0x479: {  	v9 =	vmin.u32 v9, $0x1F;
	[tilespmem:v7+s16+$0x0] =	vst.idx.add.f32.msk $0xffff, v6  }
0x47a: {  	vm14 =	vgt.s32 v8, $0x0;
	v6 =	vshll.u32 v9, $0x4;
	[tilespmem:v7+s17+$0x0] =	vst.idx.add.f32.msk $0xffff, v5  }
0x47b: {  	v7 =	vnsel vm14, $0x0, v8;
	v6 =	vor.u32 v3, v6;
	v8 =	vld [tilespmem:s23+$0x70]  }
0x47c: {  	v13 =	vld [tilespmem:s23+$0x8030];
	v7 =	vmin.u32 v7, $0x1F  }
0x47d: {  	v14 =	vld [tilespmem:s23+$0x10030];
	v7 =	vshll.u32 v7, $0x4;
	v10 =	vmul.f32 $3.200000000e+01, v10  }
0x47e: {  	v12 =	vsub.f32 v15, v12;
	v15 =	vld [tilespmem:s23+$0x10070];
	v9 =	vor.u32 v3, v7  }
0x47f: {  	v7 =	vld [tilespmem:s23+$0x8070];
	v10 =	vtrunc.f32 v10  }
0x480: {  	[tilespmem:v6+s16+$0x0] =	vst.idx.add.f32.msk $0xffff, v12;
	v17 =	vcvt.f32.s32 v10;
	v8 =	vmul.f32 $3.200000000e+01, v8  }
0x481: {  	v11 =	vsub.f32 v11, v16;
	[tilespmem:v6+s17+$0x0] =	vst.idx.add.f32.msk $0xffff, v5  }
0x482: {  	v10 =	vld [tilespmem:s23+$0x50];
	vm15 =	vgt.s32 v17, $0x0;
	v8 =	vtrunc.f32 v8  }
0x483: {  	[tilespmem:v9+s16+$0x0] =	vst.idx.add.f32.msk $0xffff, v11;
	v12 =	vnsel vm15, $0x0, v17;
	v11 =	vcvt.f32.s32 v8  }
0x484: {  	s25 =	simm.s32 $0x0;
	v6 =	vsub.f32 v13, v14;
	v7 =	vsub.f32 v7, v15;
	v8 =	vld [tilespmem:s23+$0x8050];
	v12 =	vmin.u32 v12, $0x1F  }
.LBB2_24:
0x485: {  	s25 =	sadd.s32 $0x4, s25;
	v13 =	vld [tilespmem:s23+$0x10050];
	vm0 =	vgt.s32 v11, $0x0  }
0x486: {  	s24 =	sadd.s32 $0x400, s24;
	s26 =	sshll.u32 s25, $0x5;
	s28 =	sshll.u32 s25, $0x3;
	[tilespmem:v9+s17+$0x0] =	vst.idx.add.f32.msk $0xffff, v5;
	v9 =	vshll.u32 v12, $0x4;
	v11 =	vnsel vm0, $0x0, v11  }
0x487: {  	s29 =	sand.u32 $0xC00, s24;
	s26 =	sand.u32 $0x3000, s26;
	s28 =	sand.u32 $0x380, s28;
	v12 =	vld [tilespmem:s23+$0x10];
	v9 =	vor.u32 v3, v9;
	v10 =	vmul.f32 $3.200000000e+01, v10;
	v11 =	vmin.u32 v11, $0x1F  }
0x488: {  	p0 =	slt.u32 s25, $0x1FC;
	s26 =	sor.u32 s29, s26;
	v14 =	vld [tilespmem:s23+$0x8010]  }
0x489: {  	v11 =	vshll.u32 v11, $0x4;
	v15 =	vld [tilespmem:s23+$0x10010];
	s23 =	sor.u32 s28, s26;
	v10 =	vtrunc.f32 v10  }
0x48a: {  	v11 =	vor.u32 v3, v11;
	v16 =	vld [tilespmem:s23+$0x0];
	v8 =	vsub.f32 v8, v13;
	v10 =	vcvt.f32.s32 v10  }
0x48b: {  	v13 =	vld [tilespmem:s23+$0x20]  }
0x48c: {  	v12 =	vmul.f32 $3.200000000e+01, v12;
	[tilespmem:v9+s18+$0x0] =	vst.idx.add.f32.msk $0xffff, v6;
	vm0 =	vgt.s32 v10, $0x0  }
0x48d: {  	v6 =	vld [tilespmem:s23+$0x40];
	v10 =	vnsel vm0, $0x0, v10  }
0x48e: {  	v17 =	vld [tilespmem:s23+$0x60];
	v14 =	vsub.f32 v14, v15;
	v12 =	vtrunc.f32 v12;
	v10 =	vmin.u32 v10, $0x1F  }
0x48f: {  	v15 =	vmul.f32 $3.200000000e+01, v16;
	v12 =	vcvt.f32.s32 v12;
	v10 =	vshll.u32 v10, $0x4;
	[tilespmem:v11+s18+$0x0] =	vst.idx.add.f32.msk $0xffff, v7  }
0x490: {  	v7 =	vmul.f32 $3.200000000e+01, v13;
	[tilespmem:v11+s19+$0x0] =	vst.idx.add.f32.msk $0xffff, v5  }
0x491: {  	v11 =	vtrunc.f32 v15;
	vm0 =	vgt.s32 v12, $0x0;
	[tilespmem:v9+s19+$0x0] =	vst.idx.add.f32.msk $0xffff, v5;
	v9 =	vor.u32 v3, v10  }
0x492: {  	v7 =	vtrunc.f32 v7;
	v10 =	vld [tilespmem:s23+$0x10040];
	v6 =	vmul.f32 $3.200000000e+01, v6;
	v12 =	vnsel vm0, $0x0, v12  }
0x493: {  	v7 =	vcvt.f32.s32 v7;
	v13 =	vld [tilespmem:s23+$0x8040];
	v15 =	vmul.f32 $3.200000000e+01, v17;
	v12 =	vmin.u32 v12, $0x1F  }
0x494: {  	v11 =	vcvt.f32.s32 v11;
	v16 =	vld [tilespmem:s23+$0x10000];
	v6 =	vtrunc.f32 v6;
	v12 =	vshll.u32 v12, $0x4  }
0x495: {  	v17 =	vld [tilespmem:s23+$0x10020];
	vm0 =	vgt.s32 v7, $0x0;
	v6 =	vcvt.f32.s32 v6;
	v15 =	vtrunc.f32 v15  }
0x496: {  	v12 =	vor.u32 v3, v12;
	v18 =	vld [tilespmem:s23+$0x8000];
	v7 =	vnsel vm0, $0x0, v7;
	v15 =	vcvt.f32.s32 v15  }
0x497: {  	vm0 =	vgt.s32 v11, $0x0;
	v19 =	vld [tilespmem:s23+$0x8020];
	v7 =	vmin.u32 v7, $0x1F;
	vm1 =	vgt.s32 v6, $0x0  }
0x498: {  	v7 =	vshll.u32 v7, $0x4;
	v6 =	vnsel vm1, $0x0, v6;
	vm1 =	vgt.s32 v15, $0x0;
	[tilespmem:v9+s18+$0x0] =	vst.idx.add.f32.msk $0xffff, v8  }
0x499: {  	v7 =	vor.u32 v3, v7;
	v6 =	vmin.u32 v6, $0x1F;
	v8 =	vld [tilespmem:s23+$0x8060];
	v15 =	vnsel vm1, $0x0, v15  }
0x49a: {  	v11 =	vnsel vm0, $0x0, v11;
	v20 =	vld [tilespmem:s23+$0x10060];
	v15 =	vmin.u32 v15, $0x1F  }
0x49b: {  	v11 =	vmin.u32 v11, $0x1F;
	v16 =	vsub.f32 v18, v16;
	v15 =	vshll.u32 v15, $0x4;
	[tilespmem:v12+s18+$0x0] =	vst.idx.add.f32.msk $0xffff, v14  }
0x49c: {  	v11 =	vshll.u32 v11, $0x4;
	v14 =	vsub.f32 v19, v17;
	v15 =	vor.u32 v3, v15;
	[tilespmem:v12+s19+$0x0] =	vst.idx.add.f32.msk $0xffff, v5  }
0x49d: {  	[tilespmem:v9+s19+$0x0] =	vst.idx.add.f32.msk $0xffff, v5  }
0x49e: {  	[tilespmem:v7+s16+$0x0] =	vst.idx.add.f32.msk $0xffff, v14  }
0x49f: {  	[tilespmem:v7+s17+$0x0] =	vst.idx.add.f32.msk $0xffff, v5;
	v7 =	vsub.f32 v8, v20  }
0x4a0: {  	v8 =	vld [tilespmem:s23+$0x30]  }
0x4a1: {  	v10 =	vsub.f32 v13, v10;
	[tilespmem:v15+s16+$0x0] =	vst.idx.add.f32.msk $0xffff, v7  }
0x4a2: {  	v6 =	vshll.u32 v6, $0x4;
	[tilespmem:v15+s17+$0x0] =	vst.idx.add.f32.msk $0xffff, v5  }
0x4a3: {  	v6 =	vor.u32 v3, v6;
	v7 =	vld [tilespmem:s23+$0x70]  }
0x4a4: {  	v12 =	vld [tilespmem:s23+$0x8030]  }
0x4a5: {  	v13 =	vld [tilespmem:s23+$0x10030];
	v8 =	vmul.f32 $3.200000000e+01, v8  }
0x4a6: {  	v9 =	vor.u32 v3, v11;
	v14 =	vld [tilespmem:s23+$0x8070]  }
0x4a7: {  	v8 =	vtrunc.f32 v8;
	v15 =	vld [tilespmem:s23+$0x10070]  }
.Ltmp11:
0x4a8: {  	v8 =	vcvt.f32.s32 v8;
	[tilespmem:v6+s16+$0x0] =	vst.idx.add.f32.msk $0xffff, v10;
	v7 =	vmul.f32 $3.200000000e+01, v7;
	(pc) =	sbr.rel @p0 .LBB2_24-.Ltmp11, $4  }
0x4a9: {  	[tilespmem:v6+s17+$0x0] =	vst.idx.add.f32.msk $0xffff, v5  }
0x4aa: {  	v6 =	vsub.f32 v12, v13;
	vm0 =	vgt.s32 v8, $0x0;
	v10 =	vld [tilespmem:s23+$0x50];
	v7 =	vtrunc.f32 v7  }
0x4ab: {  	[tilespmem:v9+s16+$0x0] =	vst.idx.add.f32.msk $0xffff, v16;
	v8 =	vnsel vm0, $0x0, v8;
	v11 =	vcvt.f32.s32 v7  }
0x4ac: {  	v12 =	vmin.u32 v8, $0x1F;
	v8 =	vld [tilespmem:s23+$0x8050];
	v7 =	vsub.f32 v14, v15  }
0x4ad: {  	_ =	sdelay $0x3  }
0x4ae: {  	[tilespmem:v9+s17+$0x0] =	vst.idx.add.f32.msk $0xffff, v5  }
0x4af: {  	v9 =	vld [tilespmem:s23+$0x10];
	_ =	sdelay $0x2  }
0x4b0: {  	v10 =	vmul.f32 $3.200000000e+01, v10;
	_ =	sdelay $0x1  }
0x4b1: {  	v10 =	vtrunc.f32 v10;
	v9 =	vmul.f32 $3.200000000e+01, v9  }
0x4b2: {  	vm0 =	vgt.s32 v11, $0x0;
	v12 =	vshll.u32 v12, $0x4;
	v10 =	vcvt.f32.s32 v10  }
0x4b3: {  	v11 =	vnsel vm0, $0x0, v11;
	v12 =	vor.u32 v3, v12;
	v9 =	vtrunc.f32 v9  }
0x4b4: {  	v11 =	vmin.u32 v11, $0x1F;
	vm9 =	vgt.s32 v10, $0x0;
	v9 =	vcvt.f32.s32 v9  }
0x4b5: {  	v11 =	vshll.u32 v11, $0x4;
	v10 =	vnsel vm9, $0x0, v10  }
0x4b6: {  	v13 =	vld [tilespmem:s23+$0x10050];
	v11 =	vor.u32 v3, v11;
	v10 =	vmin.u32 v10, $0x1F;
	vm10 =	vgt.s32 v9, $0x0  }
0x4b7: {  	v14 =	vld [tilespmem:s23+$0x8010];
	v10 =	vshll.u32 v10, $0x4;
	v9 =	vnsel vm10, $0x0, v9  }
0x4b8: {  	v15 =	vld [tilespmem:s23+$0x10010];
	v10 =	vor.u32 v3, v10;
	v9 =	vmin.u32 v9, $0x1F  }
0x4b9: {  	[tilespmem:v12+s18+$0x0] =	vst.idx.add.f32.msk $0xffff, v6;
	v9 =	vshll.u32 v9, $0x4  }
0x4ba: {  	[tilespmem:v12+s19+$0x0] =	vst.idx.add.f32.msk $0xffff, v5;
	v6 =	vor.u32 v3, v9  }
0x4bb: {  	[tilespmem:v11+s18+$0x0] =	vst.idx.add.f32.msk $0xffff, v7;
	v7 =	vsub.f32 v8, v13  }
0x4bc: {  	[tilespmem:v11+s19+$0x0] =	vst.idx.add.f32.msk $0xffff, v5  }
0x4bd: {  	v8 =	vsub.f32 v14, v15;
	[tilespmem:v10+s18+$0x0] =	vst.idx.add.f32.msk $0xffff, v7  }
0x4be: {  	[tilespmem:v10+s19+$0x0] =	vst.idx.add.f32.msk $0xffff, v5  }
0x4bf: {  	[tilespmem:v6+s18+$0x0] =	vst.idx.add.f32.msk $0xffff, v8  }
0x4c0: {  	[tilespmem:v6+s19+$0x0] =	vst.idx.add.f32.msk $0xffff, v5  }
0x4c1: {  	_ =	swait.ge [sflag:s20], $0x4000  }
0x4c2: {  	[sflag:s20] =	ssyncset.done $0x0  }
0x4c3: {  	[sflag:s20] =	ssyncadd.s32 $0xFFFFC000  }
0x4c4: {  	_ =	swait.ge [sflag:s20], $0x4000  }
0x4c5: {  	s24 =	simm.s32 $0x0;
	[sflag:s20] =	ssyncset.done $0x0  }
0x4c6: {  	s29 =	simm.s32 $0x0;
	s25 =	simm.s32 $0x0;
	[sflag:s20] =	ssyncadd.s32 $0xFFFFC000  }
0x4c7: {  	s23 =	sand.u32 $0x3000, s29;
	s26 =	sand.u32 $0xC00, s24;
	_ =	swait.ge [sflag:s20], $0x4000  }
0x4c8: {  	s25 =	sand.u32 $0x380, s25;
	s23 =	sor.u32 s26, s23;
	[sflag:s20] =	ssyncset.done $0x0  }
0x4c9: {  	s23 =	sor.u32 s25, s23;
	[sflag:s20] =	ssyncadd.s32 $0xFFFFC000  }
0x4ca: {  	v6 =	vld [tilespmem:s23+$0x4020];
	_ =	sdelay $0x2  }
0x4cb: {  	v7 =	vld [tilespmem:s23+$0x4060];
	_ =	sdelay $0x1  }
0x4cc: {  	v6 =	vmul.f32 $3.200000000e+01, v6;
	_ =	sdelay $0x1  }
0x4cd: {  	v6 =	vtrunc.f32 v6  }
0x4ce: {  	v7 =	vmul.f32 $3.200000000e+01, v7;
	v6 =	vcvt.f32.s32 v6  }
0x4cf: {  	v8 =	vld [tilespmem:s23+$0x4000]  }
0x4d0: {  	v9 =	vld [tilespmem:s23+$0x4040];
	v7 =	vtrunc.f32 v7;
	vm11 =	vgt.s32 v6, $0x0  }
0x4d1: {  	v10 =	vld [tilespmem:s23+$0x14020];
	v7 =	vcvt.f32.s32 v7;
	v6 =	vnsel vm11, $0x0, v6  }
0x4d2: {  	v11 =	vld [tilespmem:s23+$0xC020];
	v6 =	vmin.u32 v6, $0x1F  }
0x4d3: {  	v12 =	vld [tilespmem:s23+$0x14040];
	vm12 =	vgt.s32 v7, $0x0;
	v6 =	vshll.u32 v6, $0x4  }
0x4d4: {  	v13 =	vld [tilespmem:s23+$0xC060];
	v7 =	vnsel vm12, $0x0, v7;
	v6 =	vor.u32 v3, v6  }
0x4d5: {  	v14 =	vld [tilespmem:s23+$0x14060];
	v9 =	vmul.f32 $3.200000000e+01, v9;
	v7 =	vmin.u32 v7, $0x1F  }
0x4d6: {  	v15 =	vld [tilespmem:s23+$0xC040];
	v7 =	vshll.u32 v7, $0x4  }
0x4d7: {  	v16 =	vld [tilespmem:s23+$0x14000];
	v10 =	vsub.f32 v11, v10;
	v9 =	vtrunc.f32 v9;
	v7 =	vor.u32 v3, v7  }
0x4d8: {  	v8 =	vmul.f32 $3.200000000e+01, v8;
	v11 =	vld [tilespmem:s23+$0xC000];
	v9 =	vcvt.f32.s32 v9  }
0x4d9: {  	[tilespmem:v6+s16+$0x0] =	vst.idx.add.f32.msk $0xffff, v10  }
0x4da: {  	v8 =	vtrunc.f32 v8;
	vm13 =	vgt.s32 v9, $0x0;
	[tilespmem:v6+s17+$0x0] =	vst.idx.add.f32.msk $0xffff, v5;
	v6 =	vsub.f32 v13, v14  }
0x4db: {  	v8 =	vcvt.f32.s32 v8;
	v9 =	vnsel vm13, $0x0, v9;
	v10 =	vld [tilespmem:s23+$0x4030]  }
0x4dc: {  	v9 =	vmin.u32 v9, $0x1F;
	[tilespmem:v7+s16+$0x0] =	vst.idx.add.f32.msk $0xffff, v6  }
0x4dd: {  	vm14 =	vgt.s32 v8, $0x0;
	v6 =	vshll.u32 v9, $0x4;
	[tilespmem:v7+s17+$0x0] =	vst.idx.add.f32.msk $0xffff, v5  }
0x4de: {  	v7 =	vnsel vm14, $0x0, v8;
	v6 =	vor.u32 v3, v6;
	v8 =	vld [tilespmem:s23+$0x4070]  }
0x4df: {  	v13 =	vld [tilespmem:s23+$0xC030];
	v7 =	vmin.u32 v7, $0x1F  }
0x4e0: {  	v14 =	vld [tilespmem:s23+$0x14030];
	v7 =	vshll.u32 v7, $0x4;
	v10 =	vmul.f32 $3.200000000e+01, v10  }
0x4e1: {  	v12 =	vsub.f32 v15, v12;
	v15 =	vld [tilespmem:s23+$0x14070];
	v9 =	vor.u32 v3, v7  }
0x4e2: {  	v7 =	vld [tilespmem:s23+$0xC070];
	v10 =	vtrunc.f32 v10  }
0x4e3: {  	[tilespmem:v6+s16+$0x0] =	vst.idx.add.f32.msk $0xffff, v12;
	v17 =	vcvt.f32.s32 v10;
	v8 =	vmul.f32 $3.200000000e+01, v8  }
0x4e4: {  	v11 =	vsub.f32 v11, v16;
	[tilespmem:v6+s17+$0x0] =	vst.idx.add.f32.msk $0xffff, v5  }
0x4e5: {  	v10 =	vld [tilespmem:s23+$0x4050];
	vm15 =	vgt.s32 v17, $0x0;
	v8 =	vtrunc.f32 v8  }
0x4e6: {  	[tilespmem:v9+s16+$0x0] =	vst.idx.add.f32.msk $0xffff, v11;
	v12 =	vnsel vm15, $0x0, v17;
	v11 =	vcvt.f32.s32 v8  }
0x4e7: {  	s25 =	simm.s32 $0x0;
	v6 =	vsub.f32 v13, v14;
	v7 =	vsub.f32 v7, v15;
	v8 =	vld [tilespmem:s23+$0xC050];
	v12 =	vmin.u32 v12, $0x1F  }
.LBB2_26:
0x4e8: {  	s25 =	sadd.s32 $0x4, s25;
	v13 =	vld [tilespmem:s23+$0x14050];
	vm0 =	vgt.s32 v11, $0x0  }
0x4e9: {  	s24 =	sadd.s32 $0x400, s24;
	s26 =	sshll.u32 s25, $0x5;
	s28 =	sshll.u32 s25, $0x3;
	[tilespmem:v9+s17+$0x0] =	vst.idx.add.f32.msk $0xffff, v5;
	v9 =	vshll.u32 v12, $0x4;
	v11 =	vnsel vm0, $0x0, v11  }
0x4ea: {  	s29 =	sand.u32 $0xC00, s24;
	s26 =	sand.u32 $0x3000, s26;
	s28 =	sand.u32 $0x380, s28;
	v12 =	vld [tilespmem:s23+$0x4010];
	v9 =	vor.u32 v3, v9;
	v10 =	vmul.f32 $3.200000000e+01, v10;
	v11 =	vmin.u32 v11, $0x1F  }
0x4eb: {  	p0 =	slt.u32 s25, $0x1FC;
	s26 =	sor.u32 s29, s26;
	v14 =	vld [tilespmem:s23+$0xC010]  }
0x4ec: {  	v11 =	vshll.u32 v11, $0x4;
	v15 =	vld [tilespmem:s23+$0x14010];
	s23 =	sor.u32 s28, s26;
	v10 =	vtrunc.f32 v10  }
0x4ed: {  	v11 =	vor.u32 v3, v11;
	v16 =	vld [tilespmem:s23+$0x4000];
	v8 =	vsub.f32 v8, v13;
	v10 =	vcvt.f32.s32 v10  }
0x4ee: {  	v13 =	vld [tilespmem:s23+$0x4020]  }
0x4ef: {  	v12 =	vmul.f32 $3.200000000e+01, v12;
	[tilespmem:v9+s18+$0x0] =	vst.idx.add.f32.msk $0xffff, v6;
	vm0 =	vgt.s32 v10, $0x0  }
0x4f0: {  	v6 =	vld [tilespmem:s23+$0x4040];
	v10 =	vnsel vm0, $0x0, v10  }
0x4f1: {  	v17 =	vld [tilespmem:s23+$0x4060];
	v14 =	vsub.f32 v14, v15;
	v12 =	vtrunc.f32 v12;
	v10 =	vmin.u32 v10, $0x1F  }
0x4f2: {  	v15 =	vmul.f32 $3.200000000e+01, v16;
	v12 =	vcvt.f32.s32 v12;
	v10 =	vshll.u32 v10, $0x4;
	[tilespmem:v11+s18+$0x0] =	vst.idx.add.f32.msk $0xffff, v7  }
0x4f3: {  	v7 =	vmul.f32 $3.200000000e+01, v13;
	[tilespmem:v11+s19+$0x0] =	vst.idx.add.f32.msk $0xffff, v5  }
0x4f4: {  	v11 =	vtrunc.f32 v15;
	vm0 =	vgt.s32 v12, $0x0;
	[tilespmem:v9+s19+$0x0] =	vst.idx.add.f32.msk $0xffff, v5;
	v9 =	vor.u32 v3, v10  }
0x4f5: {  	v7 =	vtrunc.f32 v7;
	v10 =	vld [tilespmem:s23+$0x14040];
	v6 =	vmul.f32 $3.200000000e+01, v6;
	v12 =	vnsel vm0, $0x0, v12  }
0x4f6: {  	v7 =	vcvt.f32.s32 v7;
	v13 =	vld [tilespmem:s23+$0xC040];
	v15 =	vmul.f32 $3.200000000e+01, v17;
	v12 =	vmin.u32 v12, $0x1F  }
0x4f7: {  	v11 =	vcvt.f32.s32 v11;
	v16 =	vld [tilespmem:s23+$0x14000];
	v6 =	vtrunc.f32 v6;
	v12 =	vshll.u32 v12, $0x4  }
0x4f8: {  	v17 =	vld [tilespmem:s23+$0x14020];
	vm0 =	vgt.s32 v7, $0x0;
	v6 =	vcvt.f32.s32 v6;
	v15 =	vtrunc.f32 v15  }
0x4f9: {  	v12 =	vor.u32 v3, v12;
	v18 =	vld [tilespmem:s23+$0xC000];
	v7 =	vnsel vm0, $0x0, v7;
	v15 =	vcvt.f32.s32 v15  }
0x4fa: {  	vm0 =	vgt.s32 v11, $0x0;
	v19 =	vld [tilespmem:s23+$0xC020];
	v7 =	vmin.u32 v7, $0x1F;
	vm1 =	vgt.s32 v6, $0x0  }
0x4fb: {  	v7 =	vshll.u32 v7, $0x4;
	v6 =	vnsel vm1, $0x0, v6;
	vm1 =	vgt.s32 v15, $0x0;
	[tilespmem:v9+s18+$0x0] =	vst.idx.add.f32.msk $0xffff, v8  }
0x4fc: {  	v7 =	vor.u32 v3, v7;
	v6 =	vmin.u32 v6, $0x1F;
	v8 =	vld [tilespmem:s23+$0xC060];
	v15 =	vnsel vm1, $0x0, v15  }
0x4fd: {  	v11 =	vnsel vm0, $0x0, v11;
	v20 =	vld [tilespmem:s23+$0x14060];
	v15 =	vmin.u32 v15, $0x1F  }
0x4fe: {  	v11 =	vmin.u32 v11, $0x1F;
	v16 =	vsub.f32 v18, v16;
	v15 =	vshll.u32 v15, $0x4;
	[tilespmem:v12+s18+$0x0] =	vst.idx.add.f32.msk $0xffff, v14  }
0x4ff: {  	v11 =	vshll.u32 v11, $0x4;
	v14 =	vsub.f32 v19, v17;
	v15 =	vor.u32 v3, v15;
	[tilespmem:v12+s19+$0x0] =	vst.idx.add.f32.msk $0xffff, v5  }
0x500: {  	[tilespmem:v9+s19+$0x0] =	vst.idx.add.f32.msk $0xffff, v5  }
0x501: {  	[tilespmem:v7+s16+$0x0] =	vst.idx.add.f32.msk $0xffff, v14  }
0x502: {  	[tilespmem:v7+s17+$0x0] =	vst.idx.add.f32.msk $0xffff, v5;
	v7 =	vsub.f32 v8, v20  }
0x503: {  	v8 =	vld [tilespmem:s23+$0x4030]  }
0x504: {  	v10 =	vsub.f32 v13, v10;
	[tilespmem:v15+s16+$0x0] =	vst.idx.add.f32.msk $0xffff, v7  }
0x505: {  	v6 =	vshll.u32 v6, $0x4;
	[tilespmem:v15+s17+$0x0] =	vst.idx.add.f32.msk $0xffff, v5  }
0x506: {  	v6 =	vor.u32 v3, v6;
	v7 =	vld [tilespmem:s23+$0x4070]  }
0x507: {  	v12 =	vld [tilespmem:s23+$0xC030]  }
0x508: {  	v13 =	vld [tilespmem:s23+$0x14030];
	v8 =	vmul.f32 $3.200000000e+01, v8  }
0x509: {  	v9 =	vor.u32 v3, v11;
	v14 =	vld [tilespmem:s23+$0xC070]  }
0x50a: {  	v8 =	vtrunc.f32 v8;
	v15 =	vld [tilespmem:s23+$0x14070]  }
.Ltmp12:
0x50b: {  	v8 =	vcvt.f32.s32 v8;
	[tilespmem:v6+s16+$0x0] =	vst.idx.add.f32.msk $0xffff, v10;
	v7 =	vmul.f32 $3.200000000e+01, v7;
	(pc) =	sbr.rel @p0 .LBB2_26-.Ltmp12, $4  }
0x50c: {  	[tilespmem:v6+s17+$0x0] =	vst.idx.add.f32.msk $0xffff, v5  }
0x50d: {  	v6 =	vsub.f32 v12, v13;
	vm0 =	vgt.s32 v8, $0x0;
	v10 =	vld [tilespmem:s23+$0x4050];
	v7 =	vtrunc.f32 v7  }
0x50e: {  	[tilespmem:v9+s16+$0x0] =	vst.idx.add.f32.msk $0xffff, v16;
	v8 =	vnsel vm0, $0x0, v8;
	v11 =	vcvt.f32.s32 v7  }
0x50f: {  	v12 =	vmin.u32 v8, $0x1F;
	v8 =	vld [tilespmem:s23+$0xC050];
	v7 =	vsub.f32 v14, v15  }
0x510: {  	_ =	sdelay $0x3  }
0x511: {  	[tilespmem:v9+s17+$0x0] =	vst.idx.add.f32.msk $0xffff, v5  }
0x512: {  	v9 =	vld [tilespmem:s23+$0x4010];
	_ =	sdelay $0x2  }
0x513: {  	v10 =	vmul.f32 $3.200000000e+01, v10;
	_ =	sdelay $0x1  }
0x514: {  	v10 =	vtrunc.f32 v10;
	v9 =	vmul.f32 $3.200000000e+01, v9  }
0x515: {  	vm0 =	vgt.s32 v11, $0x0;
	v12 =	vshll.u32 v12, $0x4;
	v10 =	vcvt.f32.s32 v10  }
0x516: {  	v11 =	vnsel vm0, $0x0, v11;
	v12 =	vor.u32 v3, v12;
	v9 =	vtrunc.f32 v9  }
0x517: {  	v11 =	vmin.u32 v11, $0x1F;
	vm14 =	vgt.s32 v10, $0x0;
	v9 =	vcvt.f32.s32 v9  }
0x518: {  	v11 =	vshll.u32 v11, $0x4;
	v10 =	vnsel vm14, $0x0, v10  }
0x519: {  	v13 =	vld [tilespmem:s23+$0x14050];
	v11 =	vor.u32 v3, v11;
	v10 =	vmin.u32 v10, $0x1F;
	vm15 =	vgt.s32 v9, $0x0  }
0x51a: {  	v14 =	vld [tilespmem:s23+$0xC010];
	v10 =	vshll.u32 v10, $0x4;
	v9 =	vnsel vm15, $0x0, v9  }
0x51b: {  	v15 =	vld [tilespmem:s23+$0x14010];
	v10 =	vor.u32 v3, v10;
	v9 =	vmin.u32 v9, $0x1F  }
0x51c: {  	[tilespmem:v12+s18+$0x0] =	vst.idx.add.f32.msk $0xffff, v6;
	v9 =	vshll.u32 v9, $0x4  }
0x51d: {  	[tilespmem:v12+s19+$0x0] =	vst.idx.add.f32.msk $0xffff, v5;
	v9 =	vor.u32 v3, v9  }
0x51e: {  	v6 =	vmul.u32 $0x10, v0;
	[tilespmem:v11+s18+$0x0] =	vst.idx.add.f32.msk $0xffff, v7;
	v7 =	vsub.f32 v8, v13  }
0x51f: {  	[tilespmem:v11+s19+$0x0] =	vst.idx.add.f32.msk $0xffff, v5  }
0x520: {  	v46 =	vsub.f32 v14, v15;
	[tilespmem:v10+s18+$0x0] =	vst.idx.add.f32.msk $0xffff, v7  }
0x521: {  	[tilespmem:v10+s19+$0x0] =	vst.idx.add.f32.msk $0xffff, v5  }
0x522: {  	[tilespmem:v9+s18+$0x0] =	vst.idx.add.f32.msk $0xffff, v46  }
0x523: {  	v7 =	vor.u32 $0x1, v6;
	[tilespmem:v9+s19+$0x0] =	vst.idx.add.f32.msk $0xffff, v5  }
0x524: {  	v8 =	vld.idx.msk [tilespmem:v6+s16+$0x0], $0xffff  }
0x525: {  	v9 =	vld.idx.msk [tilespmem:v6+s17+$0x0], $0xffff  }
0x526: {  	v10 =	vld.idx.msk [tilespmem:v6+s18+$0x0], $0xffff  }
0x527: {  	v47 =	vor.u32 $0x2, v6;
	v11 =	vld.idx.msk [tilespmem:v6+s19+$0x0], $0xffff  }
0x528: {  	v48 =	vld.idx.msk [tilespmem:v7+s16+$0x0], $0xffff  }
0x529: {  	v49 =	vld.idx.msk [tilespmem:v7+s17+$0x0], $0xffff;
	v8 =	vadd.f32 $0.0e+00, v8  }
0x52a: {  	v50 =	vld.idx.msk [tilespmem:v7+s18+$0x0], $0xffff;
	v9 =	vadd.f32 $0.0e+00, v9  }
0x52b: {  	v51 =	vor.u32 $0x3, v6;
	v7 =	vld.idx.msk [tilespmem:v7+s19+$0x0], $0xffff;
	v8 =	vadd.f32 v10, v8  }
0x52c: {  	v52 =	vld.idx.msk [tilespmem:v47+s16+$0x0], $0xffff;
	v9 =	vadd.f32 v11, v9  }
0x52d: {  	v53 =	vld.idx.msk [tilespmem:v47+s17+$0x0], $0xffff;
	v8 =	vadd.f32 v48, v8  }
0x52e: {  	v54 =	vld.idx.msk [tilespmem:v47+s18+$0x0], $0xffff;
	v9 =	vadd.f32 v49, v9  }
0x52f: {  	v55 =	vor.u32 $0x4, v6;
	v12 =	vld.idx.msk [tilespmem:v47+s19+$0x0], $0xffff;
	v8 =	vadd.f32 v50, v8  }
0x530: {  	v56 =	vld.idx.msk [tilespmem:v51+s16+$0x0], $0xffff;
	v7 =	vadd.f32 v7, v9  }
0x531: {  	v57 =	vld.idx.msk [tilespmem:v51+s17+$0x0], $0xffff;
	v8 =	vadd.f32 v52, v8  }
0x532: {  	v58 =	vld.idx.msk [tilespmem:v51+s18+$0x0], $0xffff;
	v7 =	vadd.f32 v53, v7  }
0x533: {  	v59 =	vor.u32 $0x5, v6;
	v10 =	vld.idx.msk [tilespmem:v51+s19+$0x0], $0xffff;
	v8 =	vadd.f32 v54, v8  }
0x534: {  	v60 =	vld.idx.msk [tilespmem:v55+s16+$0x0], $0xffff;
	v7 =	vadd.f32 v12, v7  }
0x535: {  	v61 =	vld.idx.msk [tilespmem:v55+s17+$0x0], $0xffff;
	v8 =	vadd.f32 v56, v8  }
0x536: {  	v62 =	vld.idx.msk [tilespmem:v55+s18+$0x0], $0xffff;
	v7 =	vadd.f32 v57, v7  }
0x537: {  	v18 =	vor.u32 $0x6, v6;
	v63 =	vld.idx.msk [tilespmem:v55+s19+$0x0], $0xffff;
	v8 =	vadd.f32 v58, v8  }
0x538: {  	v19 =	vld.idx.msk [tilespmem:v59+s16+$0x0], $0xffff;
	v7 =	vadd.f32 v10, v7  }
0x539: {  	v20 =	vld.idx.msk [tilespmem:v59+s17+$0x0], $0xffff;
	v8 =	vadd.f32 v60, v8  }
0x53a: {  	v21 =	vld.idx.msk [tilespmem:v59+s18+$0x0], $0xffff;
	v7 =	vadd.f32 v61, v7  }
0x53b: {  	v23 =	vor.u32 $0x7, v6;
	v22 =	vld.idx.msk [tilespmem:v59+s19+$0x0], $0xffff;
	v8 =	vadd.f32 v62, v8  }
0x53c: {  	v24 =	vld.idx.msk [tilespmem:v18+s16+$0x0], $0xffff;
	v7 =	vadd.f32 v63, v7  }
0x53d: {  	v25 =	vld.idx.msk [tilespmem:v18+s17+$0x0], $0xffff;
	v8 =	vadd.f32 v19, v8  }
0x53e: {  	v26 =	vld.idx.msk [tilespmem:v18+s18+$0x0], $0xffff;
	v7 =	vadd.f32 v20, v7  }
0x53f: {  	v28 =	vor.u32 $0x8, v6;
	v27 =	vld.idx.msk [tilespmem:v18+s19+$0x0], $0xffff;
	v8 =	vadd.f32 v21, v8  }
0x540: {  	v29 =	vld.idx.msk [tilespmem:v23+s16+$0x0], $0xffff;
	v7 =	vadd.f32 v22, v7  }
0x541: {  	v30 =	vld.idx.msk [tilespmem:v23+s17+$0x0], $0xffff;
	v8 =	vadd.f32 v24, v8  }
0x542: {  	v31 =	vld.idx.msk [tilespmem:v23+s18+$0x0], $0xffff;
	v7 =	vadd.f32 v25, v7  }
0x543: {  	v33 =	vor.u32 $0x9, v6;
	v32 =	vld.idx.msk [tilespmem:v23+s19+$0x0], $0xffff;
	v8 =	vadd.f32 v26, v8  }
0x544: {  	v34 =	vld.idx.msk [tilespmem:v28+s16+$0x0], $0xffff;
	v7 =	vadd.f32 v27, v7  }
0x545: {  	v35 =	vld.idx.msk [tilespmem:v28+s17+$0x0], $0xffff;
	v8 =	vadd.f32 v29, v8  }
0x546: {  	v36 =	vld.idx.msk [tilespmem:v28+s18+$0x0], $0xffff;
	v7 =	vadd.f32 v30, v7  }
0x547: {  	v38 =	vor.u32 $0xA, v6;
	v37 =	vld.idx.msk [tilespmem:v28+s19+$0x0], $0xffff;
	v8 =	vadd.f32 v31, v8  }
0x548: {  	v39 =	vld.idx.msk [tilespmem:v33+s16+$0x0], $0xffff;
	v7 =	vadd.f32 v32, v7  }
0x549: {  	v40 =	vld.idx.msk [tilespmem:v33+s17+$0x0], $0xffff;
	v8 =	vadd.f32 v34, v8  }
0x54a: {  	v41 =	vld.idx.msk [tilespmem:v33+s18+$0x0], $0xffff;
	v7 =	vadd.f32 v35, v7  }
0x54b: {  	v43 =	vor.u32 $0xB, v6;
	v42 =	vld.idx.msk [tilespmem:v33+s19+$0x0], $0xffff;
	v8 =	vadd.f32 v36, v8  }
0x54c: {  	v44 =	vld.idx.msk [tilespmem:v38+s16+$0x0], $0xffff;
	v7 =	vadd.f32 v37, v7  }
0x54d: {  	v45 =	vld.idx.msk [tilespmem:v38+s17+$0x0], $0xffff;
	v8 =	vadd.f32 v39, v8  }
0x54e: {  	v46 =	vld.idx.msk [tilespmem:v38+s18+$0x0], $0xffff;
	v7 =	vadd.f32 v40, v7  }
0x54f: {  	v47 =	vld.idx.msk [tilespmem:v38+s19+$0x0], $0xffff;
	v48 =	vor.u32 $0xC, v6;
	v8 =	vadd.f32 v41, v8  }
0x550: {  	v49 =	vld.idx.msk [tilespmem:v43+s16+$0x0], $0xffff;
	v7 =	vadd.f32 v42, v7  }
0x551: {  	v50 =	vld.idx.msk [tilespmem:v43+s17+$0x0], $0xffff;
	v8 =	vadd.f32 v44, v8  }
0x552: {  	v51 =	vld.idx.msk [tilespmem:v43+s18+$0x0], $0xffff;
	v7 =	vadd.f32 v45, v7  }
0x553: {  	v52 =	vld.idx.msk [tilespmem:v43+s19+$0x0], $0xffff;
	v53 =	vor.u32 $0xD, v6;
	v8 =	vadd.f32 v46, v8  }
0x554: {  	v54 =	vld.idx.msk [tilespmem:v48+s16+$0x0], $0xffff;
	v7 =	vadd.f32 v47, v7  }
0x555: {  	v55 =	vld.idx.msk [tilespmem:v48+s17+$0x0], $0xffff;
	v8 =	vadd.f32 v49, v8  }
0x556: {  	v56 =	vld.idx.msk [tilespmem:v48+s18+$0x0], $0xffff;
	v7 =	vadd.f32 v50, v7  }
0x557: {  	v57 =	vld.idx.msk [tilespmem:v48+s19+$0x0], $0xffff;
	v58 =	vor.u32 $0xE, v6;
	v8 =	vadd.f32 v51, v8  }
0x558: {  	v59 =	vld.idx.msk [tilespmem:v53+s16+$0x0], $0xffff;
	v7 =	vadd.f32 v52, v7  }
0x559: {  	v60 =	vld.idx.msk [tilespmem:v53+s17+$0x0], $0xffff;
	v8 =	vadd.f32 v54, v8  }
0x55a: {  	v61 =	vld.idx.msk [tilespmem:v53+s18+$0x0], $0xffff;
	v7 =	vadd.f32 v55, v7  }
0x55b: {  	v62 =	vld.idx.msk [tilespmem:v53+s19+$0x0], $0xffff;
	v63 =	vor.u32 $0xF, v6;
	v8 =	vadd.f32 v56, v8  }
0x55c: {  	v16 =	vld.idx.msk [tilespmem:v58+s16+$0x0], $0xffff;
	v7 =	vadd.f32 v57, v7  }
0x55d: {  	v17 =	vld.idx.msk [tilespmem:v58+s17+$0x0], $0xffff;
	v8 =	vadd.f32 v59, v8  }
0x55e: {  	v18 =	vld.idx.msk [tilespmem:v58+s18+$0x0], $0xffff;
	v7 =	vadd.f32 v60, v7  }
0x55f: {  	v19 =	vld.idx.msk [tilespmem:v58+s19+$0x0], $0xffff;
	v8 =	vadd.f32 v61, v8  }
0x560: {  	v20 =	vld.idx.msk [tilespmem:v63+s16+$0x0], $0xffff;
	v7 =	vadd.f32 v62, v7  }
0x561: {  	v21 =	vld.idx.msk [tilespmem:v63+s17+$0x0], $0xffff;
	v8 =	vadd.f32 v16, v8  }
0x562: {  	v22 =	vld.idx.msk [tilespmem:v63+s18+$0x0], $0xffff;
	v7 =	vadd.f32 v17, v7  }
0x563: {  	v23 =	vld.idx.msk [tilespmem:v63+s19+$0x0], $0xffff;
	v8 =	vadd.f32 v18, v8  }
0x564: {  	v7 =	vadd.f32 v19, v7  }
0x565: {  	v8 =	vadd.f32 v20, v8  }
0x566: {  	v24 =	vor.u32 $0x100, v6;
	v7 =	vadd.f32 v21, v7  }
0x567: {  	v8 =	vadd.f32 v22, v8  }
0x568: {  	v7 =	vadd.f32 v23, v7  }
0x569: {  	[tilespmem:$0x19800] =	vst v8  }
0x56a: {  	[tilespmem:$0x19880] =	vst v7;
	v7 =	vor.u32 $0x101, v6  }
0x56b: {  	v8 =	vld.idx.msk [tilespmem:v24+s16+$0x0], $0xffff  }
0x56c: {  	v25 =	vld.idx.msk [tilespmem:v24+s17+$0x0], $0xffff  }
0x56d: {  	v26 =	vld.idx.msk [tilespmem:v24+s18+$0x0], $0xffff  }
0x56e: {  	v27 =	vor.u32 $0x102, v6;
	v10 =	vld.idx.msk [tilespmem:v24+s19+$0x0], $0xffff  }
0x56f: {  	v28 =	vld.idx.msk [tilespmem:v7+s16+$0x0], $0xffff  }
0x570: {  	v29 =	vld.idx.msk [tilespmem:v7+s17+$0x0], $0xffff;
	v8 =	vadd.f32 $0.0e+00, v8  }
0x571: {  	v30 =	vld.idx.msk [tilespmem:v7+s18+$0x0], $0xffff;
	v9 =	vadd.f32 $0.0e+00, v25  }
0x572: {  	v31 =	vor.u32 $0x103, v6;
	v7 =	vld.idx.msk [tilespmem:v7+s19+$0x0], $0xffff;
	v8 =	vadd.f32 v26, v8  }
0x573: {  	v32 =	vld.idx.msk [tilespmem:v27+s16+$0x0], $0xffff;
	v9 =	vadd.f32 v10, v9  }
0x574: {  	v33 =	vld.idx.msk [tilespmem:v27+s17+$0x0], $0xffff;
	v8 =	vadd.f32 v28, v8  }
0x575: {  	v34 =	vld.idx.msk [tilespmem:v27+s18+$0x0], $0xffff;
	v9 =	vadd.f32 v29, v9  }
0x576: {  	v35 =	vor.u32 $0x104, v6;
	v12 =	vld.idx.msk [tilespmem:v27+s19+$0x0], $0xffff;
	v8 =	vadd.f32 v30, v8  }
0x577: {  	v36 =	vld.idx.msk [tilespmem:v31+s16+$0x0], $0xffff;
	v7 =	vadd.f32 v7, v9  }
0x578: {  	v37 =	vld.idx.msk [tilespmem:v31+s17+$0x0], $0xffff;
	v8 =	vadd.f32 v32, v8  }
0x579: {  	v38 =	vld.idx.msk [tilespmem:v31+s18+$0x0], $0xffff;
	v7 =	vadd.f32 v33, v7  }
0x57a: {  	v39 =	vor.u32 $0x105, v6;
	v11 =	vld.idx.msk [tilespmem:v31+s19+$0x0], $0xffff;
	v8 =	vadd.f32 v34, v8  }
0x57b: {  	v40 =	vld.idx.msk [tilespmem:v35+s16+$0x0], $0xffff;
	v7 =	vadd.f32 v12, v7  }
0x57c: {  	v41 =	vld.idx.msk [tilespmem:v35+s17+$0x0], $0xffff;
	v8 =	vadd.f32 v36, v8  }
0x57d: {  	v42 =	vld.idx.msk [tilespmem:v35+s18+$0x0], $0xffff;
	v7 =	vadd.f32 v37, v7  }
0x57e: {  	v44 =	vor.u32 $0x106, v6;
	v43 =	vld.idx.msk [tilespmem:v35+s19+$0x0], $0xffff;
	v8 =	vadd.f32 v38, v8  }
0x57f: {  	v45 =	vld.idx.msk [tilespmem:v39+s16+$0x0], $0xffff;
	v7 =	vadd.f32 v11, v7  }
0x580: {  	v46 =	vld.idx.msk [tilespmem:v39+s17+$0x0], $0xffff;
	v8 =	vadd.f32 v40, v8  }
0x581: {  	v47 =	vld.idx.msk [tilespmem:v39+s18+$0x0], $0xffff;
	v7 =	vadd.f32 v41, v7  }
0x582: {  	v49 =	vor.u32 $0x107, v6;
	v48 =	vld.idx.msk [tilespmem:v39+s19+$0x0], $0xffff;
	v8 =	vadd.f32 v42, v8  }
0x583: {  	v50 =	vld.idx.msk [tilespmem:v44+s16+$0x0], $0xffff;
	v7 =	vadd.f32 v43, v7  }
0x584: {  	v51 =	vld.idx.msk [tilespmem:v44+s17+$0x0], $0xffff;
	v8 =	vadd.f32 v45, v8  }
0x585: {  	v52 =	vld.idx.msk [tilespmem:v44+s18+$0x0], $0xffff;
	v7 =	vadd.f32 v46, v7  }
0x586: {  	v54 =	vor.u32 $0x108, v6;
	v53 =	vld.idx.msk [tilespmem:v44+s19+$0x0], $0xffff;
	v8 =	vadd.f32 v47, v8  }
0x587: {  	v55 =	vld.idx.msk [tilespmem:v49+s16+$0x0], $0xffff;
	v7 =	vadd.f32 v48, v7  }
0x588: {  	v56 =	vld.idx.msk [tilespmem:v49+s17+$0x0], $0xffff;
	v8 =	vadd.f32 v50, v8  }
0x589: {  	v57 =	vld.idx.msk [tilespmem:v49+s18+$0x0], $0xffff;
	v7 =	vadd.f32 v51, v7  }
0x58a: {  	v59 =	vor.u32 $0x109, v6;
	v58 =	vld.idx.msk [tilespmem:v49+s19+$0x0], $0xffff;
	v8 =	vadd.f32 v52, v8  }
0x58b: {  	v60 =	vld.idx.msk [tilespmem:v54+s16+$0x0], $0xffff;
	v7 =	vadd.f32 v53, v7  }
0x58c: {  	v61 =	vld.idx.msk [tilespmem:v54+s17+$0x0], $0xffff;
	v8 =	vadd.f32 v55, v8  }
0x58d: {  	v62 =	vld.idx.msk [tilespmem:v54+s18+$0x0], $0xffff;
	v7 =	vadd.f32 v56, v7  }
0x58e: {  	v18 =	vor.u32 $0x10A, v6;
	v63 =	vld.idx.msk [tilespmem:v54+s19+$0x0], $0xffff;
	v8 =	vadd.f32 v57, v8  }
0x58f: {  	v19 =	vld.idx.msk [tilespmem:v59+s16+$0x0], $0xffff;
	v7 =	vadd.f32 v58, v7  }
0x590: {  	v20 =	vld.idx.msk [tilespmem:v59+s17+$0x0], $0xffff;
	v8 =	vadd.f32 v60, v8  }
0x591: {  	v21 =	vld.idx.msk [tilespmem:v59+s18+$0x0], $0xffff;
	v7 =	vadd.f32 v61, v7  }
0x592: {  	v23 =	vor.u32 $0x10B, v6;
	v22 =	vld.idx.msk [tilespmem:v59+s19+$0x0], $0xffff;
	v8 =	vadd.f32 v62, v8  }
0x593: {  	v24 =	vld.idx.msk [tilespmem:v18+s16+$0x0], $0xffff;
	v7 =	vadd.f32 v63, v7  }
0x594: {  	v25 =	vld.idx.msk [tilespmem:v18+s17+$0x0], $0xffff;
	v8 =	vadd.f32 v19, v8  }
0x595: {  	v26 =	vld.idx.msk [tilespmem:v18+s18+$0x0], $0xffff;
	v7 =	vadd.f32 v20, v7  }
0x596: {  	v27 =	vld.idx.msk [tilespmem:v18+s19+$0x0], $0xffff;
	v28 =	vor.u32 $0x10C, v6;
	v8 =	vadd.f32 v21, v8  }
0x597: {  	v29 =	vld.idx.msk [tilespmem:v23+s16+$0x0], $0xffff;
	v7 =	vadd.f32 v22, v7  }
0x598: {  	v30 =	vld.idx.msk [tilespmem:v23+s17+$0x0], $0xffff;
	v8 =	vadd.f32 v24, v8  }
0x599: {  	v31 =	vld.idx.msk [tilespmem:v23+s18+$0x0], $0xffff;
	v7 =	vadd.f32 v25, v7  }
0x59a: {  	v32 =	vld.idx.msk [tilespmem:v23+s19+$0x0], $0xffff;
	v33 =	vor.u32 $0x10D, v6;
	v8 =	vadd.f32 v26, v8  }
0x59b: {  	v34 =	vld.idx.msk [tilespmem:v28+s16+$0x0], $0xffff;
	v7 =	vadd.f32 v27, v7  }
0x59c: {  	v35 =	vld.idx.msk [tilespmem:v28+s17+$0x0], $0xffff;
	v8 =	vadd.f32 v29, v8  }
0x59d: {  	v36 =	vld.idx.msk [tilespmem:v28+s18+$0x0], $0xffff;
	v7 =	vadd.f32 v30, v7  }
0x59e: {  	v37 =	vld.idx.msk [tilespmem:v28+s19+$0x0], $0xffff;
	v38 =	vor.u32 $0x10E, v6;
	v8 =	vadd.f32 v31, v8  }
0x59f: {  	v39 =	vld.idx.msk [tilespmem:v33+s16+$0x0], $0xffff;
	v7 =	vadd.f32 v32, v7  }
0x5a0: {  	v40 =	vld.idx.msk [tilespmem:v33+s17+$0x0], $0xffff;
	v8 =	vadd.f32 v34, v8  }
0x5a1: {  	v41 =	vld.idx.msk [tilespmem:v33+s18+$0x0], $0xffff;
	v7 =	vadd.f32 v35, v7  }
0x5a2: {  	v42 =	vld.idx.msk [tilespmem:v33+s19+$0x0], $0xffff;
	v43 =	vor.u32 $0x10F, v6;
	v8 =	vadd.f32 v36, v8  }
0x5a3: {  	v44 =	vld.idx.msk [tilespmem:v38+s16+$0x0], $0xffff;
	v7 =	vadd.f32 v37, v7  }
0x5a4: {  	v45 =	vld.idx.msk [tilespmem:v38+s17+$0x0], $0xffff;
	v8 =	vadd.f32 v39, v8  }
0x5a5: {  	v46 =	vld.idx.msk [tilespmem:v38+s18+$0x0], $0xffff;
	v7 =	vadd.f32 v40, v7  }
0x5a6: {  	v47 =	vld.idx.msk [tilespmem:v38+s19+$0x0], $0xffff;
	v8 =	vadd.f32 v41, v8  }
0x5a7: {  	v48 =	vld.idx.msk [tilespmem:v43+s16+$0x0], $0xffff;
	v7 =	vadd.f32 v42, v7  }
0x5a8: {  	v49 =	vld.idx.msk [tilespmem:v43+s17+$0x0], $0xffff;
	v8 =	vadd.f32 v44, v8  }
0x5a9: {  	v50 =	vld.idx.msk [tilespmem:v43+s18+$0x0], $0xffff;
	v7 =	vadd.f32 v45, v7  }
0x5aa: {  	v51 =	vld.idx.msk [tilespmem:v43+s19+$0x0], $0xffff;
	v8 =	vadd.f32 v46, v8  }
0x5ab: {  	v7 =	vadd.f32 v47, v7  }
0x5ac: {  	v8 =	vadd.f32 v48, v8  }
0x5ad: {  	v52 =	vor.u32 $0x200, v6;
	v7 =	vadd.f32 v49, v7  }
0x5ae: {  	v8 =	vadd.f32 v50, v8  }
0x5af: {  	v7 =	vadd.f32 v51, v7  }
0x5b0: {  	[tilespmem:$0x19810] =	vst v8  }
0x5b1: {  	[tilespmem:$0x19890] =	vst v7;
	v7 =	vor.u32 $0x201, v6  }
0x5b2: {  	v8 =	vld.idx.msk [tilespmem:v52+s16+$0x0], $0xffff  }
0x5b3: {  	v53 =	vld.idx.msk [tilespmem:v52+s17+$0x0], $0xffff  }
0x5b4: {  	v54 =	vld.idx.msk [tilespmem:v52+s18+$0x0], $0xffff  }
0x5b5: {  	v55 =	vor.u32 $0x202, v6;
	v11 =	vld.idx.msk [tilespmem:v52+s19+$0x0], $0xffff  }
0x5b6: {  	v56 =	vld.idx.msk [tilespmem:v7+s16+$0x0], $0xffff  }
0x5b7: {  	v57 =	vld.idx.msk [tilespmem:v7+s17+$0x0], $0xffff;
	v8 =	vadd.f32 $0.0e+00, v8  }
0x5b8: {  	v58 =	vld.idx.msk [tilespmem:v7+s18+$0x0], $0xffff;
	v9 =	vadd.f32 $0.0e+00, v53  }
0x5b9: {  	v59 =	vor.u32 $0x203, v6;
	v7 =	vld.idx.msk [tilespmem:v7+s19+$0x0], $0xffff;
	v8 =	vadd.f32 v54, v8  }
0x5ba: {  	v60 =	vld.idx.msk [tilespmem:v55+s16+$0x0], $0xffff;
	v9 =	vadd.f32 v11, v9  }
0x5bb: {  	v61 =	vld.idx.msk [tilespmem:v55+s17+$0x0], $0xffff;
	v8 =	vadd.f32 v56, v8  }
0x5bc: {  	v62 =	vld.idx.msk [tilespmem:v55+s18+$0x0], $0xffff;
	v9 =	vadd.f32 v57, v9  }
0x5bd: {  	v63 =	vor.u32 $0x204, v6;
	v12 =	vld.idx.msk [tilespmem:v55+s19+$0x0], $0xffff;
	v8 =	vadd.f32 v58, v8  }
0x5be: {  	v16 =	vld.idx.msk [tilespmem:v59+s16+$0x0], $0xffff;
	v7 =	vadd.f32 v7, v9  }
0x5bf: {  	v17 =	vld.idx.msk [tilespmem:v59+s17+$0x0], $0xffff;
	v8 =	vadd.f32 v60, v8  }
0x5c0: {  	v18 =	vld.idx.msk [tilespmem:v59+s18+$0x0], $0xffff;
	v7 =	vadd.f32 v61, v7  }
0x5c1: {  	v19 =	vor.u32 $0x205, v6;
	v10 =	vld.idx.msk [tilespmem:v59+s19+$0x0], $0xffff;
	v8 =	vadd.f32 v62, v8  }
0x5c2: {  	v20 =	vld.idx.msk [tilespmem:v63+s16+$0x0], $0xffff;
	v7 =	vadd.f32 v12, v7  }
0x5c3: {  	v21 =	vld.idx.msk [tilespmem:v63+s17+$0x0], $0xffff;
	v8 =	vadd.f32 v16, v8  }
0x5c4: {  	v22 =	vld.idx.msk [tilespmem:v63+s18+$0x0], $0xffff;
	v7 =	vadd.f32 v17, v7  }
0x5c5: {  	v24 =	vor.u32 $0x206, v6;
	v23 =	vld.idx.msk [tilespmem:v63+s19+$0x0], $0xffff;
	v8 =	vadd.f32 v18, v8  }
0x5c6: {  	v25 =	vld.idx.msk [tilespmem:v19+s16+$0x0], $0xffff;
	v7 =	vadd.f32 v10, v7  }
0x5c7: {  	v26 =	vld.idx.msk [tilespmem:v19+s17+$0x0], $0xffff;
	v8 =	vadd.f32 v20, v8  }
0x5c8: {  	v27 =	vld.idx.msk [tilespmem:v19+s18+$0x0], $0xffff;
	v7 =	vadd.f32 v21, v7  }
0x5c9: {  	v29 =	vor.u32 $0x207, v6;
	v28 =	vld.idx.msk [tilespmem:v19+s19+$0x0], $0xffff;
	v8 =	vadd.f32 v22, v8  }
0x5ca: {  	v30 =	vld.idx.msk [tilespmem:v24+s16+$0x0], $0xffff;
	v7 =	vadd.f32 v23, v7  }
0x5cb: {  	v31 =	vld.idx.msk [tilespmem:v24+s17+$0x0], $0xffff;
	v8 =	vadd.f32 v25, v8  }
0x5cc: {  	v32 =	vld.idx.msk [tilespmem:v24+s18+$0x0], $0xffff;
	v7 =	vadd.f32 v26, v7  }
0x5cd: {  	v34 =	vor.u32 $0x208, v6;
	v33 =	vld.idx.msk [tilespmem:v24+s19+$0x0], $0xffff;
	v8 =	vadd.f32 v27, v8  }
0x5ce: {  	v35 =	vld.idx.msk [tilespmem:v29+s16+$0x0], $0xffff;
	v7 =	vadd.f32 v28, v7  }
0x5cf: {  	v36 =	vld.idx.msk [tilespmem:v29+s17+$0x0], $0xffff;
	v8 =	vadd.f32 v30, v8  }
0x5d0: {  	v37 =	vld.idx.msk [tilespmem:v29+s18+$0x0], $0xffff;
	v7 =	vadd.f32 v31, v7  }
0x5d1: {  	v39 =	vor.u32 $0x209, v6;
	v38 =	vld.idx.msk [tilespmem:v29+s19+$0x0], $0xffff;
	v8 =	vadd.f32 v32, v8  }
0x5d2: {  	v40 =	vld.idx.msk [tilespmem:v34+s16+$0x0], $0xffff;
	v7 =	vadd.f32 v33, v7  }
0x5d3: {  	v41 =	vld.idx.msk [tilespmem:v34+s17+$0x0], $0xffff;
	v8 =	vadd.f32 v35, v8  }
0x5d4: {  	v42 =	vld.idx.msk [tilespmem:v34+s18+$0x0], $0xffff;
	v7 =	vadd.f32 v36, v7  }
0x5d5: {  	v44 =	vor.u32 $0x20A, v6;
	v43 =	vld.idx.msk [tilespmem:v34+s19+$0x0], $0xffff;
	v8 =	vadd.f32 v37, v8  }
0x5d6: {  	v45 =	vld.idx.msk [tilespmem:v39+s16+$0x0], $0xffff;
	v7 =	vadd.f32 v38, v7  }
0x5d7: {  	v46 =	vld.idx.msk [tilespmem:v39+s17+$0x0], $0xffff;
	v8 =	vadd.f32 v40, v8  }
0x5d8: {  	v47 =	vld.idx.msk [tilespmem:v39+s18+$0x0], $0xffff;
	v7 =	vadd.f32 v41, v7  }
0x5d9: {  	v49 =	vor.u32 $0x20B, v6;
	v48 =	vld.idx.msk [tilespmem:v39+s19+$0x0], $0xffff;
	v8 =	vadd.f32 v42, v8  }
0x5da: {  	v50 =	vld.idx.msk [tilespmem:v44+s16+$0x0], $0xffff;
	v7 =	vadd.f32 v43, v7  }
0x5db: {  	v51 =	vld.idx.msk [tilespmem:v44+s17+$0x0], $0xffff;
	v8 =	vadd.f32 v45, v8  }
0x5dc: {  	v52 =	vld.idx.msk [tilespmem:v44+s18+$0x0], $0xffff;
	v7 =	vadd.f32 v46, v7  }
0x5dd: {  	v53 =	vld.idx.msk [tilespmem:v44+s19+$0x0], $0xffff;
	v54 =	vor.u32 $0x20C, v6;
	v8 =	vadd.f32 v47, v8  }
0x5de: {  	v55 =	vld.idx.msk [tilespmem:v49+s16+$0x0], $0xffff;
	v7 =	vadd.f32 v48, v7  }
0x5df: {  	v56 =	vld.idx.msk [tilespmem:v49+s17+$0x0], $0xffff;
	v8 =	vadd.f32 v50, v8  }
0x5e0: {  	v57 =	vld.idx.msk [tilespmem:v49+s18+$0x0], $0xffff;
	v7 =	vadd.f32 v51, v7  }
0x5e1: {  	v59 =	vor.u32 $0x20D, v6;
	v58 =	vld.idx.msk [tilespmem:v49+s19+$0x0], $0xffff;
	v8 =	vadd.f32 v52, v8  }
0x5e2: {  	v60 =	vld.idx.msk [tilespmem:v54+s16+$0x0], $0xffff;
	v7 =	vadd.f32 v53, v7  }
0x5e3: {  	v61 =	vld.idx.msk [tilespmem:v54+s17+$0x0], $0xffff;
	v8 =	vadd.f32 v55, v8  }
0x5e4: {  	v62 =	vld.idx.msk [tilespmem:v54+s18+$0x0], $0xffff;
	v7 =	vadd.f32 v56, v7  }
0x5e5: {  	v63 =	vld.idx.msk [tilespmem:v54+s19+$0x0], $0xffff;
	v18 =	vor.u32 $0x20E, v6;
	v8 =	vadd.f32 v57, v8  }
0x5e6: {  	v19 =	vld.idx.msk [tilespmem:v59+s16+$0x0], $0xffff;
	v7 =	vadd.f32 v58, v7  }
0x5e7: {  	v20 =	vld.idx.msk [tilespmem:v59+s17+$0x0], $0xffff;
	v8 =	vadd.f32 v60, v8  }
0x5e8: {  	v21 =	vld.idx.msk [tilespmem:v59+s18+$0x0], $0xffff;
	v7 =	vadd.f32 v61, v7  }
0x5e9: {  	v22 =	vld.idx.msk [tilespmem:v59+s19+$0x0], $0xffff;
	v23 =	vor.u32 $0x20F, v6;
	v8 =	vadd.f32 v62, v8  }
0x5ea: {  	v24 =	vld.idx.msk [tilespmem:v18+s16+$0x0], $0xffff;
	v7 =	vadd.f32 v63, v7  }
0x5eb: {  	v25 =	vld.idx.msk [tilespmem:v18+s17+$0x0], $0xffff;
	v8 =	vadd.f32 v19, v8  }
0x5ec: {  	v26 =	vld.idx.msk [tilespmem:v18+s18+$0x0], $0xffff;
	v7 =	vadd.f32 v20, v7  }
0x5ed: {  	v27 =	vld.idx.msk [tilespmem:v18+s19+$0x0], $0xffff;
	v8 =	vadd.f32 v21, v8  }
0x5ee: {  	v28 =	vld.idx.msk [tilespmem:v23+s16+$0x0], $0xffff;
	v7 =	vadd.f32 v22, v7  }
0x5ef: {  	v29 =	vld.idx.msk [tilespmem:v23+s17+$0x0], $0xffff;
	v8 =	vadd.f32 v24, v8  }
0x5f0: {  	v30 =	vld.idx.msk [tilespmem:v23+s18+$0x0], $0xffff;
	v7 =	vadd.f32 v25, v7  }
0x5f1: {  	v31 =	vld.idx.msk [tilespmem:v23+s19+$0x0], $0xffff;
	v8 =	vadd.f32 v26, v8  }
0x5f2: {  	v7 =	vadd.f32 v27, v7  }
0x5f3: {  	v8 =	vadd.f32 v28, v8  }
0x5f4: {  	v32 =	vor.u32 $0x300, v6;
	v7 =	vadd.f32 v29, v7  }
0x5f5: {  	v8 =	vadd.f32 v30, v8  }
0x5f6: {  	v7 =	vadd.f32 v31, v7  }
0x5f7: {  	[tilespmem:$0x19820] =	vst v8  }
0x5f8: {  	[tilespmem:$0x198A0] =	vst v7;
	v7 =	vor.u32 $0x301, v6  }
0x5f9: {  	v8 =	vld.idx.msk [tilespmem:v32+s16+$0x0], $0xffff  }
0x5fa: {  	v33 =	vld.idx.msk [tilespmem:v32+s17+$0x0], $0xffff  }
0x5fb: {  	v34 =	vld.idx.msk [tilespmem:v32+s18+$0x0], $0xffff  }
0x5fc: {  	v35 =	vor.u32 $0x302, v6;
	v10 =	vld.idx.msk [tilespmem:v32+s19+$0x0], $0xffff  }
0x5fd: {  	v36 =	vld.idx.msk [tilespmem:v7+s16+$0x0], $0xffff  }
0x5fe: {  	v37 =	vld.idx.msk [tilespmem:v7+s17+$0x0], $0xffff;
	v8 =	vadd.f32 $0.0e+00, v8  }
0x5ff: {  	v38 =	vld.idx.msk [tilespmem:v7+s18+$0x0], $0xffff;
	v9 =	vadd.f32 $0.0e+00, v33  }
0x600: {  	v39 =	vor.u32 $0x303, v6;
	v7 =	vld.idx.msk [tilespmem:v7+s19+$0x0], $0xffff;
	v8 =	vadd.f32 v34, v8  }
0x601: {  	v40 =	vld.idx.msk [tilespmem:v35+s16+$0x0], $0xffff;
	v9 =	vadd.f32 v10, v9  }
0x602: {  	v41 =	vld.idx.msk [tilespmem:v35+s17+$0x0], $0xffff;
	v8 =	vadd.f32 v36, v8  }
0x603: {  	v42 =	vld.idx.msk [tilespmem:v35+s18+$0x0], $0xffff;
	v9 =	vadd.f32 v37, v9  }
0x604: {  	v43 =	vor.u32 $0x304, v6;
	v12 =	vld.idx.msk [tilespmem:v35+s19+$0x0], $0xffff;
	v8 =	vadd.f32 v38, v8  }
0x605: {  	v44 =	vld.idx.msk [tilespmem:v39+s16+$0x0], $0xffff;
	v7 =	vadd.f32 v7, v9  }
0x606: {  	v45 =	vld.idx.msk [tilespmem:v39+s17+$0x0], $0xffff;
	v8 =	vadd.f32 v40, v8  }
0x607: {  	v46 =	vld.idx.msk [tilespmem:v39+s18+$0x0], $0xffff;
	v7 =	vadd.f32 v41, v7  }
0x608: {  	v47 =	vor.u32 $0x305, v6;
	v11 =	vld.idx.msk [tilespmem:v39+s19+$0x0], $0xffff;
	v8 =	vadd.f32 v42, v8  }
0x609: {  	v48 =	vld.idx.msk [tilespmem:v43+s16+$0x0], $0xffff;
	v7 =	vadd.f32 v12, v7  }
0x60a: {  	v49 =	vld.idx.msk [tilespmem:v43+s17+$0x0], $0xffff;
	v8 =	vadd.f32 v44, v8  }
0x60b: {  	v50 =	vld.idx.msk [tilespmem:v43+s18+$0x0], $0xffff;
	v7 =	vadd.f32 v45, v7  }
0x60c: {  	v52 =	vor.u32 $0x306, v6;
	v51 =	vld.idx.msk [tilespmem:v43+s19+$0x0], $0xffff;
	v8 =	vadd.f32 v46, v8  }
0x60d: {  	v53 =	vld.idx.msk [tilespmem:v47+s16+$0x0], $0xffff;
	v7 =	vadd.f32 v11, v7  }
0x60e: {  	v54 =	vld.idx.msk [tilespmem:v47+s17+$0x0], $0xffff;
	v8 =	vadd.f32 v48, v8  }
0x60f: {  	v55 =	vld.idx.msk [tilespmem:v47+s18+$0x0], $0xffff;
	v7 =	vadd.f32 v49, v7  }
0x610: {  	v57 =	vor.u32 $0x307, v6;
	v56 =	vld.idx.msk [tilespmem:v47+s19+$0x0], $0xffff;
	v8 =	vadd.f32 v50, v8  }
0x611: {  	v58 =	vld.idx.msk [tilespmem:v52+s16+$0x0], $0xffff;
	v7 =	vadd.f32 v51, v7  }
0x612: {  	v59 =	vld.idx.msk [tilespmem:v52+s17+$0x0], $0xffff;
	v8 =	vadd.f32 v53, v8  }
0x613: {  	v60 =	vld.idx.msk [tilespmem:v52+s18+$0x0], $0xffff;
	v7 =	vadd.f32 v54, v7  }
0x614: {  	v62 =	vor.u32 $0x308, v6;
	v61 =	vld.idx.msk [tilespmem:v52+s19+$0x0], $0xffff;
	v8 =	vadd.f32 v55, v8  }
0x615: {  	v63 =	vld.idx.msk [tilespmem:v57+s16+$0x0], $0xffff;
	v7 =	vadd.f32 v56, v7  }
0x616: {  	v16 =	vld.idx.msk [tilespmem:v57+s17+$0x0], $0xffff;
	v8 =	vadd.f32 v58, v8  }
0x617: {  	v17 =	vld.idx.msk [tilespmem:v57+s18+$0x0], $0xffff;
	v7 =	vadd.f32 v59, v7  }
0x618: {  	v19 =	vor.u32 $0x309, v6;
	v18 =	vld.idx.msk [tilespmem:v57+s19+$0x0], $0xffff;
	v8 =	vadd.f32 v60, v8  }
0x619: {  	v20 =	vld.idx.msk [tilespmem:v62+s16+$0x0], $0xffff;
	v7 =	vadd.f32 v61, v7  }
0x61a: {  	v21 =	vld.idx.msk [tilespmem:v62+s17+$0x0], $0xffff;
	v8 =	vadd.f32 v63, v8  }
0x61b: {  	v22 =	vld.idx.msk [tilespmem:v62+s18+$0x0], $0xffff;
	v7 =	vadd.f32 v16, v7  }
0x61c: {  	v24 =	vor.u32 $0x30A, v6;
	v23 =	vld.idx.msk [tilespmem:v62+s19+$0x0], $0xffff;
	v8 =	vadd.f32 v17, v8  }
0x61d: {  	v25 =	vld.idx.msk [tilespmem:v19+s16+$0x0], $0xffff;
	v7 =	vadd.f32 v18, v7  }
0x61e: {  	v26 =	vld.idx.msk [tilespmem:v19+s17+$0x0], $0xffff;
	v8 =	vadd.f32 v20, v8  }
0x61f: {  	v27 =	vld.idx.msk [tilespmem:v19+s18+$0x0], $0xffff;
	v7 =	vadd.f32 v21, v7  }
0x620: {  	v29 =	vor.u32 $0x30B, v6;
	v28 =	vld.idx.msk [tilespmem:v19+s19+$0x0], $0xffff;
	v8 =	vadd.f32 v22, v8  }
0x621: {  	v30 =	vld.idx.msk [tilespmem:v24+s16+$0x0], $0xffff;
	v7 =	vadd.f32 v23, v7  }
0x622: {  	v31 =	vld.idx.msk [tilespmem:v24+s17+$0x0], $0xffff;
	v8 =	vadd.f32 v25, v8  }
0x623: {  	v32 =	vld.idx.msk [tilespmem:v24+s18+$0x0], $0xffff;
	v7 =	vadd.f32 v26, v7  }
0x624: {  	v33 =	vld.idx.msk [tilespmem:v24+s19+$0x0], $0xffff;
	v34 =	vor.u32 $0x30C, v6;
	v8 =	vadd.f32 v27, v8  }
0x625: {  	v35 =	vld.idx.msk [tilespmem:v29+s16+$0x0], $0xffff;
	v7 =	vadd.f32 v28, v7  }
0x626: {  	v36 =	vld.idx.msk [tilespmem:v29+s17+$0x0], $0xffff;
	v8 =	vadd.f32 v30, v8  }
0x627: {  	v37 =	vld.idx.msk [tilespmem:v29+s18+$0x0], $0xffff;
	v7 =	vadd.f32 v31, v7  }
0x628: {  	v39 =	vor.u32 $0x30D, v6;
	v38 =	vld.idx.msk [tilespmem:v29+s19+$0x0], $0xffff;
	v8 =	vadd.f32 v32, v8  }
0x629: {  	v40 =	vld.idx.msk [tilespmem:v34+s16+$0x0], $0xffff;
	v7 =	vadd.f32 v33, v7  }
0x62a: {  	v41 =	vld.idx.msk [tilespmem:v34+s17+$0x0], $0xffff;
	v8 =	vadd.f32 v35, v8  }
0x62b: {  	v42 =	vld.idx.msk [tilespmem:v34+s18+$0x0], $0xffff;
	v7 =	vadd.f32 v36, v7  }
0x62c: {  	v43 =	vld.idx.msk [tilespmem:v34+s19+$0x0], $0xffff;
	v44 =	vor.u32 $0x30E, v6;
	v8 =	vadd.f32 v37, v8  }
0x62d: {  	v45 =	vld.idx.msk [tilespmem:v39+s16+$0x0], $0xffff;
	v7 =	vadd.f32 v38, v7  }
0x62e: {  	v46 =	vld.idx.msk [tilespmem:v39+s17+$0x0], $0xffff;
	v8 =	vadd.f32 v40, v8  }
0x62f: {  	v47 =	vld.idx.msk [tilespmem:v39+s18+$0x0], $0xffff;
	v7 =	vadd.f32 v41, v7  }
0x630: {  	v48 =	vld.idx.msk [tilespmem:v39+s19+$0x0], $0xffff;
	v49 =	vor.u32 $0x30F, v6;
	v8 =	vadd.f32 v42, v8  }
0x631: {  	v50 =	vld.idx.msk [tilespmem:v44+s16+$0x0], $0xffff;
	v7 =	vadd.f32 v43, v7  }
0x632: {  	v51 =	vld.idx.msk [tilespmem:v44+s17+$0x0], $0xffff;
	v8 =	vadd.f32 v45, v8  }
0x633: {  	v52 =	vld.idx.msk [tilespmem:v44+s18+$0x0], $0xffff;
	v7 =	vadd.f32 v46, v7  }
0x634: {  	v53 =	vld.idx.msk [tilespmem:v44+s19+$0x0], $0xffff;
	v8 =	vadd.f32 v47, v8  }
0x635: {  	v54 =	vld.idx.msk [tilespmem:v49+s16+$0x0], $0xffff;
	v7 =	vadd.f32 v48, v7  }
0x636: {  	v55 =	vld.idx.msk [tilespmem:v49+s17+$0x0], $0xffff;
	v8 =	vadd.f32 v50, v8  }
0x637: {  	v56 =	vld.idx.msk [tilespmem:v49+s18+$0x0], $0xffff;
	v7 =	vadd.f32 v51, v7  }
0x638: {  	v57 =	vld.idx.msk [tilespmem:v49+s19+$0x0], $0xffff;
	v8 =	vadd.f32 v52, v8  }
0x639: {  	v7 =	vadd.f32 v53, v7  }
0x63a: {  	v8 =	vadd.f32 v54, v8  }
0x63b: {  	v58 =	vor.u32 $0x400, v6;
	v7 =	vadd.f32 v55, v7  }
0x63c: {  	v8 =	vadd.f32 v56, v8  }
0x63d: {  	v7 =	vadd.f32 v57, v7  }
0x63e: {  	[tilespmem:$0x19830] =	vst v8  }
0x63f: {  	[tilespmem:$0x198B0] =	vst v7;
	v7 =	vor.u32 $0x401, v6  }
0x640: {  	v8 =	vld.idx.msk [tilespmem:v58+s16+$0x0], $0xffff  }
0x641: {  	v59 =	vld.idx.msk [tilespmem:v58+s17+$0x0], $0xffff  }
0x642: {  	v60 =	vld.idx.msk [tilespmem:v58+s18+$0x0], $0xffff  }
0x643: {  	v61 =	vor.u32 $0x402, v6;
	v11 =	vld.idx.msk [tilespmem:v58+s19+$0x0], $0xffff  }
0x644: {  	v62 =	vld.idx.msk [tilespmem:v7+s16+$0x0], $0xffff  }
0x645: {  	v63 =	vld.idx.msk [tilespmem:v7+s17+$0x0], $0xffff;
	v8 =	vadd.f32 $0.0e+00, v8  }
0x646: {  	v18 =	vld.idx.msk [tilespmem:v7+s18+$0x0], $0xffff;
	v9 =	vadd.f32 $0.0e+00, v59  }
0x647: {  	v19 =	vor.u32 $0x403, v6;
	v7 =	vld.idx.msk [tilespmem:v7+s19+$0x0], $0xffff;
	v8 =	vadd.f32 v60, v8  }
0x648: {  	v20 =	vld.idx.msk [tilespmem:v61+s16+$0x0], $0xffff;
	v9 =	vadd.f32 v11, v9  }
0x649: {  	v21 =	vld.idx.msk [tilespmem:v61+s17+$0x0], $0xffff;
	v8 =	vadd.f32 v62, v8  }
0x64a: {  	v22 =	vld.idx.msk [tilespmem:v61+s18+$0x0], $0xffff;
	v9 =	vadd.f32 v63, v9  }
0x64b: {  	v23 =	vor.u32 $0x404, v6;
	v12 =	vld.idx.msk [tilespmem:v61+s19+$0x0], $0xffff;
	v8 =	vadd.f32 v18, v8  }
0x64c: {  	v24 =	vld.idx.msk [tilespmem:v19+s16+$0x0], $0xffff;
	v7 =	vadd.f32 v7, v9  }
0x64d: {  	v25 =	vld.idx.msk [tilespmem:v19+s17+$0x0], $0xffff;
	v8 =	vadd.f32 v20, v8  }
0x64e: {  	v26 =	vld.idx.msk [tilespmem:v19+s18+$0x0], $0xffff;
	v7 =	vadd.f32 v21, v7  }
0x64f: {  	v27 =	vor.u32 $0x405, v6;
	v10 =	vld.idx.msk [tilespmem:v19+s19+$0x0], $0xffff;
	v8 =	vadd.f32 v22, v8  }
0x650: {  	v28 =	vld.idx.msk [tilespmem:v23+s16+$0x0], $0xffff;
	v7 =	vadd.f32 v12, v7  }
0x651: {  	v29 =	vld.idx.msk [tilespmem:v23+s17+$0x0], $0xffff;
	v8 =	vadd.f32 v24, v8  }
0x652: {  	v30 =	vld.idx.msk [tilespmem:v23+s18+$0x0], $0xffff;
	v7 =	vadd.f32 v25, v7  }
0x653: {  	v32 =	vor.u32 $0x406, v6;
	v31 =	vld.idx.msk [tilespmem:v23+s19+$0x0], $0xffff;
	v8 =	vadd.f32 v26, v8  }
0x654: {  	v33 =	vld.idx.msk [tilespmem:v27+s16+$0x0], $0xffff;
	v7 =	vadd.f32 v10, v7  }
0x655: {  	v34 =	vld.idx.msk [tilespmem:v27+s17+$0x0], $0xffff;
	v8 =	vadd.f32 v28, v8  }
0x656: {  	v35 =	vld.idx.msk [tilespmem:v27+s18+$0x0], $0xffff;
	v7 =	vadd.f32 v29, v7  }
0x657: {  	v37 =	vor.u32 $0x407, v6;
	v36 =	vld.idx.msk [tilespmem:v27+s19+$0x0], $0xffff;
	v8 =	vadd.f32 v30, v8  }
0x658: {  	v38 =	vld.idx.msk [tilespmem:v32+s16+$0x0], $0xffff;
	v7 =	vadd.f32 v31, v7  }
0x659: {  	v39 =	vld.idx.msk [tilespmem:v32+s17+$0x0], $0xffff;
	v8 =	vadd.f32 v33, v8  }
0x65a: {  	v40 =	vld.idx.msk [tilespmem:v32+s18+$0x0], $0xffff;
	v7 =	vadd.f32 v34, v7  }
0x65b: {  	v42 =	vor.u32 $0x408, v6;
	v41 =	vld.idx.msk [tilespmem:v32+s19+$0x0], $0xffff;
	v8 =	vadd.f32 v35, v8  }
0x65c: {  	v43 =	vld.idx.msk [tilespmem:v37+s16+$0x0], $0xffff;
	v7 =	vadd.f32 v36, v7  }
0x65d: {  	v44 =	vld.idx.msk [tilespmem:v37+s17+$0x0], $0xffff;
	v8 =	vadd.f32 v38, v8  }
0x65e: {  	v45 =	vld.idx.msk [tilespmem:v37+s18+$0x0], $0xffff;
	v7 =	vadd.f32 v39, v7  }
0x65f: {  	v47 =	vor.u32 $0x409, v6;
	v46 =	vld.idx.msk [tilespmem:v37+s19+$0x0], $0xffff;
	v8 =	vadd.f32 v40, v8  }
0x660: {  	v48 =	vld.idx.msk [tilespmem:v42+s16+$0x0], $0xffff;
	v7 =	vadd.f32 v41, v7  }
0x661: {  	v49 =	vld.idx.msk [tilespmem:v42+s17+$0x0], $0xffff;
	v8 =	vadd.f32 v43, v8  }
0x662: {  	v50 =	vld.idx.msk [tilespmem:v42+s18+$0x0], $0xffff;
	v7 =	vadd.f32 v44, v7  }
0x663: {  	v52 =	vor.u32 $0x40A, v6;
	v51 =	vld.idx.msk [tilespmem:v42+s19+$0x0], $0xffff;
	v8 =	vadd.f32 v45, v8  }
0x664: {  	v53 =	vld.idx.msk [tilespmem:v47+s16+$0x0], $0xffff;
	v7 =	vadd.f32 v46, v7  }
0x665: {  	v54 =	vld.idx.msk [tilespmem:v47+s17+$0x0], $0xffff;
	v8 =	vadd.f32 v48, v8  }
0x666: {  	v55 =	vld.idx.msk [tilespmem:v47+s18+$0x0], $0xffff;
	v7 =	vadd.f32 v49, v7  }
0x667: {  	v57 =	vor.u32 $0x40B, v6;
	v56 =	vld.idx.msk [tilespmem:v47+s19+$0x0], $0xffff;
	v8 =	vadd.f32 v50, v8  }
0x668: {  	v58 =	vld.idx.msk [tilespmem:v52+s16+$0x0], $0xffff;
	v7 =	vadd.f32 v51, v7  }
0x669: {  	v59 =	vld.idx.msk [tilespmem:v52+s17+$0x0], $0xffff;
	v8 =	vadd.f32 v53, v8  }
0x66a: {  	v60 =	vld.idx.msk [tilespmem:v52+s18+$0x0], $0xffff;
	v7 =	vadd.f32 v54, v7  }
0x66b: {  	v61 =	vld.idx.msk [tilespmem:v52+s19+$0x0], $0xffff;
	v62 =	vor.u32 $0x40C, v6;
	v8 =	vadd.f32 v55, v8  }
0x66c: {  	v63 =	vld.idx.msk [tilespmem:v57+s16+$0x0], $0xffff;
	v7 =	vadd.f32 v56, v7  }
0x66d: {  	v16 =	vld.idx.msk [tilespmem:v57+s17+$0x0], $0xffff;
	v8 =	vadd.f32 v58, v8  }
0x66e: {  	v17 =	vld.idx.msk [tilespmem:v57+s18+$0x0], $0xffff;
	v7 =	vadd.f32 v59, v7  }
0x66f: {  	v19 =	vor.u32 $0x40D, v6;
	v18 =	vld.idx.msk [tilespmem:v57+s19+$0x0], $0xffff;
	v8 =	vadd.f32 v60, v8  }
0x670: {  	v20 =	vld.idx.msk [tilespmem:v62+s16+$0x0], $0xffff;
	v7 =	vadd.f32 v61, v7  }
0x671: {  	v21 =	vld.idx.msk [tilespmem:v62+s17+$0x0], $0xffff;
	v8 =	vadd.f32 v63, v8  }
0x672: {  	v22 =	vld.idx.msk [tilespmem:v62+s18+$0x0], $0xffff;
	v7 =	vadd.f32 v16, v7  }
0x673: {  	v23 =	vld.idx.msk [tilespmem:v62+s19+$0x0], $0xffff;
	v24 =	vor.u32 $0x40E, v6;
	v8 =	vadd.f32 v17, v8  }
0x674: {  	v25 =	vld.idx.msk [tilespmem:v19+s16+$0x0], $0xffff;
	v7 =	vadd.f32 v18, v7  }
0x675: {  	v26 =	vld.idx.msk [tilespmem:v19+s17+$0x0], $0xffff;
	v8 =	vadd.f32 v20, v8  }
0x676: {  	v27 =	vld.idx.msk [tilespmem:v19+s18+$0x0], $0xffff;
	v7 =	vadd.f32 v21, v7  }
0x677: {  	v28 =	vld.idx.msk [tilespmem:v19+s19+$0x0], $0xffff;
	v29 =	vor.u32 $0x40F, v6;
	v8 =	vadd.f32 v22, v8  }
0x678: {  	v30 =	vld.idx.msk [tilespmem:v24+s16+$0x0], $0xffff;
	v7 =	vadd.f32 v23, v7  }
0x679: {  	v31 =	vld.idx.msk [tilespmem:v24+s17+$0x0], $0xffff;
	v8 =	vadd.f32 v25, v8  }
0x67a: {  	v32 =	vld.idx.msk [tilespmem:v24+s18+$0x0], $0xffff;
	v7 =	vadd.f32 v26, v7  }
0x67b: {  	v33 =	vld.idx.msk [tilespmem:v24+s19+$0x0], $0xffff;
	v8 =	vadd.f32 v27, v8  }
0x67c: {  	v34 =	vld.idx.msk [tilespmem:v29+s16+$0x0], $0xffff;
	v7 =	vadd.f32 v28, v7  }
0x67d: {  	v35 =	vld.idx.msk [tilespmem:v29+s17+$0x0], $0xffff;
	v8 =	vadd.f32 v30, v8  }
0x67e: {  	v36 =	vld.idx.msk [tilespmem:v29+s18+$0x0], $0xffff;
	v7 =	vadd.f32 v31, v7  }
0x67f: {  	v37 =	vld.idx.msk [tilespmem:v29+s19+$0x0], $0xffff;
	v8 =	vadd.f32 v32, v8  }
0x680: {  	v7 =	vadd.f32 v33, v7  }
0x681: {  	v8 =	vadd.f32 v34, v8  }
0x682: {  	v38 =	vor.u32 $0x500, v6;
	v7 =	vadd.f32 v35, v7  }
0x683: {  	v8 =	vadd.f32 v36, v8  }
0x684: {  	v7 =	vadd.f32 v37, v7  }
0x685: {  	[tilespmem:$0x19840] =	vst v8  }
0x686: {  	[tilespmem:$0x198C0] =	vst v7;
	v7 =	vor.u32 $0x501, v6  }
0x687: {  	v8 =	vld.idx.msk [tilespmem:v38+s16+$0x0], $0xffff  }
0x688: {  	v39 =	vld.idx.msk [tilespmem:v38+s17+$0x0], $0xffff  }
0x689: {  	v40 =	vld.idx.msk [tilespmem:v38+s18+$0x0], $0xffff  }
0x68a: {  	v41 =	vor.u32 $0x502, v6;
	v10 =	vld.idx.msk [tilespmem:v38+s19+$0x0], $0xffff  }
0x68b: {  	v42 =	vld.idx.msk [tilespmem:v7+s16+$0x0], $0xffff  }
0x68c: {  	v43 =	vld.idx.msk [tilespmem:v7+s17+$0x0], $0xffff;
	v8 =	vadd.f32 $0.0e+00, v8  }
0x68d: {  	v44 =	vld.idx.msk [tilespmem:v7+s18+$0x0], $0xffff;
	v9 =	vadd.f32 $0.0e+00, v39  }
0x68e: {  	v45 =	vor.u32 $0x503, v6;
	v7 =	vld.idx.msk [tilespmem:v7+s19+$0x0], $0xffff;
	v8 =	vadd.f32 v40, v8  }
0x68f: {  	v46 =	vld.idx.msk [tilespmem:v41+s16+$0x0], $0xffff;
	v9 =	vadd.f32 v10, v9  }
0x690: {  	v47 =	vld.idx.msk [tilespmem:v41+s17+$0x0], $0xffff;
	v8 =	vadd.f32 v42, v8  }
0x691: {  	v48 =	vld.idx.msk [tilespmem:v41+s18+$0x0], $0xffff;
	v9 =	vadd.f32 v43, v9  }
0x692: {  	v49 =	vor.u32 $0x504, v6;
	v12 =	vld.idx.msk [tilespmem:v41+s19+$0x0], $0xffff;
	v8 =	vadd.f32 v44, v8  }
0x693: {  	v50 =	vld.idx.msk [tilespmem:v45+s16+$0x0], $0xffff;
	v7 =	vadd.f32 v7, v9  }
0x694: {  	v51 =	vld.idx.msk [tilespmem:v45+s17+$0x0], $0xffff;
	v8 =	vadd.f32 v46, v8  }
0x695: {  	v52 =	vld.idx.msk [tilespmem:v45+s18+$0x0], $0xffff;
	v7 =	vadd.f32 v47, v7  }
0x696: {  	v53 =	vor.u32 $0x505, v6;
	v11 =	vld.idx.msk [tilespmem:v45+s19+$0x0], $0xffff;
	v8 =	vadd.f32 v48, v8  }
0x697: {  	v54 =	vld.idx.msk [tilespmem:v49+s16+$0x0], $0xffff;
	v7 =	vadd.f32 v12, v7  }
0x698: {  	v55 =	vld.idx.msk [tilespmem:v49+s17+$0x0], $0xffff;
	v8 =	vadd.f32 v50, v8  }
0x699: {  	v56 =	vld.idx.msk [tilespmem:v49+s18+$0x0], $0xffff;
	v7 =	vadd.f32 v51, v7  }
0x69a: {  	v58 =	vor.u32 $0x506, v6;
	v57 =	vld.idx.msk [tilespmem:v49+s19+$0x0], $0xffff;
	v8 =	vadd.f32 v52, v8  }
0x69b: {  	v59 =	vld.idx.msk [tilespmem:v53+s16+$0x0], $0xffff;
	v7 =	vadd.f32 v11, v7  }
0x69c: {  	v60 =	vld.idx.msk [tilespmem:v53+s17+$0x0], $0xffff;
	v8 =	vadd.f32 v54, v8  }
0x69d: {  	v61 =	vld.idx.msk [tilespmem:v53+s18+$0x0], $0xffff;
	v7 =	vadd.f32 v55, v7  }
0x69e: {  	v63 =	vor.u32 $0x507, v6;
	v62 =	vld.idx.msk [tilespmem:v53+s19+$0x0], $0xffff;
	v8 =	vadd.f32 v56, v8  }
0x69f: {  	v18 =	vld.idx.msk [tilespmem:v58+s16+$0x0], $0xffff;
	v7 =	vadd.f32 v57, v7  }
0x6a0: {  	v19 =	vld.idx.msk [tilespmem:v58+s17+$0x0], $0xffff;
	v8 =	vadd.f32 v59, v8  }
0x6a1: {  	v20 =	vld.idx.msk [tilespmem:v58+s18+$0x0], $0xffff;
	v7 =	vadd.f32 v60, v7  }
0x6a2: {  	v22 =	vor.u32 $0x508, v6;
	v21 =	vld.idx.msk [tilespmem:v58+s19+$0x0], $0xffff;
	v8 =	vadd.f32 v61, v8  }
0x6a3: {  	v23 =	vld.idx.msk [tilespmem:v63+s16+$0x0], $0xffff;
	v7 =	vadd.f32 v62, v7  }
0x6a4: {  	v24 =	vld.idx.msk [tilespmem:v63+s17+$0x0], $0xffff;
	v8 =	vadd.f32 v18, v8  }
0x6a5: {  	v25 =	vld.idx.msk [tilespmem:v63+s18+$0x0], $0xffff;
	v7 =	vadd.f32 v19, v7  }
0x6a6: {  	v27 =	vor.u32 $0x509, v6;
	v26 =	vld.idx.msk [tilespmem:v63+s19+$0x0], $0xffff;
	v8 =	vadd.f32 v20, v8  }
0x6a7: {  	v28 =	vld.idx.msk [tilespmem:v22+s16+$0x0], $0xffff;
	v7 =	vadd.f32 v21, v7  }
0x6a8: {  	v29 =	vld.idx.msk [tilespmem:v22+s17+$0x0], $0xffff;
	v8 =	vadd.f32 v23, v8  }
0x6a9: {  	v30 =	vld.idx.msk [tilespmem:v22+s18+$0x0], $0xffff;
	v7 =	vadd.f32 v24, v7  }
0x6aa: {  	v32 =	vor.u32 $0x50A, v6;
	v31 =	vld.idx.msk [tilespmem:v22+s19+$0x0], $0xffff;
	v8 =	vadd.f32 v25, v8  }
0x6ab: {  	v33 =	vld.idx.msk [tilespmem:v27+s16+$0x0], $0xffff;
	v7 =	vadd.f32 v26, v7  }
0x6ac: {  	v34 =	vld.idx.msk [tilespmem:v27+s17+$0x0], $0xffff;
	v8 =	vadd.f32 v28, v8  }
0x6ad: {  	v35 =	vld.idx.msk [tilespmem:v27+s18+$0x0], $0xffff;
	v7 =	vadd.f32 v29, v7  }
0x6ae: {  	v37 =	vor.u32 $0x50B, v6;
	v36 =	vld.idx.msk [tilespmem:v27+s19+$0x0], $0xffff;
	v8 =	vadd.f32 v30, v8  }
0x6af: {  	v38 =	vld.idx.msk [tilespmem:v32+s16+$0x0], $0xffff;
	v7 =	vadd.f32 v31, v7  }
0x6b0: {  	v39 =	vld.idx.msk [tilespmem:v32+s17+$0x0], $0xffff;
	v8 =	vadd.f32 v33, v8  }
0x6b1: {  	v40 =	vld.idx.msk [tilespmem:v32+s18+$0x0], $0xffff;
	v7 =	vadd.f32 v34, v7  }
0x6b2: {  	v41 =	vld.idx.msk [tilespmem:v32+s19+$0x0], $0xffff;
	v42 =	vor.u32 $0x50C, v6;
	v8 =	vadd.f32 v35, v8  }
0x6b3: {  	v43 =	vld.idx.msk [tilespmem:v37+s16+$0x0], $0xffff;
	v7 =	vadd.f32 v36, v7  }
0x6b4: {  	v44 =	vld.idx.msk [tilespmem:v37+s17+$0x0], $0xffff;
	v8 =	vadd.f32 v38, v8  }
0x6b5: {  	v45 =	vld.idx.msk [tilespmem:v37+s18+$0x0], $0xffff;
	v7 =	vadd.f32 v39, v7  }
0x6b6: {  	v46 =	vld.idx.msk [tilespmem:v37+s19+$0x0], $0xffff;
	v47 =	vor.u32 $0x50D, v6;
	v8 =	vadd.f32 v40, v8  }
0x6b7: {  	v48 =	vld.idx.msk [tilespmem:v42+s16+$0x0], $0xffff;
	v7 =	vadd.f32 v41, v7  }
0x6b8: {  	v49 =	vld.idx.msk [tilespmem:v42+s17+$0x0], $0xffff;
	v8 =	vadd.f32 v43, v8  }
0x6b9: {  	v50 =	vld.idx.msk [tilespmem:v42+s18+$0x0], $0xffff;
	v7 =	vadd.f32 v44, v7  }
0x6ba: {  	v51 =	vld.idx.msk [tilespmem:v42+s19+$0x0], $0xffff;
	v52 =	vor.u32 $0x50E, v6;
	v8 =	vadd.f32 v45, v8  }
0x6bb: {  	v53 =	vld.idx.msk [tilespmem:v47+s16+$0x0], $0xffff;
	v7 =	vadd.f32 v46, v7  }
0x6bc: {  	v54 =	vld.idx.msk [tilespmem:v47+s17+$0x0], $0xffff;
	v8 =	vadd.f32 v48, v8  }
0x6bd: {  	v55 =	vld.idx.msk [tilespmem:v47+s18+$0x0], $0xffff;
	v7 =	vadd.f32 v49, v7  }
0x6be: {  	v6 =	vor.u32 $0x50F, v6;
	v56 =	vld.idx.msk [tilespmem:v47+s19+$0x0], $0xffff;
	v8 =	vadd.f32 v50, v8  }
0x6bf: {  	v57 =	vld.idx.msk [tilespmem:v52+s16+$0x0], $0xffff;
	v7 =	vadd.f32 v51, v7  }
0x6c0: {  	v58 =	vld.idx.msk [tilespmem:v52+s17+$0x0], $0xffff;
	v8 =	vadd.f32 v53, v8  }
0x6c1: {  	v59 =	vld.idx.msk [tilespmem:v52+s18+$0x0], $0xffff;
	v7 =	vadd.f32 v54, v7  }
0x6c2: {  	v60 =	vld.idx.msk [tilespmem:v52+s19+$0x0], $0xffff;
	v8 =	vadd.f32 v55, v8  }
0x6c3: {  	v61 =	vld.idx.msk [tilespmem:v6+s16+$0x0], $0xffff;
	v7 =	vadd.f32 v56, v7  }
0x6c4: {  	v62 =	vld.idx.msk [tilespmem:v6+s17+$0x0], $0xffff;
	v8 =	vadd.f32 v57, v8  }
0x6c5: {  	v63 =	vld.idx.msk [tilespmem:v6+s18+$0x0], $0xffff;
	v7 =	vadd.f32 v58, v7  }
0x6c6: {  	v6 =	vld.idx.msk [tilespmem:v6+s19+$0x0], $0xffff;
	v8 =	vadd.f32 v59, v8  }
0x6c7: {  	v7 =	vadd.f32 v60, v7  }
0x6c8: {  	v8 =	vadd.f32 v61, v8  }
0x6c9: {  	v7 =	vadd.f32 v62, v7  }
0x6ca: {  	v8 =	vadd.f32 v63, v8  }
0x6cb: {  	v6 =	vadd.f32 v6, v7  }
0x6cc: {  	[tilespmem:$0x19850] =	vst v8  }
0x6cd: {  	s28 =	simm.s32 $0x0;
	s24 =	simm.s32 $0x19800;
	[tilespmem:$0x198D0] =	vst v6  }
0x6ce: {  	[hbm4b:s7+s28] =	stream.linear.scatter [tilespmem:s24], [sflag:$0x3], $0x80, $0x38;
	[tilespmem:$0x19900] =	vst v63  }
0x6cf: {  	s22 =	sadd.s32 $0x1, s22;
	_ =	swait.ge [sflag:s21], $0x80  }
0x6d0: {  	p0 =	sne.s32 s22, s9;
	[sflag:s21] =	ssyncset.done $0x0  }
.Ltmp13:
0x6d1: {  	s29 =	simm.s32 $0x19880;
	[sflag:s21] =	ssyncadd.s32 $0xFFFFFF80;
	(pc) =	sbr.rel @p0 .LBB2_1-.Ltmp13, $4  }
0x6d2: {  	[hbm4b:s8+s28] =	stream.linear.scatter [tilespmem:s29], [sflag:$0x3], $0x80, $0x38;
	[tilespmem:$0x19900] =	vst v63  }
0x6d3: {  	_ =	swait.ge [sflag:s21], $0x80  }
0x6d4: {  	[sflag:s21] =	ssyncset.done $0x0  }
0x6d5: {  	[sflag:s21] =	ssyncadd.s32 $0xFFFFFF80  }
0x6d6: {  	_ =	sfence.sel $0x180000  }
0x6d7: {  	[bflag:$0x0] =	sbarrier.arrive $0xFFFF  }
0x6d8: {  	_ =	strace $0x90000047  }
0x6d9: {  	s0 =	stileid.u32;
	[bflag:$0x2] =	sbarrier.arrive $0xFFFF  }
0x6da: {  	p0 =	sne.s32 s0, $0x0;
	s0 =	rddreg [dreg:$0x4]  }
0x6db: {  	s0 =	sadd.s32 @!p0 $0x100000, s0  }
0x6dc: {  	[sflag:s0] =	ssyncadd.tile.s32 @!p0 $0x1;
	_ =	shalt  }
.Lfunc_end2:
_tile_overlayer_lowered:
.L_overlay_start_2:
0x6dd: {  	(tag) =	ssettag $0x2  }
0x6de: {  	s0 =	rddreg [dreg:$0x0];
	s2 =	stileid.u32  }
0x6df: {  	s1 =	rddreg [dreg:$0x1];
	p0 =	sne.s32 s2, $0x0  }
0x6e0: {  	s3 =	rddreg [dreg:$0x2];
	[bflag:$0x3] =	sbarrier.arrive $0xFFFF;
	s2 =	simm.s32 @!p0 $0x1C03  }
0x6e1: {  	[timem:s3], [sflag:s2] =	dma.local @!p0 [hbm:s0], s1  }
0x6e2: {  	s0 =	simm.s32 @!p0 $0x3  }
0x6e3: {  	_ =	swait.ge @!p0 [sflag:s0], s1  }
0x6e4: {  	s1 =	ssub.s32 @!p0 $0x0, s1;
	[sflag:s0] =	ssyncset.done @!p0 $0x0  }
0x6e5: {  	[sflag:s0] =	ssyncadd.s32 @!p0 s1  }
0x6e6: {  	[bflag:$0x3] =	sbarrier.arrive $0xFFFF  }
0x6e7: {  	_ =	shalt  }

</sc_bundles>
